<compile_context>
chip_gen: v7x
topology: tpu7x:2x2x1
jax: 0.10.2.dev20260603
libtpu: 0.0.44.dev20260713+nightly
codegen_flags: <defaults>
</compile_context>

<pallas_src>
import functools

import jax
import jax.numpy as jnp
from jax import lax
from jax.experimental import pallas as pl
from jax.experimental.pallas import tpu as pltpu
from jax.experimental.pallas import tpu_sc as plsc

N_NODES = 10000
N_EDGES = 160000
F_IN = 256
F_HID = 128

NCORE = 2
NSUB = 16
NW = NCORE * NSUB
CHUNK = 128
EPW = 5120
NCHUNK = EPW // CHUNK
E_PAD = EPW * NW
N_ACC = 10112
ROWS_ACC = N_ACC // NSUB
ROW_BLK = 1000
NBUF = 2
NC0 = 72
NC1 = 8


def _vmesh():
    return plsc.VectorSubcoreMesh(core_axis_name="c", subcore_axis_name="s")



def _sc_deg(dstp, ones128, zeros128):

    @functools.partial(
        pl.kernel,
        out_type=jax.ShapeDtypeStruct((NCORE, N_ACC, F_HID), jnp.float32),
        mesh=_vmesh(),
        scratch_types=[
            pltpu.VMEM((NCHUNK, CHUNK), jnp.int32),
            pltpu.VMEM((CHUNK, F_HID), jnp.float32),
            pltpu.VMEM_SHARED((N_ACC, F_HID), jnp.float32),
        ],
    )
    def k(dst_hbm, ones_hbm, zeros_hbm, deg_hbm, dst_v, ones_v, acc_sh):
        c = lax.axis_index("c")
        s = lax.axis_index("s")
        w = c * NSUB + s
        pltpu.sync_copy(dst_hbm.at[w], dst_v)
        pltpu.sync_copy(ones_hbm, ones_v)
        pltpu.sync_copy(zeros_hbm.at[pl.ds(s * ROWS_ACC, ROWS_ACC)],
                        acc_sh.at[pl.ds(s * ROWS_ACC, ROWS_ACC)])
        plsc.subcore_barrier()

        @pl.loop(0, NCHUNK)
        def _(j):
            pltpu.sync_copy(ones_v, acc_sh.at[dst_v.at[j]], add=True)

        plsc.subcore_barrier()
        pltpu.sync_copy(acc_sh.at[pl.ds(s * ROWS_ACC, ROWS_ACC)],
                        deg_hbm.at[c, pl.ds(s * ROWS_ACC, ROWS_ACC)])

    return k(dstp, ones128, zeros128)


def _sc_scatter(z, srcp, zeros128):

    @functools.partial(
        pl.kernel,
        out_type=jax.ShapeDtypeStruct((NCORE, N_ACC, F_HID), jnp.float32),
        mesh=_vmesh(),
        scratch_types=[
            pltpu.VMEM((NC0, CHUNK), jnp.int32),
            pltpu.VMEM((NBUF, CHUNK), jnp.int32),
            pltpu.VMEM((NBUF, CHUNK), jnp.int32),
            pltpu.VMEM((NBUF, CHUNK, F_HID), jnp.float32),
            pltpu.VMEM_SHARED((N_ACC, F_HID), jnp.float32),
            pltpu.SemaphoreType.DMA((NBUF,)),
        ],
    )
    def k(z_hbm, packed_hbm, zeros_hbm, out_hbm,
          packed_v, sidx, didx, buf, acc_sh, gsem):
        c = lax.axis_index("c")
        s = lax.axis_index("s")
        w = c * NSUB + s
        nc = lax.select(c == 0, NC0, NC1)

        def unpack(j, b):
            for g in range(CHUNK // 16):
                v = packed_v[j, pl.ds(g * 16, 16)]
                sidx[b, pl.ds(g * 16, 16)] = lax.bitwise_and(v, 0xFFFF)
                didx[b, pl.ds(g * 16, 16)] = lax.shift_right_logical(v, 16)

        pltpu.sync_copy(zeros_hbm.at[pl.ds(s * ROWS_ACC, ROWS_ACC)],
                        acc_sh.at[pl.ds(s * ROWS_ACC, ROWS_ACC)])
        pltpu.sync_copy(packed_hbm.at[w], packed_v)
        plsc.subcore_barrier()

        for b in range(NBUF):
            unpack(b, b)
            pltpu.async_copy(z_hbm.at[sidx.at[b]], buf.at[b], gsem.at[b])

        @pl.loop(0, nc, step=2)
        def _(j):
            for b in range(2):
                pltpu.make_async_copy(z_hbm.at[sidx.at[b]],
                                      buf.at[b], gsem.at[b]).wait()
                pltpu.sync_copy(buf.at[b], acc_sh.at[didx.at[b]], add=True)

                @pl.when(j + b + 2 < nc)
                def _():
                    unpack(j + b + 2, b)
                    pltpu.async_copy(z_hbm.at[sidx.at[b]],
                                     buf.at[b], gsem.at[b])

        plsc.subcore_barrier()
        pltpu.sync_copy(acc_sh.at[pl.ds(s * ROWS_ACC, ROWS_ACC)],
                        out_hbm.at[c, pl.ds(s * ROWS_ACC, ROWS_ACC)])

    return k(z, srcp, zeros128)



def _dinv_block(d_ref):
    d = d_ref[0][:, 0:1] + d_ref[1][:, 0:1] + 1.0
    return lax.rsqrt(d)


def _deg_spec():
    return pl.BlockSpec((NCORE, ROW_BLK, F_HID), lambda i: (0, i, 0))


def _tc_lin1(x, W1, deg):

    def body(x_ref, w_ref, d_ref, o_ref):
        y = jnp.dot(x_ref[...], w_ref[...], preferred_element_type=jnp.float32)
        o_ref[...] = y * _dinv_block(d_ref)

    return pl.pallas_call(
        body,
        grid=(N_NODES // ROW_BLK,),
        in_specs=[
            pl.BlockSpec((ROW_BLK, F_IN), lambda i: (i, 0)),
            pl.BlockSpec((F_IN, F_HID), lambda i: (0, 0)),
            _deg_spec(),
        ],
        out_specs=pl.BlockSpec((ROW_BLK, F_HID), lambda i: (i, 0)),
        out_shape=jax.ShapeDtypeStruct((N_NODES, F_HID), jnp.float32),
    )(x, W1, deg)


def _tc_lin2(acc, z1, deg, b1, W3):

    def body(a_ref, z_ref, d_ref, b_ref, w_ref, o_ref):
        dinv = _dinv_block(d_ref)
        h = (a_ref[0] + a_ref[1] + z_ref[...]) * dinv + b_ref[...]
        h = jnp.maximum(h, 0.0)
        y = jnp.dot(h, w_ref[...], preferred_element_type=jnp.float32)
        o_ref[...] = y * dinv

    return pl.pallas_call(
        body,
        grid=(N_NODES // ROW_BLK,),
        in_specs=[
            pl.BlockSpec((NCORE, ROW_BLK, F_HID), lambda i: (0, i, 0)),
            pl.BlockSpec((ROW_BLK, F_HID), lambda i: (i, 0)),
            _deg_spec(),
            pl.BlockSpec((1, F_HID), lambda i: (0, 0)),
            pl.BlockSpec((F_HID, F_HID), lambda i: (0, 0)),
        ],
        out_specs=pl.BlockSpec((ROW_BLK, F_HID), lambda i: (i, 0)),
        out_shape=jax.ShapeDtypeStruct((N_NODES, F_HID), jnp.float32),
    )(acc, z1, deg, b1, W3)


def _tc_final(acc, z2, deg, b3):

    def body(a_ref, z_ref, d_ref, b_ref, o_ref):
        dinv = _dinv_block(d_ref)
        o_ref[...] = (a_ref[0] + a_ref[1] + z_ref[...]) * dinv + b_ref[...]

    return pl.pallas_call(
        body,
        grid=(N_NODES // ROW_BLK,),
        in_specs=[
            pl.BlockSpec((NCORE, ROW_BLK, F_HID), lambda i: (0, i, 0)),
            pl.BlockSpec((ROW_BLK, F_HID), lambda i: (i, 0)),
            _deg_spec(),
            pl.BlockSpec((1, F_HID), lambda i: (0, 0)),
        ],
        out_specs=pl.BlockSpec((ROW_BLK, F_HID), lambda i: (i, 0)),
        out_shape=jax.ShapeDtypeStruct((N_NODES, F_HID), jnp.float32),
    )(acc, z2, deg, b3)



def kernel(x, edge_index, W1, b1, W3, b3):
    src = edge_index[0]
    dst = edge_index[1]
    pad_dst = jnp.full((E_PAD - N_EDGES,), N_NODES, jnp.int32)
    dstp = jnp.concatenate([dst, pad_dst]).reshape(NW, NCHUNK, CHUNK)

    packed = jnp.bitwise_or(src, jnp.left_shift(dst, 16))
    pad_word = jnp.int32(N_NODES << 16)
    e0 = NSUB * NC0 * CHUNK
    e1cap = NSUB * NC1 * CHUNK
    a = packed[:e0].reshape(NSUB, NC0, CHUNK)
    b = jnp.concatenate(
        [packed[e0:], jnp.full((e0 + e1cap - N_EDGES,), pad_word, jnp.int32)]
    ).reshape(NSUB, NC1, CHUNK)
    b = jnp.concatenate(
        [b, jnp.full((NSUB, NC0 - NC1, CHUNK), pad_word, jnp.int32)], axis=1)
    srcp = jnp.concatenate([a, b], axis=0)
    ones128 = jnp.ones((CHUNK, F_HID), jnp.float32)
    zeros128 = jnp.zeros((N_ACC, F_HID), jnp.float32)

    deg = _sc_deg(dstp, ones128, zeros128)
    z1 = _tc_lin1(x, W1, deg)
    acc1 = _sc_scatter(z1, srcp, zeros128)
    z2 = _tc_lin2(acc1, z1, deg, b1.reshape(1, F_HID), W3)
    acc2 = _sc_scatter(z2, srcp, zeros128)
    return _tc_final(acc2, z2, deg, b3.reshape(1, F_HID))

# --- scband reference (transcript-rebuilt; emitter-appended) ---
"""Pipeline reference for scband-sgc-40750649705024 (READ-ONLY COPY).

The authoritative reference and input builder live on the scoring server;
editing this copy changes nothing except your own understanding.
"""

import jax, jax.numpy as jnp
import numpy as np

N = 10000
E = 160000
F_IN = 256
HID = 128
NCLS = 128


def setup_inputs(seed: int = 0) -> dict:
    key = jax.random.key(seed)
    k1, k2, k3, k4, k5, k6 = jax.random.split(key, 6)
    x = jax.random.normal(k1, (N, F_IN), dtype=jnp.float32)
    edge_index = jax.random.randint(k2, (2, E), 0, N, dtype=jnp.int32)
    # SGConv linear layers (glorot-style init), stored as [in, out]
    W1 = jax.random.normal(k3, (F_IN, HID), dtype=jnp.float32) * (1.0 / np.sqrt(F_IN))
    b1 = jnp.zeros((HID,), dtype=jnp.float32)
    W3 = jax.random.normal(k4, (HID, NCLS), dtype=jnp.float32) * (1.0 / np.sqrt(HID))
    b3 = jnp.zeros((NCLS,), dtype=jnp.float32)
    return {"x": x, "edge_index": edge_index, "W1": W1, "b1": b1, "W3": W3, "b3": b3}


def _sgconv(x, edge_index, W, b):
    # SGConv with K=1: out = lin( D^{-1/2} (A + I) D^{-1/2} x )
    n = x.shape[0]
    loop = jnp.arange(n, dtype=edge_index.dtype)
    src = jnp.concatenate([edge_index[0], loop])
    dst = jnp.concatenate([edge_index[1], loop])
    ew = jnp.ones(src.shape[0], dtype=x.dtype)
    deg = jnp.zeros((n,), dtype=x.dtype).at[dst].add(ew)
    dinv = jnp.where(deg > 0, 1.0 / jnp.sqrt(deg), 0.0)
    norm = dinv[src] * ew * dinv[dst]
    msg = norm[:, None] * jnp.take(x, src, axis=0)
    agg = jnp.zeros_like(x).at[dst].add(msg)
    return agg @ W + b


def reference(x, edge_index, W1, b1, W3, b3):
    h = _sgconv(x, edge_index, W1, b1)
    h = jax.nn.relu(h)
    out = _sgconv(h, edge_index, W3, b3)
    return out

if __name__ == "__main__":
    import jax
    _d = setup_inputs()
    print(jax.jit(kernel)(*tuple(_d.values())))

</pallas_src>

<mosaic_0001>
#map = affine_map<(d0, d1) -> (0, 0, 0)>
#map1 = affine_map<(d0, d1) -> (0, 0)>
module attributes {stable_mosaic.version = 14 : i64} {
  func.func @k(%arg0: i32, %arg1: i32, %arg2: memref<32x40x128xi32, #tpu.memory_space<hbm>>, %arg3: memref<128x128xf32, #tpu.memory_space<hbm>>, %arg4: memref<10112x128xf32, #tpu.memory_space<hbm>>, %arg5: memref<2x10112x128xf32, #tpu.memory_space<hbm>>, %arg6: memref<40x128xi32, #tpu.memory_space<vmem>>, %arg7: memref<128x128xf32, #tpu.memory_space<vmem>>, %arg8: memref<10112x128xf32, #tpu.memory_space<vmem_shared>>) attributes {dimension_semantics = [#tpu.dimension_semantics<core_parallel>, #tpu.dimension_semantics<subcore_parallel>], iteration_bounds = array<i64: 2, 16>, scalar_prefetch = 0 : i64, scratch_operands = 3 : i64, tpu.core_type = #tpu.core_type<sc_vector_subcore>, window_params = [{transform_indices = #map}, {transform_indices = #map1}, {transform_indices = #map1}, {transform_indices = #map}]} {
    %mul3A = arith.constant 16 : i32
    %mul3A_0 = arith.muli %arg0, %mul3A : i32
    %add3A = arith.addi %mul3A_0, %arg1 : i32
    "tpu.region"() ({
      %run_scoped3A = tpu.sem_alloc : memref<!tpu.dma_semaphore, #tpu.memory_space<semaphore_mem>>
      %dma_start3A = arith.constant 0 : i32
      %dma_start3A_14 = arith.constant 0 : i32
      %dma_start3A_15 = tpu.memref_slice %arg2[%add3A, %dma_start3A, %dma_start3A_14] : memref<32x40x128xi32, #tpu.memory_space<hbm>> -> memref<1x40x128xi32, #tpu.memory_space<hbm>>
      %dma_start3A_16 = tpu.memref_squeeze %dma_start3A_15 : memref<1x40x128xi32, #tpu.memory_space<hbm>> -> memref<40x128xi32, #tpu.memory_space<hbm>>
      %dma_start3A_17 = arith.constant 0 : i32
      %dma_start3A_18 = arith.constant 0 : i32
      %dma_start3A_19 = tpu.memref_slice %arg2[%add3A, %dma_start3A_17, %dma_start3A_18] : memref<32x40x128xi32, #tpu.memory_space<hbm>> -> memref<1x40x128xi32, #tpu.memory_space<hbm>>
      %dma_start3A_20 = tpu.memref_squeeze %dma_start3A_19 : memref<1x40x128xi32, #tpu.memory_space<hbm>> -> memref<40x128xi32, #tpu.memory_space<hbm>>
      tpu.enqueue_dma source(%dma_start3A_20 : memref<40x128xi32, #tpu.memory_space<hbm>>) target(%arg6 : memref<40x128xi32, #tpu.memory_space<vmem>>) target_semaphore(%run_scoped3A : memref<!tpu.dma_semaphore, #tpu.memory_space<semaphore_mem>>)
      %dma_wait3A = arith.constant 0 : i32
      %dma_wait3A_21 = arith.constant 0 : i32
      %dma_wait3A_22 = tpu.memref_slice %arg2[%add3A, %dma_wait3A, %dma_wait3A_21] : memref<32x40x128xi32, #tpu.memory_space<hbm>> -> memref<1x40x128xi32, #tpu.memory_space<hbm>>
      %dma_wait3A_23 = tpu.memref_squeeze %dma_wait3A_22 : memref<1x40x128xi32, #tpu.memory_space<hbm>> -> memref<40x128xi32, #tpu.memory_space<hbm>>
      %dma_wait3A_24 = arith.constant 0 : i32
      %dma_wait3A_25 = arith.constant 0 : i32
      %dma_wait3A_26 = tpu.memref_slice %arg2[%add3A, %dma_wait3A_24, %dma_wait3A_25] : memref<32x40x128xi32, #tpu.memory_space<hbm>> -> memref<1x40x128xi32, #tpu.memory_space<hbm>>
      %dma_wait3A_27 = tpu.memref_squeeze %dma_wait3A_26 : memref<1x40x128xi32, #tpu.memory_space<hbm>> -> memref<40x128xi32, #tpu.memory_space<hbm>>
      tpu.wait_dma2 semaphore(%run_scoped3A : memref<!tpu.dma_semaphore, #tpu.memory_space<semaphore_mem>>) src(%dma_wait3A_27 : memref<40x128xi32, #tpu.memory_space<hbm>>) dst(%arg6 : memref<40x128xi32, #tpu.memory_space<vmem>>)
      tpu.yield
    }) : () -> ()
    "tpu.region"() ({
      %run_scoped3A = tpu.sem_alloc : memref<!tpu.dma_semaphore, #tpu.memory_space<semaphore_mem>>
      tpu.enqueue_dma source(%arg3 : memref<128x128xf32, #tpu.memory_space<hbm>>) target(%arg7 : memref<128x128xf32, #tpu.memory_space<vmem>>) target_semaphore(%run_scoped3A : memref<!tpu.dma_semaphore, #tpu.memory_space<semaphore_mem>>)
      tpu.wait_dma2 semaphore(%run_scoped3A : memref<!tpu.dma_semaphore, #tpu.memory_space<semaphore_mem>>) src(%arg3 : memref<128x128xf32, #tpu.memory_space<hbm>>) dst(%arg7 : memref<128x128xf32, #tpu.memory_space<vmem>>)
      tpu.yield
    }) : () -> ()
    %mul3A_1 = arith.constant 632 : i32
    %mul3A_2 = arith.muli %arg1, %mul3A_1 : i32
    %mul3A_3 = arith.constant 632 : i32
    %mul3A_4 = arith.muli %arg1, %mul3A_3 : i32
    "tpu.region"() ({
      %run_scoped3A = tpu.sem_alloc : memref<!tpu.dma_semaphore, #tpu.memory_space<semaphore_mem>>
      %dma_start3A = arith.constant 0 : i32
      %dma_start3A_14 = tpu.memref_slice %arg8[%mul3A_4, %dma_start3A] : memref<10112x128xf32, #tpu.memory_space<vmem_shared>> -> memref<632x128xf32, #tpu.memory_space<vmem_shared>>
      %dma_start3A_15 = arith.constant 0 : i32
      %dma_start3A_16 = tpu.memref_slice %arg4[%mul3A_2, %dma_start3A_15] : memref<10112x128xf32, #tpu.memory_space<hbm>> -> memref<632x128xf32, #tpu.memory_space<hbm>>
      tpu.enqueue_dma source(%dma_start3A_16 : memref<632x128xf32, #tpu.memory_space<hbm>>) target(%dma_start3A_14 : memref<632x128xf32, #tpu.memory_space<vmem_shared>>) target_semaphore(%run_scoped3A : memref<!tpu.dma_semaphore, #tpu.memory_space<semaphore_mem>>)
      %dma_wait3A = arith.constant 0 : i32
      %dma_wait3A_17 = tpu.memref_slice %arg8[%mul3A_4, %dma_wait3A] : memref<10112x128xf32, #tpu.memory_space<vmem_shared>> -> memref<632x128xf32, #tpu.memory_space<vmem_shared>>
      %dma_wait3A_18 = arith.constant 0 : i32
      %dma_wait3A_19 = tpu.memref_slice %arg4[%mul3A_2, %dma_wait3A_18] : memref<10112x128xf32, #tpu.memory_space<hbm>> -> memref<632x128xf32, #tpu.memory_space<hbm>>
      tpu.wait_dma2 semaphore(%run_scoped3A : memref<!tpu.dma_semaphore, #tpu.memory_space<semaphore_mem>>) src(%dma_wait3A_19 : memref<632x128xf32, #tpu.memory_space<hbm>>) dst(%dma_wait3A_17 : memref<632x128xf32, #tpu.memory_space<vmem_shared>>)
      tpu.yield
    }) : () -> ()
    %barrier3A = arith.constant 0 : index
    tpu.barrier barrier_id(%barrier3A)
    %scan3A = arith.constant 0 : i32
    %scan3A_5 = arith.constant 40 : i32
    %scan3A_6 = arith.addi %scan3A, %scan3A_5 : i32
    %scan3A_7 = arith.constant 1 : i32
    scf.for %scan3A_14 = %scan3A to %scan3A_6 step %scan3A_7  : i32 {
      %mul3A_15 = arith.constant 1 : i32
      %mul3A_16 = arith.muli %scan3A_14, %mul3A_15 : i32
      %add3A_17 = arith.constant 0 : i32
      %add3A_18 = arith.addi %add3A_17, %mul3A_16 : i32
      "tpu.region"() ({
        %run_scoped3A = tpu.sem_alloc : memref<!tpu.dma_semaphore, #tpu.memory_space<semaphore_mem>>
        %dma_start3A = arith.constant 0 : i32
        %dma_start3A_19 = tpu.memref_slice %arg6[%add3A_18, %dma_start3A] : memref<40x128xi32, #tpu.memory_space<vmem>> -> memref<1x128xi32, #tpu.memory_space<vmem>>
        %dma_start3A_20 = tpu.memref_squeeze %dma_start3A_19 : memref<1x128xi32, #tpu.memory_space<vmem>> -> memref<128xi32, #tpu.memory_space<vmem>>
        %dma_start3A_21 = arith.constant 0 : i32
        %dma_start3A_22 = arith.constant 0 : i32
        %dma_start3A_23 = tpu.memref_slice %arg8[%dma_start3A_21, %dma_start3A_22] : memref<10112x128xf32, #tpu.memory_space<vmem_shared>> -> memref<10112x128xf32, #tpu.memory_space<vmem_shared>>
        tpu.enqueue_indirect_dma source(%arg7 : memref<128x128xf32, #tpu.memory_space<vmem>>) target(%dma_start3A_23 : memref<10112x128xf32, #tpu.memory_space<vmem_shared>>) offsets(%dma_start3A_20 : memref<128xi32, #tpu.memory_space<vmem>>) semaphore(%run_scoped3A : memref<!tpu.dma_semaphore, #tpu.memory_space<semaphore_mem>>) {add = true}
        %dma_wait3A = arith.constant 0 : i32
        %dma_wait3A_24 = tpu.memref_slice %arg6[%add3A_18, %dma_wait3A] : memref<40x128xi32, #tpu.memory_space<vmem>> -> memref<1x128xi32, #tpu.memory_space<vmem>>
        %dma_wait3A_25 = tpu.memref_squeeze %dma_wait3A_24 : memref<1x128xi32, #tpu.memory_space<vmem>> -> memref<128xi32, #tpu.memory_space<vmem>>
        %dma_wait3A_26 = arith.constant 0 : i32
        %dma_wait3A_27 = arith.constant 0 : i32
        %dma_wait3A_28 = tpu.memref_slice %arg8[%dma_wait3A_26, %dma_wait3A_27] : memref<10112x128xf32, #tpu.memory_space<vmem_shared>> -> memref<10112x128xf32, #tpu.memory_space<vmem_shared>>
        tpu.wait_indirect_dma semaphore(%run_scoped3A : memref<!tpu.dma_semaphore, #tpu.memory_space<semaphore_mem>>) src(%arg7 : memref<128x128xf32, #tpu.memory_space<vmem>>) dst(%dma_wait3A_28 : memref<10112x128xf32, #tpu.memory_space<vmem_shared>>)
        tpu.yield
      }) : () -> ()
    }
    %scan3A_8 = arith.constant 40 : i32
    %barrier3A_9 = arith.constant 0 : index
    tpu.barrier barrier_id(%barrier3A_9)
    %mul3A_10 = arith.constant 632 : i32
    %mul3A_11 = arith.muli %arg1, %mul3A_10 : i32
    %mul3A_12 = arith.constant 632 : i32
    %mul3A_13 = arith.muli %arg1, %mul3A_12 : i32
    "tpu.region"() ({
      %run_scoped3A = tpu.sem_alloc : memref<!tpu.dma_semaphore, #tpu.memory_space<semaphore_mem>>
      %dma_start3A = arith.constant 0 : i32
      %dma_start3A_14 = tpu.memref_slice %arg5[%arg0, %mul3A_13, %dma_start3A] : memref<2x10112x128xf32, #tpu.memory_space<hbm>> -> memref<1x632x128xf32, #tpu.memory_space<hbm>>
      %dma_start3A_15 = tpu.memref_squeeze %dma_start3A_14 : memref<1x632x128xf32, #tpu.memory_space<hbm>> -> memref<632x128xf32, #tpu.memory_space<hbm>>
      %dma_start3A_16 = arith.constant 0 : i32
      %dma_start3A_17 = tpu.memref_slice %arg8[%mul3A_11, %dma_start3A_16] : memref<10112x128xf32, #tpu.memory_space<vmem_shared>> -> memref<632x128xf32, #tpu.memory_space<vmem_shared>>
      tpu.enqueue_dma source(%dma_start3A_17 : memref<632x128xf32, #tpu.memory_space<vmem_shared>>) target(%dma_start3A_15 : memref<632x128xf32, #tpu.memory_space<hbm>>) target_semaphore(%run_scoped3A : memref<!tpu.dma_semaphore, #tpu.memory_space<semaphore_mem>>)
      %dma_wait3A = arith.constant 0 : i32
      %dma_wait3A_18 = tpu.memref_slice %arg5[%arg0, %mul3A_13, %dma_wait3A] : memref<2x10112x128xf32, #tpu.memory_space<hbm>> -> memref<1x632x128xf32, #tpu.memory_space<hbm>>
      %dma_wait3A_19 = tpu.memref_squeeze %dma_wait3A_18 : memref<1x632x128xf32, #tpu.memory_space<hbm>> -> memref<632x128xf32, #tpu.memory_space<hbm>>
      %dma_wait3A_20 = arith.constant 0 : i32
      %dma_wait3A_21 = tpu.memref_slice %arg8[%mul3A_11, %dma_wait3A_20] : memref<10112x128xf32, #tpu.memory_space<vmem_shared>> -> memref<632x128xf32, #tpu.memory_space<vmem_shared>>
      tpu.wait_dma2 semaphore(%run_scoped3A : memref<!tpu.dma_semaphore, #tpu.memory_space<semaphore_mem>>) src(%dma_wait3A_21 : memref<632x128xf32, #tpu.memory_space<vmem_shared>>) dst(%dma_wait3A_19 : memref<632x128xf32, #tpu.memory_space<hbm>>)
      tpu.yield
    }) : () -> ()
    return
  }
}

#map = affine_map<(d0, d1) -> (0, 0)>
#map1 = affine_map<(d0, d1) -> (0, 0, 0)>
module attributes {stable_mosaic.version = 14 : i64} {
  func.func @k(%arg0: i32, %arg1: i32, %arg2: memref<10000x128xf32, #tpu.memory_space<hbm>>, %arg3: memref<32x72x128xi32, #tpu.memory_space<hbm>>, %arg4: memref<10112x128xf32, #tpu.memory_space<hbm>>, %arg5: memref<2x10112x128xf32, #tpu.memory_space<hbm>>, %arg6: memref<72x128xi32, #tpu.memory_space<vmem>>, %arg7: memref<2x128xi32, #tpu.memory_space<vmem>>, %arg8: memref<2x128xi32, #tpu.memory_space<vmem>>, %arg9: memref<2x128x128xf32, #tpu.memory_space<vmem>>, %arg10: memref<10112x128xf32, #tpu.memory_space<vmem_shared>>, %arg11: memref<2x!tpu.dma_semaphore, #tpu.memory_space<semaphore_mem>>) attributes {dimension_semantics = [#tpu.dimension_semantics<core_parallel>, #tpu.dimension_semantics<subcore_parallel>], iteration_bounds = array<i64: 2, 16>, scalar_prefetch = 0 : i64, scratch_operands = 6 : i64, tpu.core_type = #tpu.core_type<sc_vector_subcore>, window_params = [{transform_indices = #map}, {transform_indices = #map1}, {transform_indices = #map}, {transform_indices = #map1}]} {
    %mul3A = arith.constant 16 : i32
    %mul3A_0 = arith.muli %arg0, %mul3A : i32
    %add3A = arith.addi %mul3A_0, %arg1 : i32
    %eq3A = arith.constant 0 : i32
    %eq3A_1 = arith.cmpi eq, %arg0, %eq3A : i32
    %select_n3A = arith.constant 8 : i32
    %select_n3A_2 = arith.constant 72 : i32
    %select_n3A_3 = arith.select %eq3A_1, %select_n3A_2, %select_n3A : i32
    %mul3A_4 = arith.constant 632 : i32
    %mul3A_5 = arith.muli %arg1, %mul3A_4 : i32
    %mul3A_6 = arith.constant 632 : i32
    %mul3A_7 = arith.muli %arg1, %mul3A_6 : i32
    "tpu.region"() ({
      %run_scoped3A = tpu.sem_alloc : memref<!tpu.dma_semaphore, #tpu.memory_space<semaphore_mem>>
      %dma_start3A_422 = arith.constant 0 : i32
      %dma_start3A_423 = tpu.memref_slice %arg10[%mul3A_7, %dma_start3A_422] : memref<10112x128xf32, #tpu.memory_space<vmem_shared>> -> memref<632x128xf32, #tpu.memory_space<vmem_shared>>
      %dma_start3A_424 = arith.constant 0 : i32
      %dma_start3A_425 = tpu.memref_slice %arg4[%mul3A_5, %dma_start3A_424] : memref<10112x128xf32, #tpu.memory_space<hbm>> -> memref<632x128xf32, #tpu.memory_space<hbm>>
      tpu.enqueue_dma source(%dma_start3A_425 : memref<632x128xf32, #tpu.memory_space<hbm>>) target(%dma_start3A_423 : memref<632x128xf32, #tpu.memory_space<vmem_shared>>) target_semaphore(%run_scoped3A : memref<!tpu.dma_semaphore, #tpu.memory_space<semaphore_mem>>)
      %dma_wait3A = arith.constant 0 : i32
      %dma_wait3A_426 = tpu.memref_slice %arg10[%mul3A_7, %dma_wait3A] : memref<10112x128xf32, #tpu.memory_space<vmem_shared>> -> memref<632x128xf32, #tpu.memory_space<vmem_shared>>
      %dma_wait3A_427 = arith.constant 0 : i32
      %dma_wait3A_428 = tpu.memref_slice %arg4[%mul3A_5, %dma_wait3A_427] : memref<10112x128xf32, #tpu.memory_space<hbm>> -> memref<632x128xf32, #tpu.memory_space<hbm>>
      tpu.wait_dma2 semaphore(%run_scoped3A : memref<!tpu.dma_semaphore, #tpu.memory_space<semaphore_mem>>) src(%dma_wait3A_428 : memref<632x128xf32, #tpu.memory_space<hbm>>) dst(%dma_wait3A_426 : memref<632x128xf32, #tpu.memory_space<vmem_shared>>)
      tpu.yield
    }) : () -> ()
    "tpu.region"() ({
      %run_scoped3A = tpu.sem_alloc : memref<!tpu.dma_semaphore, #tpu.memory_space<semaphore_mem>>
      %dma_start3A_422 = arith.constant 0 : i32
      %dma_start3A_423 = arith.constant 0 : i32
      %dma_start3A_424 = tpu.memref_slice %arg3[%add3A, %dma_start3A_422, %dma_start3A_423] : memref<32x72x128xi32, #tpu.memory_space<hbm>> -> memref<1x72x128xi32, #tpu.memory_space<hbm>>
      %dma_start3A_425 = tpu.memref_squeeze %dma_start3A_424 : memref<1x72x128xi32, #tpu.memory_space<hbm>> -> memref<72x128xi32, #tpu.memory_space<hbm>>
      %dma_start3A_426 = arith.constant 0 : i32
      %dma_start3A_427 = arith.constant 0 : i32
      %dma_start3A_428 = tpu.memref_slice %arg3[%add3A, %dma_start3A_426, %dma_start3A_427] : memref<32x72x128xi32, #tpu.memory_space<hbm>> -> memref<1x72x128xi32, #tpu.memory_space<hbm>>
      %dma_start3A_429 = tpu.memref_squeeze %dma_start3A_428 : memref<1x72x128xi32, #tpu.memory_space<hbm>> -> memref<72x128xi32, #tpu.memory_space<hbm>>
      tpu.enqueue_dma source(%dma_start3A_429 : memref<72x128xi32, #tpu.memory_space<hbm>>) target(%arg6 : memref<72x128xi32, #tpu.memory_space<vmem>>) target_semaphore(%run_scoped3A : memref<!tpu.dma_semaphore, #tpu.memory_space<semaphore_mem>>)
      %dma_wait3A = arith.constant 0 : i32
      %dma_wait3A_430 = arith.constant 0 : i32
      %dma_wait3A_431 = tpu.memref_slice %arg3[%add3A, %dma_wait3A, %dma_wait3A_430] : memref<32x72x128xi32, #tpu.memory_space<hbm>> -> memref<1x72x128xi32, #tpu.memory_space<hbm>>
      %dma_wait3A_432 = tpu.memref_squeeze %dma_wait3A_431 : memref<1x72x128xi32, #tpu.memory_space<hbm>> -> memref<72x128xi32, #tpu.memory_space<hbm>>
      %dma_wait3A_433 = arith.constant 0 : i32
      %dma_wait3A_434 = arith.constant 0 : i32
      %dma_wait3A_435 = tpu.memref_slice %arg3[%add3A, %dma_wait3A_433, %dma_wait3A_434] : memref<32x72x128xi32, #tpu.memory_space<hbm>> -> memref<1x72x128xi32, #tpu.memory_space<hbm>>
      %dma_wait3A_436 = tpu.memref_squeeze %dma_wait3A_435 : memref<1x72x128xi32, #tpu.memory_space<hbm>> -> memref<72x128xi32, #tpu.memory_space<hbm>>
      tpu.wait_dma2 semaphore(%run_scoped3A : memref<!tpu.dma_semaphore, #tpu.memory_space<semaphore_mem>>) src(%dma_wait3A_436 : memref<72x128xi32, #tpu.memory_space<hbm>>) dst(%arg6 : memref<72x128xi32, #tpu.memory_space<vmem>>)
      tpu.yield
    }) : () -> ()
    %barrier3A = arith.constant 0 : index
    tpu.barrier barrier_id(%barrier3A)
    %get3A = arith.constant 0 : i32
    %get3A_8 = arith.index_cast %get3A : i32 to index
    %get3A_9 = arith.constant 0 : index
    %get3A_10 = tpu.vector_load %arg6[%get3A_8, %get3A_9] {strides = array<i32>} : memref<72x128xi32, #tpu.memory_space<vmem>>, vector<1x16xi32>,
    %get3A_11 = vector.shape_cast %get3A_10 : vector<1x16xi32> to vector<16xi32>
    %and3A = arith.constant 65535 : i32
    %and3A_12 = vector.broadcast %and3A : i32 to vector<16xi32>
    %and3A_13 = arith.andi %get3A_11, %and3A_12 : vector<16xi32>
    %swap3A = arith.constant 0 : i32
    %swap3A_14 = arith.index_cast %swap3A : i32 to index
    %swap3A_15 = arith.constant 0 : index
    %swap3A_16 = tpu.vector_load %arg7[%swap3A_14, %swap3A_15] {strides = array<i32>} : memref<2x128xi32, #tpu.memory_space<vmem>>, vector<1x16xi32>,
    %swap3A_17 = vector.shape_cast %swap3A_16 : vector<1x16xi32> to vector<16xi32>
    %swap3A_18 = vector.shape_cast %and3A_13 : vector<16xi32> to vector<1x16xi32>
    tpu.vector_store %arg7[%swap3A_14, %swap3A_15], %swap3A_18 {strides = array<i32>} : memref<2x128xi32, #tpu.memory_space<vmem>>, vector<1x16xi32>,
    %shift_right_logical3A = arith.constant 16 : i32
    %shift_right_logical3A_19 = vector.broadcast %shift_right_logical3A : i32 to vector<16xi32>
    %shift_right_logical3A_20 = arith.shrui %get3A_11, %shift_right_logical3A_19 : vector<16xi32>
    %swap3A_21 = arith.constant 0 : i32
    %swap3A_22 = arith.index_cast %swap3A_21 : i32 to index
    %swap3A_23 = arith.constant 0 : index
    %swap3A_24 = tpu.vector_load %arg8[%swap3A_22, %swap3A_23] {strides = array<i32>} : memref<2x128xi32, #tpu.memory_space<vmem>>, vector<1x16xi32>,
    %swap3A_25 = vector.shape_cast %swap3A_24 : vector<1x16xi32> to vector<16xi32>
    %swap3A_26 = vector.shape_cast %shift_right_logical3A_20 : vector<16xi32> to vector<1x16xi32>
    tpu.vector_store %arg8[%swap3A_22, %swap3A_23], %swap3A_26 {strides = array<i32>} : memref<2x128xi32, #tpu.memory_space<vmem>>, vector<1x16xi32>,
    %get3A_27 = arith.constant 0 : i32
    %get3A_28 = arith.index_cast %get3A_27 : i32 to index
    %get3A_29 = arith.constant 16 : index
    %get3A_30 = tpu.vector_load %arg6[%get3A_28, %get3A_29] {strides = array<i32>} : memref<72x128xi32, #tpu.memory_space<vmem>>, vector<1x16xi32>,
    %get3A_31 = vector.shape_cast %get3A_30 : vector<1x16xi32> to vector<16xi32>
    %and3A_32 = arith.constant 65535 : i32
    %and3A_33 = vector.broadcast %and3A_32 : i32 to vector<16xi32>
    %and3A_34 = arith.andi %get3A_31, %and3A_33 : vector<16xi32>
    %swap3A_35 = arith.constant 0 : i32
    %swap3A_36 = arith.index_cast %swap3A_35 : i32 to index
    %swap3A_37 = arith.constant 16 : index
    %swap3A_38 = tpu.vector_load %arg7[%swap3A_36, %swap3A_37] {strides = array<i32>} : memref<2x128xi32, #tpu.memory_space<vmem>>, vector<1x16xi32>,
    %swap3A_39 = vector.shape_cast %swap3A_38 : vector<1x16xi32> to vector<16xi32>
    %swap3A_40 = vector.shape_cast %and3A_34 : vector<16xi32> to vector<1x16xi32>
    tpu.vector_store %arg7[%swap3A_36, %swap3A_37], %swap3A_40 {strides = array<i32>} : memref<2x128xi32, #tpu.memory_space<vmem>>, vector<1x16xi32>,
    %shift_right_logical3A_41 = arith.constant 16 : i32
    %shift_right_logical3A_42 = vector.broadcast %shift_right_logical3A_41 : i32 to vector<16xi32>
    %shift_right_logical3A_43 = arith.shrui %get3A_31, %shift_right_logical3A_42 : vector<16xi32>
    %swap3A_44 = arith.constant 0 : i32
    %swap3A_45 = arith.index_cast %swap3A_44 : i32 to index
    %swap3A_46 = arith.constant 16 : index
    %swap3A_47 = tpu.vector_load %arg8[%swap3A_45, %swap3A_46] {strides = array<i32>} : memref<2x128xi32, #tpu.memory_space<vmem>>, vector<1x16xi32>,
    %swap3A_48 = vector.shape_cast %swap3A_47 : vector<1x16xi32> to vector<16xi32>
    %swap3A_49 = vector.shape_cast %shift_right_logical3A_43 : vector<16xi32> to vector<1x16xi32>
    tpu.vector_store %arg8[%swap3A_45, %swap3A_46], %swap3A_49 {strides = array<i32>} : memref<2x128xi32, #tpu.memory_space<vmem>>, vector<1x16xi32>,
    %get3A_50 = arith.constant 0 : i32
    %get3A_51 = arith.index_cast %get3A_50 : i32 to index
    %get3A_52 = arith.constant 32 : index
    %get3A_53 = tpu.vector_load %arg6[%get3A_51, %get3A_52] {strides = array<i32>} : memref<72x128xi32, #tpu.memory_space<vmem>>, vector<1x16xi32>,
    %get3A_54 = vector.shape_cast %get3A_53 : vector<1x16xi32> to vector<16xi32>
    %and3A_55 = arith.constant 65535 : i32
    %and3A_56 = vector.broadcast %and3A_55 : i32 to vector<16xi32>
    %and3A_57 = arith.andi %get3A_54, %and3A_56 : vector<16xi32>
    %swap3A_58 = arith.constant 0 : i32
    %swap3A_59 = arith.index_cast %swap3A_58 : i32 to index
    %swap3A_60 = arith.constant 32 : index
    %swap3A_61 = tpu.vector_load %arg7[%swap3A_59, %swap3A_60] {strides = array<i32>} : memref<2x128xi32, #tpu.memory_space<vmem>>, vector<1x16xi32>,
    %swap3A_62 = vector.shape_cast %swap3A_61 : vector<1x16xi32> to vector<16xi32>
    %swap3A_63 = vector.shape_cast %and3A_57 : vector<16xi32> to vector<1x16xi32>
    tpu.vector_store %arg7[%swap3A_59, %swap3A_60], %swap3A_63 {strides = array<i32>} : memref<2x128xi32, #tpu.memory_space<vmem>>, vector<1x16xi32>,
    %shift_right_logical3A_64 = arith.constant 16 : i32
    %shift_right_logical3A_65 = vector.broadcast %shift_right_logical3A_64 : i32 to vector<16xi32>
    %shift_right_logical3A_66 = arith.shrui %get3A_54, %shift_right_logical3A_65 : vector<16xi32>
    %swap3A_67 = arith.constant 0 : i32
    %swap3A_68 = arith.index_cast %swap3A_67 : i32 to index
    %swap3A_69 = arith.constant 32 : index
    %swap3A_70 = tpu.vector_load %arg8[%swap3A_68, %swap3A_69] {strides = array<i32>} : memref<2x128xi32, #tpu.memory_space<vmem>>, vector<1x16xi32>,
    %swap3A_71 = vector.shape_cast %swap3A_70 : vector<1x16xi32> to vector<16xi32>
    %swap3A_72 = vector.shape_cast %shift_right_logical3A_66 : vector<16xi32> to vector<1x16xi32>
    tpu.vector_store %arg8[%swap3A_68, %swap3A_69], %swap3A_72 {strides = array<i32>} : memref<2x128xi32, #tpu.memory_space<vmem>>, vector<1x16xi32>,
    %get3A_73 = arith.constant 0 : i32
    %get3A_74 = arith.index_cast %get3A_73 : i32 to index
    %get3A_75 = arith.constant 48 : index
    %get3A_76 = tpu.vector_load %arg6[%get3A_74, %get3A_75] {strides = array<i32>} : memref<72x128xi32, #tpu.memory_space<vmem>>, vector<1x16xi32>,
    %get3A_77 = vector.shape_cast %get3A_76 : vector<1x16xi32> to vector<16xi32>
    %and3A_78 = arith.constant 65535 : i32
    %and3A_79 = vector.broadcast %and3A_78 : i32 to vector<16xi32>
    %and3A_80 = arith.andi %get3A_77, %and3A_79 : vector<16xi32>
    %swap3A_81 = arith.constant 0 : i32
    %swap3A_82 = arith.index_cast %swap3A_81 : i32 to index
    %swap3A_83 = arith.constant 48 : index
    %swap3A_84 = tpu.vector_load %arg7[%swap3A_82, %swap3A_83] {strides = array<i32>} : memref<2x128xi32, #tpu.memory_space<vmem>>, vector<1x16xi32>,
    %swap3A_85 = vector.shape_cast %swap3A_84 : vector<1x16xi32> to vector<16xi32>
    %swap3A_86 = vector.shape_cast %and3A_80 : vector<16xi32> to vector<1x16xi32>
    tpu.vector_store %arg7[%swap3A_82, %swap3A_83], %swap3A_86 {strides = array<i32>} : memref<2x128xi32, #tpu.memory_space<vmem>>, vector<1x16xi32>,
    %shift_right_logical3A_87 = arith.constant 16 : i32
    %shift_right_logical3A_88 = vector.broadcast %shift_right_logical3A_87 : i32 to vector<16xi32>
    %shift_right_logical3A_89 = arith.shrui %get3A_77, %shift_right_logical3A_88 : vector<16xi32>
    %swap3A_90 = arith.constant 0 : i32
    %swap3A_91 = arith.index_cast %swap3A_90 : i32 to index
    %swap3A_92 = arith.constant 48 : index
    %swap3A_93 = tpu.vector_load %arg8[%swap3A_91, %swap3A_92] {strides = array<i32>} : memref<2x128xi32, #tpu.memory_space<vmem>>, vector<1x16xi32>,
    %swap3A_94 = vector.shape_cast %swap3A_93 : vector<1x16xi32> to vector<16xi32>
    %swap3A_95 = vector.shape_cast %shift_right_logical3A_89 : vector<16xi32> to vector<1x16xi32>
    tpu.vector_store %arg8[%swap3A_91, %swap3A_92], %swap3A_95 {strides = array<i32>} : memref<2x128xi32, #tpu.memory_space<vmem>>, vector<1x16xi32>,
    %get3A_96 = arith.constant 0 : i32
    %get3A_97 = arith.index_cast %get3A_96 : i32 to index
    %get3A_98 = arith.constant 64 : index
    %get3A_99 = tpu.vector_load %arg6[%get3A_97, %get3A_98] {strides = array<i32>} : memref<72x128xi32, #tpu.memory_space<vmem>>, vector<1x16xi32>,
    %get3A_100 = vector.shape_cast %get3A_99 : vector<1x16xi32> to vector<16xi32>
    %and3A_101 = arith.constant 65535 : i32
    %and3A_102 = vector.broadcast %and3A_101 : i32 to vector<16xi32>
    %and3A_103 = arith.andi %get3A_100, %and3A_102 : vector<16xi32>
    %swap3A_104 = arith.constant 0 : i32
    %swap3A_105 = arith.index_cast %swap3A_104 : i32 to index
    %swap3A_106 = arith.constant 64 : index
    %swap3A_107 = tpu.vector_load %arg7[%swap3A_105, %swap3A_106] {strides = array<i32>} : memref<2x128xi32, #tpu.memory_space<vmem>>, vector<1x16xi32>,
    %swap3A_108 = vector.shape_cast %swap3A_107 : vector<1x16xi32> to vector<16xi32>
    %swap3A_109 = vector.shape_cast %and3A_103 : vector<16xi32> to vector<1x16xi32>
    tpu.vector_store %arg7[%swap3A_105, %swap3A_106], %swap3A_109 {strides = array<i32>} : memref<2x128xi32, #tpu.memory_space<vmem>>, vector<1x16xi32>,
    %shift_right_logical3A_110 = arith.constant 16 : i32
    %shift_right_logical3A_111 = vector.broadcast %shift_right_logical3A_110 : i32 to vector<16xi32>
    %shift_right_logical3A_112 = arith.shrui %get3A_100, %shift_right_logical3A_111 : vector<16xi32>
    %swap3A_113 = arith.constant 0 : i32
    %swap3A_114 = arith.index_cast %swap3A_113 : i32 to index
    %swap3A_115 = arith.constant 64 : index
    %swap3A_116 = tpu.vector_load %arg8[%swap3A_114, %swap3A_115] {strides = array<i32>} : memref<2x128xi32, #tpu.memory_space<vmem>>, vector<1x16xi32>,
    %swap3A_117 = vector.shape_cast %swap3A_116 : vector<1x16xi32> to vector<16xi32>
    %swap3A_118 = vector.shape_cast %shift_right_logical3A_112 : vector<16xi32> to vector<1x16xi32>
    tpu.vector_store %arg8[%swap3A_114, %swap3A_115], %swap3A_118 {strides = array<i32>} : memref<2x128xi32, #tpu.memory_space<vmem>>, vector<1x16xi32>,
    %get3A_119 = arith.constant 0 : i32
    %get3A_120 = arith.index_cast %get3A_119 : i32 to index
    %get3A_121 = arith.constant 80 : index
    %get3A_122 = tpu.vector_load %arg6[%get3A_120, %get3A_121] {strides = array<i32>} : memref<72x128xi32, #tpu.memory_space<vmem>>, vector<1x16xi32>,
    %get3A_123 = vector.shape_cast %get3A_122 : vector<1x16xi32> to vector<16xi32>
    %and3A_124 = arith.constant 65535 : i32
    %and3A_125 = vector.broadcast %and3A_124 : i32 to vector<16xi32>
    %and3A_126 = arith.andi %get3A_123, %and3A_125 : vector<16xi32>
    %swap3A_127 = arith.constant 0 : i32
    %swap3A_128 = arith.index_cast %swap3A_127 : i32 to index
    %swap3A_129 = arith.constant 80 : index
    %swap3A_130 = tpu.vector_load %arg7[%swap3A_128, %swap3A_129] {strides = array<i32>} : memref<2x128xi32, #tpu.memory_space<vmem>>, vector<1x16xi32>,
    %swap3A_131 = vector.shape_cast %swap3A_130 : vector<1x16xi32> to vector<16xi32>
    %swap3A_132 = vector.shape_cast %and3A_126 : vector<16xi32> to vector<1x16xi32>
    tpu.vector_store %arg7[%swap3A_128, %swap3A_129], %swap3A_132 {strides = array<i32>} : memref<2x128xi32, #tpu.memory_space<vmem>>, vector<1x16xi32>,
    %shift_right_logical3A_133 = arith.constant 16 : i32
    %shift_right_logical3A_134 = vector.broadcast %shift_right_logical3A_133 : i32 to vector<16xi32>
    %shift_right_logical3A_135 = arith.shrui %get3A_123, %shift_right_logical3A_134 : vector<16xi32>
    %swap3A_136 = arith.constant 0 : i32
    %swap3A_137 = arith.index_cast %swap3A_136 : i32 to index
    %swap3A_138 = arith.constant 80 : index
    %swap3A_139 = tpu.vector_load %arg8[%swap3A_137, %swap3A_138] {strides = array<i32>} : memref<2x128xi32, #tpu.memory_space<vmem>>, vector<1x16xi32>,
    %swap3A_140 = vector.shape_cast %swap3A_139 : vector<1x16xi32> to vector<16xi32>
    %swap3A_141 = vector.shape_cast %shift_right_logical3A_135 : vector<16xi32> to vector<1x16xi32>
    tpu.vector_store %arg8[%swap3A_137, %swap3A_138], %swap3A_141 {strides = array<i32>} : memref<2x128xi32, #tpu.memory_space<vmem>>, vector<1x16xi32>,
    %get3A_142 = arith.constant 0 : i32
    %get3A_143 = arith.index_cast %get3A_142 : i32 to index
    %get3A_144 = arith.constant 96 : index
    %get3A_145 = tpu.vector_load %arg6[%get3A_143, %get3A_144] {strides = array<i32>} : memref<72x128xi32, #tpu.memory_space<vmem>>, vector<1x16xi32>,
    %get3A_146 = vector.shape_cast %get3A_145 : vector<1x16xi32> to vector<16xi32>
    %and3A_147 = arith.constant 65535 : i32
    %and3A_148 = vector.broadcast %and3A_147 : i32 to vector<16xi32>
    %and3A_149 = arith.andi %get3A_146, %and3A_148 : vector<16xi32>
    %swap3A_150 = arith.constant 0 : i32
    %swap3A_151 = arith.index_cast %swap3A_150 : i32 to index
    %swap3A_152 = arith.constant 96 : index
    %swap3A_153 = tpu.vector_load %arg7[%swap3A_151, %swap3A_152] {strides = array<i32>} : memref<2x128xi32, #tpu.memory_space<vmem>>, vector<1x16xi32>,
    %swap3A_154 = vector.shape_cast %swap3A_153 : vector<1x16xi32> to vector<16xi32>
    %swap3A_155 = vector.shape_cast %and3A_149 : vector<16xi32> to vector<1x16xi32>
    tpu.vector_store %arg7[%swap3A_151, %swap3A_152], %swap3A_155 {strides = array<i32>} : memref<2x128xi32, #tpu.memory_space<vmem>>, vector<1x16xi32>,
    %shift_right_logical3A_156 = arith.constant 16 : i32
    %shift_right_logical3A_157 = vector.broadcast %shift_right_logical3A_156 : i32 to vector<16xi32>
    %shift_right_logical3A_158 = arith.shrui %get3A_146, %shift_right_logical3A_157 : vector<16xi32>
    %swap3A_159 = arith.constant 0 : i32
    %swap3A_160 = arith.index_cast %swap3A_159 : i32 to index
    %swap3A_161 = arith.constant 96 : index
    %swap3A_162 = tpu.vector_load %arg8[%swap3A_160, %swap3A_161] {strides = array<i32>} : memref<2x128xi32, #tpu.memory_space<vmem>>, vector<1x16xi32>,
    %swap3A_163 = vector.shape_cast %swap3A_162 : vector<1x16xi32> to vector<16xi32>
    %swap3A_164 = vector.shape_cast %shift_right_logical3A_158 : vector<16xi32> to vector<1x16xi32>
    tpu.vector_store %arg8[%swap3A_160, %swap3A_161], %swap3A_164 {strides = array<i32>} : memref<2x128xi32, #tpu.memory_space<vmem>>, vector<1x16xi32>,
    %get3A_165 = arith.constant 0 : i32
    %get3A_166 = arith.index_cast %get3A_165 : i32 to index
    %get3A_167 = arith.constant 112 : index
    %get3A_168 = tpu.vector_load %arg6[%get3A_166, %get3A_167] {strides = array<i32>} : memref<72x128xi32, #tpu.memory_space<vmem>>, vector<1x16xi32>,
    %get3A_169 = vector.shape_cast %get3A_168 : vector<1x16xi32> to vector<16xi32>
    %and3A_170 = arith.constant 65535 : i32
    %and3A_171 = vector.broadcast %and3A_170 : i32 to vector<16xi32>
    %and3A_172 = arith.andi %get3A_169, %and3A_171 : vector<16xi32>
    %swap3A_173 = arith.constant 0 : i32
    %swap3A_174 = arith.index_cast %swap3A_173 : i32 to index
    %swap3A_175 = arith.constant 112 : index
    %swap3A_176 = tpu.vector_load %arg7[%swap3A_174, %swap3A_175] {strides = array<i32>} : memref<2x128xi32, #tpu.memory_space<vmem>>, vector<1x16xi32>,
    %swap3A_177 = vector.shape_cast %swap3A_176 : vector<1x16xi32> to vector<16xi32>
    %swap3A_178 = vector.shape_cast %and3A_172 : vector<16xi32> to vector<1x16xi32>
    tpu.vector_store %arg7[%swap3A_174, %swap3A_175], %swap3A_178 {strides = array<i32>} : memref<2x128xi32, #tpu.memory_space<vmem>>, vector<1x16xi32>,
    %shift_right_logical3A_179 = arith.constant 16 : i32
    %shift_right_logical3A_180 = vector.broadcast %shift_right_logical3A_179 : i32 to vector<16xi32>
    %shift_right_logical3A_181 = arith.shrui %get3A_169, %shift_right_logical3A_180 : vector<16xi32>
    %swap3A_182 = arith.constant 0 : i32
    %swap3A_183 = arith.index_cast %swap3A_182 : i32 to index
    %swap3A_184 = arith.constant 112 : index
    %swap3A_185 = tpu.vector_load %arg8[%swap3A_183, %swap3A_184] {strides = array<i32>} : memref<2x128xi32, #tpu.memory_space<vmem>>, vector<1x16xi32>,
    %swap3A_186 = vector.shape_cast %swap3A_185 : vector<1x16xi32> to vector<16xi32>
    %swap3A_187 = vector.shape_cast %shift_right_logical3A_181 : vector<16xi32> to vector<1x16xi32>
    tpu.vector_store %arg8[%swap3A_183, %swap3A_184], %swap3A_187 {strides = array<i32>} : memref<2x128xi32, #tpu.memory_space<vmem>>, vector<1x16xi32>,
    %dma_start3A = arith.constant 0 : i32
    %dma_start3A_188 = arith.constant 0 : i32
    %dma_start3A_189 = arith.constant 0 : i32
    %dma_start3A_190 = arith.constant 0 : i32
    %dma_start3A_191 = arith.constant 0 : i32
    %dma_start3A_192 = tpu.memref_slice %arg9[%dma_start3A_188, %dma_start3A_190, %dma_start3A_191] : memref<2x128x128xf32, #tpu.memory_space<vmem>> -> memref<1x128x128xf32, #tpu.memory_space<vmem>>
    %dma_start3A_193 = tpu.memref_squeeze %dma_start3A_192 : memref<1x128x128xf32, #tpu.memory_space<vmem>> -> memref<128x128xf32, #tpu.memory_space<vmem>>
    %dma_start3A_194 = arith.constant 0 : i32
    %dma_start3A_195 = tpu.memref_slice %arg7[%dma_start3A, %dma_start3A_194] : memref<2x128xi32, #tpu.memory_space<vmem>> -> memref<1x128xi32, #tpu.memory_space<vmem>>
    %dma_start3A_196 = tpu.memref_squeeze %dma_start3A_195 : memref<1x128xi32, #tpu.memory_space<vmem>> -> memref<128xi32, #tpu.memory_space<vmem>>
    %dma_start3A_197 = arith.constant 0 : i32
    %dma_start3A_198 = arith.constant 0 : i32
    %dma_start3A_199 = tpu.memref_slice %arg2[%dma_start3A_197, %dma_start3A_198] : memref<10000x128xf32, #tpu.memory_space<hbm>> -> memref<10000x128xf32, #tpu.memory_space<hbm>>
    %dma_start3A_200 = tpu.memref_slice %arg11[%dma_start3A_189] : memref<2x!tpu.dma_semaphore, #tpu.memory_space<semaphore_mem>> -> memref<1x!tpu.dma_semaphore, #tpu.memory_space<semaphore_mem>>
    %dma_start3A_201 = tpu.memref_squeeze %dma_start3A_200 : memref<1x!tpu.dma_semaphore, #tpu.memory_space<semaphore_mem>> -> memref<!tpu.dma_semaphore, #tpu.memory_space<semaphore_mem>>
    tpu.enqueue_indirect_dma source(%dma_start3A_199 : memref<10000x128xf32, #tpu.memory_space<hbm>>) target(%dma_start3A_193 : memref<128x128xf32, #tpu.memory_space<vmem>>) offsets(%dma_start3A_196 : memref<128xi32, #tpu.memory_space<vmem>>) semaphore(%dma_start3A_201 : memref<!tpu.dma_semaphore, #tpu.memory_space<semaphore_mem>>)
    %get3A_202 = arith.constant 1 : i32
    %get3A_203 = arith.index_cast %get3A_202 : i32 to index
    %get3A_204 = arith.constant 0 : index
    %get3A_205 = tpu.vector_load %arg6[%get3A_203, %get3A_204] {strides = array<i32>} : memref<72x128xi32, #tpu.memory_space<vmem>>, vector<1x16xi32>,
    %get3A_206 = vector.shape_cast %get3A_205 : vector<1x16xi32> to vector<16xi32>
    %and3A_207 = arith.constant 65535 : i32
    %and3A_208 = vector.broadcast %and3A_207 : i32 to vector<16xi32>
    %and3A_209 = arith.andi %get3A_206, %and3A_208 : vector<16xi32>
    %swap3A_210 = arith.constant 1 : i32
    %swap3A_211 = arith.index_cast %swap3A_210 : i32 to index
    %swap3A_212 = arith.constant 0 : index
    %swap3A_213 = tpu.vector_load %arg7[%swap3A_211, %swap3A_212] {strides = array<i32>} : memref<2x128xi32, #tpu.memory_space<vmem>>, vector<1x16xi32>,
    %swap3A_214 = vector.shape_cast %swap3A_213 : vector<1x16xi32> to vector<16xi32>
    %swap3A_215 = vector.shape_cast %and3A_209 : vector<16xi32> to vector<1x16xi32>
    tpu.vector_store %arg7[%swap3A_211, %swap3A_212], %swap3A_215 {strides = array<i32>} : memref<2x128xi32, #tpu.memory_space<vmem>>, vector<1x16xi32>,
    %shift_right_logical3A_216 = arith.constant 16 : i32
    %shift_right_logical3A_217 = vector.broadcast %shift_right_logical3A_216 : i32 to vector<16xi32>
    %shift_right_logical3A_218 = arith.shrui %get3A_206, %shift_right_logical3A_217 : vector<16xi32>
    %swap3A_219 = arith.constant 1 : i32
    %swap3A_220 = arith.index_cast %swap3A_219 : i32 to index
    %swap3A_221 = arith.constant 0 : index
    %swap3A_222 = tpu.vector_load %arg8[%swap3A_220, %swap3A_221] {strides = array<i32>} : memref<2x128xi32, #tpu.memory_space<vmem>>, vector<1x16xi32>,
    %swap3A_223 = vector.shape_cast %swap3A_222 : vector<1x16xi32> to vector<16xi32>
    %swap3A_224 = vector.shape_cast %shift_right_logical3A_218 : vector<16xi32> to vector<1x16xi32>
    tpu.vector_store %arg8[%swap3A_220, %swap3A_221], %swap3A_224 {strides = array<i32>} : memref<2x128xi32, #tpu.memory_space<vmem>>, vector<1x16xi32>,
    %get3A_225 = arith.constant 1 : i32
    %get3A_226 = arith.index_cast %get3A_225 : i32 to index
    %get3A_227 = arith.constant 16 : index
    %get3A_228 = tpu.vector_load %arg6[%get3A_226, %get3A_227] {strides = array<i32>} : memref<72x128xi32, #tpu.memory_space<vmem>>, vector<1x16xi32>,
    %get3A_229 = vector.shape_cast %get3A_228 : vector<1x16xi32> to vector<16xi32>
    %and3A_230 = arith.constant 65535 : i32
    %and3A_231 = vector.broadcast %and3A_230 : i32 to vector<16xi32>
    %and3A_232 = arith.andi %get3A_229, %and3A_231 : vector<16xi32>
    %swap3A_233 = arith.constant 1 : i32
    %swap3A_234 = arith.index_cast %swap3A_233 : i32 to index
    %swap3A_235 = arith.constant 16 : index
    %swap3A_236 = tpu.vector_load %arg7[%swap3A_234, %swap3A_235] {strides = array<i32>} : memref<2x128xi32, #tpu.memory_space<vmem>>, vector<1x16xi32>,
    %swap3A_237 = vector.shape_cast %swap3A_236 : vector<1x16xi32> to vector<16xi32>
    %swap3A_238 = vector.shape_cast %and3A_232 : vector<16xi32> to vector<1x16xi32>
    tpu.vector_store %arg7[%swap3A_234, %swap3A_235], %swap3A_238 {strides = array<i32>} : memref<2x128xi32, #tpu.memory_space<vmem>>, vector<1x16xi32>,
    %shift_right_logical3A_239 = arith.constant 16 : i32
    %shift_right_logical3A_240 = vector.broadcast %shift_right_logical3A_239 : i32 to vector<16xi32>
    %shift_right_logical3A_241 = arith.shrui %get3A_229, %shift_right_logical3A_240 : vector<16xi32>
    %swap3A_242 = arith.constant 1 : i32
    %swap3A_243 = arith.index_cast %swap3A_242 : i32 to index
    %swap3A_244 = arith.constant 16 : index
    %swap3A_245 = tpu.vector_load %arg8[%swap3A_243, %swap3A_244] {strides = array<i32>} : memref<2x128xi32, #tpu.memory_space<vmem>>, vector<1x16xi32>,
    %swap3A_246 = vector.shape_cast %swap3A_245 : vector<1x16xi32> to vector<16xi32>
    %swap3A_247 = vector.shape_cast %shift_right_logical3A_241 : vector<16xi32> to vector<1x16xi32>
    tpu.vector_store %arg8[%swap3A_243, %swap3A_244], %swap3A_247 {strides = array<i32>} : memref<2x128xi32, #tpu.memory_space<vmem>>, vector<1x16xi32>,
    %get3A_248 = arith.constant 1 : i32
    %get3A_249 = arith.index_cast %get3A_248 : i32 to index
    %get3A_250 = arith.constant 32 : index
    %get3A_251 = tpu.vector_load %arg6[%get3A_249, %get3A_250] {strides = array<i32>} : memref<72x128xi32, #tpu.memory_space<vmem>>, vector<1x16xi32>,
    %get3A_252 = vector.shape_cast %get3A_251 : vector<1x16xi32> to vector<16xi32>
    %and3A_253 = arith.constant 65535 : i32
    %and3A_254 = vector.broadcast %and3A_253 : i32 to vector<16xi32>
    %and3A_255 = arith.andi %get3A_252, %and3A_254 : vector<16xi32>
    %swap3A_256 = arith.constant 1 : i32
    %swap3A_257 = arith.index_cast %swap3A_256 : i32 to index
    %swap3A_258 = arith.constant 32 : index
    %swap3A_259 = tpu.vector_load %arg7[%swap3A_257, %swap3A_258] {strides = array<i32>} : memref<2x128xi32, #tpu.memory_space<vmem>>, vector<1x16xi32>,
    %swap3A_260 = vector.shape_cast %swap3A_259 : vector<1x16xi32> to vector<16xi32>
    %swap3A_261 = vector.shape_cast %and3A_255 : vector<16xi32> to vector<1x16xi32>
    tpu.vector_store %arg7[%swap3A_257, %swap3A_258], %swap3A_261 {strides = array<i32>} : memref<2x128xi32, #tpu.memory_space<vmem>>, vector<1x16xi32>,
    %shift_right_logical3A_262 = arith.constant 16 : i32
    %shift_right_logical3A_263 = vector.broadcast %shift_right_logical3A_262 : i32 to vector<16xi32>
    %shift_right_logical3A_264 = arith.shrui %get3A_252, %shift_right_logical3A_263 : vector<16xi32>
    %swap3A_265 = arith.constant 1 : i32
    %swap3A_266 = arith.index_cast %swap3A_265 : i32 to index
    %swap3A_267 = arith.constant 32 : index
    %swap3A_268 = tpu.vector_load %arg8[%swap3A_266, %swap3A_267] {strides = array<i32>} : memref<2x128xi32, #tpu.memory_space<vmem>>, vector<1x16xi32>,
    %swap3A_269 = vector.shape_cast %swap3A_268 : vector<1x16xi32> to vector<16xi32>
    %swap3A_270 = vector.shape_cast %shift_right_logical3A_264 : vector<16xi32> to vector<1x16xi32>
    tpu.vector_store %arg8[%swap3A_266, %swap3A_267], %swap3A_270 {strides = array<i32>} : memref<2x128xi32, #tpu.memory_space<vmem>>, vector<1x16xi32>,
    %get3A_271 = arith.constant 1 : i32
    %get3A_272 = arith.index_cast %get3A_271 : i32 to index
    %get3A_273 = arith.constant 48 : index
    %get3A_274 = tpu.vector_load %arg6[%get3A_272, %get3A_273] {strides = array<i32>} : memref<72x128xi32, #tpu.memory_space<vmem>>, vector<1x16xi32>,
    %get3A_275 = vector.shape_cast %get3A_274 : vector<1x16xi32> to vector<16xi32>
    %and3A_276 = arith.constant 65535 : i32
    %and3A_277 = vector.broadcast %and3A_276 : i32 to vector<16xi32>
    %and3A_278 = arith.andi %get3A_275, %and3A_277 : vector<16xi32>
    %swap3A_279 = arith.constant 1 : i32
    %swap3A_280 = arith.index_cast %swap3A_279 : i32 to index
    %swap3A_281 = arith.constant 48 : index
    %swap3A_282 = tpu.vector_load %arg7[%swap3A_280, %swap3A_281] {strides = array<i32>} : memref<2x128xi32, #tpu.memory_space<vmem>>, vector<1x16xi32>,
    %swap3A_283 = vector.shape_cast %swap3A_282 : vector<1x16xi32> to vector<16xi32>
    %swap3A_284 = vector.shape_cast %and3A_278 : vector<16xi32> to vector<1x16xi32>
    tpu.vector_store %arg7[%swap3A_280, %swap3A_281], %swap3A_284 {strides = array<i32>} : memref<2x128xi32, #tpu.memory_space<vmem>>, vector<1x16xi32>,
    %shift_right_logical3A_285 = arith.constant 16 : i32
    %shift_right_logical3A_286 = vector.broadcast %shift_right_logical3A_285 : i32 to vector<16xi32>
    %shift_right_logical3A_287 = arith.shrui %get3A_275, %shift_right_logical3A_286 : vector<16xi32>
    %swap3A_288 = arith.constant 1 : i32
    %swap3A_289 = arith.index_cast %swap3A_288 : i32 to index
    %swap3A_290 = arith.constant 48 : index
    %swap3A_291 = tpu.vector_load %arg8[%swap3A_289, %swap3A_290] {strides = array<i32>} : memref<2x128xi32, #tpu.memory_space<vmem>>, vector<1x16xi32>,
    %swap3A_292 = vector.shape_cast %swap3A_291 : vector<1x16xi32> to vector<16xi32>
    %swap3A_293 = vector.shape_cast %shift_right_logical3A_287 : vector<16xi32> to vector<1x16xi32>
    tpu.vector_store %arg8[%swap3A_289, %swap3A_290], %swap3A_293 {strides = array<i32>} : memref<2x128xi32, #tpu.memory_space<vmem>>, vector<1x16xi32>,
    %get3A_294 = arith.constant 1 : i32
    %get3A_295 = arith.index_cast %get3A_294 : i32 to index
    %get3A_296 = arith.constant 64 : index
    %get3A_297 = tpu.vector_load %arg6[%get3A_295, %get3A_296] {strides = array<i32>} : memref<72x128xi32, #tpu.memory_space<vmem>>, vector<1x16xi32>,
    %get3A_298 = vector.shape_cast %get3A_297 : vector<1x16xi32> to vector<16xi32>
    %and3A_299 = arith.constant 65535 : i32
    %and3A_300 = vector.broadcast %and3A_299 : i32 to vector<16xi32>
    %and3A_301 = arith.andi %get3A_298, %and3A_300 : vector<16xi32>
    %swap3A_302 = arith.constant 1 : i32
    %swap3A_303 = arith.index_cast %swap3A_302 : i32 to index
    %swap3A_304 = arith.constant 64 : index
    %swap3A_305 = tpu.vector_load %arg7[%swap3A_303, %swap3A_304] {strides = array<i32>} : memref<2x128xi32, #tpu.memory_space<vmem>>, vector<1x16xi32>,
    %swap3A_306 = vector.shape_cast %swap3A_305 : vector<1x16xi32> to vector<16xi32>
    %swap3A_307 = vector.shape_cast %and3A_301 : vector<16xi32> to vector<1x16xi32>
    tpu.vector_store %arg7[%swap3A_303, %swap3A_304], %swap3A_307 {strides = array<i32>} : memref<2x128xi32, #tpu.memory_space<vmem>>, vector<1x16xi32>,
    %shift_right_logical3A_308 = arith.constant 16 : i32
    %shift_right_logical3A_309 = vector.broadcast %shift_right_logical3A_308 : i32 to vector<16xi32>
    %shift_right_logical3A_310 = arith.shrui %get3A_298, %shift_right_logical3A_309 : vector<16xi32>
    %swap3A_311 = arith.constant 1 : i32
    %swap3A_312 = arith.index_cast %swap3A_311 : i32 to index
    %swap3A_313 = arith.constant 64 : index
    %swap3A_314 = tpu.vector_load %arg8[%swap3A_312, %swap3A_313] {strides = array<i32>} : memref<2x128xi32, #tpu.memory_space<vmem>>, vector<1x16xi32>,
    %swap3A_315 = vector.shape_cast %swap3A_314 : vector<1x16xi32> to vector<16xi32>
    %swap3A_316 = vector.shape_cast %shift_right_logical3A_310 : vector<16xi32> to vector<1x16xi32>
    tpu.vector_store %arg8[%swap3A_312, %swap3A_313], %swap3A_316 {strides = array<i32>} : memref<2x128xi32, #tpu.memory_space<vmem>>, vector<1x16xi32>,
    %get3A_317 = arith.constant 1 : i32
    %get3A_318 = arith.index_cast %get3A_317 : i32 to index
    %get3A_319 = arith.constant 80 : index
    %get3A_320 = tpu.vector_load %arg6[%get3A_318, %get3A_319] {strides = array<i32>} : memref<72x128xi32, #tpu.memory_space<vmem>>, vector<1x16xi32>,
    %get3A_321 = vector.shape_cast %get3A_320 : vector<1x16xi32> to vector<16xi32>
    %and3A_322 = arith.constant 65535 : i32
    %and3A_323 = vector.broadcast %and3A_322 : i32 to vector<16xi32>
    %and3A_324 = arith.andi %get3A_321, %and3A_323 : vector<16xi32>
    %swap3A_325 = arith.constant 1 : i32
    %swap3A_326 = arith.index_cast %swap3A_325 : i32 to index
    %swap3A_327 = arith.constant 80 : index
    %swap3A_328 = tpu.vector_load %arg7[%swap3A_326, %swap3A_327] {strides = array<i32>} : memref<2x128xi32, #tpu.memory_space<vmem>>, vector<1x16xi32>,
    %swap3A_329 = vector.shape_cast %swap3A_328 : vector<1x16xi32> to vector<16xi32>
    %swap3A_330 = vector.shape_cast %and3A_324 : vector<16xi32> to vector<1x16xi32>
    tpu.vector_store %arg7[%swap3A_326, %swap3A_327], %swap3A_330 {strides = array<i32>} : memref<2x128xi32, #tpu.memory_space<vmem>>, vector<1x16xi32>,
    %shift_right_logical3A_331 = arith.constant 16 : i32
    %shift_right_logical3A_332 = vector.broadcast %shift_right_logical3A_331 : i32 to vector<16xi32>
    %shift_right_logical3A_333 = arith.shrui %get3A_321, %shift_right_logical3A_332 : vector<16xi32>
    %swap3A_334 = arith.constant 1 : i32
    %swap3A_335 = arith.index_cast %swap3A_334 : i32 to index
    %swap3A_336 = arith.constant 80 : index
    %swap3A_337 = tpu.vector_load %arg8[%swap3A_335, %swap3A_336] {strides = array<i32>} : memref<2x128xi32, #tpu.memory_space<vmem>>, vector<1x16xi32>,
    %swap3A_338 = vector.shape_cast %swap3A_337 : vector<1x16xi32> to vector<16xi32>
    %swap3A_339 = vector.shape_cast %shift_right_logical3A_333 : vector<16xi32> to vector<1x16xi32>
    tpu.vector_store %arg8[%swap3A_335, %swap3A_336], %swap3A_339 {strides = array<i32>} : memref<2x128xi32, #tpu.memory_space<vmem>>, vector<1x16xi32>,
    %get3A_340 = arith.constant 1 : i32
    %get3A_341 = arith.index_cast %get3A_340 : i32 to index
    %get3A_342 = arith.constant 96 : index
    %get3A_343 = tpu.vector_load %arg6[%get3A_341, %get3A_342] {strides = array<i32>} : memref<72x128xi32, #tpu.memory_space<vmem>>, vector<1x16xi32>,
    %get3A_344 = vector.shape_cast %get3A_343 : vector<1x16xi32> to vector<16xi32>
    %and3A_345 = arith.constant 65535 : i32
    %and3A_346 = vector.broadcast %and3A_345 : i32 to vector<16xi32>
    %and3A_347 = arith.andi %get3A_344, %and3A_346 : vector<16xi32>
    %swap3A_348 = arith.constant 1 : i32
    %swap3A_349 = arith.index_cast %swap3A_348 : i32 to index
    %swap3A_350 = arith.constant 96 : index
    %swap3A_351 = tpu.vector_load %arg7[%swap3A_349, %swap3A_350] {strides = array<i32>} : memref<2x128xi32, #tpu.memory_space<vmem>>, vector<1x16xi32>,
    %swap3A_352 = vector.shape_cast %swap3A_351 : vector<1x16xi32> to vector<16xi32>
    %swap3A_353 = vector.shape_cast %and3A_347 : vector<16xi32> to vector<1x16xi32>
    tpu.vector_store %arg7[%swap3A_349, %swap3A_350], %swap3A_353 {strides = array<i32>} : memref<2x128xi32, #tpu.memory_space<vmem>>, vector<1x16xi32>,
    %shift_right_logical3A_354 = arith.constant 16 : i32
    %shift_right_logical3A_355 = vector.broadcast %shift_right_logical3A_354 : i32 to vector<16xi32>
    %shift_right_logical3A_356 = arith.shrui %get3A_344, %shift_right_logical3A_355 : vector<16xi32>
    %swap3A_357 = arith.constant 1 : i32
    %swap3A_358 = arith.index_cast %swap3A_357 : i32 to index
    %swap3A_359 = arith.constant 96 : index
    %swap3A_360 = tpu.vector_load %arg8[%swap3A_358, %swap3A_359] {strides = array<i32>} : memref<2x128xi32, #tpu.memory_space<vmem>>, vector<1x16xi32>,
    %swap3A_361 = vector.shape_cast %swap3A_360 : vector<1x16xi32> to vector<16xi32>
    %swap3A_362 = vector.shape_cast %shift_right_logical3A_356 : vector<16xi32> to vector<1x16xi32>
    tpu.vector_store %arg8[%swap3A_358, %swap3A_359], %swap3A_362 {strides = array<i32>} : memref<2x128xi32, #tpu.memory_space<vmem>>, vector<1x16xi32>,
    %get3A_363 = arith.constant 1 : i32
    %get3A_364 = arith.index_cast %get3A_363 : i32 to index
    %get3A_365 = arith.constant 112 : index
    %get3A_366 = tpu.vector_load %arg6[%get3A_364, %get3A_365] {strides = array<i32>} : memref<72x128xi32, #tpu.memory_space<vmem>>, vector<1x16xi32>,
    %get3A_367 = vector.shape_cast %get3A_366 : vector<1x16xi32> to vector<16xi32>
    %and3A_368 = arith.constant 65535 : i32
    %and3A_369 = vector.broadcast %and3A_368 : i32 to vector<16xi32>
    %and3A_370 = arith.andi %get3A_367, %and3A_369 : vector<16xi32>
    %swap3A_371 = arith.constant 1 : i32
    %swap3A_372 = arith.index_cast %swap3A_371 : i32 to index
    %swap3A_373 = arith.constant 112 : index
    %swap3A_374 = tpu.vector_load %arg7[%swap3A_372, %swap3A_373] {strides = array<i32>} : memref<2x128xi32, #tpu.memory_space<vmem>>, vector<1x16xi32>,
    %swap3A_375 = vector.shape_cast %swap3A_374 : vector<1x16xi32> to vector<16xi32>
    %swap3A_376 = vector.shape_cast %and3A_370 : vector<16xi32> to vector<1x16xi32>
    tpu.vector_store %arg7[%swap3A_372, %swap3A_373], %swap3A_376 {strides = array<i32>} : memref<2x128xi32, #tpu.memory_space<vmem>>, vector<1x16xi32>,
    %shift_right_logical3A_377 = arith.constant 16 : i32
    %shift_right_logical3A_378 = vector.broadcast %shift_right_logical3A_377 : i32 to vector<16xi32>
    %shift_right_logical3A_379 = arith.shrui %get3A_367, %shift_right_logical3A_378 : vector<16xi32>
    %swap3A_380 = arith.constant 1 : i32
    %swap3A_381 = arith.index_cast %swap3A_380 : i32 to index
    %swap3A_382 = arith.constant 112 : index
    %swap3A_383 = tpu.vector_load %arg8[%swap3A_381, %swap3A_382] {strides = array<i32>} : memref<2x128xi32, #tpu.memory_space<vmem>>, vector<1x16xi32>,
    %swap3A_384 = vector.shape_cast %swap3A_383 : vector<1x16xi32> to vector<16xi32>
    %swap3A_385 = vector.shape_cast %shift_right_logical3A_379 : vector<16xi32> to vector<1x16xi32>
    tpu.vector_store %arg8[%swap3A_381, %swap3A_382], %swap3A_385 {strides = array<i32>} : memref<2x128xi32, #tpu.memory_space<vmem>>, vector<1x16xi32>,
    %dma_start3A_386 = arith.constant 1 : i32
    %dma_start3A_387 = arith.constant 1 : i32
    %dma_start3A_388 = arith.constant 1 : i32
    %dma_start3A_389 = arith.constant 0 : i32
    %dma_start3A_390 = arith.constant 0 : i32
    %dma_start3A_391 = tpu.memref_slice %arg9[%dma_start3A_387, %dma_start3A_389, %dma_start3A_390] : memref<2x128x128xf32, #tpu.memory_space<vmem>> -> memref<1x128x128xf32, #tpu.memory_space<vmem>>
    %dma_start3A_392 = tpu.memref_squeeze %dma_start3A_391 : memref<1x128x128xf32, #tpu.memory_space<vmem>> -> memref<128x128xf32, #tpu.memory_space<vmem>>
    %dma_start3A_393 = arith.constant 0 : i32
    %dma_start3A_394 = tpu.memref_slice %arg7[%dma_start3A_386, %dma_start3A_393] : memref<2x128xi32, #tpu.memory_space<vmem>> -> memref<1x128xi32, #tpu.memory_space<vmem>>
    %dma_start3A_395 = tpu.memref_squeeze %dma_start3A_394 : memref<1x128xi32, #tpu.memory_space<vmem>> -> memref<128xi32, #tpu.memory_space<vmem>>
    %dma_start3A_396 = arith.constant 0 : i32
    %dma_start3A_397 = arith.constant 0 : i32
    %dma_start3A_398 = tpu.memref_slice %arg2[%dma_start3A_396, %dma_start3A_397] : memref<10000x128xf32, #tpu.memory_space<hbm>> -> memref<10000x128xf32, #tpu.memory_space<hbm>>
    %dma_start3A_399 = tpu.memref_slice %arg11[%dma_start3A_388] : memref<2x!tpu.dma_semaphore, #tpu.memory_space<semaphore_mem>> -> memref<1x!tpu.dma_semaphore, #tpu.memory_space<semaphore_mem>>
    %dma_start3A_400 = tpu.memref_squeeze %dma_start3A_399 : memref<1x!tpu.dma_semaphore, #tpu.memory_space<semaphore_mem>> -> memref<!tpu.dma_semaphore, #tpu.memory_space<semaphore_mem>>
    tpu.enqueue_indirect_dma source(%dma_start3A_398 : memref<10000x128xf32, #tpu.memory_space<hbm>>) target(%dma_start3A_392 : memref<128x128xf32, #tpu.memory_space<vmem>>) offsets(%dma_start3A_395 : memref<128xi32, #tpu.memory_space<vmem>>) semaphore(%dma_start3A_400 : memref<!tpu.dma_semaphore, #tpu.memory_space<semaphore_mem>>)
    %sub3A = arith.constant 0 : i32
    %sub3A_401 = arith.subi %select_n3A_3, %sub3A : i32
    %sub3A_402 = arith.constant 2 : i32
    %sub3A_403 = arith.constant 1 : i32
    %sub3A_404 = arith.subi %sub3A_402, %sub3A_403 : i32
    %add3A_405 = arith.addi %sub3A_401, %sub3A_404 : i32
    %div3A = arith.constant 2 : i32
    %div3A_406 = arith.divsi %add3A_405, %div3A : i32
    %while3A = arith.constant 2 : i32
    %while3A_407 = arith.constant 0 : i32
    %while3A_408 = arith.constant 0 : i32
    %while3A_409 = arith.subi %div3A_406, %while3A_408 : i32
    %while3A_410 = arith.addi %while3A_408, %while3A_409 : i32
    %while3A_411 = arith.constant 1 : i32
    %while3A_412 = arith.divsi %while3A_409, %while3A_411 : i32
    %while3A_413 = arith.muli %while3A_412, %while3A_411 : i32
    %while3A_414 = arith.addi %while3A_408, %while3A_413 : i32
    %while3A_415 = arith.constant 1 : i32
    scf.for %while3A_422 = %while3A_408 to %while3A_414 step %while3A_415  : i32 {
      %mul3A_423 = arith.muli %while3A_422, %while3A : i32
      %add3A_424 = arith.addi %while3A_407, %mul3A_423 : i32
      %dma_wait3A = arith.constant 0 : i32
      %dma_wait3A_425 = arith.constant 0 : i32
      %dma_wait3A_426 = arith.constant 0 : i32
      %dma_wait3A_427 = arith.constant 0 : i32
      %dma_wait3A_428 = arith.constant 0 : i32
      %dma_wait3A_429 = tpu.memref_slice %arg9[%dma_wait3A_425, %dma_wait3A_427, %dma_wait3A_428] : memref<2x128x128xf32, #tpu.memory_space<vmem>> -> memref<1x128x128xf32, #tpu.memory_space<vmem>>
      %dma_wait3A_430 = tpu.memref_squeeze %dma_wait3A_429 : memref<1x128x128xf32, #tpu.memory_space<vmem>> -> memref<128x128xf32, #tpu.memory_space<vmem>>
      %dma_wait3A_431 = arith.constant 0 : i32
      %dma_wait3A_432 = tpu.memref_slice %arg7[%dma_wait3A, %dma_wait3A_431] : memref<2x128xi32, #tpu.memory_space<vmem>> -> memref<1x128xi32, #tpu.memory_space<vmem>>
      %dma_wait3A_433 = tpu.memref_squeeze %dma_wait3A_432 : memref<1x128xi32, #tpu.memory_space<vmem>> -> memref<128xi32, #tpu.memory_space<vmem>>
      %dma_wait3A_434 = arith.constant 0 : i32
      %dma_wait3A_435 = arith.constant 0 : i32
      %dma_wait3A_436 = tpu.memref_slice %arg2[%dma_wait3A_434, %dma_wait3A_435] : memref<10000x128xf32, #tpu.memory_space<hbm>> -> memref<10000x128xf32, #tpu.memory_space<hbm>>
      %dma_wait3A_437 = tpu.memref_slice %arg11[%dma_wait3A_426] : memref<2x!tpu.dma_semaphore, #tpu.memory_space<semaphore_mem>> -> memref<1x!tpu.dma_semaphore, #tpu.memory_space<semaphore_mem>>
      %dma_wait3A_438 = tpu.memref_squeeze %dma_wait3A_437 : memref<1x!tpu.dma_semaphore, #tpu.memory_space<semaphore_mem>> -> memref<!tpu.dma_semaphore, #tpu.memory_space<semaphore_mem>>
      tpu.wait_indirect_dma semaphore(%dma_wait3A_438 : memref<!tpu.dma_semaphore, #tpu.memory_space<semaphore_mem>>) src(%dma_wait3A_436 : memref<10000x128xf32, #tpu.memory_space<hbm>>) dst(%dma_wait3A_430 : memref<128x128xf32, #tpu.memory_space<vmem>>)
      %run_scoped3A = arith.constant 0 : i32
      %run_scoped3A_439 = arith.constant 0 : i32
      "tpu.region"() ({
        %run_scoped3A_470 = tpu.sem_alloc : memref<!tpu.dma_semaphore, #tpu.memory_space<semaphore_mem>>
        %dma_start3A_471 = arith.constant 0 : i32
        %dma_start3A_472 = arith.constant 0 : i32
        %dma_start3A_473 = tpu.memref_slice %arg9[%run_scoped3A, %dma_start3A_471, %dma_start3A_472] : memref<2x128x128xf32, #tpu.memory_space<vmem>> -> memref<1x128x128xf32, #tpu.memory_space<vmem>>
        %dma_start3A_474 = tpu.memref_squeeze %dma_start3A_473 : memref<1x128x128xf32, #tpu.memory_space<vmem>> -> memref<128x128xf32, #tpu.memory_space<vmem>>
        %dma_start3A_475 = arith.constant 0 : i32
        %dma_start3A_476 = tpu.memref_slice %arg8[%run_scoped3A_439, %dma_start3A_475] : memref<2x128xi32, #tpu.memory_space<vmem>> -> memref<1x128xi32, #tpu.memory_space<vmem>>
        %dma_start3A_477 = tpu.memref_squeeze %dma_start3A_476 : memref<1x128xi32, #tpu.memory_space<vmem>> -> memref<128xi32, #tpu.memory_space<vmem>>
        %dma_start3A_478 = arith.constant 0 : i32
        %dma_start3A_479 = arith.constant 0 : i32
        %dma_start3A_480 = tpu.memref_slice %arg10[%dma_start3A_478, %dma_start3A_479] : memref<10112x128xf32, #tpu.memory_space<vmem_shared>> -> memref<10112x128xf32, #tpu.memory_space<vmem_shared>>
        tpu.enqueue_indirect_dma source(%dma_start3A_474 : memref<128x128xf32, #tpu.memory_space<vmem>>) target(%dma_start3A_480 : memref<10112x128xf32, #tpu.memory_space<vmem_shared>>) offsets(%dma_start3A_477 : memref<128xi32, #tpu.memory_space<vmem>>) semaphore(%run_scoped3A_470 : memref<!tpu.dma_semaphore, #tpu.memory_space<semaphore_mem>>) {add = true}
        %dma_wait3A_481 = arith.constant 0 : i32
        %dma_wait3A_482 = arith.constant 0 : i32
        %dma_wait3A_483 = tpu.memref_slice %arg9[%run_scoped3A, %dma_wait3A_481, %dma_wait3A_482] : memref<2x128x128xf32, #tpu.memory_space<vmem>> -> memref<1x128x128xf32, #tpu.memory_space<vmem>>
        %dma_wait3A_484 = tpu.memref_squeeze %dma_wait3A_483 : memref<1x128x128xf32, #tpu.memory_space<vmem>> -> memref<128x128xf32, #tpu.memory_space<vmem>>
        %dma_wait3A_485 = arith.constant 0 : i32
        %dma_wait3A_486 = tpu.memref_slice %arg8[%run_scoped3A_439, %dma_wait3A_485] : memref<2x128xi32, #tpu.memory_space<vmem>> -> memref<1x128xi32, #tpu.memory_space<vmem>>
        %dma_wait3A_487 = tpu.memref_squeeze %dma_wait3A_486 : memref<1x128xi32, #tpu.memory_space<vmem>> -> memref<128xi32, #tpu.memory_space<vmem>>
        %dma_wait3A_488 = arith.constant 0 : i32
        %dma_wait3A_489 = arith.constant 0 : i32
        %dma_wait3A_490 = tpu.memref_slice %arg10[%dma_wait3A_488, %dma_wait3A_489] : memref<10112x128xf32, #tpu.memory_space<vmem_shared>> -> memref<10112x128xf32, #tpu.memory_space<vmem_shared>>
        tpu.wait_indirect_dma semaphore(%run_scoped3A_470 : memref<!tpu.dma_semaphore, #tpu.memory_space<semaphore_mem>>) src(%dma_wait3A_484 : memref<128x128xf32, #tpu.memory_space<vmem>>) dst(%dma_wait3A_490 : memref<10112x128xf32, #tpu.memory_space<vmem_shared>>)
        tpu.yield
      }) : () -> ()
      %add3A_440 = arith.constant 0 : i32
      %add3A_441 = arith.addi %add3A_424, %add3A_440 : i32
      %add3A_442 = arith.constant 2 : i32
      %add3A_443 = arith.addi %add3A_441, %add3A_442 : i32
      %lt3A = arith.cmpi slt, %add3A_443, %select_n3A_3 : i32
      %convert_element_type3A = arith.extui %lt3A : i1 to i32
      %cond3A = arith.constant 0 : i32
      %cond3A_444 = arith.cmpi ne, %convert_element_type3A, %cond3A : i32
      scf.if %cond3A_444 {
        %add3A_470 = arith.constant 0 : i32
        %add3A_471 = arith.addi %add3A_424, %add3A_470 : i32
        %add3A_472 = arith.constant 2 : i32
        %add3A_473 = arith.addi %add3A_471, %add3A_472 : i32
        %get3A_474 = arith.index_cast %add3A_473 : i32 to index
        %get3A_475 = arith.constant 0 : index
        %get3A_476 = tpu.vector_load %arg6[%get3A_474, %get3A_475] {strides = array<i32>} : memref<72x128xi32, #tpu.memory_space<vmem>>, vector<1x16xi32>,
        %get3A_477 = vector.shape_cast %get3A_476 : vector<1x16xi32> to vector<16xi32>
        %and3A_478 = arith.constant 65535 : i32
        %and3A_479 = vector.broadcast %and3A_478 : i32 to vector<16xi32>
        %and3A_480 = arith.andi %get3A_477, %and3A_479 : vector<16xi32>
        %swap3A_481 = arith.constant 0 : i32
        %swap3A_482 = arith.index_cast %swap3A_481 : i32 to index
        %swap3A_483 = arith.constant 0 : index
        %swap3A_484 = tpu.vector_load %arg7[%swap3A_482, %swap3A_483] {strides = array<i32>} : memref<2x128xi32, #tpu.memory_space<vmem>>, vector<1x16xi32>,
        %swap3A_485 = vector.shape_cast %swap3A_484 : vector<1x16xi32> to vector<16xi32>
        %swap3A_486 = vector.shape_cast %and3A_480 : vector<16xi32> to vector<1x16xi32>
        tpu.vector_store %arg7[%swap3A_482, %swap3A_483], %swap3A_486 {strides = array<i32>} : memref<2x128xi32, #tpu.memory_space<vmem>>, vector<1x16xi32>,
        %shift_right_logical3A_487 = arith.constant 16 : i32
        %shift_right_logical3A_488 = vector.broadcast %shift_right_logical3A_487 : i32 to vector<16xi32>
        %shift_right_logical3A_489 = arith.shrui %get3A_477, %shift_right_logical3A_488 : vector<16xi32>
        %swap3A_490 = arith.constant 0 : i32
        %swap3A_491 = arith.index_cast %swap3A_490 : i32 to index
        %swap3A_492 = arith.constant 0 : index
        %swap3A_493 = tpu.vector_load %arg8[%swap3A_491, %swap3A_492] {strides = array<i32>} : memref<2x128xi32, #tpu.memory_space<vmem>>, vector<1x16xi32>,
        %swap3A_494 = vector.shape_cast %swap3A_493 : vector<1x16xi32> to vector<16xi32>
        %swap3A_495 = vector.shape_cast %shift_right_logical3A_489 : vector<16xi32> to vector<1x16xi32>
        tpu.vector_store %arg8[%swap3A_491, %swap3A_492], %swap3A_495 {strides = array<i32>} : memref<2x128xi32, #tpu.memory_space<vmem>>, vector<1x16xi32>,
        %get3A_496 = arith.index_cast %add3A_473 : i32 to index
        %get3A_497 = arith.constant 16 : index
        %get3A_498 = tpu.vector_load %arg6[%get3A_496, %get3A_497] {strides = array<i32>} : memref<72x128xi32, #tpu.memory_space<vmem>>, vector<1x16xi32>,
        %get3A_499 = vector.shape_cast %get3A_498 : vector<1x16xi32> to vector<16xi32>
        %and3A_500 = arith.constant 65535 : i32
        %and3A_501 = vector.broadcast %and3A_500 : i32 to vector<16xi32>
        %and3A_502 = arith.andi %get3A_499, %and3A_501 : vector<16xi32>
        %swap3A_503 = arith.constant 0 : i32
        %swap3A_504 = arith.index_cast %swap3A_503 : i32 to index
        %swap3A_505 = arith.constant 16 : index
        %swap3A_506 = tpu.vector_load %arg7[%swap3A_504, %swap3A_505] {strides = array<i32>} : memref<2x128xi32, #tpu.memory_space<vmem>>, vector<1x16xi32>,
        %swap3A_507 = vector.shape_cast %swap3A_506 : vector<1x16xi32> to vector<16xi32>
        %swap3A_508 = vector.shape_cast %and3A_502 : vector<16xi32> to vector<1x16xi32>
        tpu.vector_store %arg7[%swap3A_504, %swap3A_505], %swap3A_508 {strides = array<i32>} : memref<2x128xi32, #tpu.memory_space<vmem>>, vector<1x16xi32>,
        %shift_right_logical3A_509 = arith.constant 16 : i32
        %shift_right_logical3A_510 = vector.broadcast %shift_right_logical3A_509 : i32 to vector<16xi32>
        %shift_right_logical3A_511 = arith.shrui %get3A_499, %shift_right_logical3A_510 : vector<16xi32>
        %swap3A_512 = arith.constant 0 : i32
        %swap3A_513 = arith.index_cast %swap3A_512 : i32 to index
        %swap3A_514 = arith.constant 16 : index
        %swap3A_515 = tpu.vector_load %arg8[%swap3A_513, %swap3A_514] {strides = array<i32>} : memref<2x128xi32, #tpu.memory_space<vmem>>, vector<1x16xi32>,
        %swap3A_516 = vector.shape_cast %swap3A_515 : vector<1x16xi32> to vector<16xi32>
        %swap3A_517 = vector.shape_cast %shift_right_logical3A_511 : vector<16xi32> to vector<1x16xi32>
        tpu.vector_store %arg8[%swap3A_513, %swap3A_514], %swap3A_517 {strides = array<i32>} : memref<2x128xi32, #tpu.memory_space<vmem>>, vector<1x16xi32>,
        %get3A_518 = arith.index_cast %add3A_473 : i32 to index
        %get3A_519 = arith.constant 32 : index
        %get3A_520 = tpu.vector_load %arg6[%get3A_518, %get3A_519] {strides = array<i32>} : memref<72x128xi32, #tpu.memory_space<vmem>>, vector<1x16xi32>,
        %get3A_521 = vector.shape_cast %get3A_520 : vector<1x16xi32> to vector<16xi32>
        %and3A_522 = arith.constant 65535 : i32
        %and3A_523 = vector.broadcast %and3A_522 : i32 to vector<16xi32>
        %and3A_524 = arith.andi %get3A_521, %and3A_523 : vector<16xi32>
        %swap3A_525 = arith.constant 0 : i32
        %swap3A_526 = arith.index_cast %swap3A_525 : i32 to index
        %swap3A_527 = arith.constant 32 : index
        %swap3A_528 = tpu.vector_load %arg7[%swap3A_526, %swap3A_527] {strides = array<i32>} : memref<2x128xi32, #tpu.memory_space<vmem>>, vector<1x16xi32>,
        %swap3A_529 = vector.shape_cast %swap3A_528 : vector<1x16xi32> to vector<16xi32>
        %swap3A_530 = vector.shape_cast %and3A_524 : vector<16xi32> to vector<1x16xi32>
        tpu.vector_store %arg7[%swap3A_526, %swap3A_527], %swap3A_530 {strides = array<i32>} : memref<2x128xi32, #tpu.memory_space<vmem>>, vector<1x16xi32>,
        %shift_right_logical3A_531 = arith.constant 16 : i32
        %shift_right_logical3A_532 = vector.broadcast %shift_right_logical3A_531 : i32 to vector<16xi32>
        %shift_right_logical3A_533 = arith.shrui %get3A_521, %shift_right_logical3A_532 : vector<16xi32>
        %swap3A_534 = arith.constant 0 : i32
        %swap3A_535 = arith.index_cast %swap3A_534 : i32 to index
        %swap3A_536 = arith.constant 32 : index
        %swap3A_537 = tpu.vector_load %arg8[%swap3A_535, %swap3A_536] {strides = array<i32>} : memref<2x128xi32, #tpu.memory_space<vmem>>, vector<1x16xi32>,
        %swap3A_538 = vector.shape_cast %swap3A_537 : vector<1x16xi32> to vector<16xi32>
        %swap3A_539 = vector.shape_cast %shift_right_logical3A_533 : vector<16xi32> to vector<1x16xi32>
        tpu.vector_store %arg8[%swap3A_535, %swap3A_536], %swap3A_539 {strides = array<i32>} : memref<2x128xi32, #tpu.memory_space<vmem>>, vector<1x16xi32>,
        %get3A_540 = arith.index_cast %add3A_473 : i32 to index
        %get3A_541 = arith.constant 48 : index
        %get3A_542 = tpu.vector_load %arg6[%get3A_540, %get3A_541] {strides = array<i32>} : memref<72x128xi32, #tpu.memory_space<vmem>>, vector<1x16xi32>,
        %get3A_543 = vector.shape_cast %get3A_542 : vector<1x16xi32> to vector<16xi32>
        %and3A_544 = arith.constant 65535 : i32
        %and3A_545 = vector.broadcast %and3A_544 : i32 to vector<16xi32>
        %and3A_546 = arith.andi %get3A_543, %and3A_545 : vector<16xi32>
        %swap3A_547 = arith.constant 0 : i32
        %swap3A_548 = arith.index_cast %swap3A_547 : i32 to index
        %swap3A_549 = arith.constant 48 : index
        %swap3A_550 = tpu.vector_load %arg7[%swap3A_548, %swap3A_549] {strides = array<i32>} : memref<2x128xi32, #tpu.memory_space<vmem>>, vector<1x16xi32>,
        %swap3A_551 = vector.shape_cast %swap3A_550 : vector<1x16xi32> to vector<16xi32>
        %swap3A_552 = vector.shape_cast %and3A_546 : vector<16xi32> to vector<1x16xi32>
        tpu.vector_store %arg7[%swap3A_548, %swap3A_549], %swap3A_552 {strides = array<i32>} : memref<2x128xi32, #tpu.memory_space<vmem>>, vector<1x16xi32>,
        %shift_right_logical3A_553 = arith.constant 16 : i32
        %shift_right_logical3A_554 = vector.broadcast %shift_right_logical3A_553 : i32 to vector<16xi32>
        %shift_right_logical3A_555 = arith.shrui %get3A_543, %shift_right_logical3A_554 : vector<16xi32>
        %swap3A_556 = arith.constant 0 : i32
        %swap3A_557 = arith.index_cast %swap3A_556 : i32 to index
        %swap3A_558 = arith.constant 48 : index
        %swap3A_559 = tpu.vector_load %arg8[%swap3A_557, %swap3A_558] {strides = array<i32>} : memref<2x128xi32, #tpu.memory_space<vmem>>, vector<1x16xi32>,
        %swap3A_560 = vector.shape_cast %swap3A_559 : vector<1x16xi32> to vector<16xi32>
        %swap3A_561 = vector.shape_cast %shift_right_logical3A_555 : vector<16xi32> to vector<1x16xi32>
        tpu.vector_store %arg8[%swap3A_557, %swap3A_558], %swap3A_561 {strides = array<i32>} : memref<2x128xi32, #tpu.memory_space<vmem>>, vector<1x16xi32>,
        %get3A_562 = arith.index_cast %add3A_473 : i32 to index
        %get3A_563 = arith.constant 64 : index
        %get3A_564 = tpu.vector_load %arg6[%get3A_562, %get3A_563] {strides = array<i32>} : memref<72x128xi32, #tpu.memory_space<vmem>>, vector<1x16xi32>,
        %get3A_565 = vector.shape_cast %get3A_564 : vector<1x16xi32> to vector<16xi32>
        %and3A_566 = arith.constant 65535 : i32
        %and3A_567 = vector.broadcast %and3A_566 : i32 to vector<16xi32>
        %and3A_568 = arith.andi %get3A_565, %and3A_567 : vector<16xi32>
        %swap3A_569 = arith.constant 0 : i32
        %swap3A_570 = arith.index_cast %swap3A_569 : i32 to index
        %swap3A_571 = arith.constant 64 : index
        %swap3A_572 = tpu.vector_load %arg7[%swap3A_570, %swap3A_571] {strides = array<i32>} : memref<2x128xi32, #tpu.memory_space<vmem>>, vector<1x16xi32>,
        %swap3A_573 = vector.shape_cast %swap3A_572 : vector<1x16xi32> to vector<16xi32>
        %swap3A_574 = vector.shape_cast %and3A_568 : vector<16xi32> to vector<1x16xi32>
        tpu.vector_store %arg7[%swap3A_570, %swap3A_571], %swap3A_574 {strides = array<i32>} : memref<2x128xi32, #tpu.memory_space<vmem>>, vector<1x16xi32>,
        %shift_right_logical3A_575 = arith.constant 16 : i32
        %shift_right_logical3A_576 = vector.broadcast %shift_right_logical3A_575 : i32 to vector<16xi32>
        %shift_right_logical3A_577 = arith.shrui %get3A_565, %shift_right_logical3A_576 : vector<16xi32>
        %swap3A_578 = arith.constant 0 : i32
        %swap3A_579 = arith.index_cast %swap3A_578 : i32 to index
        %swap3A_580 = arith.constant 64 : index
        %swap3A_581 = tpu.vector_load %arg8[%swap3A_579, %swap3A_580] {strides = array<i32>} : memref<2x128xi32, #tpu.memory_space<vmem>>, vector<1x16xi32>,
        %swap3A_582 = vector.shape_cast %swap3A_581 : vector<1x16xi32> to vector<16xi32>
        %swap3A_583 = vector.shape_cast %shift_right_logical3A_577 : vector<16xi32> to vector<1x16xi32>
        tpu.vector_store %arg8[%swap3A_579, %swap3A_580], %swap3A_583 {strides = array<i32>} : memref<2x128xi32, #tpu.memory_space<vmem>>, vector<1x16xi32>,
        %get3A_584 = arith.index_cast %add3A_473 : i32 to index
        %get3A_585 = arith.constant 80 : index
        %get3A_586 = tpu.vector_load %arg6[%get3A_584, %get3A_585] {strides = array<i32>} : memref<72x128xi32, #tpu.memory_space<vmem>>, vector<1x16xi32>,
        %get3A_587 = vector.shape_cast %get3A_586 : vector<1x16xi32> to vector<16xi32>
        %and3A_588 = arith.constant 65535 : i32
        %and3A_589 = vector.broadcast %and3A_588 : i32 to vector<16xi32>
        %and3A_590 = arith.andi %get3A_587, %and3A_589 : vector<16xi32>
        %swap3A_591 = arith.constant 0 : i32
        %swap3A_592 = arith.index_cast %swap3A_591 : i32 to index
        %swap3A_593 = arith.constant 80 : index
        %swap3A_594 = tpu.vector_load %arg7[%swap3A_592, %swap3A_593] {strides = array<i32>} : memref<2x128xi32, #tpu.memory_space<vmem>>, vector<1x16xi32>,
        %swap3A_595 = vector.shape_cast %swap3A_594 : vector<1x16xi32> to vector<16xi32>
        %swap3A_596 = vector.shape_cast %and3A_590 : vector<16xi32> to vector<1x16xi32>
        tpu.vector_store %arg7[%swap3A_592, %swap3A_593], %swap3A_596 {strides = array<i32>} : memref<2x128xi32, #tpu.memory_space<vmem>>, vector<1x16xi32>,
        %shift_right_logical3A_597 = arith.constant 16 : i32
        %shift_right_logical3A_598 = vector.broadcast %shift_right_logical3A_597 : i32 to vector<16xi32>
        %shift_right_logical3A_599 = arith.shrui %get3A_587, %shift_right_logical3A_598 : vector<16xi32>
        %swap3A_600 = arith.constant 0 : i32
        %swap3A_601 = arith.index_cast %swap3A_600 : i32 to index
        %swap3A_602 = arith.constant 80 : index
        %swap3A_603 = tpu.vector_load %arg8[%swap3A_601, %swap3A_602] {strides = array<i32>} : memref<2x128xi32, #tpu.memory_space<vmem>>, vector<1x16xi32>,
        %swap3A_604 = vector.shape_cast %swap3A_603 : vector<1x16xi32> to vector<16xi32>
        %swap3A_605 = vector.shape_cast %shift_right_logical3A_599 : vector<16xi32> to vector<1x16xi32>
        tpu.vector_store %arg8[%swap3A_601, %swap3A_602], %swap3A_605 {strides = array<i32>} : memref<2x128xi32, #tpu.memory_space<vmem>>, vector<1x16xi32>,
        %get3A_606 = arith.index_cast %add3A_473 : i32 to index
        %get3A_607 = arith.constant 96 : index
        %get3A_608 = tpu.vector_load %arg6[%get3A_606, %get3A_607] {strides = array<i32>} : memref<72x128xi32, #tpu.memory_space<vmem>>, vector<1x16xi32>,
        %get3A_609 = vector.shape_cast %get3A_608 : vector<1x16xi32> to vector<16xi32>
        %and3A_610 = arith.constant 65535 : i32
        %and3A_611 = vector.broadcast %and3A_610 : i32 to vector<16xi32>
        %and3A_612 = arith.andi %get3A_609, %and3A_611 : vector<16xi32>
        %swap3A_613 = arith.constant 0 : i32
        %swap3A_614 = arith.index_cast %swap3A_613 : i32 to index
        %swap3A_615 = arith.constant 96 : index
        %swap3A_616 = tpu.vector_load %arg7[%swap3A_614, %swap3A_615] {strides = array<i32>} : memref<2x128xi32, #tpu.memory_space<vmem>>, vector<1x16xi32>,
        %swap3A_617 = vector.shape_cast %swap3A_616 : vector<1x16xi32> to vector<16xi32>
        %swap3A_618 = vector.shape_cast %and3A_612 : vector<16xi32> to vector<1x16xi32>
        tpu.vector_store %arg7[%swap3A_614, %swap3A_615], %swap3A_618 {strides = array<i32>} : memref<2x128xi32, #tpu.memory_space<vmem>>, vector<1x16xi32>,
        %shift_right_logical3A_619 = arith.constant 16 : i32
        %shift_right_logical3A_620 = vector.broadcast %shift_right_logical3A_619 : i32 to vector<16xi32>
        %shift_right_logical3A_621 = arith.shrui %get3A_609, %shift_right_logical3A_620 : vector<16xi32>
        %swap3A_622 = arith.constant 0 : i32
        %swap3A_623 = arith.index_cast %swap3A_622 : i32 to index
        %swap3A_624 = arith.constant 96 : index
        %swap3A_625 = tpu.vector_load %arg8[%swap3A_623, %swap3A_624] {strides = array<i32>} : memref<2x128xi32, #tpu.memory_space<vmem>>, vector<1x16xi32>,
        %swap3A_626 = vector.shape_cast %swap3A_625 : vector<1x16xi32> to vector<16xi32>
        %swap3A_627 = vector.shape_cast %shift_right_logical3A_621 : vector<16xi32> to vector<1x16xi32>
        tpu.vector_store %arg8[%swap3A_623, %swap3A_624], %swap3A_627 {strides = array<i32>} : memref<2x128xi32, #tpu.memory_space<vmem>>, vector<1x16xi32>,
        %get3A_628 = arith.index_cast %add3A_473 : i32 to index
        %get3A_629 = arith.constant 112 : index
        %get3A_630 = tpu.vector_load %arg6[%get3A_628, %get3A_629] {strides = array<i32>} : memref<72x128xi32, #tpu.memory_space<vmem>>, vector<1x16xi32>,
        %get3A_631 = vector.shape_cast %get3A_630 : vector<1x16xi32> to vector<16xi32>
        %and3A_632 = arith.constant 65535 : i32
        %and3A_633 = vector.broadcast %and3A_632 : i32 to vector<16xi32>
        %and3A_634 = arith.andi %get3A_631, %and3A_633 : vector<16xi32>
        %swap3A_635 = arith.constant 0 : i32
        %swap3A_636 = arith.index_cast %swap3A_635 : i32 to index
        %swap3A_637 = arith.constant 112 : index
        %swap3A_638 = tpu.vector_load %arg7[%swap3A_636, %swap3A_637] {strides = array<i32>} : memref<2x128xi32, #tpu.memory_space<vmem>>, vector<1x16xi32>,
        %swap3A_639 = vector.shape_cast %swap3A_638 : vector<1x16xi32> to vector<16xi32>
        %swap3A_640 = vector.shape_cast %and3A_634 : vector<16xi32> to vector<1x16xi32>
        tpu.vector_store %arg7[%swap3A_636, %swap3A_637], %swap3A_640 {strides = array<i32>} : memref<2x128xi32, #tpu.memory_space<vmem>>, vector<1x16xi32>,
        %shift_right_logical3A_641 = arith.constant 16 : i32
        %shift_right_logical3A_642 = vector.broadcast %shift_right_logical3A_641 : i32 to vector<16xi32>
        %shift_right_logical3A_643 = arith.shrui %get3A_631, %shift_right_logical3A_642 : vector<16xi32>
        %swap3A_644 = arith.constant 0 : i32
        %swap3A_645 = arith.index_cast %swap3A_644 : i32 to index
        %swap3A_646 = arith.constant 112 : index
        %swap3A_647 = tpu.vector_load %arg8[%swap3A_645, %swap3A_646] {strides = array<i32>} : memref<2x128xi32, #tpu.memory_space<vmem>>, vector<1x16xi32>,
        %swap3A_648 = vector.shape_cast %swap3A_647 : vector<1x16xi32> to vector<16xi32>
        %swap3A_649 = vector.shape_cast %shift_right_logical3A_643 : vector<16xi32> to vector<1x16xi32>
        tpu.vector_store %arg8[%swap3A_645, %swap3A_646], %swap3A_649 {strides = array<i32>} : memref<2x128xi32, #tpu.memory_space<vmem>>, vector<1x16xi32>,
        %dma_start3A_650 = arith.constant 0 : i32
        %dma_start3A_651 = arith.constant 0 : i32
        %dma_start3A_652 = arith.constant 0 : i32
        %dma_start3A_653 = arith.constant 0 : i32
        %dma_start3A_654 = arith.constant 0 : i32
        %dma_start3A_655 = tpu.memref_slice %arg9[%dma_start3A_651, %dma_start3A_653, %dma_start3A_654] : memref<2x128x128xf32, #tpu.memory_space<vmem>> -> memref<1x128x128xf32, #tpu.memory_space<vmem>>
        %dma_start3A_656 = tpu.memref_squeeze %dma_start3A_655 : memref<1x128x128xf32, #tpu.memory_space<vmem>> -> memref<128x128xf32, #tpu.memory_space<vmem>>
        %dma_start3A_657 = arith.constant 0 : i32
        %dma_start3A_658 = tpu.memref_slice %arg7[%dma_start3A_650, %dma_start3A_657] : memref<2x128xi32, #tpu.memory_space<vmem>> -> memref<1x128xi32, #tpu.memory_space<vmem>>
        %dma_start3A_659 = tpu.memref_squeeze %dma_start3A_658 : memref<1x128xi32, #tpu.memory_space<vmem>> -> memref<128xi32, #tpu.memory_space<vmem>>
        %dma_start3A_660 = arith.constant 0 : i32
        %dma_start3A_661 = arith.constant 0 : i32
        %dma_start3A_662 = tpu.memref_slice %arg2[%dma_start3A_660, %dma_start3A_661] : memref<10000x128xf32, #tpu.memory_space<hbm>> -> memref<10000x128xf32, #tpu.memory_space<hbm>>
        %dma_start3A_663 = tpu.memref_slice %arg11[%dma_start3A_652] : memref<2x!tpu.dma_semaphore, #tpu.memory_space<semaphore_mem>> -> memref<1x!tpu.dma_semaphore, #tpu.memory_space<semaphore_mem>>
        %dma_start3A_664 = tpu.memref_squeeze %dma_start3A_663 : memref<1x!tpu.dma_semaphore, #tpu.memory_space<semaphore_mem>> -> memref<!tpu.dma_semaphore, #tpu.memory_space<semaphore_mem>>
        tpu.enqueue_indirect_dma source(%dma_start3A_662 : memref<10000x128xf32, #tpu.memory_space<hbm>>) target(%dma_start3A_656 : memref<128x128xf32, #tpu.memory_space<vmem>>) offsets(%dma_start3A_659 : memref<128xi32, #tpu.memory_space<vmem>>) semaphore(%dma_start3A_664 : memref<!tpu.dma_semaphore, #tpu.memory_space<semaphore_mem>>)
      } else {
      }
      %dma_wait3A_445 = arith.constant 1 : i32
      %dma_wait3A_446 = arith.constant 1 : i32
      %dma_wait3A_447 = arith.constant 1 : i32
      %dma_wait3A_448 = arith.constant 0 : i32
      %dma_wait3A_449 = arith.constant 0 : i32
      %dma_wait3A_450 = tpu.memref_slice %arg9[%dma_wait3A_446, %dma_wait3A_448, %dma_wait3A_449] : memref<2x128x128xf32, #tpu.memory_space<vmem>> -> memref<1x128x128xf32, #tpu.memory_space<vmem>>
      %dma_wait3A_451 = tpu.memref_squeeze %dma_wait3A_450 : memref<1x128x128xf32, #tpu.memory_space<vmem>> -> memref<128x128xf32, #tpu.memory_space<vmem>>
      %dma_wait3A_452 = arith.constant 0 : i32
      %dma_wait3A_453 = tpu.memref_slice %arg7[%dma_wait3A_445, %dma_wait3A_452] : memref<2x128xi32, #tpu.memory_space<vmem>> -> memref<1x128xi32, #tpu.memory_space<vmem>>
      %dma_wait3A_454 = tpu.memref_squeeze %dma_wait3A_453 : memref<1x128xi32, #tpu.memory_space<vmem>> -> memref<128xi32, #tpu.memory_space<vmem>>
      %dma_wait3A_455 = arith.constant 0 : i32
      %dma_wait3A_456 = arith.constant 0 : i32
      %dma_wait3A_457 = tpu.memref_slice %arg2[%dma_wait3A_455, %dma_wait3A_456] : memref<10000x128xf32, #tpu.memory_space<hbm>> -> memref<10000x128xf32, #tpu.memory_space<hbm>>
      %dma_wait3A_458 = tpu.memref_slice %arg11[%dma_wait3A_447] : memref<2x!tpu.dma_semaphore, #tpu.memory_space<semaphore_mem>> -> memref<1x!tpu.dma_semaphore, #tpu.memory_space<semaphore_mem>>
      %dma_wait3A_459 = tpu.memref_squeeze %dma_wait3A_458 : memref<1x!tpu.dma_semaphore, #tpu.memory_space<semaphore_mem>> -> memref<!tpu.dma_semaphore, #tpu.memory_space<semaphore_mem>>
      tpu.wait_indirect_dma semaphore(%dma_wait3A_459 : memref<!tpu.dma_semaphore, #tpu.memory_space<semaphore_mem>>) src(%dma_wait3A_457 : memref<10000x128xf32, #tpu.memory_space<hbm>>) dst(%dma_wait3A_451 : memref<128x128xf32, #tpu.memory_space<vmem>>)
      %run_scoped3A_460 = arith.constant 1 : i32
      %run_scoped3A_461 = arith.constant 1 : i32
      "tpu.region"() ({
        %run_scoped3A_470 = tpu.sem_alloc : memref<!tpu.dma_semaphore, #tpu.memory_space<semaphore_mem>>
        %dma_start3A_471 = arith.constant 0 : i32
        %dma_start3A_472 = arith.constant 0 : i32
        %dma_start3A_473 = tpu.memref_slice %arg9[%run_scoped3A_460, %dma_start3A_471, %dma_start3A_472] : memref<2x128x128xf32, #tpu.memory_space<vmem>> -> memref<1x128x128xf32, #tpu.memory_space<vmem>>
        %dma_start3A_474 = tpu.memref_squeeze %dma_start3A_473 : memref<1x128x128xf32, #tpu.memory_space<vmem>> -> memref<128x128xf32, #tpu.memory_space<vmem>>
        %dma_start3A_475 = arith.constant 0 : i32
        %dma_start3A_476 = tpu.memref_slice %arg8[%run_scoped3A_461, %dma_start3A_475] : memref<2x128xi32, #tpu.memory_space<vmem>> -> memref<1x128xi32, #tpu.memory_space<vmem>>
        %dma_start3A_477 = tpu.memref_squeeze %dma_start3A_476 : memref<1x128xi32, #tpu.memory_space<vmem>> -> memref<128xi32, #tpu.memory_space<vmem>>
        %dma_start3A_478 = arith.constant 0 : i32
        %dma_start3A_479 = arith.constant 0 : i32
        %dma_start3A_480 = tpu.memref_slice %arg10[%dma_start3A_478, %dma_start3A_479] : memref<10112x128xf32, #tpu.memory_space<vmem_shared>> -> memref<10112x128xf32, #tpu.memory_space<vmem_shared>>
        tpu.enqueue_indirect_dma source(%dma_start3A_474 : memref<128x128xf32, #tpu.memory_space<vmem>>) target(%dma_start3A_480 : memref<10112x128xf32, #tpu.memory_space<vmem_shared>>) offsets(%dma_start3A_477 : memref<128xi32, #tpu.memory_space<vmem>>) semaphore(%run_scoped3A_470 : memref<!tpu.dma_semaphore, #tpu.memory_space<semaphore_mem>>) {add = true}
        %dma_wait3A_481 = arith.constant 0 : i32
        %dma_wait3A_482 = arith.constant 0 : i32
        %dma_wait3A_483 = tpu.memref_slice %arg9[%run_scoped3A_460, %dma_wait3A_481, %dma_wait3A_482] : memref<2x128x128xf32, #tpu.memory_space<vmem>> -> memref<1x128x128xf32, #tpu.memory_space<vmem>>
        %dma_wait3A_484 = tpu.memref_squeeze %dma_wait3A_483 : memref<1x128x128xf32, #tpu.memory_space<vmem>> -> memref<128x128xf32, #tpu.memory_space<vmem>>
        %dma_wait3A_485 = arith.constant 0 : i32
        %dma_wait3A_486 = tpu.memref_slice %arg8[%run_scoped3A_461, %dma_wait3A_485] : memref<2x128xi32, #tpu.memory_space<vmem>> -> memref<1x128xi32, #tpu.memory_space<vmem>>
        %dma_wait3A_487 = tpu.memref_squeeze %dma_wait3A_486 : memref<1x128xi32, #tpu.memory_space<vmem>> -> memref<128xi32, #tpu.memory_space<vmem>>
        %dma_wait3A_488 = arith.constant 0 : i32
        %dma_wait3A_489 = arith.constant 0 : i32
        %dma_wait3A_490 = tpu.memref_slice %arg10[%dma_wait3A_488, %dma_wait3A_489] : memref<10112x128xf32, #tpu.memory_space<vmem_shared>> -> memref<10112x128xf32, #tpu.memory_space<vmem_shared>>
        tpu.wait_indirect_dma semaphore(%run_scoped3A_470 : memref<!tpu.dma_semaphore, #tpu.memory_space<semaphore_mem>>) src(%dma_wait3A_484 : memref<128x128xf32, #tpu.memory_space<vmem>>) dst(%dma_wait3A_490 : memref<10112x128xf32, #tpu.memory_space<vmem_shared>>)
        tpu.yield
      }) : () -> ()
      %add3A_462 = arith.constant 1 : i32
      %add3A_463 = arith.addi %add3A_424, %add3A_462 : i32
      %add3A_464 = arith.constant 2 : i32
      %add3A_465 = arith.addi %add3A_463, %add3A_464 : i32
      %lt3A_466 = arith.cmpi slt, %add3A_465, %select_n3A_3 : i32
      %convert_element_type3A_467 = arith.extui %lt3A_466 : i1 to i32
      %cond3A_468 = arith.constant 0 : i32
      %cond3A_469 = arith.cmpi ne, %convert_element_type3A_467, %cond3A_468 : i32
      scf.if %cond3A_469 {
        %add3A_470 = arith.constant 1 : i32
        %add3A_471 = arith.addi %add3A_424, %add3A_470 : i32
        %add3A_472 = arith.constant 2 : i32
        %add3A_473 = arith.addi %add3A_471, %add3A_472 : i32
        %get3A_474 = arith.index_cast %add3A_473 : i32 to index
        %get3A_475 = arith.constant 0 : index
        %get3A_476 = tpu.vector_load %arg6[%get3A_474, %get3A_475] {strides = array<i32>} : memref<72x128xi32, #tpu.memory_space<vmem>>, vector<1x16xi32>,
        %get3A_477 = vector.shape_cast %get3A_476 : vector<1x16xi32> to vector<16xi32>
        %and3A_478 = arith.constant 65535 : i32
        %and3A_479 = vector.broadcast %and3A_478 : i32 to vector<16xi32>
        %and3A_480 = arith.andi %get3A_477, %and3A_479 : vector<16xi32>
        %swap3A_481 = arith.constant 1 : i32
        %swap3A_482 = arith.index_cast %swap3A_481 : i32 to index
        %swap3A_483 = arith.constant 0 : index
        %swap3A_484 = tpu.vector_load %arg7[%swap3A_482, %swap3A_483] {strides = array<i32>} : memref<2x128xi32, #tpu.memory_space<vmem>>, vector<1x16xi32>,
        %swap3A_485 = vector.shape_cast %swap3A_484 : vector<1x16xi32> to vector<16xi32>
        %swap3A_486 = vector.shape_cast %and3A_480 : vector<16xi32> to vector<1x16xi32>
        tpu.vector_store %arg7[%swap3A_482, %swap3A_483], %swap3A_486 {strides = array<i32>} : memref<2x128xi32, #tpu.memory_space<vmem>>, vector<1x16xi32>,
        %shift_right_logical3A_487 = arith.constant 16 : i32
        %shift_right_logical3A_488 = vector.broadcast %shift_right_logical3A_487 : i32 to vector<16xi32>
        %shift_right_logical3A_489 = arith.shrui %get3A_477, %shift_right_logical3A_488 : vector<16xi32>
        %swap3A_490 = arith.constant 1 : i32
        %swap3A_491 = arith.index_cast %swap3A_490 : i32 to index
        %swap3A_492 = arith.constant 0 : index
        %swap3A_493 = tpu.vector_load %arg8[%swap3A_491, %swap3A_492] {strides = array<i32>} : memref<2x128xi32, #tpu.memory_space<vmem>>, vector<1x16xi32>,
        %swap3A_494 = vector.shape_cast %swap3A_493 : vector<1x16xi32> to vector<16xi32>
        %swap3A_495 = vector.shape_cast %shift_right_logical3A_489 : vector<16xi32> to vector<1x16xi32>
        tpu.vector_store %arg8[%swap3A_491, %swap3A_492], %swap3A_495 {strides = array<i32>} : memref<2x128xi32, #tpu.memory_space<vmem>>, vector<1x16xi32>,
        %get3A_496 = arith.index_cast %add3A_473 : i32 to index
        %get3A_497 = arith.constant 16 : index
        %get3A_498 = tpu.vector_load %arg6[%get3A_496, %get3A_497] {strides = array<i32>} : memref<72x128xi32, #tpu.memory_space<vmem>>, vector<1x16xi32>,
        %get3A_499 = vector.shape_cast %get3A_498 : vector<1x16xi32> to vector<16xi32>
        %and3A_500 = arith.constant 65535 : i32
        %and3A_501 = vector.broadcast %and3A_500 : i32 to vector<16xi32>
        %and3A_502 = arith.andi %get3A_499, %and3A_501 : vector<16xi32>
        %swap3A_503 = arith.constant 1 : i32
        %swap3A_504 = arith.index_cast %swap3A_503 : i32 to index
        %swap3A_505 = arith.constant 16 : index
        %swap3A_506 = tpu.vector_load %arg7[%swap3A_504, %swap3A_505] {strides = array<i32>} : memref<2x128xi32, #tpu.memory_space<vmem>>, vector<1x16xi32>,
        %swap3A_507 = vector.shape_cast %swap3A_506 : vector<1x16xi32> to vector<16xi32>
        %swap3A_508 = vector.shape_cast %and3A_502 : vector<16xi32> to vector<1x16xi32>
        tpu.vector_store %arg7[%swap3A_504, %swap3A_505], %swap3A_508 {strides = array<i32>} : memref<2x128xi32, #tpu.memory_space<vmem>>, vector<1x16xi32>,
        %shift_right_logical3A_509 = arith.constant 16 : i32
        %shift_right_logical3A_510 = vector.broadcast %shift_right_logical3A_509 : i32 to vector<16xi32>
        %shift_right_logical3A_511 = arith.shrui %get3A_499, %shift_right_logical3A_510 : vector<16xi32>
        %swap3A_512 = arith.constant 1 : i32
        %swap3A_513 = arith.index_cast %swap3A_512 : i32 to index
        %swap3A_514 = arith.constant 16 : index
        %swap3A_515 = tpu.vector_load %arg8[%swap3A_513, %swap3A_514] {strides = array<i32>} : memref<2x128xi32, #tpu.memory_space<vmem>>, vector<1x16xi32>,
        %swap3A_516 = vector.shape_cast %swap3A_515 : vector<1x16xi32> to vector<16xi32>
        %swap3A_517 = vector.shape_cast %shift_right_logical3A_511 : vector<16xi32> to vector<1x16xi32>
        tpu.vector_store %arg8[%swap3A_513, %swap3A_514], %swap3A_517 {strides = array<i32>} : memref<2x128xi32, #tpu.memory_space<vmem>>, vector<1x16xi32>,
        %get3A_518 = arith.index_cast %add3A_473 : i32 to index
        %get3A_519 = arith.constant 32 : index
        %get3A_520 = tpu.vector_load %arg6[%get3A_518, %get3A_519] {strides = array<i32>} : memref<72x128xi32, #tpu.memory_space<vmem>>, vector<1x16xi32>,
        %get3A_521 = vector.shape_cast %get3A_520 : vector<1x16xi32> to vector<16xi32>
        %and3A_522 = arith.constant 65535 : i32
        %and3A_523 = vector.broadcast %and3A_522 : i32 to vector<16xi32>
        %and3A_524 = arith.andi %get3A_521, %and3A_523 : vector<16xi32>
        %swap3A_525 = arith.constant 1 : i32
        %swap3A_526 = arith.index_cast %swap3A_525 : i32 to index
        %swap3A_527 = arith.constant 32 : index
        %swap3A_528 = tpu.vector_load %arg7[%swap3A_526, %swap3A_527] {strides = array<i32>} : memref<2x128xi32, #tpu.memory_space<vmem>>, vector<1x16xi32>,
        %swap3A_529 = vector.shape_cast %swap3A_528 : vector<1x16xi32> to vector<16xi32>
        %swap3A_530 = vector.shape_cast %and3A_524 : vector<16xi32> to vector<1x16xi32>
        tpu.vector_store %arg7[%swap3A_526, %swap3A_527], %swap3A_530 {strides = array<i32>} : memref<2x128xi32, #tpu.memory_space<vmem>>, vector<1x16xi32>,
        %shift_right_logical3A_531 = arith.constant 16 : i32
        %shift_right_logical3A_532 = vector.broadcast %shift_right_logical3A_531 : i32 to vector<16xi32>
        %shift_right_logical3A_533 = arith.shrui %get3A_521, %shift_right_logical3A_532 : vector<16xi32>
        %swap3A_534 = arith.constant 1 : i32
        %swap3A_535 = arith.index_cast %swap3A_534 : i32 to index
        %swap3A_536 = arith.constant 32 : index
        %swap3A_537 = tpu.vector_load %arg8[%swap3A_535, %swap3A_536] {strides = array<i32>} : memref<2x128xi32, #tpu.memory_space<vmem>>, vector<1x16xi32>,
        %swap3A_538 = vector.shape_cast %swap3A_537 : vector<1x16xi32> to vector<16xi32>
        %swap3A_539 = vector.shape_cast %shift_right_logical3A_533 : vector<16xi32> to vector<1x16xi32>
        tpu.vector_store %arg8[%swap3A_535, %swap3A_536], %swap3A_539 {strides = array<i32>} : memref<2x128xi32, #tpu.memory_space<vmem>>, vector<1x16xi32>,
        %get3A_540 = arith.index_cast %add3A_473 : i32 to index
        %get3A_541 = arith.constant 48 : index
        %get3A_542 = tpu.vector_load %arg6[%get3A_540, %get3A_541] {strides = array<i32>} : memref<72x128xi32, #tpu.memory_space<vmem>>, vector<1x16xi32>,
        %get3A_543 = vector.shape_cast %get3A_542 : vector<1x16xi32> to vector<16xi32>
        %and3A_544 = arith.constant 65535 : i32
        %and3A_545 = vector.broadcast %and3A_544 : i32 to vector<16xi32>
        %and3A_546 = arith.andi %get3A_543, %and3A_545 : vector<16xi32>
        %swap3A_547 = arith.constant 1 : i32
        %swap3A_548 = arith.index_cast %swap3A_547 : i32 to index
        %swap3A_549 = arith.constant 48 : index
        %swap3A_550 = tpu.vector_load %arg7[%swap3A_548, %swap3A_549] {strides = array<i32>} : memref<2x128xi32, #tpu.memory_space<vmem>>, vector<1x16xi32>,
        %swap3A_551 = vector.shape_cast %swap3A_550 : vector<1x16xi32> to vector<16xi32>
        %swap3A_552 = vector.shape_cast %and3A_546 : vector<16xi32> to vector<1x16xi32>
        tpu.vector_store %arg7[%swap3A_548, %swap3A_549], %swap3A_552 {strides = array<i32>} : memref<2x128xi32, #tpu.memory_space<vmem>>, vector<1x16xi32>,
        %shift_right_logical3A_553 = arith.constant 16 : i32
        %shift_right_logical3A_554 = vector.broadcast %shift_right_logical3A_553 : i32 to vector<16xi32>
        %shift_right_logical3A_555 = arith.shrui %get3A_543, %shift_right_logical3A_554 : vector<16xi32>
        %swap3A_556 = arith.constant 1 : i32
        %swap3A_557 = arith.index_cast %swap3A_556 : i32 to index
        %swap3A_558 = arith.constant 48 : index
        %swap3A_559 = tpu.vector_load %arg8[%swap3A_557, %swap3A_558] {strides = array<i32>} : memref<2x128xi32, #tpu.memory_space<vmem>>, vector<1x16xi32>,
        %swap3A_560 = vector.shape_cast %swap3A_559 : vector<1x16xi32> to vector<16xi32>
        %swap3A_561 = vector.shape_cast %shift_right_logical3A_555 : vector<16xi32> to vector<1x16xi32>
        tpu.vector_store %arg8[%swap3A_557, %swap3A_558], %swap3A_561 {strides = array<i32>} : memref<2x128xi32, #tpu.memory_space<vmem>>, vector<1x16xi32>,
        %get3A_562 = arith.index_cast %add3A_473 : i32 to index
        %get3A_563 = arith.constant 64 : index
        %get3A_564 = tpu.vector_load %arg6[%get3A_562, %get3A_563] {strides = array<i32>} : memref<72x128xi32, #tpu.memory_space<vmem>>, vector<1x16xi32>,
        %get3A_565 = vector.shape_cast %get3A_564 : vector<1x16xi32> to vector<16xi32>
        %and3A_566 = arith.constant 65535 : i32
        %and3A_567 = vector.broadcast %and3A_566 : i32 to vector<16xi32>
        %and3A_568 = arith.andi %get3A_565, %and3A_567 : vector<16xi32>
        %swap3A_569 = arith.constant 1 : i32
        %swap3A_570 = arith.index_cast %swap3A_569 : i32 to index
        %swap3A_571 = arith.constant 64 : index
        %swap3A_572 = tpu.vector_load %arg7[%swap3A_570, %swap3A_571] {strides = array<i32>} : memref<2x128xi32, #tpu.memory_space<vmem>>, vector<1x16xi32>,
        %swap3A_573 = vector.shape_cast %swap3A_572 : vector<1x16xi32> to vector<16xi32>
        %swap3A_574 = vector.shape_cast %and3A_568 : vector<16xi32> to vector<1x16xi32>
        tpu.vector_store %arg7[%swap3A_570, %swap3A_571], %swap3A_574 {strides = array<i32>} : memref<2x128xi32, #tpu.memory_space<vmem>>, vector<1x16xi32>,
        %shift_right_logical3A_575 = arith.constant 16 : i32
        %shift_right_logical3A_576 = vector.broadcast %shift_right_logical3A_575 : i32 to vector<16xi32>
        %shift_right_logical3A_577 = arith.shrui %get3A_565, %shift_right_logical3A_576 : vector<16xi32>
        %swap3A_578 = arith.constant 1 : i32
        %swap3A_579 = arith.index_cast %swap3A_578 : i32 to index
        %swap3A_580 = arith.constant 64 : index
        %swap3A_581 = tpu.vector_load %arg8[%swap3A_579, %swap3A_580] {strides = array<i32>} : memref<2x128xi32, #tpu.memory_space<vmem>>, vector<1x16xi32>,
        %swap3A_582 = vector.shape_cast %swap3A_581 : vector<1x16xi32> to vector<16xi32>
        %swap3A_583 = vector.shape_cast %shift_right_logical3A_577 : vector<16xi32> to vector<1x16xi32>
        tpu.vector_store %arg8[%swap3A_579, %swap3A_580], %swap3A_583 {strides = array<i32>} : memref<2x128xi32, #tpu.memory_space<vmem>>, vector<1x16xi32>,
        %get3A_584 = arith.index_cast %add3A_473 : i32 to index
        %get3A_585 = arith.constant 80 : index
        %get3A_586 = tpu.vector_load %arg6[%get3A_584, %get3A_585] {strides = array<i32>} : memref<72x128xi32, #tpu.memory_space<vmem>>, vector<1x16xi32>,
        %get3A_587 = vector.shape_cast %get3A_586 : vector<1x16xi32> to vector<16xi32>
        %and3A_588 = arith.constant 65535 : i32
        %and3A_589 = vector.broadcast %and3A_588 : i32 to vector<16xi32>
        %and3A_590 = arith.andi %get3A_587, %and3A_589 : vector<16xi32>
        %swap3A_591 = arith.constant 1 : i32
        %swap3A_592 = arith.index_cast %swap3A_591 : i32 to index
        %swap3A_593 = arith.constant 80 : index
        %swap3A_594 = tpu.vector_load %arg7[%swap3A_592, %swap3A_593] {strides = array<i32>} : memref<2x128xi32, #tpu.memory_space<vmem>>, vector<1x16xi32>,
        %swap3A_595 = vector.shape_cast %swap3A_594 : vector<1x16xi32> to vector<16xi32>
        %swap3A_596 = vector.shape_cast %and3A_590 : vector<16xi32> to vector<1x16xi32>
        tpu.vector_store %arg7[%swap3A_592, %swap3A_593], %swap3A_596 {strides = array<i32>} : memref<2x128xi32, #tpu.memory_space<vmem>>, vector<1x16xi32>,
        %shift_right_logical3A_597 = arith.constant 16 : i32
        %shift_right_logical3A_598 = vector.broadcast %shift_right_logical3A_597 : i32 to vector<16xi32>
        %shift_right_logical3A_599 = arith.shrui %get3A_587, %shift_right_logical3A_598 : vector<16xi32>
        %swap3A_600 = arith.constant 1 : i32
        %swap3A_601 = arith.index_cast %swap3A_600 : i32 to index
        %swap3A_602 = arith.constant 80 : index
        %swap3A_603 = tpu.vector_load %arg8[%swap3A_601, %swap3A_602] {strides = array<i32>} : memref<2x128xi32, #tpu.memory_space<vmem>>, vector<1x16xi32>,
        %swap3A_604 = vector.shape_cast %swap3A_603 : vector<1x16xi32> to vector<16xi32>
        %swap3A_605 = vector.shape_cast %shift_right_logical3A_599 : vector<16xi32> to vector<1x16xi32>
        tpu.vector_store %arg8[%swap3A_601, %swap3A_602], %swap3A_605 {strides = array<i32>} : memref<2x128xi32, #tpu.memory_space<vmem>>, vector<1x16xi32>,
        %get3A_606 = arith.index_cast %add3A_473 : i32 to index
        %get3A_607 = arith.constant 96 : index
        %get3A_608 = tpu.vector_load %arg6[%get3A_606, %get3A_607] {strides = array<i32>} : memref<72x128xi32, #tpu.memory_space<vmem>>, vector<1x16xi32>,
        %get3A_609 = vector.shape_cast %get3A_608 : vector<1x16xi32> to vector<16xi32>
        %and3A_610 = arith.constant 65535 : i32
        %and3A_611 = vector.broadcast %and3A_610 : i32 to vector<16xi32>
        %and3A_612 = arith.andi %get3A_609, %and3A_611 : vector<16xi32>
        %swap3A_613 = arith.constant 1 : i32
        %swap3A_614 = arith.index_cast %swap3A_613 : i32 to index
        %swap3A_615 = arith.constant 96 : index
        %swap3A_616 = tpu.vector_load %arg7[%swap3A_614, %swap3A_615] {strides = array<i32>} : memref<2x128xi32, #tpu.memory_space<vmem>>, vector<1x16xi32>,
        %swap3A_617 = vector.shape_cast %swap3A_616 : vector<1x16xi32> to vector<16xi32>
        %swap3A_618 = vector.shape_cast %and3A_612 : vector<16xi32> to vector<1x16xi32>
        tpu.vector_store %arg7[%swap3A_614, %swap3A_615], %swap3A_618 {strides = array<i32>} : memref<2x128xi32, #tpu.memory_space<vmem>>, vector<1x16xi32>,
        %shift_right_logical3A_619 = arith.constant 16 : i32
        %shift_right_logical3A_620 = vector.broadcast %shift_right_logical3A_619 : i32 to vector<16xi32>
        %shift_right_logical3A_621 = arith.shrui %get3A_609, %shift_right_logical3A_620 : vector<16xi32>
        %swap3A_622 = arith.constant 1 : i32
        %swap3A_623 = arith.index_cast %swap3A_622 : i32 to index
        %swap3A_624 = arith.constant 96 : index
        %swap3A_625 = tpu.vector_load %arg8[%swap3A_623, %swap3A_624] {strides = array<i32>} : memref<2x128xi32, #tpu.memory_space<vmem>>, vector<1x16xi32>,
        %swap3A_626 = vector.shape_cast %swap3A_625 : vector<1x16xi32> to vector<16xi32>
        %swap3A_627 = vector.shape_cast %shift_right_logical3A_621 : vector<16xi32> to vector<1x16xi32>
        tpu.vector_store %arg8[%swap3A_623, %swap3A_624], %swap3A_627 {strides = array<i32>} : memref<2x128xi32, #tpu.memory_space<vmem>>, vector<1x16xi32>,
        %get3A_628 = arith.index_cast %add3A_473 : i32 to index
        %get3A_629 = arith.constant 112 : index
        %get3A_630 = tpu.vector_load %arg6[%get3A_628, %get3A_629] {strides = array<i32>} : memref<72x128xi32, #tpu.memory_space<vmem>>, vector<1x16xi32>,
        %get3A_631 = vector.shape_cast %get3A_630 : vector<1x16xi32> to vector<16xi32>
        %and3A_632 = arith.constant 65535 : i32
        %and3A_633 = vector.broadcast %and3A_632 : i32 to vector<16xi32>
        %and3A_634 = arith.andi %get3A_631, %and3A_633 : vector<16xi32>
        %swap3A_635 = arith.constant 1 : i32
        %swap3A_636 = arith.index_cast %swap3A_635 : i32 to index
        %swap3A_637 = arith.constant 112 : index
        %swap3A_638 = tpu.vector_load %arg7[%swap3A_636, %swap3A_637] {strides = array<i32>} : memref<2x128xi32, #tpu.memory_space<vmem>>, vector<1x16xi32>,
        %swap3A_639 = vector.shape_cast %swap3A_638 : vector<1x16xi32> to vector<16xi32>
        %swap3A_640 = vector.shape_cast %and3A_634 : vector<16xi32> to vector<1x16xi32>
        tpu.vector_store %arg7[%swap3A_636, %swap3A_637], %swap3A_640 {strides = array<i32>} : memref<2x128xi32, #tpu.memory_space<vmem>>, vector<1x16xi32>,
        %shift_right_logical3A_641 = arith.constant 16 : i32
        %shift_right_logical3A_642 = vector.broadcast %shift_right_logical3A_641 : i32 to vector<16xi32>
        %shift_right_logical3A_643 = arith.shrui %get3A_631, %shift_right_logical3A_642 : vector<16xi32>
        %swap3A_644 = arith.constant 1 : i32
        %swap3A_645 = arith.index_cast %swap3A_644 : i32 to index
        %swap3A_646 = arith.constant 112 : index
        %swap3A_647 = tpu.vector_load %arg8[%swap3A_645, %swap3A_646] {strides = array<i32>} : memref<2x128xi32, #tpu.memory_space<vmem>>, vector<1x16xi32>,
        %swap3A_648 = vector.shape_cast %swap3A_647 : vector<1x16xi32> to vector<16xi32>
        %swap3A_649 = vector.shape_cast %shift_right_logical3A_643 : vector<16xi32> to vector<1x16xi32>
        tpu.vector_store %arg8[%swap3A_645, %swap3A_646], %swap3A_649 {strides = array<i32>} : memref<2x128xi32, #tpu.memory_space<vmem>>, vector<1x16xi32>,
        %dma_start3A_650 = arith.constant 1 : i32
        %dma_start3A_651 = arith.constant 1 : i32
        %dma_start3A_652 = arith.constant 1 : i32
        %dma_start3A_653 = arith.constant 0 : i32
        %dma_start3A_654 = arith.constant 0 : i32
        %dma_start3A_655 = tpu.memref_slice %arg9[%dma_start3A_651, %dma_start3A_653, %dma_start3A_654] : memref<2x128x128xf32, #tpu.memory_space<vmem>> -> memref<1x128x128xf32, #tpu.memory_space<vmem>>
        %dma_start3A_656 = tpu.memref_squeeze %dma_start3A_655 : memref<1x128x128xf32, #tpu.memory_space<vmem>> -> memref<128x128xf32, #tpu.memory_space<vmem>>
        %dma_start3A_657 = arith.constant 0 : i32
        %dma_start3A_658 = tpu.memref_slice %arg7[%dma_start3A_650, %dma_start3A_657] : memref<2x128xi32, #tpu.memory_space<vmem>> -> memref<1x128xi32, #tpu.memory_space<vmem>>
        %dma_start3A_659 = tpu.memref_squeeze %dma_start3A_658 : memref<1x128xi32, #tpu.memory_space<vmem>> -> memref<128xi32, #tpu.memory_space<vmem>>
        %dma_start3A_660 = arith.constant 0 : i32
        %dma_start3A_661 = arith.constant 0 : i32
        %dma_start3A_662 = tpu.memref_slice %arg2[%dma_start3A_660, %dma_start3A_661] : memref<10000x128xf32, #tpu.memory_space<hbm>> -> memref<10000x128xf32, #tpu.memory_space<hbm>>
        %dma_start3A_663 = tpu.memref_slice %arg11[%dma_start3A_652] : memref<2x!tpu.dma_semaphore, #tpu.memory_space<semaphore_mem>> -> memref<1x!tpu.dma_semaphore, #tpu.memory_space<semaphore_mem>>
        %dma_start3A_664 = tpu.memref_squeeze %dma_start3A_663 : memref<1x!tpu.dma_semaphore, #tpu.memory_space<semaphore_mem>> -> memref<!tpu.dma_semaphore, #tpu.memory_space<semaphore_mem>>
        tpu.enqueue_indirect_dma source(%dma_start3A_662 : memref<10000x128xf32, #tpu.memory_space<hbm>>) target(%dma_start3A_656 : memref<128x128xf32, #tpu.memory_space<vmem>>) offsets(%dma_start3A_659 : memref<128xi32, #tpu.memory_space<vmem>>) semaphore(%dma_start3A_664 : memref<!tpu.dma_semaphore, #tpu.memory_space<semaphore_mem>>)
      } else {
      }
    }
    %while3A_416 = arith.constant 1 : i32
    scf.for %while3A_422 = %while3A_414 to %while3A_410 step %while3A_416  : i32 {
      %mul3A_423 = arith.muli %while3A_422, %while3A : i32
      %add3A_424 = arith.addi %while3A_407, %mul3A_423 : i32
      %dma_wait3A = arith.constant 0 : i32
      %dma_wait3A_425 = arith.constant 0 : i32
      %dma_wait3A_426 = arith.constant 0 : i32
      %dma_wait3A_427 = arith.constant 0 : i32
      %dma_wait3A_428 = arith.constant 0 : i32
      %dma_wait3A_429 = tpu.memref_slice %arg9[%dma_wait3A_425, %dma_wait3A_427, %dma_wait3A_428] : memref<2x128x128xf32, #tpu.memory_space<vmem>> -> memref<1x128x128xf32, #tpu.memory_space<vmem>>
      %dma_wait3A_430 = tpu.memref_squeeze %dma_wait3A_429 : memref<1x128x128xf32, #tpu.memory_space<vmem>> -> memref<128x128xf32, #tpu.memory_space<vmem>>
      %dma_wait3A_431 = arith.constant 0 : i32
      %dma_wait3A_432 = tpu.memref_slice %arg7[%dma_wait3A, %dma_wait3A_431] : memref<2x128xi32, #tpu.memory_space<vmem>> -> memref<1x128xi32, #tpu.memory_space<vmem>>
      %dma_wait3A_433 = tpu.memref_squeeze %dma_wait3A_432 : memref<1x128xi32, #tpu.memory_space<vmem>> -> memref<128xi32, #tpu.memory_space<vmem>>
      %dma_wait3A_434 = arith.constant 0 : i32
      %dma_wait3A_435 = arith.constant 0 : i32
      %dma_wait3A_436 = tpu.memref_slice %arg2[%dma_wait3A_434, %dma_wait3A_435] : memref<10000x128xf32, #tpu.memory_space<hbm>> -> memref<10000x128xf32, #tpu.memory_space<hbm>>
      %dma_wait3A_437 = tpu.memref_slice %arg11[%dma_wait3A_426] : memref<2x!tpu.dma_semaphore, #tpu.memory_space<semaphore_mem>> -> memref<1x!tpu.dma_semaphore, #tpu.memory_space<semaphore_mem>>
      %dma_wait3A_438 = tpu.memref_squeeze %dma_wait3A_437 : memref<1x!tpu.dma_semaphore, #tpu.memory_space<semaphore_mem>> -> memref<!tpu.dma_semaphore, #tpu.memory_space<semaphore_mem>>
      tpu.wait_indirect_dma semaphore(%dma_wait3A_438 : memref<!tpu.dma_semaphore, #tpu.memory_space<semaphore_mem>>) src(%dma_wait3A_436 : memref<10000x128xf32, #tpu.memory_space<hbm>>) dst(%dma_wait3A_430 : memref<128x128xf32, #tpu.memory_space<vmem>>)
      %run_scoped3A = arith.constant 0 : i32
      %run_scoped3A_439 = arith.constant 0 : i32
      "tpu.region"() ({
        %run_scoped3A_470 = tpu.sem_alloc : memref<!tpu.dma_semaphore, #tpu.memory_space<semaphore_mem>>
        %dma_start3A_471 = arith.constant 0 : i32
        %dma_start3A_472 = arith.constant 0 : i32
        %dma_start3A_473 = tpu.memref_slice %arg9[%run_scoped3A, %dma_start3A_471, %dma_start3A_472] : memref<2x128x128xf32, #tpu.memory_space<vmem>> -> memref<1x128x128xf32, #tpu.memory_space<vmem>>
        %dma_start3A_474 = tpu.memref_squeeze %dma_start3A_473 : memref<1x128x128xf32, #tpu.memory_space<vmem>> -> memref<128x128xf32, #tpu.memory_space<vmem>>
        %dma_start3A_475 = arith.constant 0 : i32
        %dma_start3A_476 = tpu.memref_slice %arg8[%run_scoped3A_439, %dma_start3A_475] : memref<2x128xi32, #tpu.memory_space<vmem>> -> memref<1x128xi32, #tpu.memory_space<vmem>>
        %dma_start3A_477 = tpu.memref_squeeze %dma_start3A_476 : memref<1x128xi32, #tpu.memory_space<vmem>> -> memref<128xi32, #tpu.memory_space<vmem>>
        %dma_start3A_478 = arith.constant 0 : i32
        %dma_start3A_479 = arith.constant 0 : i32
        %dma_start3A_480 = tpu.memref_slice %arg10[%dma_start3A_478, %dma_start3A_479] : memref<10112x128xf32, #tpu.memory_space<vmem_shared>> -> memref<10112x128xf32, #tpu.memory_space<vmem_shared>>
        tpu.enqueue_indirect_dma source(%dma_start3A_474 : memref<128x128xf32, #tpu.memory_space<vmem>>) target(%dma_start3A_480 : memref<10112x128xf32, #tpu.memory_space<vmem_shared>>) offsets(%dma_start3A_477 : memref<128xi32, #tpu.memory_space<vmem>>) semaphore(%run_scoped3A_470 : memref<!tpu.dma_semaphore, #tpu.memory_space<semaphore_mem>>) {add = true}
        %dma_wait3A_481 = arith.constant 0 : i32
        %dma_wait3A_482 = arith.constant 0 : i32
        %dma_wait3A_483 = tpu.memref_slice %arg9[%run_scoped3A, %dma_wait3A_481, %dma_wait3A_482] : memref<2x128x128xf32, #tpu.memory_space<vmem>> -> memref<1x128x128xf32, #tpu.memory_space<vmem>>
        %dma_wait3A_484 = tpu.memref_squeeze %dma_wait3A_483 : memref<1x128x128xf32, #tpu.memory_space<vmem>> -> memref<128x128xf32, #tpu.memory_space<vmem>>
        %dma_wait3A_485 = arith.constant 0 : i32
        %dma_wait3A_486 = tpu.memref_slice %arg8[%run_scoped3A_439, %dma_wait3A_485] : memref<2x128xi32, #tpu.memory_space<vmem>> -> memref<1x128xi32, #tpu.memory_space<vmem>>
        %dma_wait3A_487 = tpu.memref_squeeze %dma_wait3A_486 : memref<1x128xi32, #tpu.memory_space<vmem>> -> memref<128xi32, #tpu.memory_space<vmem>>
        %dma_wait3A_488 = arith.constant 0 : i32
        %dma_wait3A_489 = arith.constant 0 : i32
        %dma_wait3A_490 = tpu.memref_slice %arg10[%dma_wait3A_488, %dma_wait3A_489] : memref<10112x128xf32, #tpu.memory_space<vmem_shared>> -> memref<10112x128xf32, #tpu.memory_space<vmem_shared>>
        tpu.wait_indirect_dma semaphore(%run_scoped3A_470 : memref<!tpu.dma_semaphore, #tpu.memory_space<semaphore_mem>>) src(%dma_wait3A_484 : memref<128x128xf32, #tpu.memory_space<vmem>>) dst(%dma_wait3A_490 : memref<10112x128xf32, #tpu.memory_space<vmem_shared>>)
        tpu.yield
      }) : () -> ()
      %add3A_440 = arith.constant 0 : i32
      %add3A_441 = arith.addi %add3A_424, %add3A_440 : i32
      %add3A_442 = arith.constant 2 : i32
      %add3A_443 = arith.addi %add3A_441, %add3A_442 : i32
      %lt3A = arith.cmpi slt, %add3A_443, %select_n3A_3 : i32
      %convert_element_type3A = arith.extui %lt3A : i1 to i32
      %cond3A = arith.constant 0 : i32
      %cond3A_444 = arith.cmpi ne, %convert_element_type3A, %cond3A : i32
      scf.if %cond3A_444 {
        %add3A_470 = arith.constant 0 : i32
        %add3A_471 = arith.addi %add3A_424, %add3A_470 : i32
        %add3A_472 = arith.constant 2 : i32
        %add3A_473 = arith.addi %add3A_471, %add3A_472 : i32
        %get3A_474 = arith.index_cast %add3A_473 : i32 to index
        %get3A_475 = arith.constant 0 : index
        %get3A_476 = tpu.vector_load %arg6[%get3A_474, %get3A_475] {strides = array<i32>} : memref<72x128xi32, #tpu.memory_space<vmem>>, vector<1x16xi32>,
        %get3A_477 = vector.shape_cast %get3A_476 : vector<1x16xi32> to vector<16xi32>
        %and3A_478 = arith.constant 65535 : i32
        %and3A_479 = vector.broadcast %and3A_478 : i32 to vector<16xi32>
        %and3A_480 = arith.andi %get3A_477, %and3A_479 : vector<16xi32>
        %swap3A_481 = arith.constant 0 : i32
        %swap3A_482 = arith.index_cast %swap3A_481 : i32 to index
        %swap3A_483 = arith.constant 0 : index
        %swap3A_484 = tpu.vector_load %arg7[%swap3A_482, %swap3A_483] {strides = array<i32>} : memref<2x128xi32, #tpu.memory_space<vmem>>, vector<1x16xi32>,
        %swap3A_485 = vector.shape_cast %swap3A_484 : vector<1x16xi32> to vector<16xi32>
        %swap3A_486 = vector.shape_cast %and3A_480 : vector<16xi32> to vector<1x16xi32>
        tpu.vector_store %arg7[%swap3A_482, %swap3A_483], %swap3A_486 {strides = array<i32>} : memref<2x128xi32, #tpu.memory_space<vmem>>, vector<1x16xi32>,
        %shift_right_logical3A_487 = arith.constant 16 : i32
        %shift_right_logical3A_488 = vector.broadcast %shift_right_logical3A_487 : i32 to vector<16xi32>
        %shift_right_logical3A_489 = arith.shrui %get3A_477, %shift_right_logical3A_488 : vector<16xi32>
        %swap3A_490 = arith.constant 0 : i32
        %swap3A_491 = arith.index_cast %swap3A_490 : i32 to index
        %swap3A_492 = arith.constant 0 : index
        %swap3A_493 = tpu.vector_load %arg8[%swap3A_491, %swap3A_492] {strides = array<i32>} : memref<2x128xi32, #tpu.memory_space<vmem>>, vector<1x16xi32>,
        %swap3A_494 = vector.shape_cast %swap3A_493 : vector<1x16xi32> to vector<16xi32>
        %swap3A_495 = vector.shape_cast %shift_right_logical3A_489 : vector<16xi32> to vector<1x16xi32>
        tpu.vector_store %arg8[%swap3A_491, %swap3A_492], %swap3A_495 {strides = array<i32>} : memref<2x128xi32, #tpu.memory_space<vmem>>, vector<1x16xi32>,
        %get3A_496 = arith.index_cast %add3A_473 : i32 to index
        %get3A_497 = arith.constant 16 : index
        %get3A_498 = tpu.vector_load %arg6[%get3A_496, %get3A_497] {strides = array<i32>} : memref<72x128xi32, #tpu.memory_space<vmem>>, vector<1x16xi32>,
        %get3A_499 = vector.shape_cast %get3A_498 : vector<1x16xi32> to vector<16xi32>
        %and3A_500 = arith.constant 65535 : i32
        %and3A_501 = vector.broadcast %and3A_500 : i32 to vector<16xi32>
        %and3A_502 = arith.andi %get3A_499, %and3A_501 : vector<16xi32>
        %swap3A_503 = arith.constant 0 : i32
        %swap3A_504 = arith.index_cast %swap3A_503 : i32 to index
        %swap3A_505 = arith.constant 16 : index
        %swap3A_506 = tpu.vector_load %arg7[%swap3A_504, %swap3A_505] {strides = array<i32>} : memref<2x128xi32, #tpu.memory_space<vmem>>, vector<1x16xi32>,
        %swap3A_507 = vector.shape_cast %swap3A_506 : vector<1x16xi32> to vector<16xi32>
        %swap3A_508 = vector.shape_cast %and3A_502 : vector<16xi32> to vector<1x16xi32>
        tpu.vector_store %arg7[%swap3A_504, %swap3A_505], %swap3A_508 {strides = array<i32>} : memref<2x128xi32, #tpu.memory_space<vmem>>, vector<1x16xi32>,
        %shift_right_logical3A_509 = arith.constant 16 : i32
        %shift_right_logical3A_510 = vector.broadcast %shift_right_logical3A_509 : i32 to vector<16xi32>
        %shift_right_logical3A_511 = arith.shrui %get3A_499, %shift_right_logical3A_510 : vector<16xi32>
        %swap3A_512 = arith.constant 0 : i32
        %swap3A_513 = arith.index_cast %swap3A_512 : i32 to index
        %swap3A_514 = arith.constant 16 : index
        %swap3A_515 = tpu.vector_load %arg8[%swap3A_513, %swap3A_514] {strides = array<i32>} : memref<2x128xi32, #tpu.memory_space<vmem>>, vector<1x16xi32>,
        %swap3A_516 = vector.shape_cast %swap3A_515 : vector<1x16xi32> to vector<16xi32>
        %swap3A_517 = vector.shape_cast %shift_right_logical3A_511 : vector<16xi32> to vector<1x16xi32>
        tpu.vector_store %arg8[%swap3A_513, %swap3A_514], %swap3A_517 {strides = array<i32>} : memref<2x128xi32, #tpu.memory_space<vmem>>, vector<1x16xi32>,
        %get3A_518 = arith.index_cast %add3A_473 : i32 to index
        %get3A_519 = arith.constant 32 : index
        %get3A_520 = tpu.vector_load %arg6[%get3A_518, %get3A_519] {strides = array<i32>} : memref<72x128xi32, #tpu.memory_space<vmem>>, vector<1x16xi32>,
        %get3A_521 = vector.shape_cast %get3A_520 : vector<1x16xi32> to vector<16xi32>
        %and3A_522 = arith.constant 65535 : i32
        %and3A_523 = vector.broadcast %and3A_522 : i32 to vector<16xi32>
        %and3A_524 = arith.andi %get3A_521, %and3A_523 : vector<16xi32>
        %swap3A_525 = arith.constant 0 : i32
        %swap3A_526 = arith.index_cast %swap3A_525 : i32 to index
        %swap3A_527 = arith.constant 32 : index
        %swap3A_528 = tpu.vector_load %arg7[%swap3A_526, %swap3A_527] {strides = array<i32>} : memref<2x128xi32, #tpu.memory_space<vmem>>, vector<1x16xi32>,
        %swap3A_529 = vector.shape_cast %swap3A_528 : vector<1x16xi32> to vector<16xi32>
        %swap3A_530 = vector.shape_cast %and3A_524 : vector<16xi32> to vector<1x16xi32>
        tpu.vector_store %arg7[%swap3A_526, %swap3A_527], %swap3A_530 {strides = array<i32>} : memref<2x128xi32, #tpu.memory_space<vmem>>, vector<1x16xi32>,
        %shift_right_logical3A_531 = arith.constant 16 : i32
        %shift_right_logical3A_532 = vector.broadcast %shift_right_logical3A_531 : i32 to vector<16xi32>
        %shift_right_logical3A_533 = arith.shrui %get3A_521, %shift_right_logical3A_532 : vector<16xi32>
        %swap3A_534 = arith.constant 0 : i32
        %swap3A_535 = arith.index_cast %swap3A_534 : i32 to index
        %swap3A_536 = arith.constant 32 : index
        %swap3A_537 = tpu.vector_load %arg8[%swap3A_535, %swap3A_536] {strides = array<i32>} : memref<2x128xi32, #tpu.memory_space<vmem>>, vector<1x16xi32>,
        %swap3A_538 = vector.shape_cast %swap3A_537 : vector<1x16xi32> to vector<16xi32>
        %swap3A_539 = vector.shape_cast %shift_right_logical3A_533 : vector<16xi32> to vector<1x16xi32>
        tpu.vector_store %arg8[%swap3A_535, %swap3A_536], %swap3A_539 {strides = array<i32>} : memref<2x128xi32, #tpu.memory_space<vmem>>, vector<1x16xi32>,
        %get3A_540 = arith.index_cast %add3A_473 : i32 to index
        %get3A_541 = arith.constant 48 : index
        %get3A_542 = tpu.vector_load %arg6[%get3A_540, %get3A_541] {strides = array<i32>} : memref<72x128xi32, #tpu.memory_space<vmem>>, vector<1x16xi32>,
        %get3A_543 = vector.shape_cast %get3A_542 : vector<1x16xi32> to vector<16xi32>
        %and3A_544 = arith.constant 65535 : i32
        %and3A_545 = vector.broadcast %and3A_544 : i32 to vector<16xi32>
        %and3A_546 = arith.andi %get3A_543, %and3A_545 : vector<16xi32>
        %swap3A_547 = arith.constant 0 : i32
        %swap3A_548 = arith.index_cast %swap3A_547 : i32 to index
        %swap3A_549 = arith.constant 48 : index
        %swap3A_550 = tpu.vector_load %arg7[%swap3A_548, %swap3A_549] {strides = array<i32>} : memref<2x128xi32, #tpu.memory_space<vmem>>, vector<1x16xi32>,
        %swap3A_551 = vector.shape_cast %swap3A_550 : vector<1x16xi32> to vector<16xi32>
        %swap3A_552 = vector.shape_cast %and3A_546 : vector<16xi32> to vector<1x16xi32>
        tpu.vector_store %arg7[%swap3A_548, %swap3A_549], %swap3A_552 {strides = array<i32>} : memref<2x128xi32, #tpu.memory_space<vmem>>, vector<1x16xi32>,
        %shift_right_logical3A_553 = arith.constant 16 : i32
        %shift_right_logical3A_554 = vector.broadcast %shift_right_logical3A_553 : i32 to vector<16xi32>
        %shift_right_logical3A_555 = arith.shrui %get3A_543, %shift_right_logical3A_554 : vector<16xi32>
        %swap3A_556 = arith.constant 0 : i32
        %swap3A_557 = arith.index_cast %swap3A_556 : i32 to index
        %swap3A_558 = arith.constant 48 : index
        %swap3A_559 = tpu.vector_load %arg8[%swap3A_557, %swap3A_558] {strides = array<i32>} : memref<2x128xi32, #tpu.memory_space<vmem>>, vector<1x16xi32>,
        %swap3A_560 = vector.shape_cast %swap3A_559 : vector<1x16xi32> to vector<16xi32>
        %swap3A_561 = vector.shape_cast %shift_right_logical3A_555 : vector<16xi32> to vector<1x16xi32>
        tpu.vector_store %arg8[%swap3A_557, %swap3A_558], %swap3A_561 {strides = array<i32>} : memref<2x128xi32, #tpu.memory_space<vmem>>, vector<1x16xi32>,
        %get3A_562 = arith.index_cast %add3A_473 : i32 to index
        %get3A_563 = arith.constant 64 : index
        %get3A_564 = tpu.vector_load %arg6[%get3A_562, %get3A_563] {strides = array<i32>} : memref<72x128xi32, #tpu.memory_space<vmem>>, vector<1x16xi32>,
        %get3A_565 = vector.shape_cast %get3A_564 : vector<1x16xi32> to vector<16xi32>
        %and3A_566 = arith.constant 65535 : i32
        %and3A_567 = vector.broadcast %and3A_566 : i32 to vector<16xi32>
        %and3A_568 = arith.andi %get3A_565, %and3A_567 : vector<16xi32>
        %swap3A_569 = arith.constant 0 : i32
        %swap3A_570 = arith.index_cast %swap3A_569 : i32 to index
        %swap3A_571 = arith.constant 64 : index
        %swap3A_572 = tpu.vector_load %arg7[%swap3A_570, %swap3A_571] {strides = array<i32>} : memref<2x128xi32, #tpu.memory_space<vmem>>, vector<1x16xi32>,
        %swap3A_573 = vector.shape_cast %swap3A_572 : vector<1x16xi32> to vector<16xi32>
        %swap3A_574 = vector.shape_cast %and3A_568 : vector<16xi32> to vector<1x16xi32>
        tpu.vector_store %arg7[%swap3A_570, %swap3A_571], %swap3A_574 {strides = array<i32>} : memref<2x128xi32, #tpu.memory_space<vmem>>, vector<1x16xi32>,
        %shift_right_logical3A_575 = arith.constant 16 : i32
        %shift_right_logical3A_576 = vector.broadcast %shift_right_logical3A_575 : i32 to vector<16xi32>
        %shift_right_logical3A_577 = arith.shrui %get3A_565, %shift_right_logical3A_576 : vector<16xi32>
        %swap3A_578 = arith.constant 0 : i32
        %swap3A_579 = arith.index_cast %swap3A_578 : i32 to index
        %swap3A_580 = arith.constant 64 : index
        %swap3A_581 = tpu.vector_load %arg8[%swap3A_579, %swap3A_580] {strides = array<i32>} : memref<2x128xi32, #tpu.memory_space<vmem>>, vector<1x16xi32>,
        %swap3A_582 = vector.shape_cast %swap3A_581 : vector<1x16xi32> to vector<16xi32>
        %swap3A_583 = vector.shape_cast %shift_right_logical3A_577 : vector<16xi32> to vector<1x16xi32>
        tpu.vector_store %arg8[%swap3A_579, %swap3A_580], %swap3A_583 {strides = array<i32>} : memref<2x128xi32, #tpu.memory_space<vmem>>, vector<1x16xi32>,
        %get3A_584 = arith.index_cast %add3A_473 : i32 to index
        %get3A_585 = arith.constant 80 : index
        %get3A_586 = tpu.vector_load %arg6[%get3A_584, %get3A_585] {strides = array<i32>} : memref<72x128xi32, #tpu.memory_space<vmem>>, vector<1x16xi32>,
        %get3A_587 = vector.shape_cast %get3A_586 : vector<1x16xi32> to vector<16xi32>
        %and3A_588 = arith.constant 65535 : i32
        %and3A_589 = vector.broadcast %and3A_588 : i32 to vector<16xi32>
        %and3A_590 = arith.andi %get3A_587, %and3A_589 : vector<16xi32>
        %swap3A_591 = arith.constant 0 : i32
        %swap3A_592 = arith.index_cast %swap3A_591 : i32 to index
        %swap3A_593 = arith.constant 80 : index
        %swap3A_594 = tpu.vector_load %arg7[%swap3A_592, %swap3A_593] {strides = array<i32>} : memref<2x128xi32, #tpu.memory_space<vmem>>, vector<1x16xi32>,
        %swap3A_595 = vector.shape_cast %swap3A_594 : vector<1x16xi32> to vector<16xi32>
        %swap3A_596 = vector.shape_cast %and3A_590 : vector<16xi32> to vector<1x16xi32>
        tpu.vector_store %arg7[%swap3A_592, %swap3A_593], %swap3A_596 {strides = array<i32>} : memref<2x128xi32, #tpu.memory_space<vmem>>, vector<1x16xi32>,
        %shift_right_logical3A_597 = arith.constant 16 : i32
        %shift_right_logical3A_598 = vector.broadcast %shift_right_logical3A_597 : i32 to vector<16xi32>
        %shift_right_logical3A_599 = arith.shrui %get3A_587, %shift_right_logical3A_598 : vector<16xi32>
        %swap3A_600 = arith.constant 0 : i32
        %swap3A_601 = arith.index_cast %swap3A_600 : i32 to index
        %swap3A_602 = arith.constant 80 : index
        %swap3A_603 = tpu.vector_load %arg8[%swap3A_601, %swap3A_602] {strides = array<i32>} : memref<2x128xi32, #tpu.memory_space<vmem>>, vector<1x16xi32>,
        %swap3A_604 = vector.shape_cast %swap3A_603 : vector<1x16xi32> to vector<16xi32>
        %swap3A_605 = vector.shape_cast %shift_right_logical3A_599 : vector<16xi32> to vector<1x16xi32>
        tpu.vector_store %arg8[%swap3A_601, %swap3A_602], %swap3A_605 {strides = array<i32>} : memref<2x128xi32, #tpu.memory_space<vmem>>, vector<1x16xi32>,
        %get3A_606 = arith.index_cast %add3A_473 : i32 to index
        %get3A_607 = arith.constant 96 : index
        %get3A_608 = tpu.vector_load %arg6[%get3A_606, %get3A_607] {strides = array<i32>} : memref<72x128xi32, #tpu.memory_space<vmem>>, vector<1x16xi32>,
        %get3A_609 = vector.shape_cast %get3A_608 : vector<1x16xi32> to vector<16xi32>
        %and3A_610 = arith.constant 65535 : i32
        %and3A_611 = vector.broadcast %and3A_610 : i32 to vector<16xi32>
        %and3A_612 = arith.andi %get3A_609, %and3A_611 : vector<16xi32>
        %swap3A_613 = arith.constant 0 : i32
        %swap3A_614 = arith.index_cast %swap3A_613 : i32 to index
        %swap3A_615 = arith.constant 96 : index
        %swap3A_616 = tpu.vector_load %arg7[%swap3A_614, %swap3A_615] {strides = array<i32>} : memref<2x128xi32, #tpu.memory_space<vmem>>, vector<1x16xi32>,
        %swap3A_617 = vector.shape_cast %swap3A_616 : vector<1x16xi32> to vector<16xi32>
        %swap3A_618 = vector.shape_cast %and3A_612 : vector<16xi32> to vector<1x16xi32>
        tpu.vector_store %arg7[%swap3A_614, %swap3A_615], %swap3A_618 {strides = array<i32>} : memref<2x128xi32, #tpu.memory_space<vmem>>, vector<1x16xi32>,
        %shift_right_logical3A_619 = arith.constant 16 : i32
        %shift_right_logical3A_620 = vector.broadcast %shift_right_logical3A_619 : i32 to vector<16xi32>
        %shift_right_logical3A_621 = arith.shrui %get3A_609, %shift_right_logical3A_620 : vector<16xi32>
        %swap3A_622 = arith.constant 0 : i32
        %swap3A_623 = arith.index_cast %swap3A_622 : i32 to index
        %swap3A_624 = arith.constant 96 : index
        %swap3A_625 = tpu.vector_load %arg8[%swap3A_623, %swap3A_624] {strides = array<i32>} : memref<2x128xi32, #tpu.memory_space<vmem>>, vector<1x16xi32>,
        %swap3A_626 = vector.shape_cast %swap3A_625 : vector<1x16xi32> to vector<16xi32>
        %swap3A_627 = vector.shape_cast %shift_right_logical3A_621 : vector<16xi32> to vector<1x16xi32>
        tpu.vector_store %arg8[%swap3A_623, %swap3A_624], %swap3A_627 {strides = array<i32>} : memref<2x128xi32, #tpu.memory_space<vmem>>, vector<1x16xi32>,
        %get3A_628 = arith.index_cast %add3A_473 : i32 to index
        %get3A_629 = arith.constant 112 : index
        %get3A_630 = tpu.vector_load %arg6[%get3A_628, %get3A_629] {strides = array<i32>} : memref<72x128xi32, #tpu.memory_space<vmem>>, vector<1x16xi32>,
        %get3A_631 = vector.shape_cast %get3A_630 : vector<1x16xi32> to vector<16xi32>
        %and3A_632 = arith.constant 65535 : i32
        %and3A_633 = vector.broadcast %and3A_632 : i32 to vector<16xi32>
        %and3A_634 = arith.andi %get3A_631, %and3A_633 : vector<16xi32>
        %swap3A_635 = arith.constant 0 : i32
        %swap3A_636 = arith.index_cast %swap3A_635 : i32 to index
        %swap3A_637 = arith.constant 112 : index
        %swap3A_638 = tpu.vector_load %arg7[%swap3A_636, %swap3A_637] {strides = array<i32>} : memref<2x128xi32, #tpu.memory_space<vmem>>, vector<1x16xi32>,
        %swap3A_639 = vector.shape_cast %swap3A_638 : vector<1x16xi32> to vector<16xi32>
        %swap3A_640 = vector.shape_cast %and3A_634 : vector<16xi32> to vector<1x16xi32>
        tpu.vector_store %arg7[%swap3A_636, %swap3A_637], %swap3A_640 {strides = array<i32>} : memref<2x128xi32, #tpu.memory_space<vmem>>, vector<1x16xi32>,
        %shift_right_logical3A_641 = arith.constant 16 : i32
        %shift_right_logical3A_642 = vector.broadcast %shift_right_logical3A_641 : i32 to vector<16xi32>
        %shift_right_logical3A_643 = arith.shrui %get3A_631, %shift_right_logical3A_642 : vector<16xi32>
        %swap3A_644 = arith.constant 0 : i32
        %swap3A_645 = arith.index_cast %swap3A_644 : i32 to index
        %swap3A_646 = arith.constant 112 : index
        %swap3A_647 = tpu.vector_load %arg8[%swap3A_645, %swap3A_646] {strides = array<i32>} : memref<2x128xi32, #tpu.memory_space<vmem>>, vector<1x16xi32>,
        %swap3A_648 = vector.shape_cast %swap3A_647 : vector<1x16xi32> to vector<16xi32>
        %swap3A_649 = vector.shape_cast %shift_right_logical3A_643 : vector<16xi32> to vector<1x16xi32>
        tpu.vector_store %arg8[%swap3A_645, %swap3A_646], %swap3A_649 {strides = array<i32>} : memref<2x128xi32, #tpu.memory_space<vmem>>, vector<1x16xi32>,
        %dma_start3A_650 = arith.constant 0 : i32
        %dma_start3A_651 = arith.constant 0 : i32
        %dma_start3A_652 = arith.constant 0 : i32
        %dma_start3A_653 = arith.constant 0 : i32
        %dma_start3A_654 = arith.constant 0 : i32
        %dma_start3A_655 = tpu.memref_slice %arg9[%dma_start3A_651, %dma_start3A_653, %dma_start3A_654] : memref<2x128x128xf32, #tpu.memory_space<vmem>> -> memref<1x128x128xf32, #tpu.memory_space<vmem>>
        %dma_start3A_656 = tpu.memref_squeeze %dma_start3A_655 : memref<1x128x128xf32, #tpu.memory_space<vmem>> -> memref<128x128xf32, #tpu.memory_space<vmem>>
        %dma_start3A_657 = arith.constant 0 : i32
        %dma_start3A_658 = tpu.memref_slice %arg7[%dma_start3A_650, %dma_start3A_657] : memref<2x128xi32, #tpu.memory_space<vmem>> -> memref<1x128xi32, #tpu.memory_space<vmem>>
        %dma_start3A_659 = tpu.memref_squeeze %dma_start3A_658 : memref<1x128xi32, #tpu.memory_space<vmem>> -> memref<128xi32, #tpu.memory_space<vmem>>
        %dma_start3A_660 = arith.constant 0 : i32
        %dma_start3A_661 = arith.constant 0 : i32
        %dma_start3A_662 = tpu.memref_slice %arg2[%dma_start3A_660, %dma_start3A_661] : memref<10000x128xf32, #tpu.memory_space<hbm>> -> memref<10000x128xf32, #tpu.memory_space<hbm>>
        %dma_start3A_663 = tpu.memref_slice %arg11[%dma_start3A_652] : memref<2x!tpu.dma_semaphore, #tpu.memory_space<semaphore_mem>> -> memref<1x!tpu.dma_semaphore, #tpu.memory_space<semaphore_mem>>
        %dma_start3A_664 = tpu.memref_squeeze %dma_start3A_663 : memref<1x!tpu.dma_semaphore, #tpu.memory_space<semaphore_mem>> -> memref<!tpu.dma_semaphore, #tpu.memory_space<semaphore_mem>>
        tpu.enqueue_indirect_dma source(%dma_start3A_662 : memref<10000x128xf32, #tpu.memory_space<hbm>>) target(%dma_start3A_656 : memref<128x128xf32, #tpu.memory_space<vmem>>) offsets(%dma_start3A_659 : memref<128xi32, #tpu.memory_space<vmem>>) semaphore(%dma_start3A_664 : memref<!tpu.dma_semaphore, #tpu.memory_space<semaphore_mem>>)
      } else {
      }
      %dma_wait3A_445 = arith.constant 1 : i32
      %dma_wait3A_446 = arith.constant 1 : i32
      %dma_wait3A_447 = arith.constant 1 : i32
      %dma_wait3A_448 = arith.constant 0 : i32
      %dma_wait3A_449 = arith.constant 0 : i32
      %dma_wait3A_450 = tpu.memref_slice %arg9[%dma_wait3A_446, %dma_wait3A_448, %dma_wait3A_449] : memref<2x128x128xf32, #tpu.memory_space<vmem>> -> memref<1x128x128xf32, #tpu.memory_space<vmem>>
      %dma_wait3A_451 = tpu.memref_squeeze %dma_wait3A_450 : memref<1x128x128xf32, #tpu.memory_space<vmem>> -> memref<128x128xf32, #tpu.memory_space<vmem>>
      %dma_wait3A_452 = arith.constant 0 : i32
      %dma_wait3A_453 = tpu.memref_slice %arg7[%dma_wait3A_445, %dma_wait3A_452] : memref<2x128xi32, #tpu.memory_space<vmem>> -> memref<1x128xi32, #tpu.memory_space<vmem>>
      %dma_wait3A_454 = tpu.memref_squeeze %dma_wait3A_453 : memref<1x128xi32, #tpu.memory_space<vmem>> -> memref<128xi32, #tpu.memory_space<vmem>>
      %dma_wait3A_455 = arith.constant 0 : i32
      %dma_wait3A_456 = arith.constant 0 : i32
      %dma_wait3A_457 = tpu.memref_slice %arg2[%dma_wait3A_455, %dma_wait3A_456] : memref<10000x128xf32, #tpu.memory_space<hbm>> -> memref<10000x128xf32, #tpu.memory_space<hbm>>
      %dma_wait3A_458 = tpu.memref_slice %arg11[%dma_wait3A_447] : memref<2x!tpu.dma_semaphore, #tpu.memory_space<semaphore_mem>> -> memref<1x!tpu.dma_semaphore, #tpu.memory_space<semaphore_mem>>
      %dma_wait3A_459 = tpu.memref_squeeze %dma_wait3A_458 : memref<1x!tpu.dma_semaphore, #tpu.memory_space<semaphore_mem>> -> memref<!tpu.dma_semaphore, #tpu.memory_space<semaphore_mem>>
      tpu.wait_indirect_dma semaphore(%dma_wait3A_459 : memref<!tpu.dma_semaphore, #tpu.memory_space<semaphore_mem>>) src(%dma_wait3A_457 : memref<10000x128xf32, #tpu.memory_space<hbm>>) dst(%dma_wait3A_451 : memref<128x128xf32, #tpu.memory_space<vmem>>)
      %run_scoped3A_460 = arith.constant 1 : i32
      %run_scoped3A_461 = arith.constant 1 : i32
      "tpu.region"() ({
        %run_scoped3A_470 = tpu.sem_alloc : memref<!tpu.dma_semaphore, #tpu.memory_space<semaphore_mem>>
        %dma_start3A_471 = arith.constant 0 : i32
        %dma_start3A_472 = arith.constant 0 : i32
        %dma_start3A_473 = tpu.memref_slice %arg9[%run_scoped3A_460, %dma_start3A_471, %dma_start3A_472] : memref<2x128x128xf32, #tpu.memory_space<vmem>> -> memref<1x128x128xf32, #tpu.memory_space<vmem>>
        %dma_start3A_474 = tpu.memref_squeeze %dma_start3A_473 : memref<1x128x128xf32, #tpu.memory_space<vmem>> -> memref<128x128xf32, #tpu.memory_space<vmem>>
        %dma_start3A_475 = arith.constant 0 : i32
        %dma_start3A_476 = tpu.memref_slice %arg8[%run_scoped3A_461, %dma_start3A_475] : memref<2x128xi32, #tpu.memory_space<vmem>> -> memref<1x128xi32, #tpu.memory_space<vmem>>
        %dma_start3A_477 = tpu.memref_squeeze %dma_start3A_476 : memref<1x128xi32, #tpu.memory_space<vmem>> -> memref<128xi32, #tpu.memory_space<vmem>>
        %dma_start3A_478 = arith.constant 0 : i32
        %dma_start3A_479 = arith.constant 0 : i32
        %dma_start3A_480 = tpu.memref_slice %arg10[%dma_start3A_478, %dma_start3A_479] : memref<10112x128xf32, #tpu.memory_space<vmem_shared>> -> memref<10112x128xf32, #tpu.memory_space<vmem_shared>>
        tpu.enqueue_indirect_dma source(%dma_start3A_474 : memref<128x128xf32, #tpu.memory_space<vmem>>) target(%dma_start3A_480 : memref<10112x128xf32, #tpu.memory_space<vmem_shared>>) offsets(%dma_start3A_477 : memref<128xi32, #tpu.memory_space<vmem>>) semaphore(%run_scoped3A_470 : memref<!tpu.dma_semaphore, #tpu.memory_space<semaphore_mem>>) {add = true}
        %dma_wait3A_481 = arith.constant 0 : i32
        %dma_wait3A_482 = arith.constant 0 : i32
        %dma_wait3A_483 = tpu.memref_slice %arg9[%run_scoped3A_460, %dma_wait3A_481, %dma_wait3A_482] : memref<2x128x128xf32, #tpu.memory_space<vmem>> -> memref<1x128x128xf32, #tpu.memory_space<vmem>>
        %dma_wait3A_484 = tpu.memref_squeeze %dma_wait3A_483 : memref<1x128x128xf32, #tpu.memory_space<vmem>> -> memref<128x128xf32, #tpu.memory_space<vmem>>
        %dma_wait3A_485 = arith.constant 0 : i32
        %dma_wait3A_486 = tpu.memref_slice %arg8[%run_scoped3A_461, %dma_wait3A_485] : memref<2x128xi32, #tpu.memory_space<vmem>> -> memref<1x128xi32, #tpu.memory_space<vmem>>
        %dma_wait3A_487 = tpu.memref_squeeze %dma_wait3A_486 : memref<1x128xi32, #tpu.memory_space<vmem>> -> memref<128xi32, #tpu.memory_space<vmem>>
        %dma_wait3A_488 = arith.constant 0 : i32
        %dma_wait3A_489 = arith.constant 0 : i32
        %dma_wait3A_490 = tpu.memref_slice %arg10[%dma_wait3A_488, %dma_wait3A_489] : memref<10112x128xf32, #tpu.memory_space<vmem_shared>> -> memref<10112x128xf32, #tpu.memory_space<vmem_shared>>
        tpu.wait_indirect_dma semaphore(%run_scoped3A_470 : memref<!tpu.dma_semaphore, #tpu.memory_space<semaphore_mem>>) src(%dma_wait3A_484 : memref<128x128xf32, #tpu.memory_space<vmem>>) dst(%dma_wait3A_490 : memref<10112x128xf32, #tpu.memory_space<vmem_shared>>)
        tpu.yield
      }) : () -> ()
      %add3A_462 = arith.constant 1 : i32
      %add3A_463 = arith.addi %add3A_424, %add3A_462 : i32
      %add3A_464 = arith.constant 2 : i32
      %add3A_465 = arith.addi %add3A_463, %add3A_464 : i32
      %lt3A_466 = arith.cmpi slt, %add3A_465, %select_n3A_3 : i32
      %convert_element_type3A_467 = arith.extui %lt3A_466 : i1 to i32
      %cond3A_468 = arith.constant 0 : i32
      %cond3A_469 = arith.cmpi ne, %convert_element_type3A_467, %cond3A_468 : i32
      scf.if %cond3A_469 {
        %add3A_470 = arith.constant 1 : i32
        %add3A_471 = arith.addi %add3A_424, %add3A_470 : i32
        %add3A_472 = arith.constant 2 : i32
        %add3A_473 = arith.addi %add3A_471, %add3A_472 : i32
        %get3A_474 = arith.index_cast %add3A_473 : i32 to index
        %get3A_475 = arith.constant 0 : index
        %get3A_476 = tpu.vector_load %arg6[%get3A_474, %get3A_475] {strides = array<i32>} : memref<72x128xi32, #tpu.memory_space<vmem>>, vector<1x16xi32>,
        %get3A_477 = vector.shape_cast %get3A_476 : vector<1x16xi32> to vector<16xi32>
        %and3A_478 = arith.constant 65535 : i32
        %and3A_479 = vector.broadcast %and3A_478 : i32 to vector<16xi32>
        %and3A_480 = arith.andi %get3A_477, %and3A_479 : vector<16xi32>
        %swap3A_481 = arith.constant 1 : i32
        %swap3A_482 = arith.index_cast %swap3A_481 : i32 to index
        %swap3A_483 = arith.constant 0 : index
        %swap3A_484 = tpu.vector_load %arg7[%swap3A_482, %swap3A_483] {strides = array<i32>} : memref<2x128xi32, #tpu.memory_space<vmem>>, vector<1x16xi32>,
        %swap3A_485 = vector.shape_cast %swap3A_484 : vector<1x16xi32> to vector<16xi32>
        %swap3A_486 = vector.shape_cast %and3A_480 : vector<16xi32> to vector<1x16xi32>
        tpu.vector_store %arg7[%swap3A_482, %swap3A_483], %swap3A_486 {strides = array<i32>} : memref<2x128xi32, #tpu.memory_space<vmem>>, vector<1x16xi32>,
        %shift_right_logical3A_487 = arith.constant 16 : i32
        %shift_right_logical3A_488 = vector.broadcast %shift_right_logical3A_487 : i32 to vector<16xi32>
        %shift_right_logical3A_489 = arith.shrui %get3A_477, %shift_right_logical3A_488 : vector<16xi32>
        %swap3A_490 = arith.constant 1 : i32
        %swap3A_491 = arith.index_cast %swap3A_490 : i32 to index
        %swap3A_492 = arith.constant 0 : index
        %swap3A_493 = tpu.vector_load %arg8[%swap3A_491, %swap3A_492] {strides = array<i32>} : memref<2x128xi32, #tpu.memory_space<vmem>>, vector<1x16xi32>,
        %swap3A_494 = vector.shape_cast %swap3A_493 : vector<1x16xi32> to vector<16xi32>
        %swap3A_495 = vector.shape_cast %shift_right_logical3A_489 : vector<16xi32> to vector<1x16xi32>
        tpu.vector_store %arg8[%swap3A_491, %swap3A_492], %swap3A_495 {strides = array<i32>} : memref<2x128xi32, #tpu.memory_space<vmem>>, vector<1x16xi32>,
        %get3A_496 = arith.index_cast %add3A_473 : i32 to index
        %get3A_497 = arith.constant 16 : index
        %get3A_498 = tpu.vector_load %arg6[%get3A_496, %get3A_497] {strides = array<i32>} : memref<72x128xi32, #tpu.memory_space<vmem>>, vector<1x16xi32>,
        %get3A_499 = vector.shape_cast %get3A_498 : vector<1x16xi32> to vector<16xi32>
        %and3A_500 = arith.constant 65535 : i32
        %and3A_501 = vector.broadcast %and3A_500 : i32 to vector<16xi32>
        %and3A_502 = arith.andi %get3A_499, %and3A_501 : vector<16xi32>
        %swap3A_503 = arith.constant 1 : i32
        %swap3A_504 = arith.index_cast %swap3A_503 : i32 to index
        %swap3A_505 = arith.constant 16 : index
        %swap3A_506 = tpu.vector_load %arg7[%swap3A_504, %swap3A_505] {strides = array<i32>} : memref<2x128xi32, #tpu.memory_space<vmem>>, vector<1x16xi32>,
        %swap3A_507 = vector.shape_cast %swap3A_506 : vector<1x16xi32> to vector<16xi32>
        %swap3A_508 = vector.shape_cast %and3A_502 : vector<16xi32> to vector<1x16xi32>
        tpu.vector_store %arg7[%swap3A_504, %swap3A_505], %swap3A_508 {strides = array<i32>} : memref<2x128xi32, #tpu.memory_space<vmem>>, vector<1x16xi32>,
        %shift_right_logical3A_509 = arith.constant 16 : i32
        %shift_right_logical3A_510 = vector.broadcast %shift_right_logical3A_509 : i32 to vector<16xi32>
        %shift_right_logical3A_511 = arith.shrui %get3A_499, %shift_right_logical3A_510 : vector<16xi32>
        %swap3A_512 = arith.constant 1 : i32
        %swap3A_513 = arith.index_cast %swap3A_512 : i32 to index
        %swap3A_514 = arith.constant 16 : index
        %swap3A_515 = tpu.vector_load %arg8[%swap3A_513, %swap3A_514] {strides = array<i32>} : memref<2x128xi32, #tpu.memory_space<vmem>>, vector<1x16xi32>,
        %swap3A_516 = vector.shape_cast %swap3A_515 : vector<1x16xi32> to vector<16xi32>
        %swap3A_517 = vector.shape_cast %shift_right_logical3A_511 : vector<16xi32> to vector<1x16xi32>
        tpu.vector_store %arg8[%swap3A_513, %swap3A_514], %swap3A_517 {strides = array<i32>} : memref<2x128xi32, #tpu.memory_space<vmem>>, vector<1x16xi32>,
        %get3A_518 = arith.index_cast %add3A_473 : i32 to index
        %get3A_519 = arith.constant 32 : index
        %get3A_520 = tpu.vector_load %arg6[%get3A_518, %get3A_519] {strides = array<i32>} : memref<72x128xi32, #tpu.memory_space<vmem>>, vector<1x16xi32>,
        %get3A_521 = vector.shape_cast %get3A_520 : vector<1x16xi32> to vector<16xi32>
        %and3A_522 = arith.constant 65535 : i32
        %and3A_523 = vector.broadcast %and3A_522 : i32 to vector<16xi32>
        %and3A_524 = arith.andi %get3A_521, %and3A_523 : vector<16xi32>
        %swap3A_525 = arith.constant 1 : i32
        %swap3A_526 = arith.index_cast %swap3A_525 : i32 to index
        %swap3A_527 = arith.constant 32 : index
        %swap3A_528 = tpu.vector_load %arg7[%swap3A_526, %swap3A_527] {strides = array<i32>} : memref<2x128xi32, #tpu.memory_space<vmem>>, vector<1x16xi32>,
        %swap3A_529 = vector.shape_cast %swap3A_528 : vector<1x16xi32> to vector<16xi32>
        %swap3A_530 = vector.shape_cast %and3A_524 : vector<16xi32> to vector<1x16xi32>
        tpu.vector_store %arg7[%swap3A_526, %swap3A_527], %swap3A_530 {strides = array<i32>} : memref<2x128xi32, #tpu.memory_space<vmem>>, vector<1x16xi32>,
        %shift_right_logical3A_531 = arith.constant 16 : i32
        %shift_right_logical3A_532 = vector.broadcast %shift_right_logical3A_531 : i32 to vector<16xi32>
        %shift_right_logical3A_533 = arith.shrui %get3A_521, %shift_right_logical3A_532 : vector<16xi32>
        %swap3A_534 = arith.constant 1 : i32
        %swap3A_535 = arith.index_cast %swap3A_534 : i32 to index
        %swap3A_536 = arith.constant 32 : index
        %swap3A_537 = tpu.vector_load %arg8[%swap3A_535, %swap3A_536] {strides = array<i32>} : memref<2x128xi32, #tpu.memory_space<vmem>>, vector<1x16xi32>,
        %swap3A_538 = vector.shape_cast %swap3A_537 : vector<1x16xi32> to vector<16xi32>
        %swap3A_539 = vector.shape_cast %shift_right_logical3A_533 : vector<16xi32> to vector<1x16xi32>
        tpu.vector_store %arg8[%swap3A_535, %swap3A_536], %swap3A_539 {strides = array<i32>} : memref<2x128xi32, #tpu.memory_space<vmem>>, vector<1x16xi32>,
        %get3A_540 = arith.index_cast %add3A_473 : i32 to index
        %get3A_541 = arith.constant 48 : index
        %get3A_542 = tpu.vector_load %arg6[%get3A_540, %get3A_541] {strides = array<i32>} : memref<72x128xi32, #tpu.memory_space<vmem>>, vector<1x16xi32>,
        %get3A_543 = vector.shape_cast %get3A_542 : vector<1x16xi32> to vector<16xi32>
        %and3A_544 = arith.constant 65535 : i32
        %and3A_545 = vector.broadcast %and3A_544 : i32 to vector<16xi32>
        %and3A_546 = arith.andi %get3A_543, %and3A_545 : vector<16xi32>
        %swap3A_547 = arith.constant 1 : i32
        %swap3A_548 = arith.index_cast %swap3A_547 : i32 to index
        %swap3A_549 = arith.constant 48 : index
        %swap3A_550 = tpu.vector_load %arg7[%swap3A_548, %swap3A_549] {strides = array<i32>} : memref<2x128xi32, #tpu.memory_space<vmem>>, vector<1x16xi32>,
        %swap3A_551 = vector.shape_cast %swap3A_550 : vector<1x16xi32> to vector<16xi32>
        %swap3A_552 = vector.shape_cast %and3A_546 : vector<16xi32> to vector<1x16xi32>
        tpu.vector_store %arg7[%swap3A_548, %swap3A_549], %swap3A_552 {strides = array<i32>} : memref<2x128xi32, #tpu.memory_space<vmem>>, vector<1x16xi32>,
        %shift_right_logical3A_553 = arith.constant 16 : i32
        %shift_right_logical3A_554 = vector.broadcast %shift_right_logical3A_553 : i32 to vector<16xi32>
        %shift_right_logical3A_555 = arith.shrui %get3A_543, %shift_right_logical3A_554 : vector<16xi32>
        %swap3A_556 = arith.constant 1 : i32
        %swap3A_557 = arith.index_cast %swap3A_556 : i32 to index
        %swap3A_558 = arith.constant 48 : index
        %swap3A_559 = tpu.vector_load %arg8[%swap3A_557, %swap3A_558] {strides = array<i32>} : memref<2x128xi32, #tpu.memory_space<vmem>>, vector<1x16xi32>,
        %swap3A_560 = vector.shape_cast %swap3A_559 : vector<1x16xi32> to vector<16xi32>
        %swap3A_561 = vector.shape_cast %shift_right_logical3A_555 : vector<16xi32> to vector<1x16xi32>
        tpu.vector_store %arg8[%swap3A_557, %swap3A_558], %swap3A_561 {strides = array<i32>} : memref<2x128xi32, #tpu.memory_space<vmem>>, vector<1x16xi32>,
        %get3A_562 = arith.index_cast %add3A_473 : i32 to index
        %get3A_563 = arith.constant 64 : index
        %get3A_564 = tpu.vector_load %arg6[%get3A_562, %get3A_563] {strides = array<i32>} : memref<72x128xi32, #tpu.memory_space<vmem>>, vector<1x16xi32>,
        %get3A_565 = vector.shape_cast %get3A_564 : vector<1x16xi32> to vector<16xi32>
        %and3A_566 = arith.constant 65535 : i32
        %and3A_567 = vector.broadcast %and3A_566 : i32 to vector<16xi32>
        %and3A_568 = arith.andi %get3A_565, %and3A_567 : vector<16xi32>
        %swap3A_569 = arith.constant 1 : i32
        %swap3A_570 = arith.index_cast %swap3A_569 : i32 to index
        %swap3A_571 = arith.constant 64 : index
        %swap3A_572 = tpu.vector_load %arg7[%swap3A_570, %swap3A_571] {strides = array<i32>} : memref<2x128xi32, #tpu.memory_space<vmem>>, vector<1x16xi32>,
        %swap3A_573 = vector.shape_cast %swap3A_572 : vector<1x16xi32> to vector<16xi32>
        %swap3A_574 = vector.shape_cast %and3A_568 : vector<16xi32> to vector<1x16xi32>
        tpu.vector_store %arg7[%swap3A_570, %swap3A_571], %swap3A_574 {strides = array<i32>} : memref<2x128xi32, #tpu.memory_space<vmem>>, vector<1x16xi32>,
        %shift_right_logical3A_575 = arith.constant 16 : i32
        %shift_right_logical3A_576 = vector.broadcast %shift_right_logical3A_575 : i32 to vector<16xi32>
        %shift_right_logical3A_577 = arith.shrui %get3A_565, %shift_right_logical3A_576 : vector<16xi32>
        %swap3A_578 = arith.constant 1 : i32
        %swap3A_579 = arith.index_cast %swap3A_578 : i32 to index
        %swap3A_580 = arith.constant 64 : index
        %swap3A_581 = tpu.vector_load %arg8[%swap3A_579, %swap3A_580] {strides = array<i32>} : memref<2x128xi32, #tpu.memory_space<vmem>>, vector<1x16xi32>,
        %swap3A_582 = vector.shape_cast %swap3A_581 : vector<1x16xi32> to vector<16xi32>
        %swap3A_583 = vector.shape_cast %shift_right_logical3A_577 : vector<16xi32> to vector<1x16xi32>
        tpu.vector_store %arg8[%swap3A_579, %swap3A_580], %swap3A_583 {strides = array<i32>} : memref<2x128xi32, #tpu.memory_space<vmem>>, vector<1x16xi32>,
        %get3A_584 = arith.index_cast %add3A_473 : i32 to index
        %get3A_585 = arith.constant 80 : index
        %get3A_586 = tpu.vector_load %arg6[%get3A_584, %get3A_585] {strides = array<i32>} : memref<72x128xi32, #tpu.memory_space<vmem>>, vector<1x16xi32>,
        %get3A_587 = vector.shape_cast %get3A_586 : vector<1x16xi32> to vector<16xi32>
        %and3A_588 = arith.constant 65535 : i32
        %and3A_589 = vector.broadcast %and3A_588 : i32 to vector<16xi32>
        %and3A_590 = arith.andi %get3A_587, %and3A_589 : vector<16xi32>
        %swap3A_591 = arith.constant 1 : i32
        %swap3A_592 = arith.index_cast %swap3A_591 : i32 to index
        %swap3A_593 = arith.constant 80 : index
        %swap3A_594 = tpu.vector_load %arg7[%swap3A_592, %swap3A_593] {strides = array<i32>} : memref<2x128xi32, #tpu.memory_space<vmem>>, vector<1x16xi32>,
        %swap3A_595 = vector.shape_cast %swap3A_594 : vector<1x16xi32> to vector<16xi32>
        %swap3A_596 = vector.shape_cast %and3A_590 : vector<16xi32> to vector<1x16xi32>
        tpu.vector_store %arg7[%swap3A_592, %swap3A_593], %swap3A_596 {strides = array<i32>} : memref<2x128xi32, #tpu.memory_space<vmem>>, vector<1x16xi32>,
        %shift_right_logical3A_597 = arith.constant 16 : i32
        %shift_right_logical3A_598 = vector.broadcast %shift_right_logical3A_597 : i32 to vector<16xi32>
        %shift_right_logical3A_599 = arith.shrui %get3A_587, %shift_right_logical3A_598 : vector<16xi32>
        %swap3A_600 = arith.constant 1 : i32
        %swap3A_601 = arith.index_cast %swap3A_600 : i32 to index
        %swap3A_602 = arith.constant 80 : index
        %swap3A_603 = tpu.vector_load %arg8[%swap3A_601, %swap3A_602] {strides = array<i32>} : memref<2x128xi32, #tpu.memory_space<vmem>>, vector<1x16xi32>,
        %swap3A_604 = vector.shape_cast %swap3A_603 : vector<1x16xi32> to vector<16xi32>
        %swap3A_605 = vector.shape_cast %shift_right_logical3A_599 : vector<16xi32> to vector<1x16xi32>
        tpu.vector_store %arg8[%swap3A_601, %swap3A_602], %swap3A_605 {strides = array<i32>} : memref<2x128xi32, #tpu.memory_space<vmem>>, vector<1x16xi32>,
        %get3A_606 = arith.index_cast %add3A_473 : i32 to index
        %get3A_607 = arith.constant 96 : index
        %get3A_608 = tpu.vector_load %arg6[%get3A_606, %get3A_607] {strides = array<i32>} : memref<72x128xi32, #tpu.memory_space<vmem>>, vector<1x16xi32>,
        %get3A_609 = vector.shape_cast %get3A_608 : vector<1x16xi32> to vector<16xi32>
        %and3A_610 = arith.constant 65535 : i32
        %and3A_611 = vector.broadcast %and3A_610 : i32 to vector<16xi32>
        %and3A_612 = arith.andi %get3A_609, %and3A_611 : vector<16xi32>
        %swap3A_613 = arith.constant 1 : i32
        %swap3A_614 = arith.index_cast %swap3A_613 : i32 to index
        %swap3A_615 = arith.constant 96 : index
        %swap3A_616 = tpu.vector_load %arg7[%swap3A_614, %swap3A_615] {strides = array<i32>} : memref<2x128xi32, #tpu.memory_space<vmem>>, vector<1x16xi32>,
        %swap3A_617 = vector.shape_cast %swap3A_616 : vector<1x16xi32> to vector<16xi32>
        %swap3A_618 = vector.shape_cast %and3A_612 : vector<16xi32> to vector<1x16xi32>
        tpu.vector_store %arg7[%swap3A_614, %swap3A_615], %swap3A_618 {strides = array<i32>} : memref<2x128xi32, #tpu.memory_space<vmem>>, vector<1x16xi32>,
        %shift_right_logical3A_619 = arith.constant 16 : i32
        %shift_right_logical3A_620 = vector.broadcast %shift_right_logical3A_619 : i32 to vector<16xi32>
        %shift_right_logical3A_621 = arith.shrui %get3A_609, %shift_right_logical3A_620 : vector<16xi32>
        %swap3A_622 = arith.constant 1 : i32
        %swap3A_623 = arith.index_cast %swap3A_622 : i32 to index
        %swap3A_624 = arith.constant 96 : index
        %swap3A_625 = tpu.vector_load %arg8[%swap3A_623, %swap3A_624] {strides = array<i32>} : memref<2x128xi32, #tpu.memory_space<vmem>>, vector<1x16xi32>,
        %swap3A_626 = vector.shape_cast %swap3A_625 : vector<1x16xi32> to vector<16xi32>
        %swap3A_627 = vector.shape_cast %shift_right_logical3A_621 : vector<16xi32> to vector<1x16xi32>
        tpu.vector_store %arg8[%swap3A_623, %swap3A_624], %swap3A_627 {strides = array<i32>} : memref<2x128xi32, #tpu.memory_space<vmem>>, vector<1x16xi32>,
        %get3A_628 = arith.index_cast %add3A_473 : i32 to index
        %get3A_629 = arith.constant 112 : index
        %get3A_630 = tpu.vector_load %arg6[%get3A_628, %get3A_629] {strides = array<i32>} : memref<72x128xi32, #tpu.memory_space<vmem>>, vector<1x16xi32>,
        %get3A_631 = vector.shape_cast %get3A_630 : vector<1x16xi32> to vector<16xi32>
        %and3A_632 = arith.constant 65535 : i32
        %and3A_633 = vector.broadcast %and3A_632 : i32 to vector<16xi32>
        %and3A_634 = arith.andi %get3A_631, %and3A_633 : vector<16xi32>
        %swap3A_635 = arith.constant 1 : i32
        %swap3A_636 = arith.index_cast %swap3A_635 : i32 to index
        %swap3A_637 = arith.constant 112 : index
        %swap3A_638 = tpu.vector_load %arg7[%swap3A_636, %swap3A_637] {strides = array<i32>} : memref<2x128xi32, #tpu.memory_space<vmem>>, vector<1x16xi32>,
        %swap3A_639 = vector.shape_cast %swap3A_638 : vector<1x16xi32> to vector<16xi32>
        %swap3A_640 = vector.shape_cast %and3A_634 : vector<16xi32> to vector<1x16xi32>
        tpu.vector_store %arg7[%swap3A_636, %swap3A_637], %swap3A_640 {strides = array<i32>} : memref<2x128xi32, #tpu.memory_space<vmem>>, vector<1x16xi32>,
        %shift_right_logical3A_641 = arith.constant 16 : i32
        %shift_right_logical3A_642 = vector.broadcast %shift_right_logical3A_641 : i32 to vector<16xi32>
        %shift_right_logical3A_643 = arith.shrui %get3A_631, %shift_right_logical3A_642 : vector<16xi32>
        %swap3A_644 = arith.constant 1 : i32
        %swap3A_645 = arith.index_cast %swap3A_644 : i32 to index
        %swap3A_646 = arith.constant 112 : index
        %swap3A_647 = tpu.vector_load %arg8[%swap3A_645, %swap3A_646] {strides = array<i32>} : memref<2x128xi32, #tpu.memory_space<vmem>>, vector<1x16xi32>,
        %swap3A_648 = vector.shape_cast %swap3A_647 : vector<1x16xi32> to vector<16xi32>
        %swap3A_649 = vector.shape_cast %shift_right_logical3A_643 : vector<16xi32> to vector<1x16xi32>
        tpu.vector_store %arg8[%swap3A_645, %swap3A_646], %swap3A_649 {strides = array<i32>} : memref<2x128xi32, #tpu.memory_space<vmem>>, vector<1x16xi32>,
        %dma_start3A_650 = arith.constant 1 : i32
        %dma_start3A_651 = arith.constant 1 : i32
        %dma_start3A_652 = arith.constant 1 : i32
        %dma_start3A_653 = arith.constant 0 : i32
        %dma_start3A_654 = arith.constant 0 : i32
        %dma_start3A_655 = tpu.memref_slice %arg9[%dma_start3A_651, %dma_start3A_653, %dma_start3A_654] : memref<2x128x128xf32, #tpu.memory_space<vmem>> -> memref<1x128x128xf32, #tpu.memory_space<vmem>>
        %dma_start3A_656 = tpu.memref_squeeze %dma_start3A_655 : memref<1x128x128xf32, #tpu.memory_space<vmem>> -> memref<128x128xf32, #tpu.memory_space<vmem>>
        %dma_start3A_657 = arith.constant 0 : i32
        %dma_start3A_658 = tpu.memref_slice %arg7[%dma_start3A_650, %dma_start3A_657] : memref<2x128xi32, #tpu.memory_space<vmem>> -> memref<1x128xi32, #tpu.memory_space<vmem>>
        %dma_start3A_659 = tpu.memref_squeeze %dma_start3A_658 : memref<1x128xi32, #tpu.memory_space<vmem>> -> memref<128xi32, #tpu.memory_space<vmem>>
        %dma_start3A_660 = arith.constant 0 : i32
        %dma_start3A_661 = arith.constant 0 : i32
        %dma_start3A_662 = tpu.memref_slice %arg2[%dma_start3A_660, %dma_start3A_661] : memref<10000x128xf32, #tpu.memory_space<hbm>> -> memref<10000x128xf32, #tpu.memory_space<hbm>>
        %dma_start3A_663 = tpu.memref_slice %arg11[%dma_start3A_652] : memref<2x!tpu.dma_semaphore, #tpu.memory_space<semaphore_mem>> -> memref<1x!tpu.dma_semaphore, #tpu.memory_space<semaphore_mem>>
        %dma_start3A_664 = tpu.memref_squeeze %dma_start3A_663 : memref<1x!tpu.dma_semaphore, #tpu.memory_space<semaphore_mem>> -> memref<!tpu.dma_semaphore, #tpu.memory_space<semaphore_mem>>
        tpu.enqueue_indirect_dma source(%dma_start3A_662 : memref<10000x128xf32, #tpu.memory_space<hbm>>) target(%dma_start3A_656 : memref<128x128xf32, #tpu.memory_space<vmem>>) offsets(%dma_start3A_659 : memref<128xi32, #tpu.memory_space<vmem>>) semaphore(%dma_start3A_664 : memref<!tpu.dma_semaphore, #tpu.memory_space<semaphore_mem>>)
      } else {
      }
    }
    %barrier3A_417 = arith.constant 0 : index
    tpu.barrier barrier_id(%barrier3A_417)
    %mul3A_418 = arith.constant 632 : i32
    %mul3A_419 = arith.muli %arg1, %mul3A_418 : i32
    %mul3A_420 = arith.constant 632 : i32
    %mul3A_421 = arith.muli %arg1, %mul3A_420 : i32
    "tpu.region"() ({
      %run_scoped3A = tpu.sem_alloc : memref<!tpu.dma_semaphore, #tpu.memory_space<semaphore_mem>>
      %dma_start3A_422 = arith.constant 0 : i32
      %dma_start3A_423 = tpu.memref_slice %arg5[%arg0, %mul3A_421, %dma_start3A_422] : memref<2x10112x128xf32, #tpu.memory_space<hbm>> -> memref<1x632x128xf32, #tpu.memory_space<hbm>>
      %dma_start3A_424 = tpu.memref_squeeze %dma_start3A_423 : memref<1x632x128xf32, #tpu.memory_space<hbm>> -> memref<632x128xf32, #tpu.memory_space<hbm>>
      %dma_start3A_425 = arith.constant 0 : i32
      %dma_start3A_426 = tpu.memref_slice %arg10[%mul3A_419, %dma_start3A_425] : memref<10112x128xf32, #tpu.memory_space<vmem_shared>> -> memref<632x128xf32, #tpu.memory_space<vmem_shared>>
      tpu.enqueue_dma source(%dma_start3A_426 : memref<632x128xf32, #tpu.memory_space<vmem_shared>>) target(%dma_start3A_424 : memref<632x128xf32, #tpu.memory_space<hbm>>) target_semaphore(%run_scoped3A : memref<!tpu.dma_semaphore, #tpu.memory_space<semaphore_mem>>)
      %dma_wait3A = arith.constant 0 : i32
      %dma_wait3A_427 = tpu.memref_slice %arg5[%arg0, %mul3A_421, %dma_wait3A] : memref<2x10112x128xf32, #tpu.memory_space<hbm>> -> memref<1x632x128xf32, #tpu.memory_space<hbm>>
      %dma_wait3A_428 = tpu.memref_squeeze %dma_wait3A_427 : memref<1x632x128xf32, #tpu.memory_space<hbm>> -> memref<632x128xf32, #tpu.memory_space<hbm>>
      %dma_wait3A_429 = arith.constant 0 : i32
      %dma_wait3A_430 = tpu.memref_slice %arg10[%mul3A_419, %dma_wait3A_429] : memref<10112x128xf32, #tpu.memory_space<vmem_shared>> -> memref<632x128xf32, #tpu.memory_space<vmem_shared>>
      tpu.wait_dma2 semaphore(%run_scoped3A : memref<!tpu.dma_semaphore, #tpu.memory_space<semaphore_mem>>) src(%dma_wait3A_430 : memref<632x128xf32, #tpu.memory_space<vmem_shared>>) dst(%dma_wait3A_428 : memref<632x128xf32, #tpu.memory_space<hbm>>)
      tpu.yield
    }) : () -> ()
    return
  }
}

#map = affine_map<(d0, d1) -> (0, 0)>
#map1 = affine_map<(d0, d1) -> (0, 0, 0)>
module attributes {stable_mosaic.version = 14 : i64} {
  func.func @k(%arg0: i32, %arg1: i32, %arg2: memref<10000x128xf32, #tpu.memory_space<hbm>>, %arg3: memref<32x72x128xi32, #tpu.memory_space<hbm>>, %arg4: memref<10112x128xf32, #tpu.memory_space<hbm>>, %arg5: memref<2x10112x128xf32, #tpu.memory_space<hbm>>, %arg6: memref<72x128xi32, #tpu.memory_space<vmem>>, %arg7: memref<2x128xi32, #tpu.memory_space<vmem>>, %arg8: memref<2x128xi32, #tpu.memory_space<vmem>>, %arg9: memref<2x128x128xf32, #tpu.memory_space<vmem>>, %arg10: memref<10112x128xf32, #tpu.memory_space<vmem_shared>>, %arg11: memref<2x!tpu.dma_semaphore, #tpu.memory_space<semaphore_mem>>) attributes {dimension_semantics = [#tpu.dimension_semantics<core_parallel>, #tpu.dimension_semantics<subcore_parallel>], iteration_bounds = array<i64: 2, 16>, scalar_prefetch = 0 : i64, scratch_operands = 6 : i64, tpu.core_type = #tpu.core_type<sc_vector_subcore>, window_params = [{transform_indices = #map}, {transform_indices = #map1}, {transform_indices = #map}, {transform_indices = #map1}]} {
    %mul3A = arith.constant 16 : i32
    %mul3A_0 = arith.muli %arg0, %mul3A : i32
    %add3A = arith.addi %mul3A_0, %arg1 : i32
    %eq3A = arith.constant 0 : i32
    %eq3A_1 = arith.cmpi eq, %arg0, %eq3A : i32
    %select_n3A = arith.constant 8 : i32
    %select_n3A_2 = arith.constant 72 : i32
    %select_n3A_3 = arith.select %eq3A_1, %select_n3A_2, %select_n3A : i32
    %mul3A_4 = arith.constant 632 : i32
    %mul3A_5 = arith.muli %arg1, %mul3A_4 : i32
    %mul3A_6 = arith.constant 632 : i32
    %mul3A_7 = arith.muli %arg1, %mul3A_6 : i32
    "tpu.region"() ({
      %run_scoped3A = tpu.sem_alloc : memref<!tpu.dma_semaphore, #tpu.memory_space<semaphore_mem>>
      %dma_start3A_422 = arith.constant 0 : i32
      %dma_start3A_423 = tpu.memref_slice %arg10[%mul3A_7, %dma_start3A_422] : memref<10112x128xf32, #tpu.memory_space<vmem_shared>> -> memref<632x128xf32, #tpu.memory_space<vmem_shared>>
      %dma_start3A_424 = arith.constant 0 : i32
      %dma_start3A_425 = tpu.memref_slice %arg4[%mul3A_5, %dma_start3A_424] : memref<10112x128xf32, #tpu.memory_space<hbm>> -> memref<632x128xf32, #tpu.memory_space<hbm>>
      tpu.enqueue_dma source(%dma_start3A_425 : memref<632x128xf32, #tpu.memory_space<hbm>>) target(%dma_start3A_423 : memref<632x128xf32, #tpu.memory_space<vmem_shared>>) target_semaphore(%run_scoped3A : memref<!tpu.dma_semaphore, #tpu.memory_space<semaphore_mem>>)
      %dma_wait3A = arith.constant 0 : i32
      %dma_wait3A_426 = tpu.memref_slice %arg10[%mul3A_7, %dma_wait3A] : memref<10112x128xf32, #tpu.memory_space<vmem_shared>> -> memref<632x128xf32, #tpu.memory_space<vmem_shared>>
      %dma_wait3A_427 = arith.constant 0 : i32
      %dma_wait3A_428 = tpu.memref_slice %arg4[%mul3A_5, %dma_wait3A_427] : memref<10112x128xf32, #tpu.memory_space<hbm>> -> memref<632x128xf32, #tpu.memory_space<hbm>>
      tpu.wait_dma2 semaphore(%run_scoped3A : memref<!tpu.dma_semaphore, #tpu.memory_space<semaphore_mem>>) src(%dma_wait3A_428 : memref<632x128xf32, #tpu.memory_space<hbm>>) dst(%dma_wait3A_426 : memref<632x128xf32, #tpu.memory_space<vmem_shared>>)
      tpu.yield
    }) : () -> ()
    "tpu.region"() ({
      %run_scoped3A = tpu.sem_alloc : memref<!tpu.dma_semaphore, #tpu.memory_space<semaphore_mem>>
      %dma_start3A_422 = arith.constant 0 : i32
      %dma_start3A_423 = arith.constant 0 : i32
      %dma_start3A_424 = tpu.memref_slice %arg3[%add3A, %dma_start3A_422, %dma_start3A_423] : memref<32x72x128xi32, #tpu.memory_space<hbm>> -> memref<1x72x128xi32, #tpu.memory_space<hbm>>
      %dma_start3A_425 = tpu.memref_squeeze %dma_start3A_424 : memref<1x72x128xi32, #tpu.memory_space<hbm>> -> memref<72x128xi32, #tpu.memory_space<hbm>>
      %dma_start3A_426 = arith.constant 0 : i32
      %dma_start3A_427 = arith.constant 0 : i32
      %dma_start3A_428 = tpu.memref_slice %arg3[%add3A, %dma_start3A_426, %dma_start3A_427] : memref<32x72x128xi32, #tpu.memory_space<hbm>> -> memref<1x72x128xi32, #tpu.memory_space<hbm>>
      %dma_start3A_429 = tpu.memref_squeeze %dma_start3A_428 : memref<1x72x128xi32, #tpu.memory_space<hbm>> -> memref<72x128xi32, #tpu.memory_space<hbm>>
      tpu.enqueue_dma source(%dma_start3A_429 : memref<72x128xi32, #tpu.memory_space<hbm>>) target(%arg6 : memref<72x128xi32, #tpu.memory_space<vmem>>) target_semaphore(%run_scoped3A : memref<!tpu.dma_semaphore, #tpu.memory_space<semaphore_mem>>)
      %dma_wait3A = arith.constant 0 : i32
      %dma_wait3A_430 = arith.constant 0 : i32
      %dma_wait3A_431 = tpu.memref_slice %arg3[%add3A, %dma_wait3A, %dma_wait3A_430] : memref<32x72x128xi32, #tpu.memory_space<hbm>> -> memref<1x72x128xi32, #tpu.memory_space<hbm>>
      %dma_wait3A_432 = tpu.memref_squeeze %dma_wait3A_431 : memref<1x72x128xi32, #tpu.memory_space<hbm>> -> memref<72x128xi32, #tpu.memory_space<hbm>>
      %dma_wait3A_433 = arith.constant 0 : i32
      %dma_wait3A_434 = arith.constant 0 : i32
      %dma_wait3A_435 = tpu.memref_slice %arg3[%add3A, %dma_wait3A_433, %dma_wait3A_434] : memref<32x72x128xi32, #tpu.memory_space<hbm>> -> memref<1x72x128xi32, #tpu.memory_space<hbm>>
      %dma_wait3A_436 = tpu.memref_squeeze %dma_wait3A_435 : memref<1x72x128xi32, #tpu.memory_space<hbm>> -> memref<72x128xi32, #tpu.memory_space<hbm>>
      tpu.wait_dma2 semaphore(%run_scoped3A : memref<!tpu.dma_semaphore, #tpu.memory_space<semaphore_mem>>) src(%dma_wait3A_436 : memref<72x128xi32, #tpu.memory_space<hbm>>) dst(%arg6 : memref<72x128xi32, #tpu.memory_space<vmem>>)
      tpu.yield
    }) : () -> ()
    %barrier3A = arith.constant 0 : index
    tpu.barrier barrier_id(%barrier3A)
    %get3A = arith.constant 0 : i32
    %get3A_8 = arith.index_cast %get3A : i32 to index
    %get3A_9 = arith.constant 0 : index
    %get3A_10 = tpu.vector_load %arg6[%get3A_8, %get3A_9] {strides = array<i32>} : memref<72x128xi32, #tpu.memory_space<vmem>>, vector<1x16xi32>,
    %get3A_11 = vector.shape_cast %get3A_10 : vector<1x16xi32> to vector<16xi32>
    %and3A = arith.constant 65535 : i32
    %and3A_12 = vector.broadcast %and3A : i32 to vector<16xi32>
    %and3A_13 = arith.andi %get3A_11, %and3A_12 : vector<16xi32>
    %swap3A = arith.constant 0 : i32
    %swap3A_14 = arith.index_cast %swap3A : i32 to index
    %swap3A_15 = arith.constant 0 : index
    %swap3A_16 = tpu.vector_load %arg7[%swap3A_14, %swap3A_15] {strides = array<i32>} : memref<2x128xi32, #tpu.memory_space<vmem>>, vector<1x16xi32>,
    %swap3A_17 = vector.shape_cast %swap3A_16 : vector<1x16xi32> to vector<16xi32>
    %swap3A_18 = vector.shape_cast %and3A_13 : vector<16xi32> to vector<1x16xi32>
    tpu.vector_store %arg7[%swap3A_14, %swap3A_15], %swap3A_18 {strides = array<i32>} : memref<2x128xi32, #tpu.memory_space<vmem>>, vector<1x16xi32>,
    %shift_right_logical3A = arith.constant 16 : i32
    %shift_right_logical3A_19 = vector.broadcast %shift_right_logical3A : i32 to vector<16xi32>
    %shift_right_logical3A_20 = arith.shrui %get3A_11, %shift_right_logical3A_19 : vector<16xi32>
    %swap3A_21 = arith.constant 0 : i32
    %swap3A_22 = arith.index_cast %swap3A_21 : i32 to index
    %swap3A_23 = arith.constant 0 : index
    %swap3A_24 = tpu.vector_load %arg8[%swap3A_22, %swap3A_23] {strides = array<i32>} : memref<2x128xi32, #tpu.memory_space<vmem>>, vector<1x16xi32>,
    %swap3A_25 = vector.shape_cast %swap3A_24 : vector<1x16xi32> to vector<16xi32>
    %swap3A_26 = vector.shape_cast %shift_right_logical3A_20 : vector<16xi32> to vector<1x16xi32>
    tpu.vector_store %arg8[%swap3A_22, %swap3A_23], %swap3A_26 {strides = array<i32>} : memref<2x128xi32, #tpu.memory_space<vmem>>, vector<1x16xi32>,
    %get3A_27 = arith.constant 0 : i32
    %get3A_28 = arith.index_cast %get3A_27 : i32 to index
    %get3A_29 = arith.constant 16 : index
    %get3A_30 = tpu.vector_load %arg6[%get3A_28, %get3A_29] {strides = array<i32>} : memref<72x128xi32, #tpu.memory_space<vmem>>, vector<1x16xi32>,
    %get3A_31 = vector.shape_cast %get3A_30 : vector<1x16xi32> to vector<16xi32>
    %and3A_32 = arith.constant 65535 : i32
    %and3A_33 = vector.broadcast %and3A_32 : i32 to vector<16xi32>
    %and3A_34 = arith.andi %get3A_31, %and3A_33 : vector<16xi32>
    %swap3A_35 = arith.constant 0 : i32
    %swap3A_36 = arith.index_cast %swap3A_35 : i32 to index
    %swap3A_37 = arith.constant 16 : index
    %swap3A_38 = tpu.vector_load %arg7[%swap3A_36, %swap3A_37] {strides = array<i32>} : memref<2x128xi32, #tpu.memory_space<vmem>>, vector<1x16xi32>,
    %swap3A_39 = vector.shape_cast %swap3A_38 : vector<1x16xi32> to vector<16xi32>
    %swap3A_40 = vector.shape_cast %and3A_34 : vector<16xi32> to vector<1x16xi32>
    tpu.vector_store %arg7[%swap3A_36, %swap3A_37], %swap3A_40 {strides = array<i32>} : memref<2x128xi32, #tpu.memory_space<vmem>>, vector<1x16xi32>,
    %shift_right_logical3A_41 = arith.constant 16 : i32
    %shift_right_logical3A_42 = vector.broadcast %shift_right_logical3A_41 : i32 to vector<16xi32>
    %shift_right_logical3A_43 = arith.shrui %get3A_31, %shift_right_logical3A_42 : vector<16xi32>
    %swap3A_44 = arith.constant 0 : i32
    %swap3A_45 = arith.index_cast %swap3A_44 : i32 to index
    %swap3A_46 = arith.constant 16 : index
    %swap3A_47 = tpu.vector_load %arg8[%swap3A_45, %swap3A_46] {strides = array<i32>} : memref<2x128xi32, #tpu.memory_space<vmem>>, vector<1x16xi32>,
    %swap3A_48 = vector.shape_cast %swap3A_47 : vector<1x16xi32> to vector<16xi32>
    %swap3A_49 = vector.shape_cast %shift_right_logical3A_43 : vector<16xi32> to vector<1x16xi32>
    tpu.vector_store %arg8[%swap3A_45, %swap3A_46], %swap3A_49 {strides = array<i32>} : memref<2x128xi32, #tpu.memory_space<vmem>>, vector<1x16xi32>,
    %get3A_50 = arith.constant 0 : i32
    %get3A_51 = arith.index_cast %get3A_50 : i32 to index
    %get3A_52 = arith.constant 32 : index
    %get3A_53 = tpu.vector_load %arg6[%get3A_51, %get3A_52] {strides = array<i32>} : memref<72x128xi32, #tpu.memory_space<vmem>>, vector<1x16xi32>,
    %get3A_54 = vector.shape_cast %get3A_53 : vector<1x16xi32> to vector<16xi32>
    %and3A_55 = arith.constant 65535 : i32
    %and3A_56 = vector.broadcast %and3A_55 : i32 to vector<16xi32>
    %and3A_57 = arith.andi %get3A_54, %and3A_56 : vector<16xi32>
    %swap3A_58 = arith.constant 0 : i32
    %swap3A_59 = arith.index_cast %swap3A_58 : i32 to index
    %swap3A_60 = arith.constant 32 : index
    %swap3A_61 = tpu.vector_load %arg7[%swap3A_59, %swap3A_60] {strides = array<i32>} : memref<2x128xi32, #tpu.memory_space<vmem>>, vector<1x16xi32>,
    %swap3A_62 = vector.shape_cast %swap3A_61 : vector<1x16xi32> to vector<16xi32>
    %swap3A_63 = vector.shape_cast %and3A_57 : vector<16xi32> to vector<1x16xi32>
    tpu.vector_store %arg7[%swap3A_59, %swap3A_60], %swap3A_63 {strides = array<i32>} : memref<2x128xi32, #tpu.memory_space<vmem>>, vector<1x16xi32>,
    %shift_right_logical3A_64 = arith.constant 16 : i32
    %shift_right_logical3A_65 = vector.broadcast %shift_right_logical3A_64 : i32 to vector<16xi32>
    %shift_right_logical3A_66 = arith.shrui %get3A_54, %shift_right_logical3A_65 : vector<16xi32>
    %swap3A_67 = arith.constant 0 : i32
    %swap3A_68 = arith.index_cast %swap3A_67 : i32 to index
    %swap3A_69 = arith.constant 32 : index
    %swap3A_70 = tpu.vector_load %arg8[%swap3A_68, %swap3A_69] {strides = array<i32>} : memref<2x128xi32, #tpu.memory_space<vmem>>, vector<1x16xi32>,
    %swap3A_71 = vector.shape_cast %swap3A_70 : vector<1x16xi32> to vector<16xi32>
    %swap3A_72 = vector.shape_cast %shift_right_logical3A_66 : vector<16xi32> to vector<1x16xi32>
    tpu.vector_store %arg8[%swap3A_68, %swap3A_69], %swap3A_72 {strides = array<i32>} : memref<2x128xi32, #tpu.memory_space<vmem>>, vector<1x16xi32>,
    %get3A_73 = arith.constant 0 : i32
    %get3A_74 = arith.index_cast %get3A_73 : i32 to index
    %get3A_75 = arith.constant 48 : index
    %get3A_76 = tpu.vector_load %arg6[%get3A_74, %get3A_75] {strides = array<i32>} : memref<72x128xi32, #tpu.memory_space<vmem>>, vector<1x16xi32>,
    %get3A_77 = vector.shape_cast %get3A_76 : vector<1x16xi32> to vector<16xi32>
    %and3A_78 = arith.constant 65535 : i32
    %and3A_79 = vector.broadcast %and3A_78 : i32 to vector<16xi32>
    %and3A_80 = arith.andi %get3A_77, %and3A_79 : vector<16xi32>
    %swap3A_81 = arith.constant 0 : i32
    %swap3A_82 = arith.index_cast %swap3A_81 : i32 to index
    %swap3A_83 = arith.constant 48 : index
    %swap3A_84 = tpu.vector_load %arg7[%swap3A_82, %swap3A_83] {strides = array<i32>} : memref<2x128xi32, #tpu.memory_space<vmem>>, vector<1x16xi32>,
    %swap3A_85 = vector.shape_cast %swap3A_84 : vector<1x16xi32> to vector<16xi32>
    %swap3A_86 = vector.shape_cast %and3A_80 : vector<16xi32> to vector<1x16xi32>
    tpu.vector_store %arg7[%swap3A_82, %swap3A_83], %swap3A_86 {strides = array<i32>} : memref<2x128xi32, #tpu.memory_space<vmem>>, vector<1x16xi32>,
    %shift_right_logical3A_87 = arith.constant 16 : i32
    %shift_right_logical3A_88 = vector.broadcast %shift_right_logical3A_87 : i32 to vector<16xi32>
    %shift_right_logical3A_89 = arith.shrui %get3A_77, %shift_right_logical3A_88 : vector<16xi32>
    %swap3A_90 = arith.constant 0 : i32
    %swap3A_91 = arith.index_cast %swap3A_90 : i32 to index
    %swap3A_92 = arith.constant 48 : index
    %swap3A_93 = tpu.vector_load %arg8[%swap3A_91, %swap3A_92] {strides = array<i32>} : memref<2x128xi32, #tpu.memory_space<vmem>>, vector<1x16xi32>,
    %swap3A_94 = vector.shape_cast %swap3A_93 : vector<1x16xi32> to vector<16xi32>
    %swap3A_95 = vector.shape_cast %shift_right_logical3A_89 : vector<16xi32> to vector<1x16xi32>
    tpu.vector_store %arg8[%swap3A_91, %swap3A_92], %swap3A_95 {strides = array<i32>} : memref<2x128xi32, #tpu.memory_space<vmem>>, vector<1x16xi32>,
    %get3A_96 = arith.constant 0 : i32
    %get3A_97 = arith.index_cast %get3A_96 : i32 to index
    %get3A_98 = arith.constant 64 : index
    %get3A_99 = tpu.vector_load %arg6[%get3A_97, %get3A_98] {strides = array<i32>} : memref<72x128xi32, #tpu.memory_space<vmem>>, vector<1x16xi32>,
    %get3A_100 = vector.shape_cast %get3A_99 : vector<1x16xi32> to vector<16xi32>
    %and3A_101 = arith.constant 65535 : i32
    %and3A_102 = vector.broadcast %and3A_101 : i32 to vector<16xi32>
    %and3A_103 = arith.andi %get3A_100, %and3A_102 : vector<16xi32>
    %swap3A_104 = arith.constant 0 : i32
    %swap3A_105 = arith.index_cast %swap3A_104 : i32 to index
    %swap3A_106 = arith.constant 64 : index
    %swap3A_107 = tpu.vector_load %arg7[%swap3A_105, %swap3A_106] {strides = array<i32>} : memref<2x128xi32, #tpu.memory_space<vmem>>, vector<1x16xi32>,
    %swap3A_108 = vector.shape_cast %swap3A_107 : vector<1x16xi32> to vector<16xi32>
    %swap3A_109 = vector.shape_cast %and3A_103 : vector<16xi32> to vector<1x16xi32>
    tpu.vector_store %arg7[%swap3A_105, %swap3A_106], %swap3A_109 {strides = array<i32>} : memref<2x128xi32, #tpu.memory_space<vmem>>, vector<1x16xi32>,
    %shift_right_logical3A_110 = arith.constant 16 : i32
    %shift_right_logical3A_111 = vector.broadcast %shift_right_logical3A_110 : i32 to vector<16xi32>
    %shift_right_logical3A_112 = arith.shrui %get3A_100, %shift_right_logical3A_111 : vector<16xi32>
    %swap3A_113 = arith.constant 0 : i32
    %swap3A_114 = arith.index_cast %swap3A_113 : i32 to index
    %swap3A_115 = arith.constant 64 : index
    %swap3A_116 = tpu.vector_load %arg8[%swap3A_114, %swap3A_115] {strides = array<i32>} : memref<2x128xi32, #tpu.memory_space<vmem>>, vector<1x16xi32>,
    %swap3A_117 = vector.shape_cast %swap3A_116 : vector<1x16xi32> to vector<16xi32>
    %swap3A_118 = vector.shape_cast %shift_right_logical3A_112 : vector<16xi32> to vector<1x16xi32>
    tpu.vector_store %arg8[%swap3A_114, %swap3A_115], %swap3A_118 {strides = array<i32>} : memref<2x128xi32, #tpu.memory_space<vmem>>, vector<1x16xi32>,
    %get3A_119 = arith.constant 0 : i32
    %get3A_120 = arith.index_cast %get3A_119 : i32 to index
    %get3A_121 = arith.constant 80 : index
    %get3A_122 = tpu.vector_load %arg6[%get3A_120, %get3A_121] {strides = array<i32>} : memref<72x128xi32, #tpu.memory_space<vmem>>, vector<1x16xi32>,
    %get3A_123 = vector.shape_cast %get3A_122 : vector<1x16xi32> to vector<16xi32>
    %and3A_124 = arith.constant 65535 : i32
    %and3A_125 = vector.broadcast %and3A_124 : i32 to vector<16xi32>
    %and3A_126 = arith.andi %get3A_123, %and3A_125 : vector<16xi32>
    %swap3A_127 = arith.constant 0 : i32
    %swap3A_128 = arith.index_cast %swap3A_127 : i32 to index
    %swap3A_129 = arith.constant 80 : index
    %swap3A_130 = tpu.vector_load %arg7[%swap3A_128, %swap3A_129] {strides = array<i32>} : memref<2x128xi32, #tpu.memory_space<vmem>>, vector<1x16xi32>,
    %swap3A_131 = vector.shape_cast %swap3A_130 : vector<1x16xi32> to vector<16xi32>
    %swap3A_132 = vector.shape_cast %and3A_126 : vector<16xi32> to vector<1x16xi32>
    tpu.vector_store %arg7[%swap3A_128, %swap3A_129], %swap3A_132 {strides = array<i32>} : memref<2x128xi32, #tpu.memory_space<vmem>>, vector<1x16xi32>,
    %shift_right_logical3A_133 = arith.constant 16 : i32
    %shift_right_logical3A_134 = vector.broadcast %shift_right_logical3A_133 : i32 to vector<16xi32>
    %shift_right_logical3A_135 = arith.shrui %get3A_123, %shift_right_logical3A_134 : vector<16xi32>
    %swap3A_136 = arith.constant 0 : i32
    %swap3A_137 = arith.index_cast %swap3A_136 : i32 to index
    %swap3A_138 = arith.constant 80 : index
    %swap3A_139 = tpu.vector_load %arg8[%swap3A_137, %swap3A_138] {strides = array<i32>} : memref<2x128xi32, #tpu.memory_space<vmem>>, vector<1x16xi32>,
    %swap3A_140 = vector.shape_cast %swap3A_139 : vector<1x16xi32> to vector<16xi32>
    %swap3A_141 = vector.shape_cast %shift_right_logical3A_135 : vector<16xi32> to vector<1x16xi32>
    tpu.vector_store %arg8[%swap3A_137, %swap3A_138], %swap3A_141 {strides = array<i32>} : memref<2x128xi32, #tpu.memory_space<vmem>>, vector<1x16xi32>,
    %get3A_142 = arith.constant 0 : i32
    %get3A_143 = arith.index_cast %get3A_142 : i32 to index
    %get3A_144 = arith.constant 96 : index
    %get3A_145 = tpu.vector_load %arg6[%get3A_143, %get3A_144] {strides = array<i32>} : memref<72x128xi32, #tpu.memory_space<vmem>>, vector<1x16xi32>,
    %get3A_146 = vector.shape_cast %get3A_145 : vector<1x16xi32> to vector<16xi32>
    %and3A_147 = arith.constant 65535 : i32
    %and3A_148 = vector.broadcast %and3A_147 : i32 to vector<16xi32>
    %and3A_149 = arith.andi %get3A_146, %and3A_148 : vector<16xi32>
    %swap3A_150 = arith.constant 0 : i32
    %swap3A_151 = arith.index_cast %swap3A_150 : i32 to index
    %swap3A_152 = arith.constant 96 : index
    %swap3A_153 = tpu.vector_load %arg7[%swap3A_151, %swap3A_152] {strides = array<i32>} : memref<2x128xi32, #tpu.memory_space<vmem>>, vector<1x16xi32>,
    %swap3A_154 = vector.shape_cast %swap3A_153 : vector<1x16xi32> to vector<16xi32>
    %swap3A_155 = vector.shape_cast %and3A_149 : vector<16xi32> to vector<1x16xi32>
    tpu.vector_store %arg7[%swap3A_151, %swap3A_152], %swap3A_155 {strides = array<i32>} : memref<2x128xi32, #tpu.memory_space<vmem>>, vector<1x16xi32>,
    %shift_right_logical3A_156 = arith.constant 16 : i32
    %shift_right_logical3A_157 = vector.broadcast %shift_right_logical3A_156 : i32 to vector<16xi32>
    %shift_right_logical3A_158 = arith.shrui %get3A_146, %shift_right_logical3A_157 : vector<16xi32>
    %swap3A_159 = arith.constant 0 : i32
    %swap3A_160 = arith.index_cast %swap3A_159 : i32 to index
    %swap3A_161 = arith.constant 96 : index
    %swap3A_162 = tpu.vector_load %arg8[%swap3A_160, %swap3A_161] {strides = array<i32>} : memref<2x128xi32, #tpu.memory_space<vmem>>, vector<1x16xi32>,
    %swap3A_163 = vector.shape_cast %swap3A_162 : vector<1x16xi32> to vector<16xi32>
    %swap3A_164 = vector.shape_cast %shift_right_logical3A_158 : vector<16xi32> to vector<1x16xi32>
    tpu.vector_store %arg8[%swap3A_160, %swap3A_161], %swap3A_164 {strides = array<i32>} : memref<2x128xi32, #tpu.memory_space<vmem>>, vector<1x16xi32>,
    %get3A_165 = arith.constant 0 : i32
    %get3A_166 = arith.index_cast %get3A_165 : i32 to index
    %get3A_167 = arith.constant 112 : index
    %get3A_168 = tpu.vector_load %arg6[%get3A_166, %get3A_167] {strides = array<i32>} : memref<72x128xi32, #tpu.memory_space<vmem>>, vector<1x16xi32>,
    %get3A_169 = vector.shape_cast %get3A_168 : vector<1x16xi32> to vector<16xi32>
    %and3A_170 = arith.constant 65535 : i32
    %and3A_171 = vector.broadcast %and3A_170 : i32 to vector<16xi32>
    %and3A_172 = arith.andi %get3A_169, %and3A_171 : vector<16xi32>
    %swap3A_173 = arith.constant 0 : i32
    %swap3A_174 = arith.index_cast %swap3A_173 : i32 to index
    %swap3A_175 = arith.constant 112 : index
    %swap3A_176 = tpu.vector_load %arg7[%swap3A_174, %swap3A_175] {strides = array<i32>} : memref<2x128xi32, #tpu.memory_space<vmem>>, vector<1x16xi32>,
    %swap3A_177 = vector.shape_cast %swap3A_176 : vector<1x16xi32> to vector<16xi32>
    %swap3A_178 = vector.shape_cast %and3A_172 : vector<16xi32> to vector<1x16xi32>
    tpu.vector_store %arg7[%swap3A_174, %swap3A_175], %swap3A_178 {strides = array<i32>} : memref<2x128xi32, #tpu.memory_space<vmem>>, vector<1x16xi32>,
    %shift_right_logical3A_179 = arith.constant 16 : i32
    %shift_right_logical3A_180 = vector.broadcast %shift_right_logical3A_179 : i32 to vector<16xi32>
    %shift_right_logical3A_181 = arith.shrui %get3A_169, %shift_right_logical3A_180 : vector<16xi32>
    %swap3A_182 = arith.constant 0 : i32
    %swap3A_183 = arith.index_cast %swap3A_182 : i32 to index
    %swap3A_184 = arith.constant 112 : index
    %swap3A_185 = tpu.vector_load %arg8[%swap3A_183, %swap3A_184] {strides = array<i32>} : memref<2x128xi32, #tpu.memory_space<vmem>>, vector<1x16xi32>,
    %swap3A_186 = vector.shape_cast %swap3A_185 : vector<1x16xi32> to vector<16xi32>
    %swap3A_187 = vector.shape_cast %shift_right_logical3A_181 : vector<16xi32> to vector<1x16xi32>
    tpu.vector_store %arg8[%swap3A_183, %swap3A_184], %swap3A_187 {strides = array<i32>} : memref<2x128xi32, #tpu.memory_space<vmem>>, vector<1x16xi32>,
    %dma_start3A = arith.constant 0 : i32
    %dma_start3A_188 = arith.constant 0 : i32
    %dma_start3A_189 = arith.constant 0 : i32
    %dma_start3A_190 = arith.constant 0 : i32
    %dma_start3A_191 = arith.constant 0 : i32
    %dma_start3A_192 = tpu.memref_slice %arg9[%dma_start3A_188, %dma_start3A_190, %dma_start3A_191] : memref<2x128x128xf32, #tpu.memory_space<vmem>> -> memref<1x128x128xf32, #tpu.memory_space<vmem>>
    %dma_start3A_193 = tpu.memref_squeeze %dma_start3A_192 : memref<1x128x128xf32, #tpu.memory_space<vmem>> -> memref<128x128xf32, #tpu.memory_space<vmem>>
    %dma_start3A_194 = arith.constant 0 : i32
    %dma_start3A_195 = tpu.memref_slice %arg7[%dma_start3A, %dma_start3A_194] : memref<2x128xi32, #tpu.memory_space<vmem>> -> memref<1x128xi32, #tpu.memory_space<vmem>>
    %dma_start3A_196 = tpu.memref_squeeze %dma_start3A_195 : memref<1x128xi32, #tpu.memory_space<vmem>> -> memref<128xi32, #tpu.memory_space<vmem>>
    %dma_start3A_197 = arith.constant 0 : i32
    %dma_start3A_198 = arith.constant 0 : i32
    %dma_start3A_199 = tpu.memref_slice %arg2[%dma_start3A_197, %dma_start3A_198] : memref<10000x128xf32, #tpu.memory_space<hbm>> -> memref<10000x128xf32, #tpu.memory_space<hbm>>
    %dma_start3A_200 = tpu.memref_slice %arg11[%dma_start3A_189] : memref<2x!tpu.dma_semaphore, #tpu.memory_space<semaphore_mem>> -> memref<1x!tpu.dma_semaphore, #tpu.memory_space<semaphore_mem>>
    %dma_start3A_201 = tpu.memref_squeeze %dma_start3A_200 : memref<1x!tpu.dma_semaphore, #tpu.memory_space<semaphore_mem>> -> memref<!tpu.dma_semaphore, #tpu.memory_space<semaphore_mem>>
    tpu.enqueue_indirect_dma source(%dma_start3A_199 : memref<10000x128xf32, #tpu.memory_space<hbm>>) target(%dma_start3A_193 : memref<128x128xf32, #tpu.memory_space<vmem>>) offsets(%dma_start3A_196 : memref<128xi32, #tpu.memory_space<vmem>>) semaphore(%dma_start3A_201 : memref<!tpu.dma_semaphore, #tpu.memory_space<semaphore_mem>>)
    %get3A_202 = arith.constant 1 : i32
    %get3A_203 = arith.index_cast %get3A_202 : i32 to index
    %get3A_204 = arith.constant 0 : index
    %get3A_205 = tpu.vector_load %arg6[%get3A_203, %get3A_204] {strides = array<i32>} : memref<72x128xi32, #tpu.memory_space<vmem>>, vector<1x16xi32>,
    %get3A_206 = vector.shape_cast %get3A_205 : vector<1x16xi32> to vector<16xi32>
    %and3A_207 = arith.constant 65535 : i32
    %and3A_208 = vector.broadcast %and3A_207 : i32 to vector<16xi32>
    %and3A_209 = arith.andi %get3A_206, %and3A_208 : vector<16xi32>
    %swap3A_210 = arith.constant 1 : i32
    %swap3A_211 = arith.index_cast %swap3A_210 : i32 to index
    %swap3A_212 = arith.constant 0 : index
    %swap3A_213 = tpu.vector_load %arg7[%swap3A_211, %swap3A_212] {strides = array<i32>} : memref<2x128xi32, #tpu.memory_space<vmem>>, vector<1x16xi32>,
    %swap3A_214 = vector.shape_cast %swap3A_213 : vector<1x16xi32> to vector<16xi32>
    %swap3A_215 = vector.shape_cast %and3A_209 : vector<16xi32> to vector<1x16xi32>
    tpu.vector_store %arg7[%swap3A_211, %swap3A_212], %swap3A_215 {strides = array<i32>} : memref<2x128xi32, #tpu.memory_space<vmem>>, vector<1x16xi32>,
    %shift_right_logical3A_216 = arith.constant 16 : i32
    %shift_right_logical3A_217 = vector.broadcast %shift_right_logical3A_216 : i32 to vector<16xi32>
    %shift_right_logical3A_218 = arith.shrui %get3A_206, %shift_right_logical3A_217 : vector<16xi32>
    %swap3A_219 = arith.constant 1 : i32
    %swap3A_220 = arith.index_cast %swap3A_219 : i32 to index
    %swap3A_221 = arith.constant 0 : index
    %swap3A_222 = tpu.vector_load %arg8[%swap3A_220, %swap3A_221] {strides = array<i32>} : memref<2x128xi32, #tpu.memory_space<vmem>>, vector<1x16xi32>,
    %swap3A_223 = vector.shape_cast %swap3A_222 : vector<1x16xi32> to vector<16xi32>
    %swap3A_224 = vector.shape_cast %shift_right_logical3A_218 : vector<16xi32> to vector<1x16xi32>
    tpu.vector_store %arg8[%swap3A_220, %swap3A_221], %swap3A_224 {strides = array<i32>} : memref<2x128xi32, #tpu.memory_space<vmem>>, vector<1x16xi32>,
    %get3A_225 = arith.constant 1 : i32
    %get3A_226 = arith.index_cast %get3A_225 : i32 to index
    %get3A_227 = arith.constant 16 : index
    %get3A_228 = tpu.vector_load %arg6[%get3A_226, %get3A_227] {strides = array<i32>} : memref<72x128xi32, #tpu.memory_space<vmem>>, vector<1x16xi32>,
    %get3A_229 = vector.shape_cast %get3A_228 : vector<1x16xi32> to vector<16xi32>
    %and3A_230 = arith.constant 65535 : i32
    %and3A_231 = vector.broadcast %and3A_230 : i32 to vector<16xi32>
    %and3A_232 = arith.andi %get3A_229, %and3A_231 : vector<16xi32>
    %swap3A_233 = arith.constant 1 : i32
    %swap3A_234 = arith.index_cast %swap3A_233 : i32 to index
    %swap3A_235 = arith.constant 16 : index
    %swap3A_236 = tpu.vector_load %arg7[%swap3A_234, %swap3A_235] {strides = array<i32>} : memref<2x128xi32, #tpu.memory_space<vmem>>, vector<1x16xi32>,
    %swap3A_237 = vector.shape_cast %swap3A_236 : vector<1x16xi32> to vector<16xi32>
    %swap3A_238 = vector.shape_cast %and3A_232 : vector<16xi32> to vector<1x16xi32>
    tpu.vector_store %arg7[%swap3A_234, %swap3A_235], %swap3A_238 {strides = array<i32>} : memref<2x128xi32, #tpu.memory_space<vmem>>, vector<1x16xi32>,
    %shift_right_logical3A_239 = arith.constant 16 : i32
    %shift_right_logical3A_240 = vector.broadcast %shift_right_logical3A_239 : i32 to vector<16xi32>
    %shift_right_logical3A_241 = arith.shrui %get3A_229, %shift_right_logical3A_240 : vector<16xi32>
    %swap3A_242 = arith.constant 1 : i32
    %swap3A_243 = arith.index_cast %swap3A_242 : i32 to index
    %swap3A_244 = arith.constant 16 : index
    %swap3A_245 = tpu.vector_load %arg8[%swap3A_243, %swap3A_244] {strides = array<i32>} : memref<2x128xi32, #tpu.memory_space<vmem>>, vector<1x16xi32>,
    %swap3A_246 = vector.shape_cast %swap3A_245 : vector<1x16xi32> to vector<16xi32>
    %swap3A_247 = vector.shape_cast %shift_right_logical3A_241 : vector<16xi32> to vector<1x16xi32>
    tpu.vector_store %arg8[%swap3A_243, %swap3A_244], %swap3A_247 {strides = array<i32>} : memref<2x128xi32, #tpu.memory_space<vmem>>, vector<1x16xi32>,
    %get3A_248 = arith.constant 1 : i32
    %get3A_249 = arith.index_cast %get3A_248 : i32 to index
    %get3A_250 = arith.constant 32 : index
    %get3A_251 = tpu.vector_load %arg6[%get3A_249, %get3A_250] {strides = array<i32>} : memref<72x128xi32, #tpu.memory_space<vmem>>, vector<1x16xi32>,
    %get3A_252 = vector.shape_cast %get3A_251 : vector<1x16xi32> to vector<16xi32>
    %and3A_253 = arith.constant 65535 : i32
    %and3A_254 = vector.broadcast %and3A_253 : i32 to vector<16xi32>
    %and3A_255 = arith.andi %get3A_252, %and3A_254 : vector<16xi32>
    %swap3A_256 = arith.constant 1 : i32
    %swap3A_257 = arith.index_cast %swap3A_256 : i32 to index
    %swap3A_258 = arith.constant 32 : index
    %swap3A_259 = tpu.vector_load %arg7[%swap3A_257, %swap3A_258] {strides = array<i32>} : memref<2x128xi32, #tpu.memory_space<vmem>>, vector<1x16xi32>,
    %swap3A_260 = vector.shape_cast %swap3A_259 : vector<1x16xi32> to vector<16xi32>
    %swap3A_261 = vector.shape_cast %and3A_255 : vector<16xi32> to vector<1x16xi32>
    tpu.vector_store %arg7[%swap3A_257, %swap3A_258], %swap3A_261 {strides = array<i32>} : memref<2x128xi32, #tpu.memory_space<vmem>>, vector<1x16xi32>,
    %shift_right_logical3A_262 = arith.constant 16 : i32
    %shift_right_logical3A_263 = vector.broadcast %shift_right_logical3A_262 : i32 to vector<16xi32>
    %shift_right_logical3A_264 = arith.shrui %get3A_252, %shift_right_logical3A_263 : vector<16xi32>
    %swap3A_265 = arith.constant 1 : i32
    %swap3A_266 = arith.index_cast %swap3A_265 : i32 to index
    %swap3A_267 = arith.constant 32 : index
    %swap3A_268 = tpu.vector_load %arg8[%swap3A_266, %swap3A_267] {strides = array<i32>} : memref<2x128xi32, #tpu.memory_space<vmem>>, vector<1x16xi32>,
    %swap3A_269 = vector.shape_cast %swap3A_268 : vector<1x16xi32> to vector<16xi32>
    %swap3A_270 = vector.shape_cast %shift_right_logical3A_264 : vector<16xi32> to vector<1x16xi32>
    tpu.vector_store %arg8[%swap3A_266, %swap3A_267], %swap3A_270 {strides = array<i32>} : memref<2x128xi32, #tpu.memory_space<vmem>>, vector<1x16xi32>,
    %get3A_271 = arith.constant 1 : i32
    %get3A_272 = arith.index_cast %get3A_271 : i32 to index
    %get3A_273 = arith.constant 48 : index
    %get3A_274 = tpu.vector_load %arg6[%get3A_272, %get3A_273] {strides = array<i32>} : memref<72x128xi32, #tpu.memory_space<vmem>>, vector<1x16xi32>,
    %get3A_275 = vector.shape_cast %get3A_274 : vector<1x16xi32> to vector<16xi32>
    %and3A_276 = arith.constant 65535 : i32
    %and3A_277 = vector.broadcast %and3A_276 : i32 to vector<16xi32>
    %and3A_278 = arith.andi %get3A_275, %and3A_277 : vector<16xi32>
    %swap3A_279 = arith.constant 1 : i32
    %swap3A_280 = arith.index_cast %swap3A_279 : i32 to index
    %swap3A_281 = arith.constant 48 : index
    %swap3A_282 = tpu.vector_load %arg7[%swap3A_280, %swap3A_281] {strides = array<i32>} : memref<2x128xi32, #tpu.memory_space<vmem>>, vector<1x16xi32>,
    %swap3A_283 = vector.shape_cast %swap3A_282 : vector<1x16xi32> to vector<16xi32>
    %swap3A_284 = vector.shape_cast %and3A_278 : vector<16xi32> to vector<1x16xi32>
    tpu.vector_store %arg7[%swap3A_280, %swap3A_281], %swap3A_284 {strides = array<i32>} : memref<2x128xi32, #tpu.memory_space<vmem>>, vector<1x16xi32>,
    %shift_right_logical3A_285 = arith.constant 16 : i32
    %shift_right_logical3A_286 = vector.broadcast %shift_right_logical3A_285 : i32 to vector<16xi32>
    %shift_right_logical3A_287 = arith.shrui %get3A_275, %shift_right_logical3A_286 : vector<16xi32>
    %swap3A_288 = arith.constant 1 : i32
    %swap3A_289 = arith.index_cast %swap3A_288 : i32 to index
    %swap3A_290 = arith.constant 48 : index
    %swap3A_291 = tpu.vector_load %arg8[%swap3A_289, %swap3A_290] {strides = array<i32>} : memref<2x128xi32, #tpu.memory_space<vmem>>, vector<1x16xi32>,
    %swap3A_292 = vector.shape_cast %swap3A_291 : vector<1x16xi32> to vector<16xi32>
    %swap3A_293 = vector.shape_cast %shift_right_logical3A_287 : vector<16xi32> to vector<1x16xi32>
    tpu.vector_store %arg8[%swap3A_289, %swap3A_290], %swap3A_293 {strides = array<i32>} : memref<2x128xi32, #tpu.memory_space<vmem>>, vector<1x16xi32>,
    %get3A_294 = arith.constant 1 : i32
    %get3A_295 = arith.index_cast %get3A_294 : i32 to index
    %get3A_296 = arith.constant 64 : index
    %get3A_297 = tpu.vector_load %arg6[%get3A_295, %get3A_296] {strides = array<i32>} : memref<72x128xi32, #tpu.memory_space<vmem>>, vector<1x16xi32>,
    %get3A_298 = vector.shape_cast %get3A_297 : vector<1x16xi32> to vector<16xi32>
    %and3A_299 = arith.constant 65535 : i32
    %and3A_300 = vector.broadcast %and3A_299 : i32 to vector<16xi32>
    %and3A_301 = arith.andi %get3A_298, %and3A_300 : vector<16xi32>
    %swap3A_302 = arith.constant 1 : i32
    %swap3A_303 = arith.index_cast %swap3A_302 : i32 to index
    %swap3A_304 = arith.constant 64 : index
    %swap3A_305 = tpu.vector_load %arg7[%swap3A_303, %swap3A_304] {strides = array<i32>} : memref<2x128xi32, #tpu.memory_space<vmem>>, vector<1x16xi32>,
    %swap3A_306 = vector.shape_cast %swap3A_305 : vector<1x16xi32> to vector<16xi32>
    %swap3A_307 = vector.shape_cast %and3A_301 : vector<16xi32> to vector<1x16xi32>
    tpu.vector_store %arg7[%swap3A_303, %swap3A_304], %swap3A_307 {strides = array<i32>} : memref<2x128xi32, #tpu.memory_space<vmem>>, vector<1x16xi32>,
    %shift_right_logical3A_308 = arith.constant 16 : i32
    %shift_right_logical3A_309 = vector.broadcast %shift_right_logical3A_308 : i32 to vector<16xi32>
    %shift_right_logical3A_310 = arith.shrui %get3A_298, %shift_right_logical3A_309 : vector<16xi32>
    %swap3A_311 = arith.constant 1 : i32
    %swap3A_312 = arith.index_cast %swap3A_311 : i32 to index
    %swap3A_313 = arith.constant 64 : index
    %swap3A_314 = tpu.vector_load %arg8[%swap3A_312, %swap3A_313] {strides = array<i32>} : memref<2x128xi32, #tpu.memory_space<vmem>>, vector<1x16xi32>,
    %swap3A_315 = vector.shape_cast %swap3A_314 : vector<1x16xi32> to vector<16xi32>
    %swap3A_316 = vector.shape_cast %shift_right_logical3A_310 : vector<16xi32> to vector<1x16xi32>
    tpu.vector_store %arg8[%swap3A_312, %swap3A_313], %swap3A_316 {strides = array<i32>} : memref<2x128xi32, #tpu.memory_space<vmem>>, vector<1x16xi32>,
    %get3A_317 = arith.constant 1 : i32
    %get3A_318 = arith.index_cast %get3A_317 : i32 to index
    %get3A_319 = arith.constant 80 : index
    %get3A_320 = tpu.vector_load %arg6[%get3A_318, %get3A_319] {strides = array<i32>} : memref<72x128xi32, #tpu.memory_space<vmem>>, vector<1x16xi32>,
    %get3A_321 = vector.shape_cast %get3A_320 : vector<1x16xi32> to vector<16xi32>
    %and3A_322 = arith.constant 65535 : i32
    %and3A_323 = vector.broadcast %and3A_322 : i32 to vector<16xi32>
    %and3A_324 = arith.andi %get3A_321, %and3A_323 : vector<16xi32>
    %swap3A_325 = arith.constant 1 : i32
    %swap3A_326 = arith.index_cast %swap3A_325 : i32 to index
    %swap3A_327 = arith.constant 80 : index
    %swap3A_328 = tpu.vector_load %arg7[%swap3A_326, %swap3A_327] {strides = array<i32>} : memref<2x128xi32, #tpu.memory_space<vmem>>, vector<1x16xi32>,
    %swap3A_329 = vector.shape_cast %swap3A_328 : vector<1x16xi32> to vector<16xi32>
    %swap3A_330 = vector.shape_cast %and3A_324 : vector<16xi32> to vector<1x16xi32>
    tpu.vector_store %arg7[%swap3A_326, %swap3A_327], %swap3A_330 {strides = array<i32>} : memref<2x128xi32, #tpu.memory_space<vmem>>, vector<1x16xi32>,
    %shift_right_logical3A_331 = arith.constant 16 : i32
    %shift_right_logical3A_332 = vector.broadcast %shift_right_logical3A_331 : i32 to vector<16xi32>
    %shift_right_logical3A_333 = arith.shrui %get3A_321, %shift_right_logical3A_332 : vector<16xi32>
    %swap3A_334 = arith.constant 1 : i32
    %swap3A_335 = arith.index_cast %swap3A_334 : i32 to index
    %swap3A_336 = arith.constant 80 : index
    %swap3A_337 = tpu.vector_load %arg8[%swap3A_335, %swap3A_336] {strides = array<i32>} : memref<2x128xi32, #tpu.memory_space<vmem>>, vector<1x16xi32>,
    %swap3A_338 = vector.shape_cast %swap3A_337 : vector<1x16xi32> to vector<16xi32>
    %swap3A_339 = vector.shape_cast %shift_right_logical3A_333 : vector<16xi32> to vector<1x16xi32>
    tpu.vector_store %arg8[%swap3A_335, %swap3A_336], %swap3A_339 {strides = array<i32>} : memref<2x128xi32, #tpu.memory_space<vmem>>, vector<1x16xi32>,
    %get3A_340 = arith.constant 1 : i32
    %get3A_341 = arith.index_cast %get3A_340 : i32 to index
    %get3A_342 = arith.constant 96 : index
    %get3A_343 = tpu.vector_load %arg6[%get3A_341, %get3A_342] {strides = array<i32>} : memref<72x128xi32, #tpu.memory_space<vmem>>, vector<1x16xi32>,
    %get3A_344 = vector.shape_cast %get3A_343 : vector<1x16xi32> to vector<16xi32>
    %and3A_345 = arith.constant 65535 : i32
    %and3A_346 = vector.broadcast %and3A_345 : i32 to vector<16xi32>
    %and3A_347 = arith.andi %get3A_344, %and3A_346 : vector<16xi32>
    %swap3A_348 = arith.constant 1 : i32
    %swap3A_349 = arith.index_cast %swap3A_348 : i32 to index
    %swap3A_350 = arith.constant 96 : index
    %swap3A_351 = tpu.vector_load %arg7[%swap3A_349, %swap3A_350] {strides = array<i32>} : memref<2x128xi32, #tpu.memory_space<vmem>>, vector<1x16xi32>,
    %swap3A_352 = vector.shape_cast %swap3A_351 : vector<1x16xi32> to vector<16xi32>
    %swap3A_353 = vector.shape_cast %and3A_347 : vector<16xi32> to vector<1x16xi32>
    tpu.vector_store %arg7[%swap3A_349, %swap3A_350], %swap3A_353 {strides = array<i32>} : memref<2x128xi32, #tpu.memory_space<vmem>>, vector<1x16xi32>,
    %shift_right_logical3A_354 = arith.constant 16 : i32
    %shift_right_logical3A_355 = vector.broadcast %shift_right_logical3A_354 : i32 to vector<16xi32>
    %shift_right_logical3A_356 = arith.shrui %get3A_344, %shift_right_logical3A_355 : vector<16xi32>
    %swap3A_357 = arith.constant 1 : i32
    %swap3A_358 = arith.index_cast %swap3A_357 : i32 to index
    %swap3A_359 = arith.constant 96 : index
    %swap3A_360 = tpu.vector_load %arg8[%swap3A_358, %swap3A_359] {strides = array<i32>} : memref<2x128xi32, #tpu.memory_space<vmem>>, vector<1x16xi32>,
    %swap3A_361 = vector.shape_cast %swap3A_360 : vector<1x16xi32> to vector<16xi32>
    %swap3A_362 = vector.shape_cast %shift_right_logical3A_356 : vector<16xi32> to vector<1x16xi32>
    tpu.vector_store %arg8[%swap3A_358, %swap3A_359], %swap3A_362 {strides = array<i32>} : memref<2x128xi32, #tpu.memory_space<vmem>>, vector<1x16xi32>,
    %get3A_363 = arith.constant 1 : i32
    %get3A_364 = arith.index_cast %get3A_363 : i32 to index
    %get3A_365 = arith.constant 112 : index
    %get3A_366 = tpu.vector_load %arg6[%get3A_364, %get3A_365] {strides = array<i32>} : memref<72x128xi32, #tpu.memory_space<vmem>>, vector<1x16xi32>,
    %get3A_367 = vector.shape_cast %get3A_366 : vector<1x16xi32> to vector<16xi32>
    %and3A_368 = arith.constant 65535 : i32
    %and3A_369 = vector.broadcast %and3A_368 : i32 to vector<16xi32>
    %and3A_370 = arith.andi %get3A_367, %and3A_369 : vector<16xi32>
    %swap3A_371 = arith.constant 1 : i32
    %swap3A_372 = arith.index_cast %swap3A_371 : i32 to index
    %swap3A_373 = arith.constant 112 : index
    %swap3A_374 = tpu.vector_load %arg7[%swap3A_372, %swap3A_373] {strides = array<i32>} : memref<2x128xi32, #tpu.memory_space<vmem>>, vector<1x16xi32>,
    %swap3A_375 = vector.shape_cast %swap3A_374 : vector<1x16xi32> to vector<16xi32>
    %swap3A_376 = vector.shape_cast %and3A_370 : vector<16xi32> to vector<1x16xi32>
    tpu.vector_store %arg7[%swap3A_372, %swap3A_373], %swap3A_376 {strides = array<i32>} : memref<2x128xi32, #tpu.memory_space<vmem>>, vector<1x16xi32>,
    %shift_right_logical3A_377 = arith.constant 16 : i32
    %shift_right_logical3A_378 = vector.broadcast %shift_right_logical3A_377 : i32 to vector<16xi32>
    %shift_right_logical3A_379 = arith.shrui %get3A_367, %shift_right_logical3A_378 : vector<16xi32>
    %swap3A_380 = arith.constant 1 : i32
    %swap3A_381 = arith.index_cast %swap3A_380 : i32 to index
    %swap3A_382 = arith.constant 112 : index
    %swap3A_383 = tpu.vector_load %arg8[%swap3A_381, %swap3A_382] {strides = array<i32>} : memref<2x128xi32, #tpu.memory_space<vmem>>, vector<1x16xi32>,
    %swap3A_384 = vector.shape_cast %swap3A_383 : vector<1x16xi32> to vector<16xi32>
    %swap3A_385 = vector.shape_cast %shift_right_logical3A_379 : vector<16xi32> to vector<1x16xi32>
    tpu.vector_store %arg8[%swap3A_381, %swap3A_382], %swap3A_385 {strides = array<i32>} : memref<2x128xi32, #tpu.memory_space<vmem>>, vector<1x16xi32>,
    %dma_start3A_386 = arith.constant 1 : i32
    %dma_start3A_387 = arith.constant 1 : i32
    %dma_start3A_388 = arith.constant 1 : i32
    %dma_start3A_389 = arith.constant 0 : i32
    %dma_start3A_390 = arith.constant 0 : i32
    %dma_start3A_391 = tpu.memref_slice %arg9[%dma_start3A_387, %dma_start3A_389, %dma_start3A_390] : memref<2x128x128xf32, #tpu.memory_space<vmem>> -> memref<1x128x128xf32, #tpu.memory_space<vmem>>
    %dma_start3A_392 = tpu.memref_squeeze %dma_start3A_391 : memref<1x128x128xf32, #tpu.memory_space<vmem>> -> memref<128x128xf32, #tpu.memory_space<vmem>>
    %dma_start3A_393 = arith.constant 0 : i32
    %dma_start3A_394 = tpu.memref_slice %arg7[%dma_start3A_386, %dma_start3A_393] : memref<2x128xi32, #tpu.memory_space<vmem>> -> memref<1x128xi32, #tpu.memory_space<vmem>>
    %dma_start3A_395 = tpu.memref_squeeze %dma_start3A_394 : memref<1x128xi32, #tpu.memory_space<vmem>> -> memref<128xi32, #tpu.memory_space<vmem>>
    %dma_start3A_396 = arith.constant 0 : i32
    %dma_start3A_397 = arith.constant 0 : i32
    %dma_start3A_398 = tpu.memref_slice %arg2[%dma_start3A_396, %dma_start3A_397] : memref<10000x128xf32, #tpu.memory_space<hbm>> -> memref<10000x128xf32, #tpu.memory_space<hbm>>
    %dma_start3A_399 = tpu.memref_slice %arg11[%dma_start3A_388] : memref<2x!tpu.dma_semaphore, #tpu.memory_space<semaphore_mem>> -> memref<1x!tpu.dma_semaphore, #tpu.memory_space<semaphore_mem>>
    %dma_start3A_400 = tpu.memref_squeeze %dma_start3A_399 : memref<1x!tpu.dma_semaphore, #tpu.memory_space<semaphore_mem>> -> memref<!tpu.dma_semaphore, #tpu.memory_space<semaphore_mem>>
    tpu.enqueue_indirect_dma source(%dma_start3A_398 : memref<10000x128xf32, #tpu.memory_space<hbm>>) target(%dma_start3A_392 : memref<128x128xf32, #tpu.memory_space<vmem>>) offsets(%dma_start3A_395 : memref<128xi32, #tpu.memory_space<vmem>>) semaphore(%dma_start3A_400 : memref<!tpu.dma_semaphore, #tpu.memory_space<semaphore_mem>>)
    %sub3A = arith.constant 0 : i32
    %sub3A_401 = arith.subi %select_n3A_3, %sub3A : i32
    %sub3A_402 = arith.constant 2 : i32
    %sub3A_403 = arith.constant 1 : i32
    %sub3A_404 = arith.subi %sub3A_402, %sub3A_403 : i32
    %add3A_405 = arith.addi %sub3A_401, %sub3A_404 : i32
    %div3A = arith.constant 2 : i32
    %div3A_406 = arith.divsi %add3A_405, %div3A : i32
    %while3A = arith.constant 2 : i32
    %while3A_407 = arith.constant 0 : i32
    %while3A_408 = arith.constant 0 : i32
    %while3A_409 = arith.subi %div3A_406, %while3A_408 : i32
    %while3A_410 = arith.addi %while3A_408, %while3A_409 : i32
    %while3A_411 = arith.constant 1 : i32
    %while3A_412 = arith.divsi %while3A_409, %while3A_411 : i32
    %while3A_413 = arith.muli %while3A_412, %while3A_411 : i32
    %while3A_414 = arith.addi %while3A_408, %while3A_413 : i32
    %while3A_415 = arith.constant 1 : i32
    scf.for %while3A_422 = %while3A_408 to %while3A_414 step %while3A_415  : i32 {
      %mul3A_423 = arith.muli %while3A_422, %while3A : i32
      %add3A_424 = arith.addi %while3A_407, %mul3A_423 : i32
      %dma_wait3A = arith.constant 0 : i32
      %dma_wait3A_425 = arith.constant 0 : i32
      %dma_wait3A_426 = arith.constant 0 : i32
      %dma_wait3A_427 = arith.constant 0 : i32
      %dma_wait3A_428 = arith.constant 0 : i32
      %dma_wait3A_429 = tpu.memref_slice %arg9[%dma_wait3A_425, %dma_wait3A_427, %dma_wait3A_428] : memref<2x128x128xf32, #tpu.memory_space<vmem>> -> memref<1x128x128xf32, #tpu.memory_space<vmem>>
      %dma_wait3A_430 = tpu.memref_squeeze %dma_wait3A_429 : memref<1x128x128xf32, #tpu.memory_space<vmem>> -> memref<128x128xf32, #tpu.memory_space<vmem>>
      %dma_wait3A_431 = arith.constant 0 : i32
      %dma_wait3A_432 = tpu.memref_slice %arg7[%dma_wait3A, %dma_wait3A_431] : memref<2x128xi32, #tpu.memory_space<vmem>> -> memref<1x128xi32, #tpu.memory_space<vmem>>
      %dma_wait3A_433 = tpu.memref_squeeze %dma_wait3A_432 : memref<1x128xi32, #tpu.memory_space<vmem>> -> memref<128xi32, #tpu.memory_space<vmem>>
      %dma_wait3A_434 = arith.constant 0 : i32
      %dma_wait3A_435 = arith.constant 0 : i32
      %dma_wait3A_436 = tpu.memref_slice %arg2[%dma_wait3A_434, %dma_wait3A_435] : memref<10000x128xf32, #tpu.memory_space<hbm>> -> memref<10000x128xf32, #tpu.memory_space<hbm>>
      %dma_wait3A_437 = tpu.memref_slice %arg11[%dma_wait3A_426] : memref<2x!tpu.dma_semaphore, #tpu.memory_space<semaphore_mem>> -> memref<1x!tpu.dma_semaphore, #tpu.memory_space<semaphore_mem>>
      %dma_wait3A_438 = tpu.memref_squeeze %dma_wait3A_437 : memref<1x!tpu.dma_semaphore, #tpu.memory_space<semaphore_mem>> -> memref<!tpu.dma_semaphore, #tpu.memory_space<semaphore_mem>>
      tpu.wait_indirect_dma semaphore(%dma_wait3A_438 : memref<!tpu.dma_semaphore, #tpu.memory_space<semaphore_mem>>) src(%dma_wait3A_436 : memref<10000x128xf32, #tpu.memory_space<hbm>>) dst(%dma_wait3A_430 : memref<128x128xf32, #tpu.memory_space<vmem>>)
      %run_scoped3A = arith.constant 0 : i32
      %run_scoped3A_439 = arith.constant 0 : i32
      "tpu.region"() ({
        %run_scoped3A_470 = tpu.sem_alloc : memref<!tpu.dma_semaphore, #tpu.memory_space<semaphore_mem>>
        %dma_start3A_471 = arith.constant 0 : i32
        %dma_start3A_472 = arith.constant 0 : i32
        %dma_start3A_473 = tpu.memref_slice %arg9[%run_scoped3A, %dma_start3A_471, %dma_start3A_472] : memref<2x128x128xf32, #tpu.memory_space<vmem>> -> memref<1x128x128xf32, #tpu.memory_space<vmem>>
        %dma_start3A_474 = tpu.memref_squeeze %dma_start3A_473 : memref<1x128x128xf32, #tpu.memory_space<vmem>> -> memref<128x128xf32, #tpu.memory_space<vmem>>
        %dma_start3A_475 = arith.constant 0 : i32
        %dma_start3A_476 = tpu.memref_slice %arg8[%run_scoped3A_439, %dma_start3A_475] : memref<2x128xi32, #tpu.memory_space<vmem>> -> memref<1x128xi32, #tpu.memory_space<vmem>>
        %dma_start3A_477 = tpu.memref_squeeze %dma_start3A_476 : memref<1x128xi32, #tpu.memory_space<vmem>> -> memref<128xi32, #tpu.memory_space<vmem>>
        %dma_start3A_478 = arith.constant 0 : i32
        %dma_start3A_479 = arith.constant 0 : i32
        %dma_start3A_480 = tpu.memref_slice %arg10[%dma_start3A_478, %dma_start3A_479] : memref<10112x128xf32, #tpu.memory_space<vmem_shared>> -> memref<10112x128xf32, #tpu.memory_space<vmem_shared>>
        tpu.enqueue_indirect_dma source(%dma_start3A_474 : memref<128x128xf32, #tpu.memory_space<vmem>>) target(%dma_start3A_480 : memref<10112x128xf32, #tpu.memory_space<vmem_shared>>) offsets(%dma_start3A_477 : memref<128xi32, #tpu.memory_space<vmem>>) semaphore(%run_scoped3A_470 : memref<!tpu.dma_semaphore, #tpu.memory_space<semaphore_mem>>) {add = true}
        %dma_wait3A_481 = arith.constant 0 : i32
        %dma_wait3A_482 = arith.constant 0 : i32
        %dma_wait3A_483 = tpu.memref_slice %arg9[%run_scoped3A, %dma_wait3A_481, %dma_wait3A_482] : memref<2x128x128xf32, #tpu.memory_space<vmem>> -> memref<1x128x128xf32, #tpu.memory_space<vmem>>
        %dma_wait3A_484 = tpu.memref_squeeze %dma_wait3A_483 : memref<1x128x128xf32, #tpu.memory_space<vmem>> -> memref<128x128xf32, #tpu.memory_space<vmem>>
        %dma_wait3A_485 = arith.constant 0 : i32
        %dma_wait3A_486 = tpu.memref_slice %arg8[%run_scoped3A_439, %dma_wait3A_485] : memref<2x128xi32, #tpu.memory_space<vmem>> -> memref<1x128xi32, #tpu.memory_space<vmem>>
        %dma_wait3A_487 = tpu.memref_squeeze %dma_wait3A_486 : memref<1x128xi32, #tpu.memory_space<vmem>> -> memref<128xi32, #tpu.memory_space<vmem>>
        %dma_wait3A_488 = arith.constant 0 : i32
        %dma_wait3A_489 = arith.constant 0 : i32
        %dma_wait3A_490 = tpu.memref_slice %arg10[%dma_wait3A_488, %dma_wait3A_489] : memref<10112x128xf32, #tpu.memory_space<vmem_shared>> -> memref<10112x128xf32, #tpu.memory_space<vmem_shared>>
        tpu.wait_indirect_dma semaphore(%run_scoped3A_470 : memref<!tpu.dma_semaphore, #tpu.memory_space<semaphore_mem>>) src(%dma_wait3A_484 : memref<128x128xf32, #tpu.memory_space<vmem>>) dst(%dma_wait3A_490 : memref<10112x128xf32, #tpu.memory_space<vmem_shared>>)
        tpu.yield
      }) : () -> ()
      %add3A_440 = arith.constant 0 : i32
      %add3A_441 = arith.addi %add3A_424, %add3A_440 : i32
      %add3A_442 = arith.constant 2 : i32
      %add3A_443 = arith.addi %add3A_441, %add3A_442 : i32
      %lt3A = arith.cmpi slt, %add3A_443, %select_n3A_3 : i32
      %convert_element_type3A = arith.extui %lt3A : i1 to i32
      %cond3A = arith.constant 0 : i32
      %cond3A_444 = arith.cmpi ne, %convert_element_type3A, %cond3A : i32
      scf.if %cond3A_444 {
        %add3A_470 = arith.constant 0 : i32
        %add3A_471 = arith.addi %add3A_424, %add3A_470 : i32
        %add3A_472 = arith.constant 2 : i32
        %add3A_473 = arith.addi %add3A_471, %add3A_472 : i32
        %get3A_474 = arith.index_cast %add3A_473 : i32 to index
        %get3A_475 = arith.constant 0 : index
        %get3A_476 = tpu.vector_load %arg6[%get3A_474, %get3A_475] {strides = array<i32>} : memref<72x128xi32, #tpu.memory_space<vmem>>, vector<1x16xi32>,
        %get3A_477 = vector.shape_cast %get3A_476 : vector<1x16xi32> to vector<16xi32>
        %and3A_478 = arith.constant 65535 : i32
        %and3A_479 = vector.broadcast %and3A_478 : i32 to vector<16xi32>
        %and3A_480 = arith.andi %get3A_477, %and3A_479 : vector<16xi32>
        %swap3A_481 = arith.constant 0 : i32
        %swap3A_482 = arith.index_cast %swap3A_481 : i32 to index
        %swap3A_483 = arith.constant 0 : index
        %swap3A_484 = tpu.vector_load %arg7[%swap3A_482, %swap3A_483] {strides = array<i32>} : memref<2x128xi32, #tpu.memory_space<vmem>>, vector<1x16xi32>,
        %swap3A_485 = vector.shape_cast %swap3A_484 : vector<1x16xi32> to vector<16xi32>
        %swap3A_486 = vector.shape_cast %and3A_480 : vector<16xi32> to vector<1x16xi32>
        tpu.vector_store %arg7[%swap3A_482, %swap3A_483], %swap3A_486 {strides = array<i32>} : memref<2x128xi32, #tpu.memory_space<vmem>>, vector<1x16xi32>,
        %shift_right_logical3A_487 = arith.constant 16 : i32
        %shift_right_logical3A_488 = vector.broadcast %shift_right_logical3A_487 : i32 to vector<16xi32>
        %shift_right_logical3A_489 = arith.shrui %get3A_477, %shift_right_logical3A_488 : vector<16xi32>
        %swap3A_490 = arith.constant 0 : i32
        %swap3A_491 = arith.index_cast %swap3A_490 : i32 to index
        %swap3A_492 = arith.constant 0 : index
        %swap3A_493 = tpu.vector_load %arg8[%swap3A_491, %swap3A_492] {strides = array<i32>} : memref<2x128xi32, #tpu.memory_space<vmem>>, vector<1x16xi32>,
        %swap3A_494 = vector.shape_cast %swap3A_493 : vector<1x16xi32> to vector<16xi32>
        %swap3A_495 = vector.shape_cast %shift_right_logical3A_489 : vector<16xi32> to vector<1x16xi32>
        tpu.vector_store %arg8[%swap3A_491, %swap3A_492], %swap3A_495 {strides = array<i32>} : memref<2x128xi32, #tpu.memory_space<vmem>>, vector<1x16xi32>,
        %get3A_496 = arith.index_cast %add3A_473 : i32 to index
        %get3A_497 = arith.constant 16 : index
        %get3A_498 = tpu.vector_load %arg6[%get3A_496, %get3A_497] {strides = array<i32>} : memref<72x128xi32, #tpu.memory_space<vmem>>, vector<1x16xi32>,
        %get3A_499 = vector.shape_cast %get3A_498 : vector<1x16xi32> to vector<16xi32>
        %and3A_500 = arith.constant 65535 : i32
        %and3A_501 = vector.broadcast %and3A_500 : i32 to vector<16xi32>
        %and3A_502 = arith.andi %get3A_499, %and3A_501 : vector<16xi32>
        %swap3A_503 = arith.constant 0 : i32
        %swap3A_504 = arith.index_cast %swap3A_503 : i32 to index
        %swap3A_505 = arith.constant 16 : index
        %swap3A_506 = tpu.vector_load %arg7[%swap3A_504, %swap3A_505] {strides = array<i32>} : memref<2x128xi32, #tpu.memory_space<vmem>>, vector<1x16xi32>,
        %swap3A_507 = vector.shape_cast %swap3A_506 : vector<1x16xi32> to vector<16xi32>
        %swap3A_508 = vector.shape_cast %and3A_502 : vector<16xi32> to vector<1x16xi32>
        tpu.vector_store %arg7[%swap3A_504, %swap3A_505], %swap3A_508 {strides = array<i32>} : memref<2x128xi32, #tpu.memory_space<vmem>>, vector<1x16xi32>,
        %shift_right_logical3A_509 = arith.constant 16 : i32
        %shift_right_logical3A_510 = vector.broadcast %shift_right_logical3A_509 : i32 to vector<16xi32>
        %shift_right_logical3A_511 = arith.shrui %get3A_499, %shift_right_logical3A_510 : vector<16xi32>
        %swap3A_512 = arith.constant 0 : i32
        %swap3A_513 = arith.index_cast %swap3A_512 : i32 to index
        %swap3A_514 = arith.constant 16 : index
        %swap3A_515 = tpu.vector_load %arg8[%swap3A_513, %swap3A_514] {strides = array<i32>} : memref<2x128xi32, #tpu.memory_space<vmem>>, vector<1x16xi32>,
        %swap3A_516 = vector.shape_cast %swap3A_515 : vector<1x16xi32> to vector<16xi32>
        %swap3A_517 = vector.shape_cast %shift_right_logical3A_511 : vector<16xi32> to vector<1x16xi32>
        tpu.vector_store %arg8[%swap3A_513, %swap3A_514], %swap3A_517 {strides = array<i32>} : memref<2x128xi32, #tpu.memory_space<vmem>>, vector<1x16xi32>,
        %get3A_518 = arith.index_cast %add3A_473 : i32 to index
        %get3A_519 = arith.constant 32 : index
        %get3A_520 = tpu.vector_load %arg6[%get3A_518, %get3A_519] {strides = array<i32>} : memref<72x128xi32, #tpu.memory_space<vmem>>, vector<1x16xi32>,
        %get3A_521 = vector.shape_cast %get3A_520 : vector<1x16xi32> to vector<16xi32>
        %and3A_522 = arith.constant 65535 : i32
        %and3A_523 = vector.broadcast %and3A_522 : i32 to vector<16xi32>
        %and3A_524 = arith.andi %get3A_521, %and3A_523 : vector<16xi32>
        %swap3A_525 = arith.constant 0 : i32
        %swap3A_526 = arith.index_cast %swap3A_525 : i32 to index
        %swap3A_527 = arith.constant 32 : index
        %swap3A_528 = tpu.vector_load %arg7[%swap3A_526, %swap3A_527] {strides = array<i32>} : memref<2x128xi32, #tpu.memory_space<vmem>>, vector<1x16xi32>,
        %swap3A_529 = vector.shape_cast %swap3A_528 : vector<1x16xi32> to vector<16xi32>
        %swap3A_530 = vector.shape_cast %and3A_524 : vector<16xi32> to vector<1x16xi32>
        tpu.vector_store %arg7[%swap3A_526, %swap3A_527], %swap3A_530 {strides = array<i32>} : memref<2x128xi32, #tpu.memory_space<vmem>>, vector<1x16xi32>,
        %shift_right_logical3A_531 = arith.constant 16 : i32
        %shift_right_logical3A_532 = vector.broadcast %shift_right_logical3A_531 : i32 to vector<16xi32>
        %shift_right_logical3A_533 = arith.shrui %get3A_521, %shift_right_logical3A_532 : vector<16xi32>
        %swap3A_534 = arith.constant 0 : i32
        %swap3A_535 = arith.index_cast %swap3A_534 : i32 to index
        %swap3A_536 = arith.constant 32 : index
        %swap3A_537 = tpu.vector_load %arg8[%swap3A_535, %swap3A_536] {strides = array<i32>} : memref<2x128xi32, #tpu.memory_space<vmem>>, vector<1x16xi32>,
        %swap3A_538 = vector.shape_cast %swap3A_537 : vector<1x16xi32> to vector<16xi32>
        %swap3A_539 = vector.shape_cast %shift_right_logical3A_533 : vector<16xi32> to vector<1x16xi32>
        tpu.vector_store %arg8[%swap3A_535, %swap3A_536], %swap3A_539 {strides = array<i32>} : memref<2x128xi32, #tpu.memory_space<vmem>>, vector<1x16xi32>,
        %get3A_540 = arith.index_cast %add3A_473 : i32 to index
        %get3A_541 = arith.constant 48 : index
        %get3A_542 = tpu.vector_load %arg6[%get3A_540, %get3A_541] {strides = array<i32>} : memref<72x128xi32, #tpu.memory_space<vmem>>, vector<1x16xi32>,
        %get3A_543 = vector.shape_cast %get3A_542 : vector<1x16xi32> to vector<16xi32>
        %and3A_544 = arith.constant 65535 : i32
        %and3A_545 = vector.broadcast %and3A_544 : i32 to vector<16xi32>
        %and3A_546 = arith.andi %get3A_543, %and3A_545 : vector<16xi32>
        %swap3A_547 = arith.constant 0 : i32
        %swap3A_548 = arith.index_cast %swap3A_547 : i32 to index
        %swap3A_549 = arith.constant 48 : index
        %swap3A_550 = tpu.vector_load %arg7[%swap3A_548, %swap3A_549] {strides = array<i32>} : memref<2x128xi32, #tpu.memory_space<vmem>>, vector<1x16xi32>,
        %swap3A_551 = vector.shape_cast %swap3A_550 : vector<1x16xi32> to vector<16xi32>
        %swap3A_552 = vector.shape_cast %and3A_546 : vector<16xi32> to vector<1x16xi32>
        tpu.vector_store %arg7[%swap3A_548, %swap3A_549], %swap3A_552 {strides = array<i32>} : memref<2x128xi32, #tpu.memory_space<vmem>>, vector<1x16xi32>,
        %shift_right_logical3A_553 = arith.constant 16 : i32
        %shift_right_logical3A_554 = vector.broadcast %shift_right_logical3A_553 : i32 to vector<16xi32>
        %shift_right_logical3A_555 = arith.shrui %get3A_543, %shift_right_logical3A_554 : vector<16xi32>
        %swap3A_556 = arith.constant 0 : i32
        %swap3A_557 = arith.index_cast %swap3A_556 : i32 to index
        %swap3A_558 = arith.constant 48 : index
        %swap3A_559 = tpu.vector_load %arg8[%swap3A_557, %swap3A_558] {strides = array<i32>} : memref<2x128xi32, #tpu.memory_space<vmem>>, vector<1x16xi32>,
        %swap3A_560 = vector.shape_cast %swap3A_559 : vector<1x16xi32> to vector<16xi32>
        %swap3A_561 = vector.shape_cast %shift_right_logical3A_555 : vector<16xi32> to vector<1x16xi32>
        tpu.vector_store %arg8[%swap3A_557, %swap3A_558], %swap3A_561 {strides = array<i32>} : memref<2x128xi32, #tpu.memory_space<vmem>>, vector<1x16xi32>,
        %get3A_562 = arith.index_cast %add3A_473 : i32 to index
        %get3A_563 = arith.constant 64 : index
        %get3A_564 = tpu.vector_load %arg6[%get3A_562, %get3A_563] {strides = array<i32>} : memref<72x128xi32, #tpu.memory_space<vmem>>, vector<1x16xi32>,
        %get3A_565 = vector.shape_cast %get3A_564 : vector<1x16xi32> to vector<16xi32>
        %and3A_566 = arith.constant 65535 : i32
        %and3A_567 = vector.broadcast %and3A_566 : i32 to vector<16xi32>
        %and3A_568 = arith.andi %get3A_565, %and3A_567 : vector<16xi32>
        %swap3A_569 = arith.constant 0 : i32
        %swap3A_570 = arith.index_cast %swap3A_569 : i32 to index
        %swap3A_571 = arith.constant 64 : index
        %swap3A_572 = tpu.vector_load %arg7[%swap3A_570, %swap3A_571] {strides = array<i32>} : memref<2x128xi32, #tpu.memory_space<vmem>>, vector<1x16xi32>,
        %swap3A_573 = vector.shape_cast %swap3A_572 : vector<1x16xi32> to vector<16xi32>
        %swap3A_574 = vector.shape_cast %and3A_568 : vector<16xi32> to vector<1x16xi32>
        tpu.vector_store %arg7[%swap3A_570, %swap3A_571], %swap3A_574 {strides = array<i32>} : memref<2x128xi32, #tpu.memory_space<vmem>>, vector<1x16xi32>,
        %shift_right_logical3A_575 = arith.constant 16 : i32
        %shift_right_logical3A_576 = vector.broadcast %shift_right_logical3A_575 : i32 to vector<16xi32>
        %shift_right_logical3A_577 = arith.shrui %get3A_565, %shift_right_logical3A_576 : vector<16xi32>
        %swap3A_578 = arith.constant 0 : i32
        %swap3A_579 = arith.index_cast %swap3A_578 : i32 to index
        %swap3A_580 = arith.constant 64 : index
        %swap3A_581 = tpu.vector_load %arg8[%swap3A_579, %swap3A_580] {strides = array<i32>} : memref<2x128xi32, #tpu.memory_space<vmem>>, vector<1x16xi32>,
        %swap3A_582 = vector.shape_cast %swap3A_581 : vector<1x16xi32> to vector<16xi32>
        %swap3A_583 = vector.shape_cast %shift_right_logical3A_577 : vector<16xi32> to vector<1x16xi32>
        tpu.vector_store %arg8[%swap3A_579, %swap3A_580], %swap3A_583 {strides = array<i32>} : memref<2x128xi32, #tpu.memory_space<vmem>>, vector<1x16xi32>,
        %get3A_584 = arith.index_cast %add3A_473 : i32 to index
        %get3A_585 = arith.constant 80 : index
        %get3A_586 = tpu.vector_load %arg6[%get3A_584, %get3A_585] {strides = array<i32>} : memref<72x128xi32, #tpu.memory_space<vmem>>, vector<1x16xi32>,
        %get3A_587 = vector.shape_cast %get3A_586 : vector<1x16xi32> to vector<16xi32>
        %and3A_588 = arith.constant 65535 : i32
        %and3A_589 = vector.broadcast %and3A_588 : i32 to vector<16xi32>
        %and3A_590 = arith.andi %get3A_587, %and3A_589 : vector<16xi32>
        %swap3A_591 = arith.constant 0 : i32
        %swap3A_592 = arith.index_cast %swap3A_591 : i32 to index
        %swap3A_593 = arith.constant 80 : index
        %swap3A_594 = tpu.vector_load %arg7[%swap3A_592, %swap3A_593] {strides = array<i32>} : memref<2x128xi32, #tpu.memory_space<vmem>>, vector<1x16xi32>,
        %swap3A_595 = vector.shape_cast %swap3A_594 : vector<1x16xi32> to vector<16xi32>
        %swap3A_596 = vector.shape_cast %and3A_590 : vector<16xi32> to vector<1x16xi32>
        tpu.vector_store %arg7[%swap3A_592, %swap3A_593], %swap3A_596 {strides = array<i32>} : memref<2x128xi32, #tpu.memory_space<vmem>>, vector<1x16xi32>,
        %shift_right_logical3A_597 = arith.constant 16 : i32
        %shift_right_logical3A_598 = vector.broadcast %shift_right_logical3A_597 : i32 to vector<16xi32>
        %shift_right_logical3A_599 = arith.shrui %get3A_587, %shift_right_logical3A_598 : vector<16xi32>
        %swap3A_600 = arith.constant 0 : i32
        %swap3A_601 = arith.index_cast %swap3A_600 : i32 to index
        %swap3A_602 = arith.constant 80 : index
        %swap3A_603 = tpu.vector_load %arg8[%swap3A_601, %swap3A_602] {strides = array<i32>} : memref<2x128xi32, #tpu.memory_space<vmem>>, vector<1x16xi32>,
        %swap3A_604 = vector.shape_cast %swap3A_603 : vector<1x16xi32> to vector<16xi32>
        %swap3A_605 = vector.shape_cast %shift_right_logical3A_599 : vector<16xi32> to vector<1x16xi32>
        tpu.vector_store %arg8[%swap3A_601, %swap3A_602], %swap3A_605 {strides = array<i32>} : memref<2x128xi32, #tpu.memory_space<vmem>>, vector<1x16xi32>,
        %get3A_606 = arith.index_cast %add3A_473 : i32 to index
        %get3A_607 = arith.constant 96 : index
        %get3A_608 = tpu.vector_load %arg6[%get3A_606, %get3A_607] {strides = array<i32>} : memref<72x128xi32, #tpu.memory_space<vmem>>, vector<1x16xi32>,
        %get3A_609 = vector.shape_cast %get3A_608 : vector<1x16xi32> to vector<16xi32>
        %and3A_610 = arith.constant 65535 : i32
        %and3A_611 = vector.broadcast %and3A_610 : i32 to vector<16xi32>
        %and3A_612 = arith.andi %get3A_609, %and3A_611 : vector<16xi32>
        %swap3A_613 = arith.constant 0 : i32
        %swap3A_614 = arith.index_cast %swap3A_613 : i32 to index
        %swap3A_615 = arith.constant 96 : index
        %swap3A_616 = tpu.vector_load %arg7[%swap3A_614, %swap3A_615] {strides = array<i32>} : memref<2x128xi32, #tpu.memory_space<vmem>>, vector<1x16xi32>,
        %swap3A_617 = vector.shape_cast %swap3A_616 : vector<1x16xi32> to vector<16xi32>
        %swap3A_618 = vector.shape_cast %and3A_612 : vector<16xi32> to vector<1x16xi32>
        tpu.vector_store %arg7[%swap3A_614, %swap3A_615], %swap3A_618 {strides = array<i32>} : memref<2x128xi32, #tpu.memory_space<vmem>>, vector<1x16xi32>,
        %shift_right_logical3A_619 = arith.constant 16 : i32
        %shift_right_logical3A_620 = vector.broadcast %shift_right_logical3A_619 : i32 to vector<16xi32>
        %shift_right_logical3A_621 = arith.shrui %get3A_609, %shift_right_logical3A_620 : vector<16xi32>
        %swap3A_622 = arith.constant 0 : i32
        %swap3A_623 = arith.index_cast %swap3A_622 : i32 to index
        %swap3A_624 = arith.constant 96 : index
        %swap3A_625 = tpu.vector_load %arg8[%swap3A_623, %swap3A_624] {strides = array<i32>} : memref<2x128xi32, #tpu.memory_space<vmem>>, vector<1x16xi32>,
        %swap3A_626 = vector.shape_cast %swap3A_625 : vector<1x16xi32> to vector<16xi32>
        %swap3A_627 = vector.shape_cast %shift_right_logical3A_621 : vector<16xi32> to vector<1x16xi32>
        tpu.vector_store %arg8[%swap3A_623, %swap3A_624], %swap3A_627 {strides = array<i32>} : memref<2x128xi32, #tpu.memory_space<vmem>>, vector<1x16xi32>,
        %get3A_628 = arith.index_cast %add3A_473 : i32 to index
        %get3A_629 = arith.constant 112 : index
        %get3A_630 = tpu.vector_load %arg6[%get3A_628, %get3A_629] {strides = array<i32>} : memref<72x128xi32, #tpu.memory_space<vmem>>, vector<1x16xi32>,
        %get3A_631 = vector.shape_cast %get3A_630 : vector<1x16xi32> to vector<16xi32>
        %and3A_632 = arith.constant 65535 : i32
        %and3A_633 = vector.broadcast %and3A_632 : i32 to vector<16xi32>
        %and3A_634 = arith.andi %get3A_631, %and3A_633 : vector<16xi32>
        %swap3A_635 = arith.constant 0 : i32
        %swap3A_636 = arith.index_cast %swap3A_635 : i32 to index
        %swap3A_637 = arith.constant 112 : index
        %swap3A_638 = tpu.vector_load %arg7[%swap3A_636, %swap3A_637] {strides = array<i32>} : memref<2x128xi32, #tpu.memory_space<vmem>>, vector<1x16xi32>,
        %swap3A_639 = vector.shape_cast %swap3A_638 : vector<1x16xi32> to vector<16xi32>
        %swap3A_640 = vector.shape_cast %and3A_634 : vector<16xi32> to vector<1x16xi32>
        tpu.vector_store %arg7[%swap3A_636, %swap3A_637], %swap3A_640 {strides = array<i32>} : memref<2x128xi32, #tpu.memory_space<vmem>>, vector<1x16xi32>,
        %shift_right_logical3A_641 = arith.constant 16 : i32
        %shift_right_logical3A_642 = vector.broadcast %shift_right_logical3A_641 : i32 to vector<16xi32>
        %shift_right_logical3A_643 = arith.shrui %get3A_631, %shift_right_logical3A_642 : vector<16xi32>
        %swap3A_644 = arith.constant 0 : i32
        %swap3A_645 = arith.index_cast %swap3A_644 : i32 to index
        %swap3A_646 = arith.constant 112 : index
        %swap3A_647 = tpu.vector_load %arg8[%swap3A_645, %swap3A_646] {strides = array<i32>} : memref<2x128xi32, #tpu.memory_space<vmem>>, vector<1x16xi32>,
        %swap3A_648 = vector.shape_cast %swap3A_647 : vector<1x16xi32> to vector<16xi32>
        %swap3A_649 = vector.shape_cast %shift_right_logical3A_643 : vector<16xi32> to vector<1x16xi32>
        tpu.vector_store %arg8[%swap3A_645, %swap3A_646], %swap3A_649 {strides = array<i32>} : memref<2x128xi32, #tpu.memory_space<vmem>>, vector<1x16xi32>,
        %dma_start3A_650 = arith.constant 0 : i32
        %dma_start3A_651 = arith.constant 0 : i32
        %dma_start3A_652 = arith.constant 0 : i32
        %dma_start3A_653 = arith.constant 0 : i32
        %dma_start3A_654 = arith.constant 0 : i32
        %dma_start3A_655 = tpu.memref_slice %arg9[%dma_start3A_651, %dma_start3A_653, %dma_start3A_654] : memref<2x128x128xf32, #tpu.memory_space<vmem>> -> memref<1x128x128xf32, #tpu.memory_space<vmem>>
        %dma_start3A_656 = tpu.memref_squeeze %dma_start3A_655 : memref<1x128x128xf32, #tpu.memory_space<vmem>> -> memref<128x128xf32, #tpu.memory_space<vmem>>
        %dma_start3A_657 = arith.constant 0 : i32
        %dma_start3A_658 = tpu.memref_slice %arg7[%dma_start3A_650, %dma_start3A_657] : memref<2x128xi32, #tpu.memory_space<vmem>> -> memref<1x128xi32, #tpu.memory_space<vmem>>
        %dma_start3A_659 = tpu.memref_squeeze %dma_start3A_658 : memref<1x128xi32, #tpu.memory_space<vmem>> -> memref<128xi32, #tpu.memory_space<vmem>>
        %dma_start3A_660 = arith.constant 0 : i32
        %dma_start3A_661 = arith.constant 0 : i32
        %dma_start3A_662 = tpu.memref_slice %arg2[%dma_start3A_660, %dma_start3A_661] : memref<10000x128xf32, #tpu.memory_space<hbm>> -> memref<10000x128xf32, #tpu.memory_space<hbm>>
        %dma_start3A_663 = tpu.memref_slice %arg11[%dma_start3A_652] : memref<2x!tpu.dma_semaphore, #tpu.memory_space<semaphore_mem>> -> memref<1x!tpu.dma_semaphore, #tpu.memory_space<semaphore_mem>>
        %dma_start3A_664 = tpu.memref_squeeze %dma_start3A_663 : memref<1x!tpu.dma_semaphore, #tpu.memory_space<semaphore_mem>> -> memref<!tpu.dma_semaphore, #tpu.memory_space<semaphore_mem>>
        tpu.enqueue_indirect_dma source(%dma_start3A_662 : memref<10000x128xf32, #tpu.memory_space<hbm>>) target(%dma_start3A_656 : memref<128x128xf32, #tpu.memory_space<vmem>>) offsets(%dma_start3A_659 : memref<128xi32, #tpu.memory_space<vmem>>) semaphore(%dma_start3A_664 : memref<!tpu.dma_semaphore, #tpu.memory_space<semaphore_mem>>)
      } else {
      }
      %dma_wait3A_445 = arith.constant 1 : i32
      %dma_wait3A_446 = arith.constant 1 : i32
      %dma_wait3A_447 = arith.constant 1 : i32
      %dma_wait3A_448 = arith.constant 0 : i32
      %dma_wait3A_449 = arith.constant 0 : i32
      %dma_wait3A_450 = tpu.memref_slice %arg9[%dma_wait3A_446, %dma_wait3A_448, %dma_wait3A_449] : memref<2x128x128xf32, #tpu.memory_space<vmem>> -> memref<1x128x128xf32, #tpu.memory_space<vmem>>
      %dma_wait3A_451 = tpu.memref_squeeze %dma_wait3A_450 : memref<1x128x128xf32, #tpu.memory_space<vmem>> -> memref<128x128xf32, #tpu.memory_space<vmem>>
      %dma_wait3A_452 = arith.constant 0 : i32
      %dma_wait3A_453 = tpu.memref_slice %arg7[%dma_wait3A_445, %dma_wait3A_452] : memref<2x128xi32, #tpu.memory_space<vmem>> -> memref<1x128xi32, #tpu.memory_space<vmem>>
      %dma_wait3A_454 = tpu.memref_squeeze %dma_wait3A_453 : memref<1x128xi32, #tpu.memory_space<vmem>> -> memref<128xi32, #tpu.memory_space<vmem>>
      %dma_wait3A_455 = arith.constant 0 : i32
      %dma_wait3A_456 = arith.constant 0 : i32
      %dma_wait3A_457 = tpu.memref_slice %arg2[%dma_wait3A_455, %dma_wait3A_456] : memref<10000x128xf32, #tpu.memory_space<hbm>> -> memref<10000x128xf32, #tpu.memory_space<hbm>>
      %dma_wait3A_458 = tpu.memref_slice %arg11[%dma_wait3A_447] : memref<2x!tpu.dma_semaphore, #tpu.memory_space<semaphore_mem>> -> memref<1x!tpu.dma_semaphore, #tpu.memory_space<semaphore_mem>>
      %dma_wait3A_459 = tpu.memref_squeeze %dma_wait3A_458 : memref<1x!tpu.dma_semaphore, #tpu.memory_space<semaphore_mem>> -> memref<!tpu.dma_semaphore, #tpu.memory_space<semaphore_mem>>
      tpu.wait_indirect_dma semaphore(%dma_wait3A_459 : memref<!tpu.dma_semaphore, #tpu.memory_space<semaphore_mem>>) src(%dma_wait3A_457 : memref<10000x128xf32, #tpu.memory_space<hbm>>) dst(%dma_wait3A_451 : memref<128x128xf32, #tpu.memory_space<vmem>>)
      %run_scoped3A_460 = arith.constant 1 : i32
      %run_scoped3A_461 = arith.constant 1 : i32
      "tpu.region"() ({
        %run_scoped3A_470 = tpu.sem_alloc : memref<!tpu.dma_semaphore, #tpu.memory_space<semaphore_mem>>
        %dma_start3A_471 = arith.constant 0 : i32
        %dma_start3A_472 = arith.constant 0 : i32
        %dma_start3A_473 = tpu.memref_slice %arg9[%run_scoped3A_460, %dma_start3A_471, %dma_start3A_472] : memref<2x128x128xf32, #tpu.memory_space<vmem>> -> memref<1x128x128xf32, #tpu.memory_space<vmem>>
        %dma_start3A_474 = tpu.memref_squeeze %dma_start3A_473 : memref<1x128x128xf32, #tpu.memory_space<vmem>> -> memref<128x128xf32, #tpu.memory_space<vmem>>
        %dma_start3A_475 = arith.constant 0 : i32
        %dma_start3A_476 = tpu.memref_slice %arg8[%run_scoped3A_461, %dma_start3A_475] : memref<2x128xi32, #tpu.memory_space<vmem>> -> memref<1x128xi32, #tpu.memory_space<vmem>>
        %dma_start3A_477 = tpu.memref_squeeze %dma_start3A_476 : memref<1x128xi32, #tpu.memory_space<vmem>> -> memref<128xi32, #tpu.memory_space<vmem>>
        %dma_start3A_478 = arith.constant 0 : i32
        %dma_start3A_479 = arith.constant 0 : i32
        %dma_start3A_480 = tpu.memref_slice %arg10[%dma_start3A_478, %dma_start3A_479] : memref<10112x128xf32, #tpu.memory_space<vmem_shared>> -> memref<10112x128xf32, #tpu.memory_space<vmem_shared>>
        tpu.enqueue_indirect_dma source(%dma_start3A_474 : memref<128x128xf32, #tpu.memory_space<vmem>>) target(%dma_start3A_480 : memref<10112x128xf32, #tpu.memory_space<vmem_shared>>) offsets(%dma_start3A_477 : memref<128xi32, #tpu.memory_space<vmem>>) semaphore(%run_scoped3A_470 : memref<!tpu.dma_semaphore, #tpu.memory_space<semaphore_mem>>) {add = true}
        %dma_wait3A_481 = arith.constant 0 : i32
        %dma_wait3A_482 = arith.constant 0 : i32
        %dma_wait3A_483 = tpu.memref_slice %arg9[%run_scoped3A_460, %dma_wait3A_481, %dma_wait3A_482] : memref<2x128x128xf32, #tpu.memory_space<vmem>> -> memref<1x128x128xf32, #tpu.memory_space<vmem>>
        %dma_wait3A_484 = tpu.memref_squeeze %dma_wait3A_483 : memref<1x128x128xf32, #tpu.memory_space<vmem>> -> memref<128x128xf32, #tpu.memory_space<vmem>>
        %dma_wait3A_485 = arith.constant 0 : i32
        %dma_wait3A_486 = tpu.memref_slice %arg8[%run_scoped3A_461, %dma_wait3A_485] : memref<2x128xi32, #tpu.memory_space<vmem>> -> memref<1x128xi32, #tpu.memory_space<vmem>>
        %dma_wait3A_487 = tpu.memref_squeeze %dma_wait3A_486 : memref<1x128xi32, #tpu.memory_space<vmem>> -> memref<128xi32, #tpu.memory_space<vmem>>
        %dma_wait3A_488 = arith.constant 0 : i32
        %dma_wait3A_489 = arith.constant 0 : i32
        %dma_wait3A_490 = tpu.memref_slice %arg10[%dma_wait3A_488, %dma_wait3A_489] : memref<10112x128xf32, #tpu.memory_space<vmem_shared>> -> memref<10112x128xf32, #tpu.memory_space<vmem_shared>>
        tpu.wait_indirect_dma semaphore(%run_scoped3A_470 : memref<!tpu.dma_semaphore, #tpu.memory_space<semaphore_mem>>) src(%dma_wait3A_484 : memref<128x128xf32, #tpu.memory_space<vmem>>) dst(%dma_wait3A_490 : memref<10112x128xf32, #tpu.memory_space<vmem_shared>>)
        tpu.yield
      }) : () -> ()
      %add3A_462 = arith.constant 1 : i32
      %add3A_463 = arith.addi %add3A_424, %add3A_462 : i32
      %add3A_464 = arith.constant 2 : i32
      %add3A_465 = arith.addi %add3A_463, %add3A_464 : i32
      %lt3A_466 = arith.cmpi slt, %add3A_465, %select_n3A_3 : i32
      %convert_element_type3A_467 = arith.extui %lt3A_466 : i1 to i32
      %cond3A_468 = arith.constant 0 : i32
      %cond3A_469 = arith.cmpi ne, %convert_element_type3A_467, %cond3A_468 : i32
      scf.if %cond3A_469 {
        %add3A_470 = arith.constant 1 : i32
        %add3A_471 = arith.addi %add3A_424, %add3A_470 : i32
        %add3A_472 = arith.constant 2 : i32
        %add3A_473 = arith.addi %add3A_471, %add3A_472 : i32
        %get3A_474 = arith.index_cast %add3A_473 : i32 to index
        %get3A_475 = arith.constant 0 : index
        %get3A_476 = tpu.vector_load %arg6[%get3A_474, %get3A_475] {strides = array<i32>} : memref<72x128xi32, #tpu.memory_space<vmem>>, vector<1x16xi32>,
        %get3A_477 = vector.shape_cast %get3A_476 : vector<1x16xi32> to vector<16xi32>
        %and3A_478 = arith.constant 65535 : i32
        %and3A_479 = vector.broadcast %and3A_478 : i32 to vector<16xi32>
        %and3A_480 = arith.andi %get3A_477, %and3A_479 : vector<16xi32>
        %swap3A_481 = arith.constant 1 : i32
        %swap3A_482 = arith.index_cast %swap3A_481 : i32 to index
        %swap3A_483 = arith.constant 0 : index
        %swap3A_484 = tpu.vector_load %arg7[%swap3A_482, %swap3A_483] {strides = array<i32>} : memref<2x128xi32, #tpu.memory_space<vmem>>, vector<1x16xi32>,
        %swap3A_485 = vector.shape_cast %swap3A_484 : vector<1x16xi32> to vector<16xi32>
        %swap3A_486 = vector.shape_cast %and3A_480 : vector<16xi32> to vector<1x16xi32>
        tpu.vector_store %arg7[%swap3A_482, %swap3A_483], %swap3A_486 {strides = array<i32>} : memref<2x128xi32, #tpu.memory_space<vmem>>, vector<1x16xi32>,
        %shift_right_logical3A_487 = arith.constant 16 : i32
        %shift_right_logical3A_488 = vector.broadcast %shift_right_logical3A_487 : i32 to vector<16xi32>
        %shift_right_logical3A_489 = arith.shrui %get3A_477, %shift_right_logical3A_488 : vector<16xi32>
        %swap3A_490 = arith.constant 1 : i32
        %swap3A_491 = arith.index_cast %swap3A_490 : i32 to index
        %swap3A_492 = arith.constant 0 : index
        %swap3A_493 = tpu.vector_load %arg8[%swap3A_491, %swap3A_492] {strides = array<i32>} : memref<2x128xi32, #tpu.memory_space<vmem>>, vector<1x16xi32>,
        %swap3A_494 = vector.shape_cast %swap3A_493 : vector<1x16xi32> to vector<16xi32>
        %swap3A_495 = vector.shape_cast %shift_right_logical3A_489 : vector<16xi32> to vector<1x16xi32>
        tpu.vector_store %arg8[%swap3A_491, %swap3A_492], %swap3A_495 {strides = array<i32>} : memref<2x128xi32, #tpu.memory_space<vmem>>, vector<1x16xi32>,
        %get3A_496 = arith.index_cast %add3A_473 : i32 to index
        %get3A_497 = arith.constant 16 : index
        %get3A_498 = tpu.vector_load %arg6[%get3A_496, %get3A_497] {strides = array<i32>} : memref<72x128xi32, #tpu.memory_space<vmem>>, vector<1x16xi32>,
        %get3A_499 = vector.shape_cast %get3A_498 : vector<1x16xi32> to vector<16xi32>
        %and3A_500 = arith.constant 65535 : i32
        %and3A_501 = vector.broadcast %and3A_500 : i32 to vector<16xi32>
        %and3A_502 = arith.andi %get3A_499, %and3A_501 : vector<16xi32>
        %swap3A_503 = arith.constant 1 : i32
        %swap3A_504 = arith.index_cast %swap3A_503 : i32 to index
        %swap3A_505 = arith.constant 16 : index
        %swap3A_506 = tpu.vector_load %arg7[%swap3A_504, %swap3A_505] {strides = array<i32>} : memref<2x128xi32, #tpu.memory_space<vmem>>, vector<1x16xi32>,
        %swap3A_507 = vector.shape_cast %swap3A_506 : vector<1x16xi32> to vector<16xi32>
        %swap3A_508 = vector.shape_cast %and3A_502 : vector<16xi32> to vector<1x16xi32>
        tpu.vector_store %arg7[%swap3A_504, %swap3A_505], %swap3A_508 {strides = array<i32>} : memref<2x128xi32, #tpu.memory_space<vmem>>, vector<1x16xi32>,
        %shift_right_logical3A_509 = arith.constant 16 : i32
        %shift_right_logical3A_510 = vector.broadcast %shift_right_logical3A_509 : i32 to vector<16xi32>
        %shift_right_logical3A_511 = arith.shrui %get3A_499, %shift_right_logical3A_510 : vector<16xi32>
        %swap3A_512 = arith.constant 1 : i32
        %swap3A_513 = arith.index_cast %swap3A_512 : i32 to index
        %swap3A_514 = arith.constant 16 : index
        %swap3A_515 = tpu.vector_load %arg8[%swap3A_513, %swap3A_514] {strides = array<i32>} : memref<2x128xi32, #tpu.memory_space<vmem>>, vector<1x16xi32>,
        %swap3A_516 = vector.shape_cast %swap3A_515 : vector<1x16xi32> to vector<16xi32>
        %swap3A_517 = vector.shape_cast %shift_right_logical3A_511 : vector<16xi32> to vector<1x16xi32>
        tpu.vector_store %arg8[%swap3A_513, %swap3A_514], %swap3A_517 {strides = array<i32>} : memref<2x128xi32, #tpu.memory_space<vmem>>, vector<1x16xi32>,
        %get3A_518 = arith.index_cast %add3A_473 : i32 to index
        %get3A_519 = arith.constant 32 : index
        %get3A_520 = tpu.vector_load %arg6[%get3A_518, %get3A_519] {strides = array<i32>} : memref<72x128xi32, #tpu.memory_space<vmem>>, vector<1x16xi32>,
        %get3A_521 = vector.shape_cast %get3A_520 : vector<1x16xi32> to vector<16xi32>
        %and3A_522 = arith.constant 65535 : i32
        %and3A_523 = vector.broadcast %and3A_522 : i32 to vector<16xi32>
        %and3A_524 = arith.andi %get3A_521, %and3A_523 : vector<16xi32>
        %swap3A_525 = arith.constant 1 : i32
        %swap3A_526 = arith.index_cast %swap3A_525 : i32 to index
        %swap3A_527 = arith.constant 32 : index
        %swap3A_528 = tpu.vector_load %arg7[%swap3A_526, %swap3A_527] {strides = array<i32>} : memref<2x128xi32, #tpu.memory_space<vmem>>, vector<1x16xi32>,
        %swap3A_529 = vector.shape_cast %swap3A_528 : vector<1x16xi32> to vector<16xi32>
        %swap3A_530 = vector.shape_cast %and3A_524 : vector<16xi32> to vector<1x16xi32>
        tpu.vector_store %arg7[%swap3A_526, %swap3A_527], %swap3A_530 {strides = array<i32>} : memref<2x128xi32, #tpu.memory_space<vmem>>, vector<1x16xi32>,
        %shift_right_logical3A_531 = arith.constant 16 : i32
        %shift_right_logical3A_532 = vector.broadcast %shift_right_logical3A_531 : i32 to vector<16xi32>
        %shift_right_logical3A_533 = arith.shrui %get3A_521, %shift_right_logical3A_532 : vector<16xi32>
        %swap3A_534 = arith.constant 1 : i32
        %swap3A_535 = arith.index_cast %swap3A_534 : i32 to index
        %swap3A_536 = arith.constant 32 : index
        %swap3A_537 = tpu.vector_load %arg8[%swap3A_535, %swap3A_536] {strides = array<i32>} : memref<2x128xi32, #tpu.memory_space<vmem>>, vector<1x16xi32>,
        %swap3A_538 = vector.shape_cast %swap3A_537 : vector<1x16xi32> to vector<16xi32>
        %swap3A_539 = vector.shape_cast %shift_right_logical3A_533 : vector<16xi32> to vector<1x16xi32>
        tpu.vector_store %arg8[%swap3A_535, %swap3A_536], %swap3A_539 {strides = array<i32>} : memref<2x128xi32, #tpu.memory_space<vmem>>, vector<1x16xi32>,
        %get3A_540 = arith.index_cast %add3A_473 : i32 to index
        %get3A_541 = arith.constant 48 : index
        %get3A_542 = tpu.vector_load %arg6[%get3A_540, %get3A_541] {strides = array<i32>} : memref<72x128xi32, #tpu.memory_space<vmem>>, vector<1x16xi32>,
        %get3A_543 = vector.shape_cast %get3A_542 : vector<1x16xi32> to vector<16xi32>
        %and3A_544 = arith.constant 65535 : i32
        %and3A_545 = vector.broadcast %and3A_544 : i32 to vector<16xi32>
        %and3A_546 = arith.andi %get3A_543, %and3A_545 : vector<16xi32>
        %swap3A_547 = arith.constant 1 : i32
        %swap3A_548 = arith.index_cast %swap3A_547 : i32 to index
        %swap3A_549 = arith.constant 48 : index
        %swap3A_550 = tpu.vector_load %arg7[%swap3A_548, %swap3A_549] {strides = array<i32>} : memref<2x128xi32, #tpu.memory_space<vmem>>, vector<1x16xi32>,
        %swap3A_551 = vector.shape_cast %swap3A_550 : vector<1x16xi32> to vector<16xi32>
        %swap3A_552 = vector.shape_cast %and3A_546 : vector<16xi32> to vector<1x16xi32>
        tpu.vector_store %arg7[%swap3A_548, %swap3A_549], %swap3A_552 {strides = array<i32>} : memref<2x128xi32, #tpu.memory_space<vmem>>, vector<1x16xi32>,
        %shift_right_logical3A_553 = arith.constant 16 : i32
        %shift_right_logical3A_554 = vector.broadcast %shift_right_logical3A_553 : i32 to vector<16xi32>
        %shift_right_logical3A_555 = arith.shrui %get3A_543, %shift_right_logical3A_554 : vector<16xi32>
        %swap3A_556 = arith.constant 1 : i32
        %swap3A_557 = arith.index_cast %swap3A_556 : i32 to index
        %swap3A_558 = arith.constant 48 : index
        %swap3A_559 = tpu.vector_load %arg8[%swap3A_557, %swap3A_558] {strides = array<i32>} : memref<2x128xi32, #tpu.memory_space<vmem>>, vector<1x16xi32>,
        %swap3A_560 = vector.shape_cast %swap3A_559 : vector<1x16xi32> to vector<16xi32>
        %swap3A_561 = vector.shape_cast %shift_right_logical3A_555 : vector<16xi32> to vector<1x16xi32>
        tpu.vector_store %arg8[%swap3A_557, %swap3A_558], %swap3A_561 {strides = array<i32>} : memref<2x128xi32, #tpu.memory_space<vmem>>, vector<1x16xi32>,
        %get3A_562 = arith.index_cast %add3A_473 : i32 to index
        %get3A_563 = arith.constant 64 : index
        %get3A_564 = tpu.vector_load %arg6[%get3A_562, %get3A_563] {strides = array<i32>} : memref<72x128xi32, #tpu.memory_space<vmem>>, vector<1x16xi32>,
        %get3A_565 = vector.shape_cast %get3A_564 : vector<1x16xi32> to vector<16xi32>
        %and3A_566 = arith.constant 65535 : i32
        %and3A_567 = vector.broadcast %and3A_566 : i32 to vector<16xi32>
        %and3A_568 = arith.andi %get3A_565, %and3A_567 : vector<16xi32>
        %swap3A_569 = arith.constant 1 : i32
        %swap3A_570 = arith.index_cast %swap3A_569 : i32 to index
        %swap3A_571 = arith.constant 64 : index
        %swap3A_572 = tpu.vector_load %arg7[%swap3A_570, %swap3A_571] {strides = array<i32>} : memref<2x128xi32, #tpu.memory_space<vmem>>, vector<1x16xi32>,
        %swap3A_573 = vector.shape_cast %swap3A_572 : vector<1x16xi32> to vector<16xi32>
        %swap3A_574 = vector.shape_cast %and3A_568 : vector<16xi32> to vector<1x16xi32>
        tpu.vector_store %arg7[%swap3A_570, %swap3A_571], %swap3A_574 {strides = array<i32>} : memref<2x128xi32, #tpu.memory_space<vmem>>, vector<1x16xi32>,
        %shift_right_logical3A_575 = arith.constant 16 : i32
        %shift_right_logical3A_576 = vector.broadcast %shift_right_logical3A_575 : i32 to vector<16xi32>
        %shift_right_logical3A_577 = arith.shrui %get3A_565, %shift_right_logical3A_576 : vector<16xi32>
        %swap3A_578 = arith.constant 1 : i32
        %swap3A_579 = arith.index_cast %swap3A_578 : i32 to index
        %swap3A_580 = arith.constant 64 : index
        %swap3A_581 = tpu.vector_load %arg8[%swap3A_579, %swap3A_580] {strides = array<i32>} : memref<2x128xi32, #tpu.memory_space<vmem>>, vector<1x16xi32>,
        %swap3A_582 = vector.shape_cast %swap3A_581 : vector<1x16xi32> to vector<16xi32>
        %swap3A_583 = vector.shape_cast %shift_right_logical3A_577 : vector<16xi32> to vector<1x16xi32>
        tpu.vector_store %arg8[%swap3A_579, %swap3A_580], %swap3A_583 {strides = array<i32>} : memref<2x128xi32, #tpu.memory_space<vmem>>, vector<1x16xi32>,
        %get3A_584 = arith.index_cast %add3A_473 : i32 to index
        %get3A_585 = arith.constant 80 : index
        %get3A_586 = tpu.vector_load %arg6[%get3A_584, %get3A_585] {strides = array<i32>} : memref<72x128xi32, #tpu.memory_space<vmem>>, vector<1x16xi32>,
        %get3A_587 = vector.shape_cast %get3A_586 : vector<1x16xi32> to vector<16xi32>
        %and3A_588 = arith.constant 65535 : i32
        %and3A_589 = vector.broadcast %and3A_588 : i32 to vector<16xi32>
        %and3A_590 = arith.andi %get3A_587, %and3A_589 : vector<16xi32>
        %swap3A_591 = arith.constant 1 : i32
        %swap3A_592 = arith.index_cast %swap3A_591 : i32 to index
        %swap3A_593 = arith.constant 80 : index
        %swap3A_594 = tpu.vector_load %arg7[%swap3A_592, %swap3A_593] {strides = array<i32>} : memref<2x128xi32, #tpu.memory_space<vmem>>, vector<1x16xi32>,
        %swap3A_595 = vector.shape_cast %swap3A_594 : vector<1x16xi32> to vector<16xi32>
        %swap3A_596 = vector.shape_cast %and3A_590 : vector<16xi32> to vector<1x16xi32>
        tpu.vector_store %arg7[%swap3A_592, %swap3A_593], %swap3A_596 {strides = array<i32>} : memref<2x128xi32, #tpu.memory_space<vmem>>, vector<1x16xi32>,
        %shift_right_logical3A_597 = arith.constant 16 : i32
        %shift_right_logical3A_598 = vector.broadcast %shift_right_logical3A_597 : i32 to vector<16xi32>
        %shift_right_logical3A_599 = arith.shrui %get3A_587, %shift_right_logical3A_598 : vector<16xi32>
        %swap3A_600 = arith.constant 1 : i32
        %swap3A_601 = arith.index_cast %swap3A_600 : i32 to index
        %swap3A_602 = arith.constant 80 : index
        %swap3A_603 = tpu.vector_load %arg8[%swap3A_601, %swap3A_602] {strides = array<i32>} : memref<2x128xi32, #tpu.memory_space<vmem>>, vector<1x16xi32>,
        %swap3A_604 = vector.shape_cast %swap3A_603 : vector<1x16xi32> to vector<16xi32>
        %swap3A_605 = vector.shape_cast %shift_right_logical3A_599 : vector<16xi32> to vector<1x16xi32>
        tpu.vector_store %arg8[%swap3A_601, %swap3A_602], %swap3A_605 {strides = array<i32>} : memref<2x128xi32, #tpu.memory_space<vmem>>, vector<1x16xi32>,
        %get3A_606 = arith.index_cast %add3A_473 : i32 to index
        %get3A_607 = arith.constant 96 : index
        %get3A_608 = tpu.vector_load %arg6[%get3A_606, %get3A_607] {strides = array<i32>} : memref<72x128xi32, #tpu.memory_space<vmem>>, vector<1x16xi32>,
        %get3A_609 = vector.shape_cast %get3A_608 : vector<1x16xi32> to vector<16xi32>
        %and3A_610 = arith.constant 65535 : i32
        %and3A_611 = vector.broadcast %and3A_610 : i32 to vector<16xi32>
        %and3A_612 = arith.andi %get3A_609, %and3A_611 : vector<16xi32>
        %swap3A_613 = arith.constant 1 : i32
        %swap3A_614 = arith.index_cast %swap3A_613 : i32 to index
        %swap3A_615 = arith.constant 96 : index
        %swap3A_616 = tpu.vector_load %arg7[%swap3A_614, %swap3A_615] {strides = array<i32>} : memref<2x128xi32, #tpu.memory_space<vmem>>, vector<1x16xi32>,
        %swap3A_617 = vector.shape_cast %swap3A_616 : vector<1x16xi32> to vector<16xi32>
        %swap3A_618 = vector.shape_cast %and3A_612 : vector<16xi32> to vector<1x16xi32>
        tpu.vector_store %arg7[%swap3A_614, %swap3A_615], %swap3A_618 {strides = array<i32>} : memref<2x128xi32, #tpu.memory_space<vmem>>, vector<1x16xi32>,
        %shift_right_logical3A_619 = arith.constant 16 : i32
        %shift_right_logical3A_620 = vector.broadcast %shift_right_logical3A_619 : i32 to vector<16xi32>
        %shift_right_logical3A_621 = arith.shrui %get3A_609, %shift_right_logical3A_620 : vector<16xi32>
        %swap3A_622 = arith.constant 1 : i32
        %swap3A_623 = arith.index_cast %swap3A_622 : i32 to index
        %swap3A_624 = arith.constant 96 : index
        %swap3A_625 = tpu.vector_load %arg8[%swap3A_623, %swap3A_624] {strides = array<i32>} : memref<2x128xi32, #tpu.memory_space<vmem>>, vector<1x16xi32>,
        %swap3A_626 = vector.shape_cast %swap3A_625 : vector<1x16xi32> to vector<16xi32>
        %swap3A_627 = vector.shape_cast %shift_right_logical3A_621 : vector<16xi32> to vector<1x16xi32>
        tpu.vector_store %arg8[%swap3A_623, %swap3A_624], %swap3A_627 {strides = array<i32>} : memref<2x128xi32, #tpu.memory_space<vmem>>, vector<1x16xi32>,
        %get3A_628 = arith.index_cast %add3A_473 : i32 to index
        %get3A_629 = arith.constant 112 : index
        %get3A_630 = tpu.vector_load %arg6[%get3A_628, %get3A_629] {strides = array<i32>} : memref<72x128xi32, #tpu.memory_space<vmem>>, vector<1x16xi32>,
        %get3A_631 = vector.shape_cast %get3A_630 : vector<1x16xi32> to vector<16xi32>
        %and3A_632 = arith.constant 65535 : i32
        %and3A_633 = vector.broadcast %and3A_632 : i32 to vector<16xi32>
        %and3A_634 = arith.andi %get3A_631, %and3A_633 : vector<16xi32>
        %swap3A_635 = arith.constant 1 : i32
        %swap3A_636 = arith.index_cast %swap3A_635 : i32 to index
        %swap3A_637 = arith.constant 112 : index
        %swap3A_638 = tpu.vector_load %arg7[%swap3A_636, %swap3A_637] {strides = array<i32>} : memref<2x128xi32, #tpu.memory_space<vmem>>, vector<1x16xi32>,
        %swap3A_639 = vector.shape_cast %swap3A_638 : vector<1x16xi32> to vector<16xi32>
        %swap3A_640 = vector.shape_cast %and3A_634 : vector<16xi32> to vector<1x16xi32>
        tpu.vector_store %arg7[%swap3A_636, %swap3A_637], %swap3A_640 {strides = array<i32>} : memref<2x128xi32, #tpu.memory_space<vmem>>, vector<1x16xi32>,
        %shift_right_logical3A_641 = arith.constant 16 : i32
        %shift_right_logical3A_642 = vector.broadcast %shift_right_logical3A_641 : i32 to vector<16xi32>
        %shift_right_logical3A_643 = arith.shrui %get3A_631, %shift_right_logical3A_642 : vector<16xi32>
        %swap3A_644 = arith.constant 1 : i32
        %swap3A_645 = arith.index_cast %swap3A_644 : i32 to index
        %swap3A_646 = arith.constant 112 : index
        %swap3A_647 = tpu.vector_load %arg8[%swap3A_645, %swap3A_646] {strides = array<i32>} : memref<2x128xi32, #tpu.memory_space<vmem>>, vector<1x16xi32>,
        %swap3A_648 = vector.shape_cast %swap3A_647 : vector<1x16xi32> to vector<16xi32>
        %swap3A_649 = vector.shape_cast %shift_right_logical3A_643 : vector<16xi32> to vector<1x16xi32>
        tpu.vector_store %arg8[%swap3A_645, %swap3A_646], %swap3A_649 {strides = array<i32>} : memref<2x128xi32, #tpu.memory_space<vmem>>, vector<1x16xi32>,
        %dma_start3A_650 = arith.constant 1 : i32
        %dma_start3A_651 = arith.constant 1 : i32
        %dma_start3A_652 = arith.constant 1 : i32
        %dma_start3A_653 = arith.constant 0 : i32
        %dma_start3A_654 = arith.constant 0 : i32
        %dma_start3A_655 = tpu.memref_slice %arg9[%dma_start3A_651, %dma_start3A_653, %dma_start3A_654] : memref<2x128x128xf32, #tpu.memory_space<vmem>> -> memref<1x128x128xf32, #tpu.memory_space<vmem>>
        %dma_start3A_656 = tpu.memref_squeeze %dma_start3A_655 : memref<1x128x128xf32, #tpu.memory_space<vmem>> -> memref<128x128xf32, #tpu.memory_space<vmem>>
        %dma_start3A_657 = arith.constant 0 : i32
        %dma_start3A_658 = tpu.memref_slice %arg7[%dma_start3A_650, %dma_start3A_657] : memref<2x128xi32, #tpu.memory_space<vmem>> -> memref<1x128xi32, #tpu.memory_space<vmem>>
        %dma_start3A_659 = tpu.memref_squeeze %dma_start3A_658 : memref<1x128xi32, #tpu.memory_space<vmem>> -> memref<128xi32, #tpu.memory_space<vmem>>
        %dma_start3A_660 = arith.constant 0 : i32
        %dma_start3A_661 = arith.constant 0 : i32
        %dma_start3A_662 = tpu.memref_slice %arg2[%dma_start3A_660, %dma_start3A_661] : memref<10000x128xf32, #tpu.memory_space<hbm>> -> memref<10000x128xf32, #tpu.memory_space<hbm>>
        %dma_start3A_663 = tpu.memref_slice %arg11[%dma_start3A_652] : memref<2x!tpu.dma_semaphore, #tpu.memory_space<semaphore_mem>> -> memref<1x!tpu.dma_semaphore, #tpu.memory_space<semaphore_mem>>
        %dma_start3A_664 = tpu.memref_squeeze %dma_start3A_663 : memref<1x!tpu.dma_semaphore, #tpu.memory_space<semaphore_mem>> -> memref<!tpu.dma_semaphore, #tpu.memory_space<semaphore_mem>>
        tpu.enqueue_indirect_dma source(%dma_start3A_662 : memref<10000x128xf32, #tpu.memory_space<hbm>>) target(%dma_start3A_656 : memref<128x128xf32, #tpu.memory_space<vmem>>) offsets(%dma_start3A_659 : memref<128xi32, #tpu.memory_space<vmem>>) semaphore(%dma_start3A_664 : memref<!tpu.dma_semaphore, #tpu.memory_space<semaphore_mem>>)
      } else {
      }
    }
    %while3A_416 = arith.constant 1 : i32
    scf.for %while3A_422 = %while3A_414 to %while3A_410 step %while3A_416  : i32 {
      %mul3A_423 = arith.muli %while3A_422, %while3A : i32
      %add3A_424 = arith.addi %while3A_407, %mul3A_423 : i32
      %dma_wait3A = arith.constant 0 : i32
      %dma_wait3A_425 = arith.constant 0 : i32
      %dma_wait3A_426 = arith.constant 0 : i32
      %dma_wait3A_427 = arith.constant 0 : i32
      %dma_wait3A_428 = arith.constant 0 : i32
      %dma_wait3A_429 = tpu.memref_slice %arg9[%dma_wait3A_425, %dma_wait3A_427, %dma_wait3A_428] : memref<2x128x128xf32, #tpu.memory_space<vmem>> -> memref<1x128x128xf32, #tpu.memory_space<vmem>>
      %dma_wait3A_430 = tpu.memref_squeeze %dma_wait3A_429 : memref<1x128x128xf32, #tpu.memory_space<vmem>> -> memref<128x128xf32, #tpu.memory_space<vmem>>
      %dma_wait3A_431 = arith.constant 0 : i32
      %dma_wait3A_432 = tpu.memref_slice %arg7[%dma_wait3A, %dma_wait3A_431] : memref<2x128xi32, #tpu.memory_space<vmem>> -> memref<1x128xi32, #tpu.memory_space<vmem>>
      %dma_wait3A_433 = tpu.memref_squeeze %dma_wait3A_432 : memref<1x128xi32, #tpu.memory_space<vmem>> -> memref<128xi32, #tpu.memory_space<vmem>>
      %dma_wait3A_434 = arith.constant 0 : i32
      %dma_wait3A_435 = arith.constant 0 : i32
      %dma_wait3A_436 = tpu.memref_slice %arg2[%dma_wait3A_434, %dma_wait3A_435] : memref<10000x128xf32, #tpu.memory_space<hbm>> -> memref<10000x128xf32, #tpu.memory_space<hbm>>
      %dma_wait3A_437 = tpu.memref_slice %arg11[%dma_wait3A_426] : memref<2x!tpu.dma_semaphore, #tpu.memory_space<semaphore_mem>> -> memref<1x!tpu.dma_semaphore, #tpu.memory_space<semaphore_mem>>
      %dma_wait3A_438 = tpu.memref_squeeze %dma_wait3A_437 : memref<1x!tpu.dma_semaphore, #tpu.memory_space<semaphore_mem>> -> memref<!tpu.dma_semaphore, #tpu.memory_space<semaphore_mem>>
      tpu.wait_indirect_dma semaphore(%dma_wait3A_438 : memref<!tpu.dma_semaphore, #tpu.memory_space<semaphore_mem>>) src(%dma_wait3A_436 : memref<10000x128xf32, #tpu.memory_space<hbm>>) dst(%dma_wait3A_430 : memref<128x128xf32, #tpu.memory_space<vmem>>)
      %run_scoped3A = arith.constant 0 : i32
      %run_scoped3A_439 = arith.constant 0 : i32
      "tpu.region"() ({
        %run_scoped3A_470 = tpu.sem_alloc : memref<!tpu.dma_semaphore, #tpu.memory_space<semaphore_mem>>
        %dma_start3A_471 = arith.constant 0 : i32
        %dma_start3A_472 = arith.constant 0 : i32
        %dma_start3A_473 = tpu.memref_slice %arg9[%run_scoped3A, %dma_start3A_471, %dma_start3A_472] : memref<2x128x128xf32, #tpu.memory_space<vmem>> -> memref<1x128x128xf32, #tpu.memory_space<vmem>>
        %dma_start3A_474 = tpu.memref_squeeze %dma_start3A_473 : memref<1x128x128xf32, #tpu.memory_space<vmem>> -> memref<128x128xf32, #tpu.memory_space<vmem>>
        %dma_start3A_475 = arith.constant 0 : i32
        %dma_start3A_476 = tpu.memref_slice %arg8[%run_scoped3A_439, %dma_start3A_475] : memref<2x128xi32, #tpu.memory_space<vmem>> -> memref<1x128xi32, #tpu.memory_space<vmem>>
        %dma_start3A_477 = tpu.memref_squeeze %dma_start3A_476 : memref<1x128xi32, #tpu.memory_space<vmem>> -> memref<128xi32, #tpu.memory_space<vmem>>
        %dma_start3A_478 = arith.constant 0 : i32
        %dma_start3A_479 = arith.constant 0 : i32
        %dma_start3A_480 = tpu.memref_slice %arg10[%dma_start3A_478, %dma_start3A_479] : memref<10112x128xf32, #tpu.memory_space<vmem_shared>> -> memref<10112x128xf32, #tpu.memory_space<vmem_shared>>
        tpu.enqueue_indirect_dma source(%dma_start3A_474 : memref<128x128xf32, #tpu.memory_space<vmem>>) target(%dma_start3A_480 : memref<10112x128xf32, #tpu.memory_space<vmem_shared>>) offsets(%dma_start3A_477 : memref<128xi32, #tpu.memory_space<vmem>>) semaphore(%run_scoped3A_470 : memref<!tpu.dma_semaphore, #tpu.memory_space<semaphore_mem>>) {add = true}
        %dma_wait3A_481 = arith.constant 0 : i32
        %dma_wait3A_482 = arith.constant 0 : i32
        %dma_wait3A_483 = tpu.memref_slice %arg9[%run_scoped3A, %dma_wait3A_481, %dma_wait3A_482] : memref<2x128x128xf32, #tpu.memory_space<vmem>> -> memref<1x128x128xf32, #tpu.memory_space<vmem>>
        %dma_wait3A_484 = tpu.memref_squeeze %dma_wait3A_483 : memref<1x128x128xf32, #tpu.memory_space<vmem>> -> memref<128x128xf32, #tpu.memory_space<vmem>>
        %dma_wait3A_485 = arith.constant 0 : i32
        %dma_wait3A_486 = tpu.memref_slice %arg8[%run_scoped3A_439, %dma_wait3A_485] : memref<2x128xi32, #tpu.memory_space<vmem>> -> memref<1x128xi32, #tpu.memory_space<vmem>>
        %dma_wait3A_487 = tpu.memref_squeeze %dma_wait3A_486 : memref<1x128xi32, #tpu.memory_space<vmem>> -> memref<128xi32, #tpu.memory_space<vmem>>
        %dma_wait3A_488 = arith.constant 0 : i32
        %dma_wait3A_489 = arith.constant 0 : i32
        %dma_wait3A_490 = tpu.memref_slice %arg10[%dma_wait3A_488, %dma_wait3A_489] : memref<10112x128xf32, #tpu.memory_space<vmem_shared>> -> memref<10112x128xf32, #tpu.memory_space<vmem_shared>>
        tpu.wait_indirect_dma semaphore(%run_scoped3A_470 : memref<!tpu.dma_semaphore, #tpu.memory_space<semaphore_mem>>) src(%dma_wait3A_484 : memref<128x128xf32, #tpu.memory_space<vmem>>) dst(%dma_wait3A_490 : memref<10112x128xf32, #tpu.memory_space<vmem_shared>>)
        tpu.yield
      }) : () -> ()
      %add3A_440 = arith.constant 0 : i32
      %add3A_441 = arith.addi %add3A_424, %add3A_440 : i32
      %add3A_442 = arith.constant 2 : i32
      %add3A_443 = arith.addi %add3A_441, %add3A_442 : i32
      %lt3A = arith.cmpi slt, %add3A_443, %select_n3A_3 : i32
      %convert_element_type3A = arith.extui %lt3A : i1 to i32
      %cond3A = arith.constant 0 : i32
      %cond3A_444 = arith.cmpi ne, %convert_element_type3A, %cond3A : i32
      scf.if %cond3A_444 {
        %add3A_470 = arith.constant 0 : i32
        %add3A_471 = arith.addi %add3A_424, %add3A_470 : i32
        %add3A_472 = arith.constant 2 : i32
        %add3A_473 = arith.addi %add3A_471, %add3A_472 : i32
        %get3A_474 = arith.index_cast %add3A_473 : i32 to index
        %get3A_475 = arith.constant 0 : index
        %get3A_476 = tpu.vector_load %arg6[%get3A_474, %get3A_475] {strides = array<i32>} : memref<72x128xi32, #tpu.memory_space<vmem>>, vector<1x16xi32>,
        %get3A_477 = vector.shape_cast %get3A_476 : vector<1x16xi32> to vector<16xi32>
        %and3A_478 = arith.constant 65535 : i32
        %and3A_479 = vector.broadcast %and3A_478 : i32 to vector<16xi32>
        %and3A_480 = arith.andi %get3A_477, %and3A_479 : vector<16xi32>
        %swap3A_481 = arith.constant 0 : i32
        %swap3A_482 = arith.index_cast %swap3A_481 : i32 to index
        %swap3A_483 = arith.constant 0 : index
        %swap3A_484 = tpu.vector_load %arg7[%swap3A_482, %swap3A_483] {strides = array<i32>} : memref<2x128xi32, #tpu.memory_space<vmem>>, vector<1x16xi32>,
        %swap3A_485 = vector.shape_cast %swap3A_484 : vector<1x16xi32> to vector<16xi32>
        %swap3A_486 = vector.shape_cast %and3A_480 : vector<16xi32> to vector<1x16xi32>
        tpu.vector_store %arg7[%swap3A_482, %swap3A_483], %swap3A_486 {strides = array<i32>} : memref<2x128xi32, #tpu.memory_space<vmem>>, vector<1x16xi32>,
        %shift_right_logical3A_487 = arith.constant 16 : i32
        %shift_right_logical3A_488 = vector.broadcast %shift_right_logical3A_487 : i32 to vector<16xi32>
        %shift_right_logical3A_489 = arith.shrui %get3A_477, %shift_right_logical3A_488 : vector<16xi32>
        %swap3A_490 = arith.constant 0 : i32
        %swap3A_491 = arith.index_cast %swap3A_490 : i32 to index
        %swap3A_492 = arith.constant 0 : index
        %swap3A_493 = tpu.vector_load %arg8[%swap3A_491, %swap3A_492] {strides = array<i32>} : memref<2x128xi32, #tpu.memory_space<vmem>>, vector<1x16xi32>,
        %swap3A_494 = vector.shape_cast %swap3A_493 : vector<1x16xi32> to vector<16xi32>
        %swap3A_495 = vector.shape_cast %shift_right_logical3A_489 : vector<16xi32> to vector<1x16xi32>
        tpu.vector_store %arg8[%swap3A_491, %swap3A_492], %swap3A_495 {strides = array<i32>} : memref<2x128xi32, #tpu.memory_space<vmem>>, vector<1x16xi32>,
        %get3A_496 = arith.index_cast %add3A_473 : i32 to index
        %get3A_497 = arith.constant 16 : index
        %get3A_498 = tpu.vector_load %arg6[%get3A_496, %get3A_497] {strides = array<i32>} : memref<72x128xi32, #tpu.memory_space<vmem>>, vector<1x16xi32>,
        %get3A_499 = vector.shape_cast %get3A_498 : vector<1x16xi32> to vector<16xi32>
        %and3A_500 = arith.constant 65535 : i32
        %and3A_501 = vector.broadcast %and3A_500 : i32 to vector<16xi32>
        %and3A_502 = arith.andi %get3A_499, %and3A_501 : vector<16xi32>
        %swap3A_503 = arith.constant 0 : i32
        %swap3A_504 = arith.index_cast %swap3A_503 : i32 to index
        %swap3A_505 = arith.constant 16 : index
        %swap3A_506 = tpu.vector_load %arg7[%swap3A_504, %swap3A_505] {strides = array<i32>} : memref<2x128xi32, #tpu.memory_space<vmem>>, vector<1x16xi32>,
        %swap3A_507 = vector.shape_cast %swap3A_506 : vector<1x16xi32> to vector<16xi32>
        %swap3A_508 = vector.shape_cast %and3A_502 : vector<16xi32> to vector<1x16xi32>
        tpu.vector_store %arg7[%swap3A_504, %swap3A_505], %swap3A_508 {strides = array<i32>} : memref<2x128xi32, #tpu.memory_space<vmem>>, vector<1x16xi32>,
        %shift_right_logical3A_509 = arith.constant 16 : i32
        %shift_right_logical3A_510 = vector.broadcast %shift_right_logical3A_509 : i32 to vector<16xi32>
        %shift_right_logical3A_511 = arith.shrui %get3A_499, %shift_right_logical3A_510 : vector<16xi32>
        %swap3A_512 = arith.constant 0 : i32
        %swap3A_513 = arith.index_cast %swap3A_512 : i32 to index
        %swap3A_514 = arith.constant 16 : index
        %swap3A_515 = tpu.vector_load %arg8[%swap3A_513, %swap3A_514] {strides = array<i32>} : memref<2x128xi32, #tpu.memory_space<vmem>>, vector<1x16xi32>,
        %swap3A_516 = vector.shape_cast %swap3A_515 : vector<1x16xi32> to vector<16xi32>
        %swap3A_517 = vector.shape_cast %shift_right_logical3A_511 : vector<16xi32> to vector<1x16xi32>
        tpu.vector_store %arg8[%swap3A_513, %swap3A_514], %swap3A_517 {strides = array<i32>} : memref<2x128xi32, #tpu.memory_space<vmem>>, vector<1x16xi32>,
        %get3A_518 = arith.index_cast %add3A_473 : i32 to index
        %get3A_519 = arith.constant 32 : index
        %get3A_520 = tpu.vector_load %arg6[%get3A_518, %get3A_519] {strides = array<i32>} : memref<72x128xi32, #tpu.memory_space<vmem>>, vector<1x16xi32>,
        %get3A_521 = vector.shape_cast %get3A_520 : vector<1x16xi32> to vector<16xi32>
        %and3A_522 = arith.constant 65535 : i32
        %and3A_523 = vector.broadcast %and3A_522 : i32 to vector<16xi32>
        %and3A_524 = arith.andi %get3A_521, %and3A_523 : vector<16xi32>
        %swap3A_525 = arith.constant 0 : i32
        %swap3A_526 = arith.index_cast %swap3A_525 : i32 to index
        %swap3A_527 = arith.constant 32 : index
        %swap3A_528 = tpu.vector_load %arg7[%swap3A_526, %swap3A_527] {strides = array<i32>} : memref<2x128xi32, #tpu.memory_space<vmem>>, vector<1x16xi32>,
        %swap3A_529 = vector.shape_cast %swap3A_528 : vector<1x16xi32> to vector<16xi32>
        %swap3A_530 = vector.shape_cast %and3A_524 : vector<16xi32> to vector<1x16xi32>
        tpu.vector_store %arg7[%swap3A_526, %swap3A_527], %swap3A_530 {strides = array<i32>} : memref<2x128xi32, #tpu.memory_space<vmem>>, vector<1x16xi32>,
        %shift_right_logical3A_531 = arith.constant 16 : i32
        %shift_right_logical3A_532 = vector.broadcast %shift_right_logical3A_531 : i32 to vector<16xi32>
        %shift_right_logical3A_533 = arith.shrui %get3A_521, %shift_right_logical3A_532 : vector<16xi32>
        %swap3A_534 = arith.constant 0 : i32
        %swap3A_535 = arith.index_cast %swap3A_534 : i32 to index
        %swap3A_536 = arith.constant 32 : index
        %swap3A_537 = tpu.vector_load %arg8[%swap3A_535, %swap3A_536] {strides = array<i32>} : memref<2x128xi32, #tpu.memory_space<vmem>>, vector<1x16xi32>,
        %swap3A_538 = vector.shape_cast %swap3A_537 : vector<1x16xi32> to vector<16xi32>
        %swap3A_539 = vector.shape_cast %shift_right_logical3A_533 : vector<16xi32> to vector<1x16xi32>
        tpu.vector_store %arg8[%swap3A_535, %swap3A_536], %swap3A_539 {strides = array<i32>} : memref<2x128xi32, #tpu.memory_space<vmem>>, vector<1x16xi32>,
        %get3A_540 = arith.index_cast %add3A_473 : i32 to index
        %get3A_541 = arith.constant 48 : index
        %get3A_542 = tpu.vector_load %arg6[%get3A_540, %get3A_541] {strides = array<i32>} : memref<72x128xi32, #tpu.memory_space<vmem>>, vector<1x16xi32>,
        %get3A_543 = vector.shape_cast %get3A_542 : vector<1x16xi32> to vector<16xi32>
        %and3A_544 = arith.constant 65535 : i32
        %and3A_545 = vector.broadcast %and3A_544 : i32 to vector<16xi32>
        %and3A_546 = arith.andi %get3A_543, %and3A_545 : vector<16xi32>
        %swap3A_547 = arith.constant 0 : i32
        %swap3A_548 = arith.index_cast %swap3A_547 : i32 to index
        %swap3A_549 = arith.constant 48 : index
        %swap3A_550 = tpu.vector_load %arg7[%swap3A_548, %swap3A_549] {strides = array<i32>} : memref<2x128xi32, #tpu.memory_space<vmem>>, vector<1x16xi32>,
        %swap3A_551 = vector.shape_cast %swap3A_550 : vector<1x16xi32> to vector<16xi32>
        %swap3A_552 = vector.shape_cast %and3A_546 : vector<16xi32> to vector<1x16xi32>
        tpu.vector_store %arg7[%swap3A_548, %swap3A_549], %swap3A_552 {strides = array<i32>} : memref<2x128xi32, #tpu.memory_space<vmem>>, vector<1x16xi32>,
        %shift_right_logical3A_553 = arith.constant 16 : i32
        %shift_right_logical3A_554 = vector.broadcast %shift_right_logical3A_553 : i32 to vector<16xi32>
        %shift_right_logical3A_555 = arith.shrui %get3A_543, %shift_right_logical3A_554 : vector<16xi32>
        %swap3A_556 = arith.constant 0 : i32
        %swap3A_557 = arith.index_cast %swap3A_556 : i32 to index
        %swap3A_558 = arith.constant 48 : index
        %swap3A_559 = tpu.vector_load %arg8[%swap3A_557, %swap3A_558] {strides = array<i32>} : memref<2x128xi32, #tpu.memory_space<vmem>>, vector<1x16xi32>,
        %swap3A_560 = vector.shape_cast %swap3A_559 : vector<1x16xi32> to vector<16xi32>
        %swap3A_561 = vector.shape_cast %shift_right_logical3A_555 : vector<16xi32> to vector<1x16xi32>
        tpu.vector_store %arg8[%swap3A_557, %swap3A_558], %swap3A_561 {strides = array<i32>} : memref<2x128xi32, #tpu.memory_space<vmem>>, vector<1x16xi32>,
        %get3A_562 = arith.index_cast %add3A_473 : i32 to index
        %get3A_563 = arith.constant 64 : index
        %get3A_564 = tpu.vector_load %arg6[%get3A_562, %get3A_563] {strides = array<i32>} : memref<72x128xi32, #tpu.memory_space<vmem>>, vector<1x16xi32>,
        %get3A_565 = vector.shape_cast %get3A_564 : vector<1x16xi32> to vector<16xi32>
        %and3A_566 = arith.constant 65535 : i32
        %and3A_567 = vector.broadcast %and3A_566 : i32 to vector<16xi32>
        %and3A_568 = arith.andi %get3A_565, %and3A_567 : vector<16xi32>
        %swap3A_569 = arith.constant 0 : i32
        %swap3A_570 = arith.index_cast %swap3A_569 : i32 to index
        %swap3A_571 = arith.constant 64 : index
        %swap3A_572 = tpu.vector_load %arg7[%swap3A_570, %swap3A_571] {strides = array<i32>} : memref<2x128xi32, #tpu.memory_space<vmem>>, vector<1x16xi32>,
        %swap3A_573 = vector.shape_cast %swap3A_572 : vector<1x16xi32> to vector<16xi32>
        %swap3A_574 = vector.shape_cast %and3A_568 : vector<16xi32> to vector<1x16xi32>
        tpu.vector_store %arg7[%swap3A_570, %swap3A_571], %swap3A_574 {strides = array<i32>} : memref<2x128xi32, #tpu.memory_space<vmem>>, vector<1x16xi32>,
        %shift_right_logical3A_575 = arith.constant 16 : i32
        %shift_right_logical3A_576 = vector.broadcast %shift_right_logical3A_575 : i32 to vector<16xi32>
        %shift_right_logical3A_577 = arith.shrui %get3A_565, %shift_right_logical3A_576 : vector<16xi32>
        %swap3A_578 = arith.constant 0 : i32
        %swap3A_579 = arith.index_cast %swap3A_578 : i32 to index
        %swap3A_580 = arith.constant 64 : index
        %swap3A_581 = tpu.vector_load %arg8[%swap3A_579, %swap3A_580] {strides = array<i32>} : memref<2x128xi32, #tpu.memory_space<vmem>>, vector<1x16xi32>,
        %swap3A_582 = vector.shape_cast %swap3A_581 : vector<1x16xi32> to vector<16xi32>
        %swap3A_583 = vector.shape_cast %shift_right_logical3A_577 : vector<16xi32> to vector<1x16xi32>
        tpu.vector_store %arg8[%swap3A_579, %swap3A_580], %swap3A_583 {strides = array<i32>} : memref<2x128xi32, #tpu.memory_space<vmem>>, vector<1x16xi32>,
        %get3A_584 = arith.index_cast %add3A_473 : i32 to index
        %get3A_585 = arith.constant 80 : index
        %get3A_586 = tpu.vector_load %arg6[%get3A_584, %get3A_585] {strides = array<i32>} : memref<72x128xi32, #tpu.memory_space<vmem>>, vector<1x16xi32>,
        %get3A_587 = vector.shape_cast %get3A_586 : vector<1x16xi32> to vector<16xi32>
        %and3A_588 = arith.constant 65535 : i32
        %and3A_589 = vector.broadcast %and3A_588 : i32 to vector<16xi32>
        %and3A_590 = arith.andi %get3A_587, %and3A_589 : vector<16xi32>
        %swap3A_591 = arith.constant 0 : i32
        %swap3A_592 = arith.index_cast %swap3A_591 : i32 to index
        %swap3A_593 = arith.constant 80 : index
        %swap3A_594 = tpu.vector_load %arg7[%swap3A_592, %swap3A_593] {strides = array<i32>} : memref<2x128xi32, #tpu.memory_space<vmem>>, vector<1x16xi32>,
        %swap3A_595 = vector.shape_cast %swap3A_594 : vector<1x16xi32> to vector<16xi32>
        %swap3A_596 = vector.shape_cast %and3A_590 : vector<16xi32> to vector<1x16xi32>
        tpu.vector_store %arg7[%swap3A_592, %swap3A_593], %swap3A_596 {strides = array<i32>} : memref<2x128xi32, #tpu.memory_space<vmem>>, vector<1x16xi32>,
        %shift_right_logical3A_597 = arith.constant 16 : i32
        %shift_right_logical3A_598 = vector.broadcast %shift_right_logical3A_597 : i32 to vector<16xi32>
        %shift_right_logical3A_599 = arith.shrui %get3A_587, %shift_right_logical3A_598 : vector<16xi32>
        %swap3A_600 = arith.constant 0 : i32
        %swap3A_601 = arith.index_cast %swap3A_600 : i32 to index
        %swap3A_602 = arith.constant 80 : index
        %swap3A_603 = tpu.vector_load %arg8[%swap3A_601, %swap3A_602] {strides = array<i32>} : memref<2x128xi32, #tpu.memory_space<vmem>>, vector<1x16xi32>,
        %swap3A_604 = vector.shape_cast %swap3A_603 : vector<1x16xi32> to vector<16xi32>
        %swap3A_605 = vector.shape_cast %shift_right_logical3A_599 : vector<16xi32> to vector<1x16xi32>
        tpu.vector_store %arg8[%swap3A_601, %swap3A_602], %swap3A_605 {strides = array<i32>} : memref<2x128xi32, #tpu.memory_space<vmem>>, vector<1x16xi32>,
        %get3A_606 = arith.index_cast %add3A_473 : i32 to index
        %get3A_607 = arith.constant 96 : index
        %get3A_608 = tpu.vector_load %arg6[%get3A_606, %get3A_607] {strides = array<i32>} : memref<72x128xi32, #tpu.memory_space<vmem>>, vector<1x16xi32>,
        %get3A_609 = vector.shape_cast %get3A_608 : vector<1x16xi32> to vector<16xi32>
        %and3A_610 = arith.constant 65535 : i32
        %and3A_611 = vector.broadcast %and3A_610 : i32 to vector<16xi32>
        %and3A_612 = arith.andi %get3A_609, %and3A_611 : vector<16xi32>
        %swap3A_613 = arith.constant 0 : i32
        %swap3A_614 = arith.index_cast %swap3A_613 : i32 to index
        %swap3A_615 = arith.constant 96 : index
        %swap3A_616 = tpu.vector_load %arg7[%swap3A_614, %swap3A_615] {strides = array<i32>} : memref<2x128xi32, #tpu.memory_space<vmem>>, vector<1x16xi32>,
        %swap3A_617 = vector.shape_cast %swap3A_616 : vector<1x16xi32> to vector<16xi32>
        %swap3A_618 = vector.shape_cast %and3A_612 : vector<16xi32> to vector<1x16xi32>
        tpu.vector_store %arg7[%swap3A_614, %swap3A_615], %swap3A_618 {strides = array<i32>} : memref<2x128xi32, #tpu.memory_space<vmem>>, vector<1x16xi32>,
        %shift_right_logical3A_619 = arith.constant 16 : i32
        %shift_right_logical3A_620 = vector.broadcast %shift_right_logical3A_619 : i32 to vector<16xi32>
        %shift_right_logical3A_621 = arith.shrui %get3A_609, %shift_right_logical3A_620 : vector<16xi32>
        %swap3A_622 = arith.constant 0 : i32
        %swap3A_623 = arith.index_cast %swap3A_622 : i32 to index
        %swap3A_624 = arith.constant 96 : index
        %swap3A_625 = tpu.vector_load %arg8[%swap3A_623, %swap3A_624] {strides = array<i32>} : memref<2x128xi32, #tpu.memory_space<vmem>>, vector<1x16xi32>,
        %swap3A_626 = vector.shape_cast %swap3A_625 : vector<1x16xi32> to vector<16xi32>
        %swap3A_627 = vector.shape_cast %shift_right_logical3A_621 : vector<16xi32> to vector<1x16xi32>
        tpu.vector_store %arg8[%swap3A_623, %swap3A_624], %swap3A_627 {strides = array<i32>} : memref<2x128xi32, #tpu.memory_space<vmem>>, vector<1x16xi32>,
        %get3A_628 = arith.index_cast %add3A_473 : i32 to index
        %get3A_629 = arith.constant 112 : index
        %get3A_630 = tpu.vector_load %arg6[%get3A_628, %get3A_629] {strides = array<i32>} : memref<72x128xi32, #tpu.memory_space<vmem>>, vector<1x16xi32>,
        %get3A_631 = vector.shape_cast %get3A_630 : vector<1x16xi32> to vector<16xi32>
        %and3A_632 = arith.constant 65535 : i32
        %and3A_633 = vector.broadcast %and3A_632 : i32 to vector<16xi32>
        %and3A_634 = arith.andi %get3A_631, %and3A_633 : vector<16xi32>
        %swap3A_635 = arith.constant 0 : i32
        %swap3A_636 = arith.index_cast %swap3A_635 : i32 to index
        %swap3A_637 = arith.constant 112 : index
        %swap3A_638 = tpu.vector_load %arg7[%swap3A_636, %swap3A_637] {strides = array<i32>} : memref<2x128xi32, #tpu.memory_space<vmem>>, vector<1x16xi32>,
        %swap3A_639 = vector.shape_cast %swap3A_638 : vector<1x16xi32> to vector<16xi32>
        %swap3A_640 = vector.shape_cast %and3A_634 : vector<16xi32> to vector<1x16xi32>
        tpu.vector_store %arg7[%swap3A_636, %swap3A_637], %swap3A_640 {strides = array<i32>} : memref<2x128xi32, #tpu.memory_space<vmem>>, vector<1x16xi32>,
        %shift_right_logical3A_641 = arith.constant 16 : i32
        %shift_right_logical3A_642 = vector.broadcast %shift_right_logical3A_641 : i32 to vector<16xi32>
        %shift_right_logical3A_643 = arith.shrui %get3A_631, %shift_right_logical3A_642 : vector<16xi32>
        %swap3A_644 = arith.constant 0 : i32
        %swap3A_645 = arith.index_cast %swap3A_644 : i32 to index
        %swap3A_646 = arith.constant 112 : index
        %swap3A_647 = tpu.vector_load %arg8[%swap3A_645, %swap3A_646] {strides = array<i32>} : memref<2x128xi32, #tpu.memory_space<vmem>>, vector<1x16xi32>,
        %swap3A_648 = vector.shape_cast %swap3A_647 : vector<1x16xi32> to vector<16xi32>
        %swap3A_649 = vector.shape_cast %shift_right_logical3A_643 : vector<16xi32> to vector<1x16xi32>
        tpu.vector_store %arg8[%swap3A_645, %swap3A_646], %swap3A_649 {strides = array<i32>} : memref<2x128xi32, #tpu.memory_space<vmem>>, vector<1x16xi32>,
        %dma_start3A_650 = arith.constant 0 : i32
        %dma_start3A_651 = arith.constant 0 : i32
        %dma_start3A_652 = arith.constant 0 : i32
        %dma_start3A_653 = arith.constant 0 : i32
        %dma_start3A_654 = arith.constant 0 : i32
        %dma_start3A_655 = tpu.memref_slice %arg9[%dma_start3A_651, %dma_start3A_653, %dma_start3A_654] : memref<2x128x128xf32, #tpu.memory_space<vmem>> -> memref<1x128x128xf32, #tpu.memory_space<vmem>>
        %dma_start3A_656 = tpu.memref_squeeze %dma_start3A_655 : memref<1x128x128xf32, #tpu.memory_space<vmem>> -> memref<128x128xf32, #tpu.memory_space<vmem>>
        %dma_start3A_657 = arith.constant 0 : i32
        %dma_start3A_658 = tpu.memref_slice %arg7[%dma_start3A_650, %dma_start3A_657] : memref<2x128xi32, #tpu.memory_space<vmem>> -> memref<1x128xi32, #tpu.memory_space<vmem>>
        %dma_start3A_659 = tpu.memref_squeeze %dma_start3A_658 : memref<1x128xi32, #tpu.memory_space<vmem>> -> memref<128xi32, #tpu.memory_space<vmem>>
        %dma_start3A_660 = arith.constant 0 : i32
        %dma_start3A_661 = arith.constant 0 : i32
        %dma_start3A_662 = tpu.memref_slice %arg2[%dma_start3A_660, %dma_start3A_661] : memref<10000x128xf32, #tpu.memory_space<hbm>> -> memref<10000x128xf32, #tpu.memory_space<hbm>>
        %dma_start3A_663 = tpu.memref_slice %arg11[%dma_start3A_652] : memref<2x!tpu.dma_semaphore, #tpu.memory_space<semaphore_mem>> -> memref<1x!tpu.dma_semaphore, #tpu.memory_space<semaphore_mem>>
        %dma_start3A_664 = tpu.memref_squeeze %dma_start3A_663 : memref<1x!tpu.dma_semaphore, #tpu.memory_space<semaphore_mem>> -> memref<!tpu.dma_semaphore, #tpu.memory_space<semaphore_mem>>
        tpu.enqueue_indirect_dma source(%dma_start3A_662 : memref<10000x128xf32, #tpu.memory_space<hbm>>) target(%dma_start3A_656 : memref<128x128xf32, #tpu.memory_space<vmem>>) offsets(%dma_start3A_659 : memref<128xi32, #tpu.memory_space<vmem>>) semaphore(%dma_start3A_664 : memref<!tpu.dma_semaphore, #tpu.memory_space<semaphore_mem>>)
      } else {
      }
      %dma_wait3A_445 = arith.constant 1 : i32
      %dma_wait3A_446 = arith.constant 1 : i32
      %dma_wait3A_447 = arith.constant 1 : i32
      %dma_wait3A_448 = arith.constant 0 : i32
      %dma_wait3A_449 = arith.constant 0 : i32
      %dma_wait3A_450 = tpu.memref_slice %arg9[%dma_wait3A_446, %dma_wait3A_448, %dma_wait3A_449] : memref<2x128x128xf32, #tpu.memory_space<vmem>> -> memref<1x128x128xf32, #tpu.memory_space<vmem>>
      %dma_wait3A_451 = tpu.memref_squeeze %dma_wait3A_450 : memref<1x128x128xf32, #tpu.memory_space<vmem>> -> memref<128x128xf32, #tpu.memory_space<vmem>>
      %dma_wait3A_452 = arith.constant 0 : i32
      %dma_wait3A_453 = tpu.memref_slice %arg7[%dma_wait3A_445, %dma_wait3A_452] : memref<2x128xi32, #tpu.memory_space<vmem>> -> memref<1x128xi32, #tpu.memory_space<vmem>>
      %dma_wait3A_454 = tpu.memref_squeeze %dma_wait3A_453 : memref<1x128xi32, #tpu.memory_space<vmem>> -> memref<128xi32, #tpu.memory_space<vmem>>
      %dma_wait3A_455 = arith.constant 0 : i32
      %dma_wait3A_456 = arith.constant 0 : i32
      %dma_wait3A_457 = tpu.memref_slice %arg2[%dma_wait3A_455, %dma_wait3A_456] : memref<10000x128xf32, #tpu.memory_space<hbm>> -> memref<10000x128xf32, #tpu.memory_space<hbm>>
      %dma_wait3A_458 = tpu.memref_slice %arg11[%dma_wait3A_447] : memref<2x!tpu.dma_semaphore, #tpu.memory_space<semaphore_mem>> -> memref<1x!tpu.dma_semaphore, #tpu.memory_space<semaphore_mem>>
      %dma_wait3A_459 = tpu.memref_squeeze %dma_wait3A_458 : memref<1x!tpu.dma_semaphore, #tpu.memory_space<semaphore_mem>> -> memref<!tpu.dma_semaphore, #tpu.memory_space<semaphore_mem>>
      tpu.wait_indirect_dma semaphore(%dma_wait3A_459 : memref<!tpu.dma_semaphore, #tpu.memory_space<semaphore_mem>>) src(%dma_wait3A_457 : memref<10000x128xf32, #tpu.memory_space<hbm>>) dst(%dma_wait3A_451 : memref<128x128xf32, #tpu.memory_space<vmem>>)
      %run_scoped3A_460 = arith.constant 1 : i32
      %run_scoped3A_461 = arith.constant 1 : i32
      "tpu.region"() ({
        %run_scoped3A_470 = tpu.sem_alloc : memref<!tpu.dma_semaphore, #tpu.memory_space<semaphore_mem>>
        %dma_start3A_471 = arith.constant 0 : i32
        %dma_start3A_472 = arith.constant 0 : i32
        %dma_start3A_473 = tpu.memref_slice %arg9[%run_scoped3A_460, %dma_start3A_471, %dma_start3A_472] : memref<2x128x128xf32, #tpu.memory_space<vmem>> -> memref<1x128x128xf32, #tpu.memory_space<vmem>>
        %dma_start3A_474 = tpu.memref_squeeze %dma_start3A_473 : memref<1x128x128xf32, #tpu.memory_space<vmem>> -> memref<128x128xf32, #tpu.memory_space<vmem>>
        %dma_start3A_475 = arith.constant 0 : i32
        %dma_start3A_476 = tpu.memref_slice %arg8[%run_scoped3A_461, %dma_start3A_475] : memref<2x128xi32, #tpu.memory_space<vmem>> -> memref<1x128xi32, #tpu.memory_space<vmem>>
        %dma_start3A_477 = tpu.memref_squeeze %dma_start3A_476 : memref<1x128xi32, #tpu.memory_space<vmem>> -> memref<128xi32, #tpu.memory_space<vmem>>
        %dma_start3A_478 = arith.constant 0 : i32
        %dma_start3A_479 = arith.constant 0 : i32
        %dma_start3A_480 = tpu.memref_slice %arg10[%dma_start3A_478, %dma_start3A_479] : memref<10112x128xf32, #tpu.memory_space<vmem_shared>> -> memref<10112x128xf32, #tpu.memory_space<vmem_shared>>
        tpu.enqueue_indirect_dma source(%dma_start3A_474 : memref<128x128xf32, #tpu.memory_space<vmem>>) target(%dma_start3A_480 : memref<10112x128xf32, #tpu.memory_space<vmem_shared>>) offsets(%dma_start3A_477 : memref<128xi32, #tpu.memory_space<vmem>>) semaphore(%run_scoped3A_470 : memref<!tpu.dma_semaphore, #tpu.memory_space<semaphore_mem>>) {add = true}
        %dma_wait3A_481 = arith.constant 0 : i32
        %dma_wait3A_482 = arith.constant 0 : i32
        %dma_wait3A_483 = tpu.memref_slice %arg9[%run_scoped3A_460, %dma_wait3A_481, %dma_wait3A_482] : memref<2x128x128xf32, #tpu.memory_space<vmem>> -> memref<1x128x128xf32, #tpu.memory_space<vmem>>
        %dma_wait3A_484 = tpu.memref_squeeze %dma_wait3A_483 : memref<1x128x128xf32, #tpu.memory_space<vmem>> -> memref<128x128xf32, #tpu.memory_space<vmem>>
        %dma_wait3A_485 = arith.constant 0 : i32
        %dma_wait3A_486 = tpu.memref_slice %arg8[%run_scoped3A_461, %dma_wait3A_485] : memref<2x128xi32, #tpu.memory_space<vmem>> -> memref<1x128xi32, #tpu.memory_space<vmem>>
        %dma_wait3A_487 = tpu.memref_squeeze %dma_wait3A_486 : memref<1x128xi32, #tpu.memory_space<vmem>> -> memref<128xi32, #tpu.memory_space<vmem>>
        %dma_wait3A_488 = arith.constant 0 : i32
        %dma_wait3A_489 = arith.constant 0 : i32
        %dma_wait3A_490 = tpu.memref_slice %arg10[%dma_wait3A_488, %dma_wait3A_489] : memref<10112x128xf32, #tpu.memory_space<vmem_shared>> -> memref<10112x128xf32, #tpu.memory_space<vmem_shared>>
        tpu.wait_indirect_dma semaphore(%run_scoped3A_470 : memref<!tpu.dma_semaphore, #tpu.memory_space<semaphore_mem>>) src(%dma_wait3A_484 : memref<128x128xf32, #tpu.memory_space<vmem>>) dst(%dma_wait3A_490 : memref<10112x128xf32, #tpu.memory_space<vmem_shared>>)
        tpu.yield
      }) : () -> ()
      %add3A_462 = arith.constant 1 : i32
      %add3A_463 = arith.addi %add3A_424, %add3A_462 : i32
      %add3A_464 = arith.constant 2 : i32
      %add3A_465 = arith.addi %add3A_463, %add3A_464 : i32
      %lt3A_466 = arith.cmpi slt, %add3A_465, %select_n3A_3 : i32
      %convert_element_type3A_467 = arith.extui %lt3A_466 : i1 to i32
      %cond3A_468 = arith.constant 0 : i32
      %cond3A_469 = arith.cmpi ne, %convert_element_type3A_467, %cond3A_468 : i32
      scf.if %cond3A_469 {
        %add3A_470 = arith.constant 1 : i32
        %add3A_471 = arith.addi %add3A_424, %add3A_470 : i32
        %add3A_472 = arith.constant 2 : i32
        %add3A_473 = arith.addi %add3A_471, %add3A_472 : i32
        %get3A_474 = arith.index_cast %add3A_473 : i32 to index
        %get3A_475 = arith.constant 0 : index
        %get3A_476 = tpu.vector_load %arg6[%get3A_474, %get3A_475] {strides = array<i32>} : memref<72x128xi32, #tpu.memory_space<vmem>>, vector<1x16xi32>,
        %get3A_477 = vector.shape_cast %get3A_476 : vector<1x16xi32> to vector<16xi32>
        %and3A_478 = arith.constant 65535 : i32
        %and3A_479 = vector.broadcast %and3A_478 : i32 to vector<16xi32>
        %and3A_480 = arith.andi %get3A_477, %and3A_479 : vector<16xi32>
        %swap3A_481 = arith.constant 1 : i32
        %swap3A_482 = arith.index_cast %swap3A_481 : i32 to index
        %swap3A_483 = arith.constant 0 : index
        %swap3A_484 = tpu.vector_load %arg7[%swap3A_482, %swap3A_483] {strides = array<i32>} : memref<2x128xi32, #tpu.memory_space<vmem>>, vector<1x16xi32>,
        %swap3A_485 = vector.shape_cast %swap3A_484 : vector<1x16xi32> to vector<16xi32>
        %swap3A_486 = vector.shape_cast %and3A_480 : vector<16xi32> to vector<1x16xi32>
        tpu.vector_store %arg7[%swap3A_482, %swap3A_483], %swap3A_486 {strides = array<i32>} : memref<2x128xi32, #tpu.memory_space<vmem>>, vector<1x16xi32>,
        %shift_right_logical3A_487 = arith.constant 16 : i32
        %shift_right_logical3A_488 = vector.broadcast %shift_right_logical3A_487 : i32 to vector<16xi32>
        %shift_right_logical3A_489 = arith.shrui %get3A_477, %shift_right_logical3A_488 : vector<16xi32>
        %swap3A_490 = arith.constant 1 : i32
        %swap3A_491 = arith.index_cast %swap3A_490 : i32 to index
        %swap3A_492 = arith.constant 0 : index
        %swap3A_493 = tpu.vector_load %arg8[%swap3A_491, %swap3A_492] {strides = array<i32>} : memref<2x128xi32, #tpu.memory_space<vmem>>, vector<1x16xi32>,
        %swap3A_494 = vector.shape_cast %swap3A_493 : vector<1x16xi32> to vector<16xi32>
        %swap3A_495 = vector.shape_cast %shift_right_logical3A_489 : vector<16xi32> to vector<1x16xi32>
        tpu.vector_store %arg8[%swap3A_491, %swap3A_492], %swap3A_495 {strides = array<i32>} : memref<2x128xi32, #tpu.memory_space<vmem>>, vector<1x16xi32>,
        %get3A_496 = arith.index_cast %add3A_473 : i32 to index
        %get3A_497 = arith.constant 16 : index
        %get3A_498 = tpu.vector_load %arg6[%get3A_496, %get3A_497] {strides = array<i32>} : memref<72x128xi32, #tpu.memory_space<vmem>>, vector<1x16xi32>,
        %get3A_499 = vector.shape_cast %get3A_498 : vector<1x16xi32> to vector<16xi32>
        %and3A_500 = arith.constant 65535 : i32
        %and3A_501 = vector.broadcast %and3A_500 : i32 to vector<16xi32>
        %and3A_502 = arith.andi %get3A_499, %and3A_501 : vector<16xi32>
        %swap3A_503 = arith.constant 1 : i32
        %swap3A_504 = arith.index_cast %swap3A_503 : i32 to index
        %swap3A_505 = arith.constant 16 : index
        %swap3A_506 = tpu.vector_load %arg7[%swap3A_504, %swap3A_505] {strides = array<i32>} : memref<2x128xi32, #tpu.memory_space<vmem>>, vector<1x16xi32>,
        %swap3A_507 = vector.shape_cast %swap3A_506 : vector<1x16xi32> to vector<16xi32>
        %swap3A_508 = vector.shape_cast %and3A_502 : vector<16xi32> to vector<1x16xi32>
        tpu.vector_store %arg7[%swap3A_504, %swap3A_505], %swap3A_508 {strides = array<i32>} : memref<2x128xi32, #tpu.memory_space<vmem>>, vector<1x16xi32>,
        %shift_right_logical3A_509 = arith.constant 16 : i32
        %shift_right_logical3A_510 = vector.broadcast %shift_right_logical3A_509 : i32 to vector<16xi32>
        %shift_right_logical3A_511 = arith.shrui %get3A_499, %shift_right_logical3A_510 : vector<16xi32>
        %swap3A_512 = arith.constant 1 : i32
        %swap3A_513 = arith.index_cast %swap3A_512 : i32 to index
        %swap3A_514 = arith.constant 16 : index
        %swap3A_515 = tpu.vector_load %arg8[%swap3A_513, %swap3A_514] {strides = array<i32>} : memref<2x128xi32, #tpu.memory_space<vmem>>, vector<1x16xi32>,
        %swap3A_516 = vector.shape_cast %swap3A_515 : vector<1x16xi32> to vector<16xi32>
        %swap3A_517 = vector.shape_cast %shift_right_logical3A_511 : vector<16xi32> to vector<1x16xi32>
        tpu.vector_store %arg8[%swap3A_513, %swap3A_514], %swap3A_517 {strides = array<i32>} : memref<2x128xi32, #tpu.memory_space<vmem>>, vector<1x16xi32>,
        %get3A_518 = arith.index_cast %add3A_473 : i32 to index
        %get3A_519 = arith.constant 32 : index
        %get3A_520 = tpu.vector_load %arg6[%get3A_518, %get3A_519] {strides = array<i32>} : memref<72x128xi32, #tpu.memory_space<vmem>>, vector<1x16xi32>,
        %get3A_521 = vector.shape_cast %get3A_520 : vector<1x16xi32> to vector<16xi32>
        %and3A_522 = arith.constant 65535 : i32
        %and3A_523 = vector.broadcast %and3A_522 : i32 to vector<16xi32>
        %and3A_524 = arith.andi %get3A_521, %and3A_523 : vector<16xi32>
        %swap3A_525 = arith.constant 1 : i32
        %swap3A_526 = arith.index_cast %swap3A_525 : i32 to index
        %swap3A_527 = arith.constant 32 : index
        %swap3A_528 = tpu.vector_load %arg7[%swap3A_526, %swap3A_527] {strides = array<i32>} : memref<2x128xi32, #tpu.memory_space<vmem>>, vector<1x16xi32>,
        %swap3A_529 = vector.shape_cast %swap3A_528 : vector<1x16xi32> to vector<16xi32>
        %swap3A_530 = vector.shape_cast %and3A_524 : vector<16xi32> to vector<1x16xi32>
        tpu.vector_store %arg7[%swap3A_526, %swap3A_527], %swap3A_530 {strides = array<i32>} : memref<2x128xi32, #tpu.memory_space<vmem>>, vector<1x16xi32>,
        %shift_right_logical3A_531 = arith.constant 16 : i32
        %shift_right_logical3A_532 = vector.broadcast %shift_right_logical3A_531 : i32 to vector<16xi32>
        %shift_right_logical3A_533 = arith.shrui %get3A_521, %shift_right_logical3A_532 : vector<16xi32>
        %swap3A_534 = arith.constant 1 : i32
        %swap3A_535 = arith.index_cast %swap3A_534 : i32 to index
        %swap3A_536 = arith.constant 32 : index
        %swap3A_537 = tpu.vector_load %arg8[%swap3A_535, %swap3A_536] {strides = array<i32>} : memref<2x128xi32, #tpu.memory_space<vmem>>, vector<1x16xi32>,
        %swap3A_538 = vector.shape_cast %swap3A_537 : vector<1x16xi32> to vector<16xi32>
        %swap3A_539 = vector.shape_cast %shift_right_logical3A_533 : vector<16xi32> to vector<1x16xi32>
        tpu.vector_store %arg8[%swap3A_535, %swap3A_536], %swap3A_539 {strides = array<i32>} : memref<2x128xi32, #tpu.memory_space<vmem>>, vector<1x16xi32>,
        %get3A_540 = arith.index_cast %add3A_473 : i32 to index
        %get3A_541 = arith.constant 48 : index
        %get3A_542 = tpu.vector_load %arg6[%get3A_540, %get3A_541] {strides = array<i32>} : memref<72x128xi32, #tpu.memory_space<vmem>>, vector<1x16xi32>,
        %get3A_543 = vector.shape_cast %get3A_542 : vector<1x16xi32> to vector<16xi32>
        %and3A_544 = arith.constant 65535 : i32
        %and3A_545 = vector.broadcast %and3A_544 : i32 to vector<16xi32>
        %and3A_546 = arith.andi %get3A_543, %and3A_545 : vector<16xi32>
        %swap3A_547 = arith.constant 1 : i32
        %swap3A_548 = arith.index_cast %swap3A_547 : i32 to index
        %swap3A_549 = arith.constant 48 : index
        %swap3A_550 = tpu.vector_load %arg7[%swap3A_548, %swap3A_549] {strides = array<i32>} : memref<2x128xi32, #tpu.memory_space<vmem>>, vector<1x16xi32>,
        %swap3A_551 = vector.shape_cast %swap3A_550 : vector<1x16xi32> to vector<16xi32>
        %swap3A_552 = vector.shape_cast %and3A_546 : vector<16xi32> to vector<1x16xi32>
        tpu.vector_store %arg7[%swap3A_548, %swap3A_549], %swap3A_552 {strides = array<i32>} : memref<2x128xi32, #tpu.memory_space<vmem>>, vector<1x16xi32>,
        %shift_right_logical3A_553 = arith.constant 16 : i32
        %shift_right_logical3A_554 = vector.broadcast %shift_right_logical3A_553 : i32 to vector<16xi32>
        %shift_right_logical3A_555 = arith.shrui %get3A_543, %shift_right_logical3A_554 : vector<16xi32>
        %swap3A_556 = arith.constant 1 : i32
        %swap3A_557 = arith.index_cast %swap3A_556 : i32 to index
        %swap3A_558 = arith.constant 48 : index
        %swap3A_559 = tpu.vector_load %arg8[%swap3A_557, %swap3A_558] {strides = array<i32>} : memref<2x128xi32, #tpu.memory_space<vmem>>, vector<1x16xi32>,
        %swap3A_560 = vector.shape_cast %swap3A_559 : vector<1x16xi32> to vector<16xi32>
        %swap3A_561 = vector.shape_cast %shift_right_logical3A_555 : vector<16xi32> to vector<1x16xi32>
        tpu.vector_store %arg8[%swap3A_557, %swap3A_558], %swap3A_561 {strides = array<i32>} : memref<2x128xi32, #tpu.memory_space<vmem>>, vector<1x16xi32>,
        %get3A_562 = arith.index_cast %add3A_473 : i32 to index
        %get3A_563 = arith.constant 64 : index
        %get3A_564 = tpu.vector_load %arg6[%get3A_562, %get3A_563] {strides = array<i32>} : memref<72x128xi32, #tpu.memory_space<vmem>>, vector<1x16xi32>,
        %get3A_565 = vector.shape_cast %get3A_564 : vector<1x16xi32> to vector<16xi32>
        %and3A_566 = arith.constant 65535 : i32
        %and3A_567 = vector.broadcast %and3A_566 : i32 to vector<16xi32>
        %and3A_568 = arith.andi %get3A_565, %and3A_567 : vector<16xi32>
        %swap3A_569 = arith.constant 1 : i32
        %swap3A_570 = arith.index_cast %swap3A_569 : i32 to index
        %swap3A_571 = arith.constant 64 : index
        %swap3A_572 = tpu.vector_load %arg7[%swap3A_570, %swap3A_571] {strides = array<i32>} : memref<2x128xi32, #tpu.memory_space<vmem>>, vector<1x16xi32>,
        %swap3A_573 = vector.shape_cast %swap3A_572 : vector<1x16xi32> to vector<16xi32>
        %swap3A_574 = vector.shape_cast %and3A_568 : vector<16xi32> to vector<1x16xi32>
        tpu.vector_store %arg7[%swap3A_570, %swap3A_571], %swap3A_574 {strides = array<i32>} : memref<2x128xi32, #tpu.memory_space<vmem>>, vector<1x16xi32>,
        %shift_right_logical3A_575 = arith.constant 16 : i32
        %shift_right_logical3A_576 = vector.broadcast %shift_right_logical3A_575 : i32 to vector<16xi32>
        %shift_right_logical3A_577 = arith.shrui %get3A_565, %shift_right_logical3A_576 : vector<16xi32>
        %swap3A_578 = arith.constant 1 : i32
        %swap3A_579 = arith.index_cast %swap3A_578 : i32 to index
        %swap3A_580 = arith.constant 64 : index
        %swap3A_581 = tpu.vector_load %arg8[%swap3A_579, %swap3A_580] {strides = array<i32>} : memref<2x128xi32, #tpu.memory_space<vmem>>, vector<1x16xi32>,
        %swap3A_582 = vector.shape_cast %swap3A_581 : vector<1x16xi32> to vector<16xi32>
        %swap3A_583 = vector.shape_cast %shift_right_logical3A_577 : vector<16xi32> to vector<1x16xi32>
        tpu.vector_store %arg8[%swap3A_579, %swap3A_580], %swap3A_583 {strides = array<i32>} : memref<2x128xi32, #tpu.memory_space<vmem>>, vector<1x16xi32>,
        %get3A_584 = arith.index_cast %add3A_473 : i32 to index
        %get3A_585 = arith.constant 80 : index
        %get3A_586 = tpu.vector_load %arg6[%get3A_584, %get3A_585] {strides = array<i32>} : memref<72x128xi32, #tpu.memory_space<vmem>>, vector<1x16xi32>,
        %get3A_587 = vector.shape_cast %get3A_586 : vector<1x16xi32> to vector<16xi32>
        %and3A_588 = arith.constant 65535 : i32
        %and3A_589 = vector.broadcast %and3A_588 : i32 to vector<16xi32>
        %and3A_590 = arith.andi %get3A_587, %and3A_589 : vector<16xi32>
        %swap3A_591 = arith.constant 1 : i32
        %swap3A_592 = arith.index_cast %swap3A_591 : i32 to index
        %swap3A_593 = arith.constant 80 : index
        %swap3A_594 = tpu.vector_load %arg7[%swap3A_592, %swap3A_593] {strides = array<i32>} : memref<2x128xi32, #tpu.memory_space<vmem>>, vector<1x16xi32>,
        %swap3A_595 = vector.shape_cast %swap3A_594 : vector<1x16xi32> to vector<16xi32>
        %swap3A_596 = vector.shape_cast %and3A_590 : vector<16xi32> to vector<1x16xi32>
        tpu.vector_store %arg7[%swap3A_592, %swap3A_593], %swap3A_596 {strides = array<i32>} : memref<2x128xi32, #tpu.memory_space<vmem>>, vector<1x16xi32>,
        %shift_right_logical3A_597 = arith.constant 16 : i32
        %shift_right_logical3A_598 = vector.broadcast %shift_right_logical3A_597 : i32 to vector<16xi32>
        %shift_right_logical3A_599 = arith.shrui %get3A_587, %shift_right_logical3A_598 : vector<16xi32>
        %swap3A_600 = arith.constant 1 : i32
        %swap3A_601 = arith.index_cast %swap3A_600 : i32 to index
        %swap3A_602 = arith.constant 80 : index
        %swap3A_603 = tpu.vector_load %arg8[%swap3A_601, %swap3A_602] {strides = array<i32>} : memref<2x128xi32, #tpu.memory_space<vmem>>, vector<1x16xi32>,
        %swap3A_604 = vector.shape_cast %swap3A_603 : vector<1x16xi32> to vector<16xi32>
        %swap3A_605 = vector.shape_cast %shift_right_logical3A_599 : vector<16xi32> to vector<1x16xi32>
        tpu.vector_store %arg8[%swap3A_601, %swap3A_602], %swap3A_605 {strides = array<i32>} : memref<2x128xi32, #tpu.memory_space<vmem>>, vector<1x16xi32>,
        %get3A_606 = arith.index_cast %add3A_473 : i32 to index
        %get3A_607 = arith.constant 96 : index
        %get3A_608 = tpu.vector_load %arg6[%get3A_606, %get3A_607] {strides = array<i32>} : memref<72x128xi32, #tpu.memory_space<vmem>>, vector<1x16xi32>,
        %get3A_609 = vector.shape_cast %get3A_608 : vector<1x16xi32> to vector<16xi32>
        %and3A_610 = arith.constant 65535 : i32
        %and3A_611 = vector.broadcast %and3A_610 : i32 to vector<16xi32>
        %and3A_612 = arith.andi %get3A_609, %and3A_611 : vector<16xi32>
        %swap3A_613 = arith.constant 1 : i32
        %swap3A_614 = arith.index_cast %swap3A_613 : i32 to index
        %swap3A_615 = arith.constant 96 : index
        %swap3A_616 = tpu.vector_load %arg7[%swap3A_614, %swap3A_615] {strides = array<i32>} : memref<2x128xi32, #tpu.memory_space<vmem>>, vector<1x16xi32>,
        %swap3A_617 = vector.shape_cast %swap3A_616 : vector<1x16xi32> to vector<16xi32>
        %swap3A_618 = vector.shape_cast %and3A_612 : vector<16xi32> to vector<1x16xi32>
        tpu.vector_store %arg7[%swap3A_614, %swap3A_615], %swap3A_618 {strides = array<i32>} : memref<2x128xi32, #tpu.memory_space<vmem>>, vector<1x16xi32>,
        %shift_right_logical3A_619 = arith.constant 16 : i32
        %shift_right_logical3A_620 = vector.broadcast %shift_right_logical3A_619 : i32 to vector<16xi32>
        %shift_right_logical3A_621 = arith.shrui %get3A_609, %shift_right_logical3A_620 : vector<16xi32>
        %swap3A_622 = arith.constant 1 : i32
        %swap3A_623 = arith.index_cast %swap3A_622 : i32 to index
        %swap3A_624 = arith.constant 96 : index
        %swap3A_625 = tpu.vector_load %arg8[%swap3A_623, %swap3A_624] {strides = array<i32>} : memref<2x128xi32, #tpu.memory_space<vmem>>, vector<1x16xi32>,
        %swap3A_626 = vector.shape_cast %swap3A_625 : vector<1x16xi32> to vector<16xi32>
        %swap3A_627 = vector.shape_cast %shift_right_logical3A_621 : vector<16xi32> to vector<1x16xi32>
        tpu.vector_store %arg8[%swap3A_623, %swap3A_624], %swap3A_627 {strides = array<i32>} : memref<2x128xi32, #tpu.memory_space<vmem>>, vector<1x16xi32>,
        %get3A_628 = arith.index_cast %add3A_473 : i32 to index
        %get3A_629 = arith.constant 112 : index
        %get3A_630 = tpu.vector_load %arg6[%get3A_628, %get3A_629] {strides = array<i32>} : memref<72x128xi32, #tpu.memory_space<vmem>>, vector<1x16xi32>,
        %get3A_631 = vector.shape_cast %get3A_630 : vector<1x16xi32> to vector<16xi32>
        %and3A_632 = arith.constant 65535 : i32
        %and3A_633 = vector.broadcast %and3A_632 : i32 to vector<16xi32>
        %and3A_634 = arith.andi %get3A_631, %and3A_633 : vector<16xi32>
        %swap3A_635 = arith.constant 1 : i32
        %swap3A_636 = arith.index_cast %swap3A_635 : i32 to index
        %swap3A_637 = arith.constant 112 : index
        %swap3A_638 = tpu.vector_load %arg7[%swap3A_636, %swap3A_637] {strides = array<i32>} : memref<2x128xi32, #tpu.memory_space<vmem>>, vector<1x16xi32>,
        %swap3A_639 = vector.shape_cast %swap3A_638 : vector<1x16xi32> to vector<16xi32>
        %swap3A_640 = vector.shape_cast %and3A_634 : vector<16xi32> to vector<1x16xi32>
        tpu.vector_store %arg7[%swap3A_636, %swap3A_637], %swap3A_640 {strides = array<i32>} : memref<2x128xi32, #tpu.memory_space<vmem>>, vector<1x16xi32>,
        %shift_right_logical3A_641 = arith.constant 16 : i32
        %shift_right_logical3A_642 = vector.broadcast %shift_right_logical3A_641 : i32 to vector<16xi32>
        %shift_right_logical3A_643 = arith.shrui %get3A_631, %shift_right_logical3A_642 : vector<16xi32>
        %swap3A_644 = arith.constant 1 : i32
        %swap3A_645 = arith.index_cast %swap3A_644 : i32 to index
        %swap3A_646 = arith.constant 112 : index
        %swap3A_647 = tpu.vector_load %arg8[%swap3A_645, %swap3A_646] {strides = array<i32>} : memref<2x128xi32, #tpu.memory_space<vmem>>, vector<1x16xi32>,
        %swap3A_648 = vector.shape_cast %swap3A_647 : vector<1x16xi32> to vector<16xi32>
        %swap3A_649 = vector.shape_cast %shift_right_logical3A_643 : vector<16xi32> to vector<1x16xi32>
        tpu.vector_store %arg8[%swap3A_645, %swap3A_646], %swap3A_649 {strides = array<i32>} : memref<2x128xi32, #tpu.memory_space<vmem>>, vector<1x16xi32>,
        %dma_start3A_650 = arith.constant 1 : i32
        %dma_start3A_651 = arith.constant 1 : i32
        %dma_start3A_652 = arith.constant 1 : i32
        %dma_start3A_653 = arith.constant 0 : i32
        %dma_start3A_654 = arith.constant 0 : i32
        %dma_start3A_655 = tpu.memref_slice %arg9[%dma_start3A_651, %dma_start3A_653, %dma_start3A_654] : memref<2x128x128xf32, #tpu.memory_space<vmem>> -> memref<1x128x128xf32, #tpu.memory_space<vmem>>
        %dma_start3A_656 = tpu.memref_squeeze %dma_start3A_655 : memref<1x128x128xf32, #tpu.memory_space<vmem>> -> memref<128x128xf32, #tpu.memory_space<vmem>>
        %dma_start3A_657 = arith.constant 0 : i32
        %dma_start3A_658 = tpu.memref_slice %arg7[%dma_start3A_650, %dma_start3A_657] : memref<2x128xi32, #tpu.memory_space<vmem>> -> memref<1x128xi32, #tpu.memory_space<vmem>>
        %dma_start3A_659 = tpu.memref_squeeze %dma_start3A_658 : memref<1x128xi32, #tpu.memory_space<vmem>> -> memref<128xi32, #tpu.memory_space<vmem>>
        %dma_start3A_660 = arith.constant 0 : i32
        %dma_start3A_661 = arith.constant 0 : i32
        %dma_start3A_662 = tpu.memref_slice %arg2[%dma_start3A_660, %dma_start3A_661] : memref<10000x128xf32, #tpu.memory_space<hbm>> -> memref<10000x128xf32, #tpu.memory_space<hbm>>
        %dma_start3A_663 = tpu.memref_slice %arg11[%dma_start3A_652] : memref<2x!tpu.dma_semaphore, #tpu.memory_space<semaphore_mem>> -> memref<1x!tpu.dma_semaphore, #tpu.memory_space<semaphore_mem>>
        %dma_start3A_664 = tpu.memref_squeeze %dma_start3A_663 : memref<1x!tpu.dma_semaphore, #tpu.memory_space<semaphore_mem>> -> memref<!tpu.dma_semaphore, #tpu.memory_space<semaphore_mem>>
        tpu.enqueue_indirect_dma source(%dma_start3A_662 : memref<10000x128xf32, #tpu.memory_space<hbm>>) target(%dma_start3A_656 : memref<128x128xf32, #tpu.memory_space<vmem>>) offsets(%dma_start3A_659 : memref<128xi32, #tpu.memory_space<vmem>>) semaphore(%dma_start3A_664 : memref<!tpu.dma_semaphore, #tpu.memory_space<semaphore_mem>>)
      } else {
      }
    }
    %barrier3A_417 = arith.constant 0 : index
    tpu.barrier barrier_id(%barrier3A_417)
    %mul3A_418 = arith.constant 632 : i32
    %mul3A_419 = arith.muli %arg1, %mul3A_418 : i32
    %mul3A_420 = arith.constant 632 : i32
    %mul3A_421 = arith.muli %arg1, %mul3A_420 : i32
    "tpu.region"() ({
      %run_scoped3A = tpu.sem_alloc : memref<!tpu.dma_semaphore, #tpu.memory_space<semaphore_mem>>
      %dma_start3A_422 = arith.constant 0 : i32
      %dma_start3A_423 = tpu.memref_slice %arg5[%arg0, %mul3A_421, %dma_start3A_422] : memref<2x10112x128xf32, #tpu.memory_space<hbm>> -> memref<1x632x128xf32, #tpu.memory_space<hbm>>
      %dma_start3A_424 = tpu.memref_squeeze %dma_start3A_423 : memref<1x632x128xf32, #tpu.memory_space<hbm>> -> memref<632x128xf32, #tpu.memory_space<hbm>>
      %dma_start3A_425 = arith.constant 0 : i32
      %dma_start3A_426 = tpu.memref_slice %arg10[%mul3A_419, %dma_start3A_425] : memref<10112x128xf32, #tpu.memory_space<vmem_shared>> -> memref<632x128xf32, #tpu.memory_space<vmem_shared>>
      tpu.enqueue_dma source(%dma_start3A_426 : memref<632x128xf32, #tpu.memory_space<vmem_shared>>) target(%dma_start3A_424 : memref<632x128xf32, #tpu.memory_space<hbm>>) target_semaphore(%run_scoped3A : memref<!tpu.dma_semaphore, #tpu.memory_space<semaphore_mem>>)
      %dma_wait3A = arith.constant 0 : i32
      %dma_wait3A_427 = tpu.memref_slice %arg5[%arg0, %mul3A_421, %dma_wait3A] : memref<2x10112x128xf32, #tpu.memory_space<hbm>> -> memref<1x632x128xf32, #tpu.memory_space<hbm>>
      %dma_wait3A_428 = tpu.memref_squeeze %dma_wait3A_427 : memref<1x632x128xf32, #tpu.memory_space<hbm>> -> memref<632x128xf32, #tpu.memory_space<hbm>>
      %dma_wait3A_429 = arith.constant 0 : i32
      %dma_wait3A_430 = tpu.memref_slice %arg10[%mul3A_419, %dma_wait3A_429] : memref<10112x128xf32, #tpu.memory_space<vmem_shared>> -> memref<632x128xf32, #tpu.memory_space<vmem_shared>>
      tpu.wait_dma2 semaphore(%run_scoped3A : memref<!tpu.dma_semaphore, #tpu.memory_space<semaphore_mem>>) src(%dma_wait3A_430 : memref<632x128xf32, #tpu.memory_space<vmem_shared>>) dst(%dma_wait3A_428 : memref<632x128xf32, #tpu.memory_space<hbm>>)
      tpu.yield
    }) : () -> ()
    return
  }
}

module attributes {stable_mosaic.version = 14 : i64} {
  func.func @body(%arg0: i32, %arg1: memref<1000x256xf32, #tpu.memory_space<vmem>>, %arg2: memref<256x128xf32, #tpu.memory_space<vmem>>, %arg3: memref<2x1000x128xf32, #tpu.memory_space<vmem>>, %arg4: memref<1000x128xf32, #tpu.memory_space<vmem>>) attributes {dimension_semantics = [#tpu.dimension_semantics<arbitrary>], iteration_bounds = array<i64: 10>, scalar_prefetch = 0 : i64, scratch_operands = 0 : i64, tpu.core_type = #tpu.core_type<tc>, window_params = [{transform_indices = @transform_0, window_bounds = array<i64: 1000, 256>}, {pipeline_mode = #tpu.pipeline_mode<synchronous>, transform_indices = @transform_1, window_bounds = array<i64: 256, 128>}, {transform_indices = @transform_2, window_bounds = array<i64: 2, 1000, 128>}, {transform_indices = @transform_3, window_bounds = array<i64: 1000, 128>}]} {
    %get3A = arith.constant 0 : index
    %get3A_0 = arith.constant 0 : index
    %get3A_1 = vector.load %arg1[%get3A, %get3A_0] : memref<1000x256xf32, #tpu.memory_space<vmem>>, vector<1000x256xf32>
    %get3A_2 = arith.constant 0 : index
    %get3A_3 = arith.constant 0 : index
    %get3A_4 = vector.load %arg2[%get3A_2, %get3A_3] : memref<256x128xf32, #tpu.memory_space<vmem>>, vector<256x128xf32>
    %dot_general3A = arith.constant dense<0.000000e+00> : vector<1000x128xf32>
    %dot_general3A_5 = tpu.matmul %get3A_1, %get3A_4, %dot_general3A {dimension_numbers = #tpu.dot_dimension_numbers<[1], [0], [0], [1], [0, 0, 1, 1], [], []>, transpose_lhs_hint = false} : vector<1000x256xf32>, vector<256x128xf32>, vector<1000x128xf32> -> vector<1000x128xf32>
    %get3A_6 = arith.constant 0 : index
    %get3A_7 = arith.constant 0 : index
    %get3A_8 = arith.constant 0 : index
    %get3A_9 = vector.load %arg3[%get3A_6, %get3A_7, %get3A_8] : memref<2x1000x128xf32, #tpu.memory_space<vmem>>, vector<1x1000x128xf32>
    %get3A_10 = vector.shape_cast %get3A_9 : vector<1x1000x128xf32> to vector<1000x128xf32>
    %slice3A = vector.extract_strided_slice %get3A_10 {offsets = [0, 0], sizes = [1000, 1], strides = [1, 1]} : vector<1000x128xf32> to vector<1000x1xf32>
    %get3A_11 = arith.constant 1 : index
    %get3A_12 = arith.constant 0 : index
    %get3A_13 = arith.constant 0 : index
    %get3A_14 = vector.load %arg3[%get3A_11, %get3A_12, %get3A_13] : memref<2x1000x128xf32, #tpu.memory_space<vmem>>, vector<1x1000x128xf32>
    %get3A_15 = vector.shape_cast %get3A_14 : vector<1x1000x128xf32> to vector<1000x128xf32>
    %slice3A_16 = vector.extract_strided_slice %get3A_15 {offsets = [0, 0], sizes = [1000, 1], strides = [1, 1]} : vector<1000x128xf32> to vector<1000x1xf32>
    %add3A = arith.addf %slice3A, %slice3A_16 : vector<1000x1xf32>
    %add3A_17 = arith.constant 1.000000e+00 : f32
    %add3A_18 = vector.broadcast %add3A_17 : f32 to vector<1000x1xf32>
    %add3A_19 = arith.addf %add3A, %add3A_18 : vector<1000x1xf32>
    %rsqrt3A = math.rsqrt %add3A_19 : vector<1000x1xf32>
    %mul3A = vector.broadcast %rsqrt3A : vector<1000x1xf32> to vector<1000x128xf32>
    %mul3A_20 = arith.mulf %dot_general3A_5, %mul3A : vector<1000x128xf32>
    %swap3A = arith.constant 0 : index
    %swap3A_21 = arith.constant 0 : index
    %swap3A_22 = vector.load %arg4[%swap3A, %swap3A_21] : memref<1000x128xf32, #tpu.memory_space<vmem>>, vector<1000x128xf32>
    tpu.vector_store %arg4[%swap3A, %swap3A_21], %mul3A_20 {strides = array<i32>} : memref<1000x128xf32, #tpu.memory_space<vmem>>, vector<1000x128xf32>,
    return
  }
  func.func @transform_0(%arg0: i32) -> (i32, i32) {
    %c0_i32 = arith.constant 0 : i32
    %c0_i32_0 = arith.constant 0 : i32
    return %arg0, %c0_i32 : i32, i32
  }
  func.func @transform_1(%arg0: i32) -> (i32, i32) {
    %c0_i32 = arith.constant 0 : i32
    %c0_i32_0 = arith.constant 0 : i32
    %c0_i32_1 = arith.constant 0 : i32
    return %c0_i32, %c0_i32_0 : i32, i32
  }
  func.func @transform_2(%arg0: i32) -> (i32, i32, i32) {
    %c0_i32 = arith.constant 0 : i32
    %c0_i32_0 = arith.constant 0 : i32
    %c0_i32_1 = arith.constant 0 : i32
    return %c0_i32, %arg0, %c0_i32_0 : i32, i32, i32
  }
  func.func @transform_3(%arg0: i32) -> (i32, i32) {
    %c0_i32 = arith.constant 0 : i32
    %c0_i32_0 = arith.constant 0 : i32
    return %arg0, %c0_i32 : i32, i32
  }
}

module attributes {stable_mosaic.version = 14 : i64} {
  func.func @body(%arg0: i32, %arg1: memref<2x1000x128xf32, #tpu.memory_space<vmem>>, %arg2: memref<1000x128xf32, #tpu.memory_space<vmem>>, %arg3: memref<2x1000x128xf32, #tpu.memory_space<vmem>>, %arg4: memref<1x128xf32, #tpu.memory_space<vmem>>, %arg5: memref<128x128xf32, #tpu.memory_space<vmem>>, %arg6: memref<1000x128xf32, #tpu.memory_space<vmem>>) attributes {dimension_semantics = [#tpu.dimension_semantics<arbitrary>], iteration_bounds = array<i64: 10>, scalar_prefetch = 0 : i64, scratch_operands = 0 : i64, tpu.core_type = #tpu.core_type<tc>, window_params = [{transform_indices = @transform_0, window_bounds = array<i64: 2, 1000, 128>}, {transform_indices = @transform_1, window_bounds = array<i64: 1000, 128>}, {transform_indices = @transform_2, window_bounds = array<i64: 2, 1000, 128>}, {pipeline_mode = #tpu.pipeline_mode<synchronous>, transform_indices = @transform_3, window_bounds = array<i64: 1, 128>}, {pipeline_mode = #tpu.pipeline_mode<synchronous>, transform_indices = @transform_4, window_bounds = array<i64: 128, 128>}, {transform_indices = @transform_5, window_bounds = array<i64: 1000, 128>}]} {
    %get3A = arith.constant 0 : index
    %get3A_0 = arith.constant 0 : index
    %get3A_1 = arith.constant 0 : index
    %get3A_2 = vector.load %arg3[%get3A, %get3A_0, %get3A_1] : memref<2x1000x128xf32, #tpu.memory_space<vmem>>, vector<1x1000x128xf32>
    %get3A_3 = vector.shape_cast %get3A_2 : vector<1x1000x128xf32> to vector<1000x128xf32>
    %slice3A = vector.extract_strided_slice %get3A_3 {offsets = [0, 0], sizes = [1000, 1], strides = [1, 1]} : vector<1000x128xf32> to vector<1000x1xf32>
    %get3A_4 = arith.constant 1 : index
    %get3A_5 = arith.constant 0 : index
    %get3A_6 = arith.constant 0 : index
    %get3A_7 = vector.load %arg3[%get3A_4, %get3A_5, %get3A_6] : memref<2x1000x128xf32, #tpu.memory_space<vmem>>, vector<1x1000x128xf32>
    %get3A_8 = vector.shape_cast %get3A_7 : vector<1x1000x128xf32> to vector<1000x128xf32>
    %slice3A_9 = vector.extract_strided_slice %get3A_8 {offsets = [0, 0], sizes = [1000, 1], strides = [1, 1]} : vector<1000x128xf32> to vector<1000x1xf32>
    %add3A = arith.addf %slice3A, %slice3A_9 : vector<1000x1xf32>
    %add3A_10 = arith.constant 1.000000e+00 : f32
    %add3A_11 = vector.broadcast %add3A_10 : f32 to vector<1000x1xf32>
    %add3A_12 = arith.addf %add3A, %add3A_11 : vector<1000x1xf32>
    %rsqrt3A = math.rsqrt %add3A_12 : vector<1000x1xf32>
    %get3A_13 = arith.constant 0 : index
    %get3A_14 = arith.constant 0 : index
    %get3A_15 = arith.constant 0 : index
    %get3A_16 = vector.load %arg1[%get3A_13, %get3A_14, %get3A_15] : memref<2x1000x128xf32, #tpu.memory_space<vmem>>, vector<1x1000x128xf32>
    %get3A_17 = vector.shape_cast %get3A_16 : vector<1x1000x128xf32> to vector<1000x128xf32>
    %get3A_18 = arith.constant 1 : index
    %get3A_19 = arith.constant 0 : index
    %get3A_20 = arith.constant 0 : index
    %get3A_21 = vector.load %arg1[%get3A_18, %get3A_19, %get3A_20] : memref<2x1000x128xf32, #tpu.memory_space<vmem>>, vector<1x1000x128xf32>
    %get3A_22 = vector.shape_cast %get3A_21 : vector<1x1000x128xf32> to vector<1000x128xf32>
    %add3A_23 = arith.addf %get3A_17, %get3A_22 : vector<1000x128xf32>
    %get3A_24 = arith.constant 0 : index
    %get3A_25 = arith.constant 0 : index
    %get3A_26 = vector.load %arg2[%get3A_24, %get3A_25] : memref<1000x128xf32, #tpu.memory_space<vmem>>, vector<1000x128xf32>
    %add3A_27 = arith.addf %add3A_23, %get3A_26 : vector<1000x128xf32>
    %mul3A = vector.broadcast %rsqrt3A : vector<1000x1xf32> to vector<1000x128xf32>
    %mul3A_28 = arith.mulf %add3A_27, %mul3A : vector<1000x128xf32>
    %get3A_29 = arith.constant 0 : index
    %get3A_30 = arith.constant 0 : index
    %get3A_31 = vector.load %arg4[%get3A_29, %get3A_30] : memref<1x128xf32, #tpu.memory_space<vmem>>, vector<1x128xf32>
    %add3A_32 = vector.broadcast %get3A_31 : vector<1x128xf32> to vector<1000x128xf32>
    %add3A_33 = arith.addf %mul3A_28, %add3A_32 : vector<1000x128xf32>
    %max3A = arith.constant 0.000000e+00 : f32
    %max3A_34 = vector.broadcast %max3A : f32 to vector<1000x128xf32>
    %max3A_35 = arith.maximumf %add3A_33, %max3A_34 : vector<1000x128xf32>
    %get3A_36 = arith.constant 0 : index
    %get3A_37 = arith.constant 0 : index
    %get3A_38 = vector.load %arg5[%get3A_36, %get3A_37] : memref<128x128xf32, #tpu.memory_space<vmem>>, vector<128x128xf32>
    %dot_general3A = arith.constant dense<0.000000e+00> : vector<1000x128xf32>
    %dot_general3A_39 = tpu.matmul %max3A_35, %get3A_38, %dot_general3A {dimension_numbers = #tpu.dot_dimension_numbers<[1], [0], [0], [1], [0, 0, 1, 1], [], []>, transpose_lhs_hint = false} : vector<1000x128xf32>, vector<128x128xf32>, vector<1000x128xf32> -> vector<1000x128xf32>
    %mul3A_40 = vector.broadcast %rsqrt3A : vector<1000x1xf32> to vector<1000x128xf32>
    %mul3A_41 = arith.mulf %dot_general3A_39, %mul3A_40 : vector<1000x128xf32>
    %swap3A = arith.constant 0 : index
    %swap3A_42 = arith.constant 0 : index
    %swap3A_43 = vector.load %arg6[%swap3A, %swap3A_42] : memref<1000x128xf32, #tpu.memory_space<vmem>>, vector<1000x128xf32>
    tpu.vector_store %arg6[%swap3A, %swap3A_42], %mul3A_41 {strides = array<i32>} : memref<1000x128xf32, #tpu.memory_space<vmem>>, vector<1000x128xf32>,
    return
  }
  func.func @transform_0(%arg0: i32) -> (i32, i32, i32) {
    %c0_i32 = arith.constant 0 : i32
    %c0_i32_0 = arith.constant 0 : i32
    %c0_i32_1 = arith.constant 0 : i32
    return %c0_i32, %arg0, %c0_i32_0 : i32, i32, i32
  }
  func.func @transform_1(%arg0: i32) -> (i32, i32) {
    %c0_i32 = arith.constant 0 : i32
    %c0_i32_0 = arith.constant 0 : i32
    return %arg0, %c0_i32 : i32, i32
  }
  func.func @transform_2(%arg0: i32) -> (i32, i32, i32) {
    %c0_i32 = arith.constant 0 : i32
    %c0_i32_0 = arith.constant 0 : i32
    %c0_i32_1 = arith.constant 0 : i32
    return %c0_i32, %arg0, %c0_i32_0 : i32, i32, i32
  }
  func.func @transform_3(%arg0: i32) -> (i32, i32) {
    %c0_i32 = arith.constant 0 : i32
    %c0_i32_0 = arith.constant 0 : i32
    %c0_i32_1 = arith.constant 0 : i32
    return %c0_i32, %c0_i32_0 : i32, i32
  }
  func.func @transform_4(%arg0: i32) -> (i32, i32) {
    %c0_i32 = arith.constant 0 : i32
    %c0_i32_0 = arith.constant 0 : i32
    %c0_i32_1 = arith.constant 0 : i32
    return %c0_i32, %c0_i32_0 : i32, i32
  }
  func.func @transform_5(%arg0: i32) -> (i32, i32) {
    %c0_i32 = arith.constant 0 : i32
    %c0_i32_0 = arith.constant 0 : i32
    return %arg0, %c0_i32 : i32, i32
  }
}

module attributes {stable_mosaic.version = 14 : i64} {
  func.func @body(%arg0: i32, %arg1: memref<2x1000x128xf32, #tpu.memory_space<vmem>>, %arg2: memref<1000x128xf32, #tpu.memory_space<vmem>>, %arg3: memref<2x1000x128xf32, #tpu.memory_space<vmem>>, %arg4: memref<1x128xf32, #tpu.memory_space<vmem>>, %arg5: memref<1000x128xf32, #tpu.memory_space<vmem>>) attributes {dimension_semantics = [#tpu.dimension_semantics<arbitrary>], iteration_bounds = array<i64: 10>, scalar_prefetch = 0 : i64, scratch_operands = 0 : i64, tpu.core_type = #tpu.core_type<tc>, window_params = [{transform_indices = @transform_0, window_bounds = array<i64: 2, 1000, 128>}, {transform_indices = @transform_1, window_bounds = array<i64: 1000, 128>}, {transform_indices = @transform_2, window_bounds = array<i64: 2, 1000, 128>}, {pipeline_mode = #tpu.pipeline_mode<synchronous>, transform_indices = @transform_3, window_bounds = array<i64: 1, 128>}, {transform_indices = @transform_4, window_bounds = array<i64: 1000, 128>}]} {
    %get3A = arith.constant 0 : index
    %get3A_0 = arith.constant 0 : index
    %get3A_1 = arith.constant 0 : index
    %get3A_2 = vector.load %arg3[%get3A, %get3A_0, %get3A_1] : memref<2x1000x128xf32, #tpu.memory_space<vmem>>, vector<1x1000x128xf32>
    %get3A_3 = vector.shape_cast %get3A_2 : vector<1x1000x128xf32> to vector<1000x128xf32>
    %slice3A = vector.extract_strided_slice %get3A_3 {offsets = [0, 0], sizes = [1000, 1], strides = [1, 1]} : vector<1000x128xf32> to vector<1000x1xf32>
    %get3A_4 = arith.constant 1 : index
    %get3A_5 = arith.constant 0 : index
    %get3A_6 = arith.constant 0 : index
    %get3A_7 = vector.load %arg3[%get3A_4, %get3A_5, %get3A_6] : memref<2x1000x128xf32, #tpu.memory_space<vmem>>, vector<1x1000x128xf32>
    %get3A_8 = vector.shape_cast %get3A_7 : vector<1x1000x128xf32> to vector<1000x128xf32>
    %slice3A_9 = vector.extract_strided_slice %get3A_8 {offsets = [0, 0], sizes = [1000, 1], strides = [1, 1]} : vector<1000x128xf32> to vector<1000x1xf32>
    %add3A = arith.addf %slice3A, %slice3A_9 : vector<1000x1xf32>
    %add3A_10 = arith.constant 1.000000e+00 : f32
    %add3A_11 = vector.broadcast %add3A_10 : f32 to vector<1000x1xf32>
    %add3A_12 = arith.addf %add3A, %add3A_11 : vector<1000x1xf32>
    %rsqrt3A = math.rsqrt %add3A_12 : vector<1000x1xf32>
    %get3A_13 = arith.constant 0 : index
    %get3A_14 = arith.constant 0 : index
    %get3A_15 = arith.constant 0 : index
    %get3A_16 = vector.load %arg1[%get3A_13, %get3A_14, %get3A_15] : memref<2x1000x128xf32, #tpu.memory_space<vmem>>, vector<1x1000x128xf32>
    %get3A_17 = vector.shape_cast %get3A_16 : vector<1x1000x128xf32> to vector<1000x128xf32>
    %get3A_18 = arith.constant 1 : index
    %get3A_19 = arith.constant 0 : index
    %get3A_20 = arith.constant 0 : index
    %get3A_21 = vector.load %arg1[%get3A_18, %get3A_19, %get3A_20] : memref<2x1000x128xf32, #tpu.memory_space<vmem>>, vector<1x1000x128xf32>
    %get3A_22 = vector.shape_cast %get3A_21 : vector<1x1000x128xf32> to vector<1000x128xf32>
    %add3A_23 = arith.addf %get3A_17, %get3A_22 : vector<1000x128xf32>
    %get3A_24 = arith.constant 0 : index
    %get3A_25 = arith.constant 0 : index
    %get3A_26 = vector.load %arg2[%get3A_24, %get3A_25] : memref<1000x128xf32, #tpu.memory_space<vmem>>, vector<1000x128xf32>
    %add3A_27 = arith.addf %add3A_23, %get3A_26 : vector<1000x128xf32>
    %mul3A = vector.broadcast %rsqrt3A : vector<1000x1xf32> to vector<1000x128xf32>
    %mul3A_28 = arith.mulf %add3A_27, %mul3A : vector<1000x128xf32>
    %get3A_29 = arith.constant 0 : index
    %get3A_30 = arith.constant 0 : index
    %get3A_31 = vector.load %arg4[%get3A_29, %get3A_30] : memref<1x128xf32, #tpu.memory_space<vmem>>, vector<1x128xf32>
    %add3A_32 = vector.broadcast %get3A_31 : vector<1x128xf32> to vector<1000x128xf32>
    %add3A_33 = arith.addf %mul3A_28, %add3A_32 : vector<1000x128xf32>
    %swap3A = arith.constant 0 : index
    %swap3A_34 = arith.constant 0 : index
    %swap3A_35 = vector.load %arg5[%swap3A, %swap3A_34] : memref<1000x128xf32, #tpu.memory_space<vmem>>, vector<1000x128xf32>
    tpu.vector_store %arg5[%swap3A, %swap3A_34], %add3A_33 {strides = array<i32>} : memref<1000x128xf32, #tpu.memory_space<vmem>>, vector<1000x128xf32>,
    return
  }
  func.func @transform_0(%arg0: i32) -> (i32, i32, i32) {
    %c0_i32 = arith.constant 0 : i32
    %c0_i32_0 = arith.constant 0 : i32
    %c0_i32_1 = arith.constant 0 : i32
    return %c0_i32, %arg0, %c0_i32_0 : i32, i32, i32
  }
  func.func @transform_1(%arg0: i32) -> (i32, i32) {
    %c0_i32 = arith.constant 0 : i32
    %c0_i32_0 = arith.constant 0 : i32
    return %arg0, %c0_i32 : i32, i32
  }
  func.func @transform_2(%arg0: i32) -> (i32, i32, i32) {
    %c0_i32 = arith.constant 0 : i32
    %c0_i32_0 = arith.constant 0 : i32
    %c0_i32_1 = arith.constant 0 : i32
    return %c0_i32, %arg0, %c0_i32_0 : i32, i32, i32
  }
  func.func @transform_3(%arg0: i32) -> (i32, i32) {
    %c0_i32 = arith.constant 0 : i32
    %c0_i32_0 = arith.constant 0 : i32
    %c0_i32_1 = arith.constant 0 : i32
    return %c0_i32, %c0_i32_0 : i32, i32
  }
  func.func @transform_4(%arg0: i32) -> (i32, i32) {
    %c0_i32 = arith.constant 0 : i32
    %c0_i32_0 = arith.constant 0 : i32
    return %arg0, %c0_i32 : i32, i32
  }
}

</mosaic_0001>

<sc_bundles>
// kernel: kernel.11.cloned.1.call-start
scs
__scs_entry_jumppad:
0x0: {  	(pc) =	sbr.rel $0x88, $3  }
0x1: {  	(tag) =	ssettag $0x0;
	lr =	simm.s32 $0x1  }
0x2: {  	[smem:$0x3F9B] =	sst lr;
	_ =	strace $0xD0000000  }
0x3: {  	_ = 	snop  }
0x4: {  	_ = 	snop  }
0x5: {  	_ = 	snop  }
0x6: {  	_ = 	snop  }
0x7: {  	_ = 	snop  }
__scs_overlays_trampoline_lowered:
0x8: {  	[smem:$0x3FAA] =	sst s0  }
0x9: {  	[smem:$0x3FAB] =	sst s1  }
0xa: {  	[smem:$0x3FAC] =	sst s2  }
0xb: {  	[smem:$0x3FAD] =	sst s3  }
0xc: {  	[smem:$0x3FAE] =	sst s4  }
0xd: {  	[smem:$0x3FAF] =	sst s5  }
0xe: {  	[smem:$0x3FB0] =	sst s6  }
0xf: {  	[smem:$0x3FB1] =	sst s7  }
0x10: {  	[smem:$0x3FB2] =	sst s8  }
0x11: {  	[smem:$0x3FB3] =	sst s9;
	s0 =	simm.s32 @!p0 $0x0  }
0x12: {  	s1 =	sld [smem:$0x3F99];
	s0 =	simm.s32 @p0 $0x1  }
0x13: {  	[smem:$0x3FB4] =	sst s0;
	s0 =	simm.s32 @!p1 $0x0  }
0x14: {  	s2 =	sld [smem:$0x3F98];
	s0 =	simm.s32 @p1 $0x1  }
0x15: {  	[smem:$0x3FB5] =	sst s0;
	s0 =	simm.s32 @!p2 $0x0  }
0x16: {  	s3 =	sld [smem:$0x3FDB];
	s0 =	simm.s32 @p2 $0x1  }
0x17: {  	s4 =	simm.s32 $0x1BF5;
	[smem:$0x3FB7] =	sst s0  }
0x18: {  	s0 =	sld [smem:$0x3F9A];
	_ =	swait.ge [sflag:s4], $0x0  }
0x19: {  	s7 =	sld [smem:$0x3F9B]  }
0x1a: {  	s8 =	sadd.s32 $0xFFFFE003, lr  }
0x1b: {  	s9 =	sadd.s32 $0xFFFFFEF7, lr;
	s5 =	simm.s32 $0xFFFFFFFF;
	p2 =	slt.u32 s8, $0xFFFFF086  }
0x1c: {  	p1 =	slt.u32 s9, $0xF7A;
	s5 =	simm.s32 @!p2 $0x0  }
0x1d: {  	s5 =	simm.s32 @p1 $0x1;
	p0 =	seq.s32 s7, s2  }
0x1e: {  	s7 =	smul.u32 @!p0 $0xF7A, s2;
	p2 =	seq.s32 @!p0 s5, $0x0  }
0x1f: {  	s9 =	smul.u32 $0xF7A, s1;
	s8 =	simm.s32 @!p0 $0x1BF5;
	p2 =	por !p2, p0  }
0x20: {  	[sflag:s8] =	ssyncset.s32 @!p0 $0xFFFFF086;
	s6 =	sadd.s32 @!p0 s3, s7;
	s7 =	simm.s32 @!p0 $0x108  }
0x21: {  	s3 =	sadd.s32 s3, s9;
	s6 =	sadd.s32 @!p0 $0x88, s6;
	s7 =	simm.s32 @p2 $0x1082  }
0x22: {  	[simem:s7], [sflag:s8] =	dma.local @!p0 [hbm:s6], $0xF7A  }
0x23: {  	s9 =	sor.u32 $0xD0000000, s2;
	s6 =	simm.s32 $0x108;
	_ =	swait.ge @!p0 [sflag:s8], $0x0  }
0x24: {  	s3 =	sadd.s32 $0x88, s3;
	s6 =	simm.s32 @!p1 $0x1082;
	[sflag:s4] =	ssyncset.s32 $0xFFFFF086  }
0x25: {  	[simem:s6], [sflag:s4] =	dma.local [hbm:s3], $0xF7A  }
0x26: {  	[smem:$0x3F9B] =	sst s1;
	(tag) =	ssettag s2;
	_ =	strace s9  }
0x27: {  	s1 =	sld [smem:$0x3FAB]  }
0x28: {  	s2 =	sld [smem:$0x3FAC]  }
0x29: {  	s4 =	sld [smem:$0x3FAE]  }
0x2a: {  	p0 =	seq.s32 s5, $0x0;
	s5 =	sld [smem:$0x3FAF]  }
0x2b: {  	s6 =	sld [smem:$0x3FB0]  }
0x2c: {  	s7 =	sld [smem:$0x3FB1]  }
0x2d: {  	s3 =	simm.s32 $0x108;
	s8 =	sld [smem:$0x3FB2]  }
0x2e: {  	s3 =	simm.s32 @!p0 $0x1082;
	s9 =	sld [smem:$0x3FB3]  }
0x2f: {  	lr =	sadd.s32 s0, s3;
	s0 =	sld [smem:$0x3FAA]  }
0x30: {  	s3 =	sld [smem:$0x3FAD]  }
0x31: {  	[smem:$0x3FB6] =	sst s10  }
0x32: {  	s10 =	sld [smem:$0x3FB4];
	_ =	sdelay $0x3  }
0x33: {  	p0 =	seq.s32 s10, $0x1;
	s10 =	sld [smem:$0x3FB6];
	_ =	sdelay $0x3  }
0x34: {  	[smem:$0x3FB6] =	sst s10  }
0x35: {  	s10 =	sld [smem:$0x3FB5];
	_ =	sdelay $0x3  }
0x36: {  	p1 =	seq.s32 s10, $0x1;
	s10 =	sld [smem:$0x3FB6];
	_ =	sdelay $0x3  }
0x37: {  	[smem:$0x3FB6] =	sst s10  }
0x38: {  	s10 =	sld [smem:$0x3FB7]  }
0x39: {  	_ = 	snop;
	(pc) =	sbr.ind lr, $3  }
0x3a: {  	_ = 	snop  }
0x3b: {  	_ = 	snop  }
0x3c: {  	p2 =	seq.s32 s10, $0x1;
	s10 =	sld [smem:$0x3FB6]  }
0x3d: {  	_ =	shalt  }
0x3e: {  	_ =	shalt  }
0x3f: {  	_ =	shalt  }
0x40: {  	_ =	shalt  }
0x41: {  	_ =	shalt  }
0x42: {  	_ =	shalt  }
0x43: {  	_ =	shalt  }
0x44: {  	_ =	shalt  }
0x45: {  	_ =	shalt  }
0x46: {  	_ =	shalt  }
0x47: {  	_ =	shalt  }
0x48: {  	_ =	shalt  }
0x49: {  	_ =	shalt  }
0x4a: {  	_ =	shalt  }
0x4b: {  	_ =	shalt  }
0x4c: {  	_ =	shalt  }
0x4d: {  	_ =	shalt  }
0x4e: {  	_ =	shalt  }
0x4f: {  	_ =	shalt  }
0x50: {  	_ =	shalt  }
0x51: {  	_ =	shalt  }
0x52: {  	_ =	shalt  }
0x53: {  	_ =	shalt  }
0x54: {  	_ =	shalt  }
0x55: {  	_ =	shalt  }
0x56: {  	_ =	shalt  }
0x57: {  	_ =	shalt  }
0x58: {  	_ =	shalt  }
0x59: {  	_ =	shalt  }
0x5a: {  	_ =	shalt  }
0x5b: {  	_ =	shalt  }
0x5c: {  	_ =	shalt  }
0x5d: {  	_ =	shalt  }
0x5e: {  	_ =	shalt  }
0x5f: {  	_ =	shalt  }
0x60: {  	_ =	shalt  }
0x61: {  	_ =	shalt  }
0x62: {  	_ =	shalt  }
0x63: {  	_ =	shalt  }
0x64: {  	_ =	shalt  }
0x65: {  	_ =	shalt  }
0x66: {  	_ =	shalt  }
0x67: {  	_ =	shalt  }
0x68: {  	_ =	shalt  }
0x69: {  	_ =	shalt  }
0x6a: {  	_ =	shalt  }
0x6b: {  	_ =	shalt  }
0x6c: {  	_ =	shalt  }
0x6d: {  	_ =	shalt  }
0x6e: {  	_ =	shalt  }
0x6f: {  	_ =	shalt  }
0x70: {  	_ =	shalt  }
0x71: {  	_ =	shalt  }
0x72: {  	_ =	shalt  }
0x73: {  	_ =	shalt  }
0x74: {  	_ =	shalt  }
0x75: {  	_ =	shalt  }
0x76: {  	_ =	shalt  }
0x77: {  	_ =	shalt  }
0x78: {  	_ =	shalt  }
0x79: {  	_ =	shalt  }
0x7a: {  	_ =	shalt  }
0x7b: {  	_ =	shalt  }
0x7c: {  	_ =	shalt  }
0x7d: {  	_ =	shalt  }
0x7e: {  	_ =	shalt  }
0x7f: {  	_ =	shalt  }
0x80: {  	_ =	shalt  }
0x81: {  	_ =	shalt  }
0x82: {  	_ =	shalt  }
0x83: {  	_ =	shalt  }
0x84: {  	_ =	shalt  }
0x85: {  	_ =	shalt  }
0x86: {  	_ =	shalt  }
0x87: {  	_ =	shalt  }
.Lfunc_end0:
.L_simem_size_0:
called_computation.1_lowered:
.L_overlay_start_0:
0x88: {  	s2 =	sld [smem:$0x3FD9]  }
0x89: {  	s3 =	sld [smem:$0x3FFE];
	_ =	sdelay $0x1  }
0x8a: {  	s1 =	srdreg.scid  }
0x8b: {  	s0 =	sand.u32 $0x1, s1  }
0x8c: {  	s17 =	sshll.u32 s0, $0xA;
	s2 =	sadd.s32 s3, s2  }
0x8d: {  	s2 =	sadd.s32 s2, s17  }
0x8e: {  	[smem:$0x3FC2] =	sst s2  }
0x8f: {  	_ = 	snop  }
0x90: {  	s2 =	sld [smem:$0x3FD0];
	(tm) =	ssettm $0x1  }
0x91: {  	s18 =	sld [smem:$0x3FFB];
	_ =	sdelay $0x3  }
0x92: {  	_ =	strace s18  }
0x93: {  	s3 =	sld [smem:$0x3FFC];
	_ =	sdelay $0x3  }
0x94: {  	_ =	strace s3  }
0x95: {  	s3 =	sld [smem:$0x3FFD];
	_ =	sdelay $0x3  }
0x96: {  	_ =	strace s3  }
0x97: {  	_ =	strace $0x8FFFFFFF  }
0x98: {  	s19 =	sld [smem:$0x3FDB];
	_ =	sdelay $0x1  }
0x99: {  	s4 =	simm.s32 $_scs_section_size  }
0x9a: {  	s5 =	simm.s32 $_size__tile_overlayer_lowered;
	s6 =	simm.s32 $_tile_overlayer_lowered  }
0x9b: {  	s22 =	simm.s32 $0x1BFF;
	s21 =	sshll.u32 s6, $0x1;
	s3 =	sadd.s32 s4, s19  }
0x9c: {  	s7 =	simm.s32 $0x0;
	s20 =	sshll.u32 s5, $0x1;
	s5 =	sadd.s32 s21, s3  }
0x9d: {  	[timem:s7], [sflag:s22] =	dma.local [hbm:s5], s20  }
0x9e: {  	_ =	swait.ge [sflag:s22], s20  }
0x9f: {  	s4 =	ssub.s32 $0x0, s20;
	[sflag:s22] =	ssyncset.done $0x0  }
0xa0: {  	[sflag:s22] =	ssyncadd.s32 s4;
	_ =	sdelay $0x1  }
0xa1: {  	s23 =	simm.s32 $0x1B8B  }
0xa2: {  	_ =	swait.ge [sflag:s23], $0x1  }
0xa3: {  	[sflag:s23] =	ssyncset.done $0x0  }
0xa4: {  	s25 =	simm.s32 $0x1B8E;
	s24 =	sld [smem:$0x3FFE];
	[sflag:s23] =	ssyncadd.s32 $0xFFFFFFFF  }
0xa5: {  	s26 =	simm.s32 $execute0_lowered;
	[smem:$0x3FD2] =	sst s25  }
0xa6: {  	s5 =	sshll.u32 s26, $0x1;
	_ =	strace $0x80000049;
	[dreg:$0x1] =	wrdreg $0xFFFFFFFF  }
0xa7: {  	s28 =	simm.s32 $_size_execute0_lowered;
	s3 =	sadd.s32 s3, s5;
	[dreg:$0x0] =	wrdreg $0x0  }
0xa8: {  	s5 =	sshll.u32 s28, $0x1;
	[dreg:$0x2] =	wrdreg s3  }
0xa9: {  	[dreg:$0x3] =	wrdreg s5  }
0xaa: {  	[dreg:$0x4] =	wrdreg $0xC0  }
0xab: {  	_ =	task [dreg:s7], $0x5FFFF  }
0xac: {  	[dreg:$0x1] =	wrdreg $0xFFFFFFFF  }
0xad: {  	[dreg:$0x0] =	wrdreg $0x60  }
0xae: {  	[dreg:$0x2] =	wrdreg s2  }
0xaf: {  	[dreg:$0x3] =	wrdreg s24  }
0xb0: {  	[dreg:$0x4] =	wrdreg $0xA6000  }
0xb1: {  	[dreg:$0x5] =	wrdreg $0x9  }
0xb2: {  	_ =	task.clear_ibuf [dreg:s7], $0x6FFFF;
	_ =	strace $0x90000049  }
0xb3: {  	s29 =	simm.s32 $0x9;
	_ =	strace $0x8000004B  }
0xb4: {  	_ =	swait.ge [sflag:s29], $0x1  }
0xb5: {  	[sflag:s29] =	ssyncadd.s32 $0xFFFFFFFF  }
0xb6: {  	_ =	strace $0x9000004B  }
0xb7: {  	_ =	sfence  }
0xb8: {  	s30 =	sld [smem:$0x0];
	_ =	sdelay $0x2  }
0xb9: {  	s31 =	sshll.u32 s1, $0xD;
	s1 =	sshrl.u32 s1, $0x2  }
0xba: {  	s3 =	sand.u32 $0x4000, s31;
	s1 =	sadd.s32 s1, s30  }
0xbb: {  	s0 =	sor.u32 s3, s0;
	s1 =	sshll.u32 s1, $0x11  }
0xbc: {  	s0 =	sor.u32 s1, s0  }
0xbd: {  	s0 =	sadd.s32 $0x8F2B, s0  }
0xbe: {  	[sflag:s0] =	ssyncadd.remote.s32 $0x1  }
0xbf: {  	_ =	sfence.sel $0xFFFF  }
0xc0: {  	[dreg:$0x0] =	wrdreg $0xFFFFFFFF;
	(pc) =	sbr.abs _section_cstart, $3  }
0xc1: {  	[dreg:$0x1] =	wrdreg $0xFFFFFFFF  }
0xc2: {  	_ =	task.clear_ibuf [dreg:s7], $0x2FFFF;
	_ =	strace $0x9FFFFFFF  }
0xc3: {  	(tm) =	ssettm $0x7FFFFFFF  }
tec
execute0_lowered:
.L_overlay_start_1:
0x0: {  	(tag) =	ssettag $0x1  }
0x1: {  	s1 =	rddreg [dreg:$0x0]  }
0x2: {  	s6 =	rddreg [dreg:$0x1]  }
0x3: {  	s0 =	srdreg.scid;
	s3 =	rddreg [dreg:$0x2]  }
0x4: {  	s4 =	simm.s32 $0x0;
	s14 =	simm.s32 $0x2400;
	s15 =	simm.s32 $0x2600  }
0x5: {  	s16 =	simm.s32 $0x2480;
	s17 =	simm.s32 $0x6600;
	s18 =	simm.s32 $0x1  }
0x6: {  	s19 =	simm.s32 $0x2500;
	s20 =	simm.s32 $0x3;
	s21 =	simm.s32 $0x2  }
0x7: {  	s22 =	simm.s32 $0x2580;
	s5 =	sand.u32 $0x1, s0;
	s0 =	stileid.u32  }
0x8: {  	s23 =	simm.s32 $0x0;
	[smem:$0x7FF] =	sst s4;
	s8 =	smul.u32 $0x13C00, s0  }
0x9: {  	s2 =	sshll.u32 s5, $0x4;
	s9 =	smul.u32 $0x13C000, s5;
	s29 =	ssub.s32 $0x2, s5  }
0xa: {  	s12 =	smul.u32 $0x4F000, s0;
	p0 =	seq.s32 s5, $0x0;
	s5 =	simm.s32 $0x48  }
0xb: {  	s31 =	sshll.u32 s0, $0x6;
	s2 =	sor.u32 s0, s2;
	s11 =	sshrl.u32 s29, $0x1  }
0xc: {  	s5 =	simm.s32 @!p0 $0x8;
	s7 =	smul.u32 $0x480, s2;
	s2 =	rddreg [dreg:$0x3]  }
0xd: {  	_ =	strace $0x8000004A;
	s28 =	sshrl.u32 s8, $0x3;
	s8 =	sadd.s32 s8, s9  }
0xe: {  	s11 =	ssub.s32 s29, s11;
	s30 =	sshrl.u32 s12, $0x2;
	s9 =	sshrl.u32 s5, $0x1  }
0xf: {  	s8 =	sshrl.u32 s8, $0x3;
	s12 =	sadd.s32 s30, s3;
	s11 =	smax.u32 s11, $0x1  }
0x10: {  	s10 =	sadd.s32 s7, s6;
	s7 =	sadd.s32 s28, s6;
	s13 =	sadd.s32 s8, s6  }
0x11: {  	s12 =	sshrl.u32 s12, $0x3;
	s6 =	sadd.s32 $0x2C00, s7;
	s7 =	sor.u32 $0x1C03, s31  }
0x12: {  	s8 =	sadd.s32 $0x79400, s10;
	s10 =	sadd.s32 $0x82400, s13;
	s13 =	simm.s32 $0x80  }
.LBB2_1:
0x13: {  	[spmem:s12], [sflag:s7] =	dma.local [hbm:s6], $0x2780  }
0x14: {  	_ =	swait.ge [sflag:s20], $0x2780  }
0x15: {  	[sflag:s20] =	ssyncset.done $0x0  }
0x16: {  	[sflag:s20] =	ssyncadd.s32 $0xFFFFD880  }
0x17: {  	[tilespmem:s4], [sflag:$0x3] =	stream.linear.gather [hbm4b:s8+s4], $0x2400, $0x38;
	[tilespmem:$0x1E200] =	vst v63  }
0x18: {  	_ =	swait.ge [sflag:s20], $0x2400  }
0x19: {  	[sflag:s20] =	ssyncset.done $0x0  }
0x1a: {  	[sflag:s20] =	ssyncadd.s32 $0xFFFFDC00  }
0x1b: {  	[bflag:$0x0] =	sbarrier.arrive $0xFFFF  }
0x1c: {  	v0 =	vld [tilespmem:$0x0];
	_ =	sdelay $0x1  }
0x1d: {  	v1 =	vld [tilespmem:$0x10];
	_ =	sdelay $0x1  }
0x1e: {  	v2 =	vld [tilespmem:$0x20]  }
0x1f: {  	v3 =	vand.u32 $0xFFFF, v0  }
0x20: {  	v22 =	vld [tilespmem:$0x30];
	v0 =	vshrl.u32 v0, $0x10;
	[tilespmem:$0x2400] =	vst v3  }
0x21: {  	v23 =	vand.u32 $0xFFFF, v1;
	[tilespmem:$0x2500] =	vst v0  }
0x22: {  	v25 =	vld [tilespmem:$0x40];
	v24 =	vshrl.u32 v1, $0x10;
	[tilespmem:$0x2410] =	vst v23  }
0x23: {  	v26 =	vand.u32 $0xFFFF, v2;
	[tilespmem:$0x2510] =	vst v24  }
0x24: {  	v28 =	vld [tilespmem:$0x50];
	v27 =	vshrl.u32 v2, $0x10;
	[tilespmem:$0x2420] =	vst v26  }
0x25: {  	v29 =	vand.u32 $0xFFFF, v22;
	[tilespmem:$0x2520] =	vst v27  }
0x26: {  	v31 =	vld [tilespmem:$0x60];
	v30 =	vshrl.u32 v22, $0x10;
	[tilespmem:$0x2430] =	vst v29  }
0x27: {  	v32 =	vand.u32 $0xFFFF, v25;
	[tilespmem:$0x2530] =	vst v30  }
0x28: {  	v34 =	vld [tilespmem:$0x70];
	v33 =	vshrl.u32 v25, $0x10;
	[tilespmem:$0x2440] =	vst v32  }
0x29: {  	v35 =	vand.u32 $0xFFFF, v28;
	[tilespmem:$0x2540] =	vst v33  }
0x2a: {  	v36 =	vshrl.u32 v28, $0x10;
	[tilespmem:$0x2450] =	vst v35  }
0x2b: {  	v37 =	vand.u32 $0xFFFF, v31;
	[tilespmem:$0x2550] =	vst v36  }
0x2c: {  	v38 =	vshrl.u32 v31, $0x10;
	[tilespmem:$0x2460] =	vst v37  }
0x2d: {  	v39 =	vand.u32 $0xFFFF, v34;
	[tilespmem:$0x2560] =	vst v38  }
0x2e: {  	v40 =	vshrl.u32 v34, $0x10;
	[tilespmem:$0x2470] =	vst v39  }
0x2f: {  	[tilespmem:$0x2570] =	vst v40  }
0x30: {  	[tilespmem:s15], [sflag:$0x1] =	stream.indirect.gather [hbm4b:s1+s13], $0x80, s14, s13, $0xb8;
	[tilespmem:$0x1E200] =	vst v63  }
0x31: {  	v41 =	vld [tilespmem:$0x80];
	_ =	sdelay $0x1  }
0x32: {  	v42 =	vld [tilespmem:$0x90];
	_ =	sdelay $0x1  }
0x33: {  	v43 =	vld [tilespmem:$0xA0]  }
0x34: {  	v44 =	vand.u32 $0xFFFF, v41  }
0x35: {  	v45 =	vld [tilespmem:$0xB0];
	v0 =	vshrl.u32 v41, $0x10;
	[tilespmem:$0x2480] =	vst v44  }
0x36: {  	v46 =	vand.u32 $0xFFFF, v42;
	[tilespmem:$0x2580] =	vst v0  }
0x37: {  	v48 =	vld [tilespmem:$0xC0];
	v47 =	vshrl.u32 v42, $0x10;
	[tilespmem:$0x2490] =	vst v46  }
0x38: {  	v49 =	vand.u32 $0xFFFF, v43;
	[tilespmem:$0x2590] =	vst v47  }
0x39: {  	v51 =	vld [tilespmem:$0xD0];
	v50 =	vshrl.u32 v43, $0x10;
	[tilespmem:$0x24A0] =	vst v49  }
0x3a: {  	v52 =	vand.u32 $0xFFFF, v45;
	[tilespmem:$0x25A0] =	vst v50  }
0x3b: {  	v54 =	vld [tilespmem:$0xE0];
	v53 =	vshrl.u32 v45, $0x10;
	[tilespmem:$0x24B0] =	vst v52  }
0x3c: {  	v55 =	vand.u32 $0xFFFF, v48;
	[tilespmem:$0x25B0] =	vst v53  }
0x3d: {  	v57 =	vld [tilespmem:$0xF0];
	v56 =	vshrl.u32 v48, $0x10;
	[tilespmem:$0x24C0] =	vst v55  }
0x3e: {  	v58 =	vand.u32 $0xFFFF, v51;
	[tilespmem:$0x25C0] =	vst v56  }
0x3f: {  	v59 =	vshrl.u32 v51, $0x10;
	[tilespmem:$0x24D0] =	vst v58  }
0x40: {  	v60 =	vand.u32 $0xFFFF, v54;
	[tilespmem:$0x25D0] =	vst v59  }
0x41: {  	v61 =	vshrl.u32 v54, $0x10;
	[tilespmem:$0x24E0] =	vst v60  }
0x42: {  	v62 =	vand.u32 $0xFFFF, v57;
	[tilespmem:$0x25E0] =	vst v61  }
0x43: {  	v63 =	vshrl.u32 v57, $0x10;
	[tilespmem:$0x24F0] =	vst v62  }
0x44: {  	[tilespmem:$0x25F0] =	vst v63  }
0x45: {  	[tilespmem:s17], [sflag:$0x2] =	stream.indirect.gather [hbm4b:s1+s13], $0x80, s16, s13, $0xb8;
	[tilespmem:$0x1E200] =	vst v63  }
0x46: {  	_ =	swait.ge [sflag:s18], $0x4000  }
0x47: {  	[sflag:s18] =	ssyncset.done $0x0  }
0x48: {  	[sflag:s18] =	ssyncadd.s32 $0xFFFFC000  }
0x49: {  	[spmem:s3] =	stream.indirect.scatter.add.f32 [tilespmem:s15], [sflag:$0x3], $0x80, s19, s13, $0xb8;
	[tilespmem:$0x1E200] =	vst v63  }
0x4a: {  	_ =	swait.ge [sflag:s20], $0x4000  }
0x4b: {  	[sflag:s20] =	ssyncset.done $0x0  }
0x4c: {  	s24 =	simm.s32 $0x1F0;
	p0 =	sle.u32 s5, $0x2;
	[sflag:s20] =	ssyncadd.s32 $0xFFFFC000  }
0x4d: {  	v0 =	vld @!p0 [tilespmem:s24+$0xFFFFFF10];
	_ =	sdelay $0x4  }
0x4e: {  	v1 =	vand.u32 @!p0 $0xFFFF, v0  }
0x4f: {  	v0 =	vshrl.u32 @!p0 v0, $0x10;
	[tilespmem:$0x2400] =	vst @!p0 v1  }
0x50: {  	[tilespmem:$0x2500] =	vst @!p0 v0  }
0x51: {  	v0 =	vld @!p0 [tilespmem:s24+$0xFFFFFF20];
	_ =	sdelay $0x4  }
0x52: {  	v1 =	vand.u32 @!p0 $0xFFFF, v0  }
0x53: {  	v0 =	vshrl.u32 @!p0 v0, $0x10;
	[tilespmem:$0x2410] =	vst @!p0 v1  }
0x54: {  	[tilespmem:$0x2510] =	vst @!p0 v0  }
0x55: {  	v0 =	vld @!p0 [tilespmem:s24+$0xFFFFFF30];
	_ =	sdelay $0x4  }
0x56: {  	v1 =	vand.u32 @!p0 $0xFFFF, v0  }
0x57: {  	v0 =	vshrl.u32 @!p0 v0, $0x10;
	[tilespmem:$0x2420] =	vst @!p0 v1  }
0x58: {  	[tilespmem:$0x2520] =	vst @!p0 v0  }
0x59: {  	v0 =	vld @!p0 [tilespmem:s24+$0xFFFFFF40];
	_ =	sdelay $0x4  }
0x5a: {  	v1 =	vand.u32 @!p0 $0xFFFF, v0  }
0x5b: {  	v0 =	vshrl.u32 @!p0 v0, $0x10;
	[tilespmem:$0x2430] =	vst @!p0 v1  }
0x5c: {  	[tilespmem:$0x2530] =	vst @!p0 v0  }
0x5d: {  	v0 =	vld @!p0 [tilespmem:s24+$0xFFFFFF50];
	_ =	sdelay $0x4  }
0x5e: {  	v1 =	vand.u32 @!p0 $0xFFFF, v0  }
0x5f: {  	v0 =	vshrl.u32 @!p0 v0, $0x10;
	[tilespmem:$0x2440] =	vst @!p0 v1  }
0x60: {  	[tilespmem:$0x2540] =	vst @!p0 v0  }
0x61: {  	v0 =	vld @!p0 [tilespmem:s24+$0xFFFFFF60];
	_ =	sdelay $0x4  }
0x62: {  	v1 =	vand.u32 @!p0 $0xFFFF, v0  }
0x63: {  	v0 =	vshrl.u32 @!p0 v0, $0x10;
	[tilespmem:$0x2450] =	vst @!p0 v1  }
0x64: {  	[tilespmem:$0x2550] =	vst @!p0 v0  }
0x65: {  	v0 =	vld @!p0 [tilespmem:s24+$0xFFFFFF70];
	_ =	sdelay $0x4  }
0x66: {  	v1 =	vand.u32 @!p0 $0xFFFF, v0  }
0x67: {  	v0 =	vshrl.u32 @!p0 v0, $0x10;
	[tilespmem:$0x2460] =	vst @!p0 v1  }
0x68: {  	[tilespmem:$0x2560] =	vst @!p0 v0  }
0x69: {  	v0 =	vld @!p0 [tilespmem:s24+$0xFFFFFF80];
	_ =	sdelay $0x4  }
0x6a: {  	v1 =	vand.u32 @!p0 $0xFFFF, v0  }
0x6b: {  	v0 =	vshrl.u32 @!p0 v0, $0x10;
	[tilespmem:$0x2470] =	vst @!p0 v1  }
0x6c: {  	s25 =	simm.s32 @!p0 $0x80;
	s26 =	simm.s32 @!p0 $0x2400;
	s28 =	simm.s32 @!p0 $0x2600;
	[tilespmem:$0x2570] =	vst @!p0 v0  }
0x6d: {  	[tilespmem:s28], [sflag:$0x1] =	stream.indirect.gather @!p0 [hbm4b:s1+s25], $0x80, s26, s25, $0xb8;
	[tilespmem:$0x1E200] =	vst v63  }
0x6e: {  	_ =	swait.ge [sflag:s21], $0x4000  }
0x6f: {  	[sflag:s21] =	ssyncset.done $0x0  }
0x70: {  	[sflag:s21] =	ssyncadd.s32 $0xFFFFC000  }
0x71: {  	[spmem:s3] =	stream.indirect.scatter.add.f32 [tilespmem:s17], [sflag:$0x3], $0x80, s22, s13, $0xb8;
	[tilespmem:$0x1E200] =	vst v63  }
0x72: {  	_ =	swait.ge [sflag:s20], $0x4000  }
0x73: {  	[sflag:s20] =	ssyncset.done $0x0  }
0x74: {  	p1 =	sle.u32 s5, $0x3;
	[sflag:s20] =	ssyncadd.s32 $0xFFFFC000  }
0x75: {  	v0 =	vld @!p1 [tilespmem:s24+$0xFFFFFF90];
	_ =	sdelay $0x4  }
0x76: {  	v1 =	vand.u32 @!p1 $0xFFFF, v0  }
0x77: {  	v0 =	vshrl.u32 @!p1 v0, $0x10;
	[tilespmem:$0x2480] =	vst @!p1 v1  }
0x78: {  	[tilespmem:$0x2580] =	vst @!p1 v0  }
0x79: {  	v0 =	vld @!p1 [tilespmem:s24+$0xFFFFFFA0];
	_ =	sdelay $0x4  }
0x7a: {  	v1 =	vand.u32 @!p1 $0xFFFF, v0  }
0x7b: {  	v0 =	vshrl.u32 @!p1 v0, $0x10;
	[tilespmem:$0x2490] =	vst @!p1 v1  }
0x7c: {  	[tilespmem:$0x2590] =	vst @!p1 v0  }
0x7d: {  	v0 =	vld @!p1 [tilespmem:s24+$0xFFFFFFB0];
	_ =	sdelay $0x4  }
0x7e: {  	v1 =	vand.u32 @!p1 $0xFFFF, v0  }
0x7f: {  	v0 =	vshrl.u32 @!p1 v0, $0x10;
	[tilespmem:$0x24A0] =	vst @!p1 v1  }
0x80: {  	[tilespmem:$0x25A0] =	vst @!p1 v0  }
0x81: {  	v0 =	vld @!p1 [tilespmem:s24+$0xFFFFFFC0];
	_ =	sdelay $0x4  }
0x82: {  	v1 =	vand.u32 @!p1 $0xFFFF, v0  }
0x83: {  	v0 =	vshrl.u32 @!p1 v0, $0x10;
	[tilespmem:$0x24B0] =	vst @!p1 v1  }
0x84: {  	[tilespmem:$0x25B0] =	vst @!p1 v0  }
0x85: {  	v0 =	vld @!p1 [tilespmem:s24+$0xFFFFFFD0];
	_ =	sdelay $0x4  }
0x86: {  	v1 =	vand.u32 @!p1 $0xFFFF, v0  }
0x87: {  	v0 =	vshrl.u32 @!p1 v0, $0x10;
	[tilespmem:$0x24C0] =	vst @!p1 v1  }
0x88: {  	[tilespmem:$0x25C0] =	vst @!p1 v0  }
0x89: {  	v0 =	vld @!p1 [tilespmem:s24+$0xFFFFFFE0]  }
0x8a: {  	s25 =	sadd.s32 $0xFFFFFFFF, s9  }
0x8b: {  	p0 =	sne.s32 s25, $0x0  }
.Ltmp0:
0x8c: {  	_ = 	snop;
	(pc) =	sbr.rel @!p0 .LBB2_3-.Ltmp0, $4  }
0x8d: {  	_ = 	snop  }
0x8e: {  	v1 =	vand.u32 @!p1 $0xFFFF, v0  }
0x8f: {  	s29 =	simm.s32 @!p1 $0x80;
	s30 =	simm.s32 @!p1 $0x2480;
	v0 =	vshrl.u32 @!p1 v0, $0x10;
	[tilespmem:$0x24D0] =	vst @!p1 v1  }
0x90: {  	s31 =	simm.s32 @!p1 $0x6600;
	s26 =	simm.s32 $0x3;
	s28 =	simm.s32 $0x1F0;
	[tilespmem:$0x25D0] =	vst @!p1 v0  }
.LBB2_2:
0x91: {  	s25 =	sadd.s32 $0xFFFFFFFF, s25;
	v0 =	vld @!p1 [tilespmem:s24+$0xFFFFFFF0];
	s26 =	sadd.s32 $0x2, s26;
	s28 =	sadd.s32 $0x100, s28  }
0x92: {  	p0 =	sne.s32 s25, $0x0;
	_ =	sdelay $0x3  }
0x93: {  	v1 =	vand.u32 @!p1 $0xFFFF, v0;
	v0 =	vshrl.u32 @!p1 v0, $0x10  }
0x94: {  	[tilespmem:$0x24E0] =	vst @!p1 v1  }
0x95: {  	[tilespmem:$0x25E0] =	vst @!p1 v0  }
0x96: {  	v0 =	vld @!p1 [tilespmem:s24+$0x0];
	s24 =	smov.u32 s28;
	_ =	sdelay $0x4  }
0x97: {  	v1 =	vand.u32 @!p1 $0xFFFF, v0;
	v0 =	vshrl.u32 @!p1 v0, $0x10  }
0x98: {  	[tilespmem:$0x24F0] =	vst @!p1 v1  }
0x99: {  	[tilespmem:$0x25F0] =	vst @!p1 v0  }
0x9a: {  	[tilespmem:s31], [sflag:$0x2] =	stream.indirect.gather @!p1 [hbm4b:s1+s29], $0x80, s30, s29, $0xb8;
	[tilespmem:$0x1E200] =	vst v63  }
0x9b: {  	_ =	swait.ge [sflag:s18], $0x4000  }
0x9c: {  	[sflag:s18] =	ssyncset.done $0x0  }
0x9d: {  	[sflag:s18] =	ssyncadd.s32 $0xFFFFC000  }
0x9e: {  	[spmem:s3] =	stream.indirect.scatter.add.f32 [tilespmem:s15], [sflag:$0x3], $0x80, s19, s13, $0xb8;
	[tilespmem:$0x1E200] =	vst v63  }
0x9f: {  	_ =	swait.ge [sflag:s20], $0x4000  }
0xa0: {  	s29 =	sadd.s32 $0xFFFFFFFF, s26;
	[sflag:s20] =	ssyncset.done $0x0  }
0xa1: {  	p1 =	sge.u32 s29, s5;
	[sflag:s20] =	ssyncadd.s32 $0xFFFFC000  }
0xa2: {  	v0 =	vld @!p1 [tilespmem:s28+$0xFFFFFF10];
	_ =	sdelay $0x4  }
0xa3: {  	v1 =	vand.u32 @!p1 $0xFFFF, v0;
	v0 =	vshrl.u32 @!p1 v0, $0x10  }
0xa4: {  	[tilespmem:$0x2400] =	vst @!p1 v1  }
0xa5: {  	[tilespmem:$0x2500] =	vst @!p1 v0  }
0xa6: {  	v0 =	vld @!p1 [tilespmem:s28+$0xFFFFFF20];
	_ =	sdelay $0x4  }
0xa7: {  	v1 =	vand.u32 @!p1 $0xFFFF, v0;
	v0 =	vshrl.u32 @!p1 v0, $0x10  }
0xa8: {  	[tilespmem:$0x2410] =	vst @!p1 v1  }
0xa9: {  	[tilespmem:$0x2510] =	vst @!p1 v0  }
0xaa: {  	v0 =	vld @!p1 [tilespmem:s28+$0xFFFFFF30];
	_ =	sdelay $0x4  }
0xab: {  	v1 =	vand.u32 @!p1 $0xFFFF, v0;
	v0 =	vshrl.u32 @!p1 v0, $0x10  }
0xac: {  	[tilespmem:$0x2420] =	vst @!p1 v1  }
0xad: {  	[tilespmem:$0x2520] =	vst @!p1 v0  }
0xae: {  	v0 =	vld @!p1 [tilespmem:s28+$0xFFFFFF40];
	_ =	sdelay $0x4  }
0xaf: {  	v1 =	vand.u32 @!p1 $0xFFFF, v0;
	v0 =	vshrl.u32 @!p1 v0, $0x10  }
0xb0: {  	[tilespmem:$0x2430] =	vst @!p1 v1  }
0xb1: {  	[tilespmem:$0x2530] =	vst @!p1 v0  }
0xb2: {  	v0 =	vld @!p1 [tilespmem:s28+$0xFFFFFF50];
	_ =	sdelay $0x4  }
0xb3: {  	v1 =	vand.u32 @!p1 $0xFFFF, v0;
	v0 =	vshrl.u32 @!p1 v0, $0x10  }
0xb4: {  	[tilespmem:$0x2440] =	vst @!p1 v1  }
0xb5: {  	[tilespmem:$0x2540] =	vst @!p1 v0  }
0xb6: {  	v0 =	vld @!p1 [tilespmem:s28+$0xFFFFFF60];
	_ =	sdelay $0x4  }
0xb7: {  	v1 =	vand.u32 @!p1 $0xFFFF, v0;
	v0 =	vshrl.u32 @!p1 v0, $0x10  }
0xb8: {  	[tilespmem:$0x2450] =	vst @!p1 v1  }
0xb9: {  	[tilespmem:$0x2550] =	vst @!p1 v0  }
0xba: {  	v0 =	vld @!p1 [tilespmem:s28+$0xFFFFFF70];
	_ =	sdelay $0x4  }
0xbb: {  	v1 =	vand.u32 @!p1 $0xFFFF, v0;
	v0 =	vshrl.u32 @!p1 v0, $0x10  }
0xbc: {  	[tilespmem:$0x2460] =	vst @!p1 v1  }
0xbd: {  	s29 =	simm.s32 @!p1 $0x80;
	s30 =	simm.s32 @!p1 $0x2400;
	s31 =	simm.s32 @!p1 $0x2600;
	[tilespmem:$0x2560] =	vst @!p1 v0  }
0xbe: {  	v0 =	vld @!p1 [tilespmem:s28+$0xFFFFFF80];
	_ =	sdelay $0x4  }
0xbf: {  	v1 =	vand.u32 @!p1 $0xFFFF, v0;
	v0 =	vshrl.u32 @!p1 v0, $0x10  }
0xc0: {  	[tilespmem:$0x2470] =	vst @!p1 v1  }
0xc1: {  	[tilespmem:$0x2570] =	vst @!p1 v0  }
0xc2: {  	[tilespmem:s31], [sflag:$0x1] =	stream.indirect.gather @!p1 [hbm4b:s1+s29], $0x80, s30, s29, $0xb8;
	[tilespmem:$0x1E200] =	vst v63  }
0xc3: {  	_ =	swait.ge [sflag:s21], $0x4000  }
0xc4: {  	[sflag:s21] =	ssyncset.done $0x0  }
0xc5: {  	[sflag:s21] =	ssyncadd.s32 $0xFFFFC000  }
0xc6: {  	[spmem:s3] =	stream.indirect.scatter.add.f32 [tilespmem:s17], [sflag:$0x3], $0x80, s22, s13, $0xb8;
	[tilespmem:$0x1E200] =	vst v63  }
0xc7: {  	_ =	swait.ge [sflag:s20], $0x4000  }
0xc8: {  	[sflag:s20] =	ssyncset.done $0x0  }
0xc9: {  	p1 =	sge.u32 s26, s5;
	[sflag:s20] =	ssyncadd.s32 $0xFFFFC000  }
0xca: {  	v0 =	vld @!p1 [tilespmem:s28+$0xFFFFFF90];
	_ =	sdelay $0x4  }
0xcb: {  	v1 =	vand.u32 @!p1 $0xFFFF, v0;
	v0 =	vshrl.u32 @!p1 v0, $0x10  }
0xcc: {  	[tilespmem:$0x2480] =	vst @!p1 v1  }
0xcd: {  	[tilespmem:$0x2580] =	vst @!p1 v0  }
0xce: {  	v0 =	vld @!p1 [tilespmem:s28+$0xFFFFFFA0];
	_ =	sdelay $0x4  }
0xcf: {  	v1 =	vand.u32 @!p1 $0xFFFF, v0;
	v0 =	vshrl.u32 @!p1 v0, $0x10  }
0xd0: {  	[tilespmem:$0x2490] =	vst @!p1 v1  }
0xd1: {  	[tilespmem:$0x2590] =	vst @!p1 v0  }
0xd2: {  	v0 =	vld @!p1 [tilespmem:s28+$0xFFFFFFB0];
	_ =	sdelay $0x4  }
0xd3: {  	v1 =	vand.u32 @!p1 $0xFFFF, v0;
	v0 =	vshrl.u32 @!p1 v0, $0x10  }
0xd4: {  	[tilespmem:$0x24A0] =	vst @!p1 v1  }
0xd5: {  	[tilespmem:$0x25A0] =	vst @!p1 v0  }
0xd6: {  	v0 =	vld @!p1 [tilespmem:s28+$0xFFFFFFC0];
	_ =	sdelay $0x4  }
0xd7: {  	v1 =	vand.u32 @!p1 $0xFFFF, v0;
	v0 =	vshrl.u32 @!p1 v0, $0x10  }
0xd8: {  	[tilespmem:$0x24B0] =	vst @!p1 v1  }
0xd9: {  	[tilespmem:$0x25B0] =	vst @!p1 v0  }
0xda: {  	v0 =	vld @!p1 [tilespmem:s28+$0xFFFFFFD0];
	_ =	sdelay $0x4  }
0xdb: {  	v1 =	vand.u32 @!p1 $0xFFFF, v0;
	v0 =	vshrl.u32 @!p1 v0, $0x10  }
0xdc: {  	[tilespmem:$0x24C0] =	vst @!p1 v1  }
0xdd: {  	[tilespmem:$0x25C0] =	vst @!p1 v0  }
0xde: {  	v0 =	vld @!p1 [tilespmem:s28+$0xFFFFFFE0];
	_ =	sdelay $0x2  }
.Ltmp1:
0xdf: {  	(pc) =	sbr.rel @p0 .LBB2_2-.Ltmp1, $4  }
0xe0: {  	_ = 	snop  }
0xe1: {  	v1 =	vand.u32 @!p1 $0xFFFF, v0;
	v0 =	vshrl.u32 @!p1 v0, $0x10  }
0xe2: {  	[tilespmem:$0x24D0] =	vst @!p1 v1  }
0xe3: {  	s29 =	simm.s32 @!p1 $0x80;
	s30 =	simm.s32 @!p1 $0x2480;
	s31 =	simm.s32 @!p1 $0x6600;
	[tilespmem:$0x25D0] =	vst @!p1 v0  }
.LBB2_3:
0xe4: {  	v0 =	vld @!p1 [tilespmem:s24+$0xFFFFFFF0];
	_ =	sdelay $0x4  }
0xe5: {  	v1 =	vand.u32 @!p1 $0xFFFF, v0  }
0xe6: {  	v0 =	vshrl.u32 @!p1 v0, $0x10;
	[tilespmem:$0x24E0] =	vst @!p1 v1  }
0xe7: {  	[tilespmem:$0x25E0] =	vst @!p1 v0  }
0xe8: {  	v0 =	vld @!p1 [tilespmem:s24+$0x0];
	_ =	sdelay $0x4  }
0xe9: {  	v1 =	vand.u32 @!p1 $0xFFFF, v0  }
0xea: {  	s23 =	sadd.s32 $0x1, s23;
	v0 =	vshrl.u32 @!p1 v0, $0x10;
	[tilespmem:$0x24F0] =	vst @!p1 v1  }
0xeb: {  	p0 =	sne.s32 s23, s11;
	[tilespmem:$0x25F0] =	vst @!p1 v0  }
0xec: {  	[tilespmem:s31], [sflag:$0x2] =	stream.indirect.gather @!p1 [hbm4b:s1+s29], $0x80, s30, s29, $0xb8;
	[tilespmem:$0x1E200] =	vst v63  }
.Ltmp2:
0xed: {  	[bflag:$0x0] =	sbarrier.arrive $0xFFFF;
	(pc) =	sbr.rel @p0 .LBB2_1-.Ltmp2, $4  }
0xee: {  	[hbm:s10], [sflag:s7] =	dma.local [spmem:s12], $0x2780  }
0xef: {  	_ =	swait.ge [sflag:s20], $0x2780  }
0xf0: {  	[sflag:s20] =	ssyncset.done $0x0  }
0xf1: {  	[sflag:s20] =	ssyncadd.s32 $0xFFFFD880  }
0xf2: {  	_ =	sfence.sel $0x180000  }
0xf3: {  	[bflag:$0x0] =	sbarrier.arrive $0xFFFF  }
0xf4: {  	p0 =	sne.s32 s0, $0x0;
	_ =	strace $0x9000004A  }
0xf5: {  	s0 =	sadd.s32 @!p0 $0x100000, s2;
	[bflag:$0x2] =	sbarrier.arrive $0xFFFF  }
0xf6: {  	[sflag:s0] =	ssyncadd.tile.s32 @!p0 $0x1;
	_ =	shalt  }
.Lfunc_end2:
_tile_overlayer_lowered:
.L_overlay_start_2:
0xf7: {  	(tag) =	ssettag $0x2  }
0xf8: {  	s0 =	rddreg [dreg:$0x0];
	s2 =	stileid.u32  }
0xf9: {  	s1 =	rddreg [dreg:$0x1];
	p0 =	sne.s32 s2, $0x0  }
0xfa: {  	s3 =	rddreg [dreg:$0x2];
	[bflag:$0x3] =	sbarrier.arrive $0xFFFF;
	s2 =	simm.s32 @!p0 $0x1C03  }
0xfb: {  	[timem:s3], [sflag:s2] =	dma.local @!p0 [hbm:s0], s1  }
0xfc: {  	s0 =	simm.s32 @!p0 $0x3  }
0xfd: {  	_ =	swait.ge @!p0 [sflag:s0], s1  }
0xfe: {  	s1 =	ssub.s32 @!p0 $0x0, s1;
	[sflag:s0] =	ssyncset.done @!p0 $0x0  }
0xff: {  	[sflag:s0] =	ssyncadd.s32 @!p0 s1  }
0x100: {  	[bflag:$0x3] =	sbarrier.arrive $0xFFFF  }
0x101: {  	_ =	shalt  }

// kernel: kernel.14.cloned.1.call-start
scs
__scs_entry_jumppad:
0x0: {  	(pc) =	sbr.rel $0x88, $3  }
0x1: {  	(tag) =	ssettag $0x0;
	lr =	simm.s32 $0x1  }
0x2: {  	[smem:$0x3F9B] =	sst lr;
	_ =	strace $0xD0000000  }
0x3: {  	_ = 	snop  }
0x4: {  	_ = 	snop  }
0x5: {  	_ = 	snop  }
0x6: {  	_ = 	snop  }
0x7: {  	_ = 	snop  }
__scs_overlays_trampoline_lowered:
0x8: {  	[smem:$0x3FAA] =	sst s0  }
0x9: {  	[smem:$0x3FAB] =	sst s1  }
0xa: {  	[smem:$0x3FAC] =	sst s2  }
0xb: {  	[smem:$0x3FAD] =	sst s3  }
0xc: {  	[smem:$0x3FAE] =	sst s4  }
0xd: {  	[smem:$0x3FAF] =	sst s5  }
0xe: {  	[smem:$0x3FB0] =	sst s6  }
0xf: {  	[smem:$0x3FB1] =	sst s7  }
0x10: {  	[smem:$0x3FB2] =	sst s8  }
0x11: {  	[smem:$0x3FB3] =	sst s9;
	s0 =	simm.s32 @!p0 $0x0  }
0x12: {  	s1 =	sld [smem:$0x3F99];
	s0 =	simm.s32 @p0 $0x1  }
0x13: {  	[smem:$0x3FB4] =	sst s0;
	s0 =	simm.s32 @!p1 $0x0  }
0x14: {  	s2 =	sld [smem:$0x3F98];
	s0 =	simm.s32 @p1 $0x1  }
0x15: {  	[smem:$0x3FB5] =	sst s0;
	s0 =	simm.s32 @!p2 $0x0  }
0x16: {  	s3 =	sld [smem:$0x3FDB];
	s0 =	simm.s32 @p2 $0x1  }
0x17: {  	s4 =	simm.s32 $0x1BF5;
	[smem:$0x3FB7] =	sst s0  }
0x18: {  	s0 =	sld [smem:$0x3F9A];
	_ =	swait.ge [sflag:s4], $0x0  }
0x19: {  	s7 =	sld [smem:$0x3F9B]  }
0x1a: {  	s8 =	sadd.s32 $0xFFFFE003, lr  }
0x1b: {  	s9 =	sadd.s32 $0xFFFFFEF7, lr;
	s5 =	simm.s32 $0xFFFFFFFF;
	p2 =	slt.u32 s8, $0xFFFFF086  }
0x1c: {  	p1 =	slt.u32 s9, $0xF7A;
	s5 =	simm.s32 @!p2 $0x0  }
0x1d: {  	s5 =	simm.s32 @p1 $0x1;
	p0 =	seq.s32 s7, s2  }
0x1e: {  	s7 =	smul.u32 @!p0 $0xF7A, s2;
	p2 =	seq.s32 @!p0 s5, $0x0  }
0x1f: {  	s9 =	smul.u32 $0xF7A, s1;
	s8 =	simm.s32 @!p0 $0x1BF5;
	p2 =	por !p2, p0  }
0x20: {  	[sflag:s8] =	ssyncset.s32 @!p0 $0xFFFFF086;
	s6 =	sadd.s32 @!p0 s3, s7;
	s7 =	simm.s32 @!p0 $0x108  }
0x21: {  	s3 =	sadd.s32 s3, s9;
	s6 =	sadd.s32 @!p0 $0x88, s6;
	s7 =	simm.s32 @p2 $0x1082  }
0x22: {  	[simem:s7], [sflag:s8] =	dma.local @!p0 [hbm:s6], $0xF7A  }
0x23: {  	s9 =	sor.u32 $0xD0000000, s2;
	s6 =	simm.s32 $0x108;
	_ =	swait.ge @!p0 [sflag:s8], $0x0  }
0x24: {  	s3 =	sadd.s32 $0x88, s3;
	s6 =	simm.s32 @!p1 $0x1082;
	[sflag:s4] =	ssyncset.s32 $0xFFFFF086  }
0x25: {  	[simem:s6], [sflag:s4] =	dma.local [hbm:s3], $0xF7A  }
0x26: {  	[smem:$0x3F9B] =	sst s1;
	(tag) =	ssettag s2;
	_ =	strace s9  }
0x27: {  	s1 =	sld [smem:$0x3FAB]  }
0x28: {  	s2 =	sld [smem:$0x3FAC]  }
0x29: {  	s4 =	sld [smem:$0x3FAE]  }
0x2a: {  	p0 =	seq.s32 s5, $0x0;
	s5 =	sld [smem:$0x3FAF]  }
0x2b: {  	s6 =	sld [smem:$0x3FB0]  }
0x2c: {  	s7 =	sld [smem:$0x3FB1]  }
0x2d: {  	s3 =	simm.s32 $0x108;
	s8 =	sld [smem:$0x3FB2]  }
0x2e: {  	s3 =	simm.s32 @!p0 $0x1082;
	s9 =	sld [smem:$0x3FB3]  }
0x2f: {  	lr =	sadd.s32 s0, s3;
	s0 =	sld [smem:$0x3FAA]  }
0x30: {  	s3 =	sld [smem:$0x3FAD]  }
0x31: {  	[smem:$0x3FB6] =	sst s10  }
0x32: {  	s10 =	sld [smem:$0x3FB4];
	_ =	sdelay $0x3  }
0x33: {  	p0 =	seq.s32 s10, $0x1;
	s10 =	sld [smem:$0x3FB6];
	_ =	sdelay $0x3  }
0x34: {  	[smem:$0x3FB6] =	sst s10  }
0x35: {  	s10 =	sld [smem:$0x3FB5];
	_ =	sdelay $0x3  }
0x36: {  	p1 =	seq.s32 s10, $0x1;
	s10 =	sld [smem:$0x3FB6];
	_ =	sdelay $0x3  }
0x37: {  	[smem:$0x3FB6] =	sst s10  }
0x38: {  	s10 =	sld [smem:$0x3FB7]  }
0x39: {  	_ = 	snop;
	(pc) =	sbr.ind lr, $3  }
0x3a: {  	_ = 	snop  }
0x3b: {  	_ = 	snop  }
0x3c: {  	p2 =	seq.s32 s10, $0x1;
	s10 =	sld [smem:$0x3FB6]  }
0x3d: {  	_ =	shalt  }
0x3e: {  	_ =	shalt  }
0x3f: {  	_ =	shalt  }
0x40: {  	_ =	shalt  }
0x41: {  	_ =	shalt  }
0x42: {  	_ =	shalt  }
0x43: {  	_ =	shalt  }
0x44: {  	_ =	shalt  }
0x45: {  	_ =	shalt  }
0x46: {  	_ =	shalt  }
0x47: {  	_ =	shalt  }
0x48: {  	_ =	shalt  }
0x49: {  	_ =	shalt  }
0x4a: {  	_ =	shalt  }
0x4b: {  	_ =	shalt  }
0x4c: {  	_ =	shalt  }
0x4d: {  	_ =	shalt  }
0x4e: {  	_ =	shalt  }
0x4f: {  	_ =	shalt  }
0x50: {  	_ =	shalt  }
0x51: {  	_ =	shalt  }
0x52: {  	_ =	shalt  }
0x53: {  	_ =	shalt  }
0x54: {  	_ =	shalt  }
0x55: {  	_ =	shalt  }
0x56: {  	_ =	shalt  }
0x57: {  	_ =	shalt  }
0x58: {  	_ =	shalt  }
0x59: {  	_ =	shalt  }
0x5a: {  	_ =	shalt  }
0x5b: {  	_ =	shalt  }
0x5c: {  	_ =	shalt  }
0x5d: {  	_ =	shalt  }
0x5e: {  	_ =	shalt  }
0x5f: {  	_ =	shalt  }
0x60: {  	_ =	shalt  }
0x61: {  	_ =	shalt  }
0x62: {  	_ =	shalt  }
0x63: {  	_ =	shalt  }
0x64: {  	_ =	shalt  }
0x65: {  	_ =	shalt  }
0x66: {  	_ =	shalt  }
0x67: {  	_ =	shalt  }
0x68: {  	_ =	shalt  }
0x69: {  	_ =	shalt  }
0x6a: {  	_ =	shalt  }
0x6b: {  	_ =	shalt  }
0x6c: {  	_ =	shalt  }
0x6d: {  	_ =	shalt  }
0x6e: {  	_ =	shalt  }
0x6f: {  	_ =	shalt  }
0x70: {  	_ =	shalt  }
0x71: {  	_ =	shalt  }
0x72: {  	_ =	shalt  }
0x73: {  	_ =	shalt  }
0x74: {  	_ =	shalt  }
0x75: {  	_ =	shalt  }
0x76: {  	_ =	shalt  }
0x77: {  	_ =	shalt  }
0x78: {  	_ =	shalt  }
0x79: {  	_ =	shalt  }
0x7a: {  	_ =	shalt  }
0x7b: {  	_ =	shalt  }
0x7c: {  	_ =	shalt  }
0x7d: {  	_ =	shalt  }
0x7e: {  	_ =	shalt  }
0x7f: {  	_ =	shalt  }
0x80: {  	_ =	shalt  }
0x81: {  	_ =	shalt  }
0x82: {  	_ =	shalt  }
0x83: {  	_ =	shalt  }
0x84: {  	_ =	shalt  }
0x85: {  	_ =	shalt  }
0x86: {  	_ =	shalt  }
0x87: {  	_ =	shalt  }
.Lfunc_end0:
.L_simem_size_0:
called_computation.2_lowered:
.L_overlay_start_0:
0x88: {  	s2 =	sld [smem:$0x3FD9]  }
0x89: {  	s3 =	sld [smem:$0x3FFE];
	_ =	sdelay $0x1  }
0x8a: {  	s1 =	srdreg.scid  }
0x8b: {  	s0 =	sand.u32 $0x1, s1  }
0x8c: {  	s17 =	sshll.u32 s0, $0xA;
	s2 =	sadd.s32 s3, s2  }
0x8d: {  	s2 =	sadd.s32 s2, s17  }
0x8e: {  	[smem:$0x3FC2] =	sst s2  }
0x8f: {  	_ = 	snop  }
0x90: {  	s2 =	sld [smem:$0x3FD0];
	(tm) =	ssettm $0x1  }
0x91: {  	s18 =	sld [smem:$0x3FFB];
	_ =	sdelay $0x3  }
0x92: {  	_ =	strace s18  }
0x93: {  	s3 =	sld [smem:$0x3FFC];
	_ =	sdelay $0x3  }
0x94: {  	_ =	strace s3  }
0x95: {  	s3 =	sld [smem:$0x3FFD];
	_ =	sdelay $0x3  }
0x96: {  	_ =	strace s3  }
0x97: {  	_ =	strace $0x8FFFFFFF  }
0x98: {  	s19 =	sld [smem:$0x3FDB];
	_ =	sdelay $0x1  }
0x99: {  	s4 =	simm.s32 $_scs_section_size  }
0x9a: {  	s5 =	simm.s32 $_size__tile_overlayer_lowered;
	s6 =	simm.s32 $_tile_overlayer_lowered  }
0x9b: {  	s22 =	simm.s32 $0x1BFF;
	s21 =	sshll.u32 s6, $0x1;
	s3 =	sadd.s32 s4, s19  }
0x9c: {  	s7 =	simm.s32 $0x0;
	s20 =	sshll.u32 s5, $0x1;
	s5 =	sadd.s32 s21, s3  }
0x9d: {  	[timem:s7], [sflag:s22] =	dma.local [hbm:s5], s20  }
0x9e: {  	_ =	swait.ge [sflag:s22], s20  }
0x9f: {  	s4 =	ssub.s32 $0x0, s20;
	[sflag:s22] =	ssyncset.done $0x0  }
0xa0: {  	[sflag:s22] =	ssyncadd.s32 s4;
	_ =	sdelay $0x1  }
0xa1: {  	s23 =	simm.s32 $0x1B8B  }
0xa2: {  	_ =	swait.ge [sflag:s23], $0x1  }
0xa3: {  	[sflag:s23] =	ssyncset.done $0x0  }
0xa4: {  	s25 =	simm.s32 $0x1B8E;
	s24 =	sld [smem:$0x3FFE];
	[sflag:s23] =	ssyncadd.s32 $0xFFFFFFFF  }
0xa5: {  	s26 =	simm.s32 $execute0_lowered;
	[smem:$0x3FD2] =	sst s25  }
0xa6: {  	s5 =	sshll.u32 s26, $0x1;
	_ =	strace $0x8000004C;
	[dreg:$0x1] =	wrdreg $0xFFFFFFFF  }
0xa7: {  	s28 =	simm.s32 $_size_execute0_lowered;
	s3 =	sadd.s32 s3, s5;
	[dreg:$0x0] =	wrdreg $0x0  }
0xa8: {  	s5 =	sshll.u32 s28, $0x1;
	[dreg:$0x2] =	wrdreg s3  }
0xa9: {  	[dreg:$0x3] =	wrdreg s5  }
0xaa: {  	[dreg:$0x4] =	wrdreg $0xC0  }
0xab: {  	_ =	task [dreg:s7], $0x5FFFF  }
0xac: {  	[dreg:$0x1] =	wrdreg $0xFFFFFFFF  }
0xad: {  	[dreg:$0x0] =	wrdreg $0x60  }
0xae: {  	[dreg:$0x2] =	wrdreg s2  }
0xaf: {  	[dreg:$0x3] =	wrdreg s24  }
0xb0: {  	[dreg:$0x4] =	wrdreg $0xA6000  }
0xb1: {  	[dreg:$0x5] =	wrdreg $0x9  }
0xb2: {  	_ =	task.clear_ibuf [dreg:s7], $0x6FFFF;
	_ =	strace $0x9000004C  }
0xb3: {  	s29 =	simm.s32 $0x9;
	_ =	strace $0x8000004E  }
0xb4: {  	_ =	swait.ge [sflag:s29], $0x1  }
0xb5: {  	[sflag:s29] =	ssyncadd.s32 $0xFFFFFFFF  }
0xb6: {  	_ =	strace $0x9000004E  }
0xb7: {  	_ =	sfence  }
0xb8: {  	s30 =	sld [smem:$0x0];
	_ =	sdelay $0x2  }
0xb9: {  	s31 =	sshll.u32 s1, $0xD;
	s1 =	sshrl.u32 s1, $0x2  }
0xba: {  	s3 =	sand.u32 $0x4000, s31;
	s1 =	sadd.s32 s1, s30  }
0xbb: {  	s0 =	sor.u32 s3, s0;
	s1 =	sshll.u32 s1, $0x11  }
0xbc: {  	s0 =	sor.u32 s1, s0  }
0xbd: {  	s0 =	sadd.s32 $0x8F2B, s0  }
0xbe: {  	[sflag:s0] =	ssyncadd.remote.s32 $0x1  }
0xbf: {  	_ =	sfence.sel $0xFFFF  }
0xc0: {  	[dreg:$0x0] =	wrdreg $0xFFFFFFFF;
	(pc) =	sbr.abs _section_cstart, $3  }
0xc1: {  	[dreg:$0x1] =	wrdreg $0xFFFFFFFF  }
0xc2: {  	_ =	task.clear_ibuf [dreg:s7], $0x2FFFF;
	_ =	strace $0x9FFFFFFF  }
0xc3: {  	(tm) =	ssettm $0x7FFFFFFF  }
tec
execute0_lowered:
.L_overlay_start_1:
0x0: {  	(tag) =	ssettag $0x1  }
0x1: {  	s1 =	rddreg [dreg:$0x0]  }
0x2: {  	s6 =	rddreg [dreg:$0x1]  }
0x3: {  	s0 =	srdreg.scid;
	s3 =	rddreg [dreg:$0x2]  }
0x4: {  	s4 =	simm.s32 $0x0;
	s14 =	simm.s32 $0x2400;
	s15 =	simm.s32 $0x2600  }
0x5: {  	s16 =	simm.s32 $0x2480;
	s17 =	simm.s32 $0x6600;
	s18 =	simm.s32 $0x1  }
0x6: {  	s19 =	simm.s32 $0x2500;
	s20 =	simm.s32 $0x3;
	s21 =	simm.s32 $0x2  }
0x7: {  	s22 =	simm.s32 $0x2580;
	s5 =	sand.u32 $0x1, s0;
	s0 =	stileid.u32  }
0x8: {  	s23 =	simm.s32 $0x0;
	[smem:$0x7FF] =	sst s4;
	s8 =	smul.u32 $0x13C00, s0  }
0x9: {  	s2 =	sshll.u32 s5, $0x4;
	s9 =	smul.u32 $0x13C000, s5;
	s29 =	ssub.s32 $0x2, s5  }
0xa: {  	s12 =	smul.u32 $0x4F000, s0;
	p0 =	seq.s32 s5, $0x0;
	s5 =	simm.s32 $0x48  }
0xb: {  	s31 =	sshll.u32 s0, $0x6;
	s2 =	sor.u32 s0, s2;
	s11 =	sshrl.u32 s29, $0x1  }
0xc: {  	s5 =	simm.s32 @!p0 $0x8;
	s7 =	smul.u32 $0x480, s2;
	s2 =	rddreg [dreg:$0x3]  }
0xd: {  	_ =	strace $0x8000004D;
	s28 =	sshrl.u32 s8, $0x3;
	s8 =	sadd.s32 s8, s9  }
0xe: {  	s11 =	ssub.s32 s29, s11;
	s30 =	sshrl.u32 s12, $0x2;
	s9 =	sshrl.u32 s5, $0x1  }
0xf: {  	s8 =	sshrl.u32 s8, $0x3;
	s12 =	sadd.s32 s30, s3;
	s11 =	smax.u32 s11, $0x1  }
0x10: {  	s10 =	sadd.s32 s7, s6;
	s7 =	sadd.s32 s28, s6;
	s13 =	sadd.s32 s8, s6  }
0x11: {  	s12 =	sshrl.u32 s12, $0x3;
	s6 =	sadd.s32 $0x2C00, s7;
	s7 =	sor.u32 $0x1C03, s31  }
0x12: {  	s8 =	sadd.s32 $0x79400, s10;
	s10 =	sadd.s32 $0x82400, s13;
	s13 =	simm.s32 $0x80  }
.LBB2_1:
0x13: {  	[spmem:s12], [sflag:s7] =	dma.local [hbm:s6], $0x2780  }
0x14: {  	_ =	swait.ge [sflag:s20], $0x2780  }
0x15: {  	[sflag:s20] =	ssyncset.done $0x0  }
0x16: {  	[sflag:s20] =	ssyncadd.s32 $0xFFFFD880  }
0x17: {  	[tilespmem:s4], [sflag:$0x3] =	stream.linear.gather [hbm4b:s8+s4], $0x2400, $0x38;
	[tilespmem:$0x1E200] =	vst v63  }
0x18: {  	_ =	swait.ge [sflag:s20], $0x2400  }
0x19: {  	[sflag:s20] =	ssyncset.done $0x0  }
0x1a: {  	[sflag:s20] =	ssyncadd.s32 $0xFFFFDC00  }
0x1b: {  	[bflag:$0x0] =	sbarrier.arrive $0xFFFF  }
0x1c: {  	v0 =	vld [tilespmem:$0x0];
	_ =	sdelay $0x1  }
0x1d: {  	v1 =	vld [tilespmem:$0x10];
	_ =	sdelay $0x1  }
0x1e: {  	v2 =	vld [tilespmem:$0x20]  }
0x1f: {  	v3 =	vand.u32 $0xFFFF, v0  }
0x20: {  	v22 =	vld [tilespmem:$0x30];
	v0 =	vshrl.u32 v0, $0x10;
	[tilespmem:$0x2400] =	vst v3  }
0x21: {  	v23 =	vand.u32 $0xFFFF, v1;
	[tilespmem:$0x2500] =	vst v0  }
0x22: {  	v25 =	vld [tilespmem:$0x40];
	v24 =	vshrl.u32 v1, $0x10;
	[tilespmem:$0x2410] =	vst v23  }
0x23: {  	v26 =	vand.u32 $0xFFFF, v2;
	[tilespmem:$0x2510] =	vst v24  }
0x24: {  	v28 =	vld [tilespmem:$0x50];
	v27 =	vshrl.u32 v2, $0x10;
	[tilespmem:$0x2420] =	vst v26  }
0x25: {  	v29 =	vand.u32 $0xFFFF, v22;
	[tilespmem:$0x2520] =	vst v27  }
0x26: {  	v31 =	vld [tilespmem:$0x60];
	v30 =	vshrl.u32 v22, $0x10;
	[tilespmem:$0x2430] =	vst v29  }
0x27: {  	v32 =	vand.u32 $0xFFFF, v25;
	[tilespmem:$0x2530] =	vst v30  }
0x28: {  	v34 =	vld [tilespmem:$0x70];
	v33 =	vshrl.u32 v25, $0x10;
	[tilespmem:$0x2440] =	vst v32  }
0x29: {  	v35 =	vand.u32 $0xFFFF, v28;
	[tilespmem:$0x2540] =	vst v33  }
0x2a: {  	v36 =	vshrl.u32 v28, $0x10;
	[tilespmem:$0x2450] =	vst v35  }
0x2b: {  	v37 =	vand.u32 $0xFFFF, v31;
	[tilespmem:$0x2550] =	vst v36  }
0x2c: {  	v38 =	vshrl.u32 v31, $0x10;
	[tilespmem:$0x2460] =	vst v37  }
0x2d: {  	v39 =	vand.u32 $0xFFFF, v34;
	[tilespmem:$0x2560] =	vst v38  }
0x2e: {  	v40 =	vshrl.u32 v34, $0x10;
	[tilespmem:$0x2470] =	vst v39  }
0x2f: {  	[tilespmem:$0x2570] =	vst v40  }
0x30: {  	[tilespmem:s15], [sflag:$0x1] =	stream.indirect.gather [hbm4b:s1+s13], $0x80, s14, s13, $0xb8;
	[tilespmem:$0x1E200] =	vst v63  }
0x31: {  	v41 =	vld [tilespmem:$0x80];
	_ =	sdelay $0x1  }
0x32: {  	v42 =	vld [tilespmem:$0x90];
	_ =	sdelay $0x1  }
0x33: {  	v43 =	vld [tilespmem:$0xA0]  }
0x34: {  	v44 =	vand.u32 $0xFFFF, v41  }
0x35: {  	v45 =	vld [tilespmem:$0xB0];
	v0 =	vshrl.u32 v41, $0x10;
	[tilespmem:$0x2480] =	vst v44  }
0x36: {  	v46 =	vand.u32 $0xFFFF, v42;
	[tilespmem:$0x2580] =	vst v0  }
0x37: {  	v48 =	vld [tilespmem:$0xC0];
	v47 =	vshrl.u32 v42, $0x10;
	[tilespmem:$0x2490] =	vst v46  }
0x38: {  	v49 =	vand.u32 $0xFFFF, v43;
	[tilespmem:$0x2590] =	vst v47  }
0x39: {  	v51 =	vld [tilespmem:$0xD0];
	v50 =	vshrl.u32 v43, $0x10;
	[tilespmem:$0x24A0] =	vst v49  }
0x3a: {  	v52 =	vand.u32 $0xFFFF, v45;
	[tilespmem:$0x25A0] =	vst v50  }
0x3b: {  	v54 =	vld [tilespmem:$0xE0];
	v53 =	vshrl.u32 v45, $0x10;
	[tilespmem:$0x24B0] =	vst v52  }
0x3c: {  	v55 =	vand.u32 $0xFFFF, v48;
	[tilespmem:$0x25B0] =	vst v53  }
0x3d: {  	v57 =	vld [tilespmem:$0xF0];
	v56 =	vshrl.u32 v48, $0x10;
	[tilespmem:$0x24C0] =	vst v55  }
0x3e: {  	v58 =	vand.u32 $0xFFFF, v51;
	[tilespmem:$0x25C0] =	vst v56  }
0x3f: {  	v59 =	vshrl.u32 v51, $0x10;
	[tilespmem:$0x24D0] =	vst v58  }
0x40: {  	v60 =	vand.u32 $0xFFFF, v54;
	[tilespmem:$0x25D0] =	vst v59  }
0x41: {  	v61 =	vshrl.u32 v54, $0x10;
	[tilespmem:$0x24E0] =	vst v60  }
0x42: {  	v62 =	vand.u32 $0xFFFF, v57;
	[tilespmem:$0x25E0] =	vst v61  }
0x43: {  	v63 =	vshrl.u32 v57, $0x10;
	[tilespmem:$0x24F0] =	vst v62  }
0x44: {  	[tilespmem:$0x25F0] =	vst v63  }
0x45: {  	[tilespmem:s17], [sflag:$0x2] =	stream.indirect.gather [hbm4b:s1+s13], $0x80, s16, s13, $0xb8;
	[tilespmem:$0x1E200] =	vst v63  }
0x46: {  	_ =	swait.ge [sflag:s18], $0x4000  }
0x47: {  	[sflag:s18] =	ssyncset.done $0x0  }
0x48: {  	[sflag:s18] =	ssyncadd.s32 $0xFFFFC000  }
0x49: {  	[spmem:s3] =	stream.indirect.scatter.add.f32 [tilespmem:s15], [sflag:$0x3], $0x80, s19, s13, $0xb8;
	[tilespmem:$0x1E200] =	vst v63  }
0x4a: {  	_ =	swait.ge [sflag:s20], $0x4000  }
0x4b: {  	[sflag:s20] =	ssyncset.done $0x0  }
0x4c: {  	s24 =	simm.s32 $0x1F0;
	p0 =	sle.u32 s5, $0x2;
	[sflag:s20] =	ssyncadd.s32 $0xFFFFC000  }
0x4d: {  	v0 =	vld @!p0 [tilespmem:s24+$0xFFFFFF10];
	_ =	sdelay $0x4  }
0x4e: {  	v1 =	vand.u32 @!p0 $0xFFFF, v0  }
0x4f: {  	v0 =	vshrl.u32 @!p0 v0, $0x10;
	[tilespmem:$0x2400] =	vst @!p0 v1  }
0x50: {  	[tilespmem:$0x2500] =	vst @!p0 v0  }
0x51: {  	v0 =	vld @!p0 [tilespmem:s24+$0xFFFFFF20];
	_ =	sdelay $0x4  }
0x52: {  	v1 =	vand.u32 @!p0 $0xFFFF, v0  }
0x53: {  	v0 =	vshrl.u32 @!p0 v0, $0x10;
	[tilespmem:$0x2410] =	vst @!p0 v1  }
0x54: {  	[tilespmem:$0x2510] =	vst @!p0 v0  }
0x55: {  	v0 =	vld @!p0 [tilespmem:s24+$0xFFFFFF30];
	_ =	sdelay $0x4  }
0x56: {  	v1 =	vand.u32 @!p0 $0xFFFF, v0  }
0x57: {  	v0 =	vshrl.u32 @!p0 v0, $0x10;
	[tilespmem:$0x2420] =	vst @!p0 v1  }
0x58: {  	[tilespmem:$0x2520] =	vst @!p0 v0  }
0x59: {  	v0 =	vld @!p0 [tilespmem:s24+$0xFFFFFF40];
	_ =	sdelay $0x4  }
0x5a: {  	v1 =	vand.u32 @!p0 $0xFFFF, v0  }
0x5b: {  	v0 =	vshrl.u32 @!p0 v0, $0x10;
	[tilespmem:$0x2430] =	vst @!p0 v1  }
0x5c: {  	[tilespmem:$0x2530] =	vst @!p0 v0  }
0x5d: {  	v0 =	vld @!p0 [tilespmem:s24+$0xFFFFFF50];
	_ =	sdelay $0x4  }
0x5e: {  	v1 =	vand.u32 @!p0 $0xFFFF, v0  }
0x5f: {  	v0 =	vshrl.u32 @!p0 v0, $0x10;
	[tilespmem:$0x2440] =	vst @!p0 v1  }
0x60: {  	[tilespmem:$0x2540] =	vst @!p0 v0  }
0x61: {  	v0 =	vld @!p0 [tilespmem:s24+$0xFFFFFF60];
	_ =	sdelay $0x4  }
0x62: {  	v1 =	vand.u32 @!p0 $0xFFFF, v0  }
0x63: {  	v0 =	vshrl.u32 @!p0 v0, $0x10;
	[tilespmem:$0x2450] =	vst @!p0 v1  }
0x64: {  	[tilespmem:$0x2550] =	vst @!p0 v0  }
0x65: {  	v0 =	vld @!p0 [tilespmem:s24+$0xFFFFFF70];
	_ =	sdelay $0x4  }
0x66: {  	v1 =	vand.u32 @!p0 $0xFFFF, v0  }
0x67: {  	v0 =	vshrl.u32 @!p0 v0, $0x10;
	[tilespmem:$0x2460] =	vst @!p0 v1  }
0x68: {  	[tilespmem:$0x2560] =	vst @!p0 v0  }
0x69: {  	v0 =	vld @!p0 [tilespmem:s24+$0xFFFFFF80];
	_ =	sdelay $0x4  }
0x6a: {  	v1 =	vand.u32 @!p0 $0xFFFF, v0  }
0x6b: {  	v0 =	vshrl.u32 @!p0 v0, $0x10;
	[tilespmem:$0x2470] =	vst @!p0 v1  }
0x6c: {  	s25 =	simm.s32 @!p0 $0x80;
	s26 =	simm.s32 @!p0 $0x2400;
	s28 =	simm.s32 @!p0 $0x2600;
	[tilespmem:$0x2570] =	vst @!p0 v0  }
0x6d: {  	[tilespmem:s28], [sflag:$0x1] =	stream.indirect.gather @!p0 [hbm4b:s1+s25], $0x80, s26, s25, $0xb8;
	[tilespmem:$0x1E200] =	vst v63  }
0x6e: {  	_ =	swait.ge [sflag:s21], $0x4000  }
0x6f: {  	[sflag:s21] =	ssyncset.done $0x0  }
0x70: {  	[sflag:s21] =	ssyncadd.s32 $0xFFFFC000  }
0x71: {  	[spmem:s3] =	stream.indirect.scatter.add.f32 [tilespmem:s17], [sflag:$0x3], $0x80, s22, s13, $0xb8;
	[tilespmem:$0x1E200] =	vst v63  }
0x72: {  	_ =	swait.ge [sflag:s20], $0x4000  }
0x73: {  	[sflag:s20] =	ssyncset.done $0x0  }
0x74: {  	p1 =	sle.u32 s5, $0x3;
	[sflag:s20] =	ssyncadd.s32 $0xFFFFC000  }
0x75: {  	v0 =	vld @!p1 [tilespmem:s24+$0xFFFFFF90];
	_ =	sdelay $0x4  }
0x76: {  	v1 =	vand.u32 @!p1 $0xFFFF, v0  }
0x77: {  	v0 =	vshrl.u32 @!p1 v0, $0x10;
	[tilespmem:$0x2480] =	vst @!p1 v1  }
0x78: {  	[tilespmem:$0x2580] =	vst @!p1 v0  }
0x79: {  	v0 =	vld @!p1 [tilespmem:s24+$0xFFFFFFA0];
	_ =	sdelay $0x4  }
0x7a: {  	v1 =	vand.u32 @!p1 $0xFFFF, v0  }
0x7b: {  	v0 =	vshrl.u32 @!p1 v0, $0x10;
	[tilespmem:$0x2490] =	vst @!p1 v1  }
0x7c: {  	[tilespmem:$0x2590] =	vst @!p1 v0  }
0x7d: {  	v0 =	vld @!p1 [tilespmem:s24+$0xFFFFFFB0];
	_ =	sdelay $0x4  }
0x7e: {  	v1 =	vand.u32 @!p1 $0xFFFF, v0  }
0x7f: {  	v0 =	vshrl.u32 @!p1 v0, $0x10;
	[tilespmem:$0x24A0] =	vst @!p1 v1  }
0x80: {  	[tilespmem:$0x25A0] =	vst @!p1 v0  }
0x81: {  	v0 =	vld @!p1 [tilespmem:s24+$0xFFFFFFC0];
	_ =	sdelay $0x4  }
0x82: {  	v1 =	vand.u32 @!p1 $0xFFFF, v0  }
0x83: {  	v0 =	vshrl.u32 @!p1 v0, $0x10;
	[tilespmem:$0x24B0] =	vst @!p1 v1  }
0x84: {  	[tilespmem:$0x25B0] =	vst @!p1 v0  }
0x85: {  	v0 =	vld @!p1 [tilespmem:s24+$0xFFFFFFD0];
	_ =	sdelay $0x4  }
0x86: {  	v1 =	vand.u32 @!p1 $0xFFFF, v0  }
0x87: {  	v0 =	vshrl.u32 @!p1 v0, $0x10;
	[tilespmem:$0x24C0] =	vst @!p1 v1  }
0x88: {  	[tilespmem:$0x25C0] =	vst @!p1 v0  }
0x89: {  	v0 =	vld @!p1 [tilespmem:s24+$0xFFFFFFE0]  }
0x8a: {  	s25 =	sadd.s32 $0xFFFFFFFF, s9  }
0x8b: {  	p0 =	sne.s32 s25, $0x0  }
.Ltmp0:
0x8c: {  	_ = 	snop;
	(pc) =	sbr.rel @!p0 .LBB2_3-.Ltmp0, $4  }
0x8d: {  	_ = 	snop  }
0x8e: {  	v1 =	vand.u32 @!p1 $0xFFFF, v0  }
0x8f: {  	s29 =	simm.s32 @!p1 $0x80;
	s30 =	simm.s32 @!p1 $0x2480;
	v0 =	vshrl.u32 @!p1 v0, $0x10;
	[tilespmem:$0x24D0] =	vst @!p1 v1  }
0x90: {  	s31 =	simm.s32 @!p1 $0x6600;
	s26 =	simm.s32 $0x3;
	s28 =	simm.s32 $0x1F0;
	[tilespmem:$0x25D0] =	vst @!p1 v0  }
.LBB2_2:
0x91: {  	s25 =	sadd.s32 $0xFFFFFFFF, s25;
	v0 =	vld @!p1 [tilespmem:s24+$0xFFFFFFF0];
	s26 =	sadd.s32 $0x2, s26;
	s28 =	sadd.s32 $0x100, s28  }
0x92: {  	p0 =	sne.s32 s25, $0x0;
	_ =	sdelay $0x3  }
0x93: {  	v1 =	vand.u32 @!p1 $0xFFFF, v0;
	v0 =	vshrl.u32 @!p1 v0, $0x10  }
0x94: {  	[tilespmem:$0x24E0] =	vst @!p1 v1  }
0x95: {  	[tilespmem:$0x25E0] =	vst @!p1 v0  }
0x96: {  	v0 =	vld @!p1 [tilespmem:s24+$0x0];
	s24 =	smov.u32 s28;
	_ =	sdelay $0x4  }
0x97: {  	v1 =	vand.u32 @!p1 $0xFFFF, v0;
	v0 =	vshrl.u32 @!p1 v0, $0x10  }
0x98: {  	[tilespmem:$0x24F0] =	vst @!p1 v1  }
0x99: {  	[tilespmem:$0x25F0] =	vst @!p1 v0  }
0x9a: {  	[tilespmem:s31], [sflag:$0x2] =	stream.indirect.gather @!p1 [hbm4b:s1+s29], $0x80, s30, s29, $0xb8;
	[tilespmem:$0x1E200] =	vst v63  }
0x9b: {  	_ =	swait.ge [sflag:s18], $0x4000  }
0x9c: {  	[sflag:s18] =	ssyncset.done $0x0  }
0x9d: {  	[sflag:s18] =	ssyncadd.s32 $0xFFFFC000  }
0x9e: {  	[spmem:s3] =	stream.indirect.scatter.add.f32 [tilespmem:s15], [sflag:$0x3], $0x80, s19, s13, $0xb8;
	[tilespmem:$0x1E200] =	vst v63  }
0x9f: {  	_ =	swait.ge [sflag:s20], $0x4000  }
0xa0: {  	s29 =	sadd.s32 $0xFFFFFFFF, s26;
	[sflag:s20] =	ssyncset.done $0x0  }
0xa1: {  	p1 =	sge.u32 s29, s5;
	[sflag:s20] =	ssyncadd.s32 $0xFFFFC000  }
0xa2: {  	v0 =	vld @!p1 [tilespmem:s28+$0xFFFFFF10];
	_ =	sdelay $0x4  }
0xa3: {  	v1 =	vand.u32 @!p1 $0xFFFF, v0;
	v0 =	vshrl.u32 @!p1 v0, $0x10  }
0xa4: {  	[tilespmem:$0x2400] =	vst @!p1 v1  }
0xa5: {  	[tilespmem:$0x2500] =	vst @!p1 v0  }
0xa6: {  	v0 =	vld @!p1 [tilespmem:s28+$0xFFFFFF20];
	_ =	sdelay $0x4  }
0xa7: {  	v1 =	vand.u32 @!p1 $0xFFFF, v0;
	v0 =	vshrl.u32 @!p1 v0, $0x10  }
0xa8: {  	[tilespmem:$0x2410] =	vst @!p1 v1  }
0xa9: {  	[tilespmem:$0x2510] =	vst @!p1 v0  }
0xaa: {  	v0 =	vld @!p1 [tilespmem:s28+$0xFFFFFF30];
	_ =	sdelay $0x4  }
0xab: {  	v1 =	vand.u32 @!p1 $0xFFFF, v0;
	v0 =	vshrl.u32 @!p1 v0, $0x10  }
0xac: {  	[tilespmem:$0x2420] =	vst @!p1 v1  }
0xad: {  	[tilespmem:$0x2520] =	vst @!p1 v0  }
0xae: {  	v0 =	vld @!p1 [tilespmem:s28+$0xFFFFFF40];
	_ =	sdelay $0x4  }
0xaf: {  	v1 =	vand.u32 @!p1 $0xFFFF, v0;
	v0 =	vshrl.u32 @!p1 v0, $0x10  }
0xb0: {  	[tilespmem:$0x2430] =	vst @!p1 v1  }
0xb1: {  	[tilespmem:$0x2530] =	vst @!p1 v0  }
0xb2: {  	v0 =	vld @!p1 [tilespmem:s28+$0xFFFFFF50];
	_ =	sdelay $0x4  }
0xb3: {  	v1 =	vand.u32 @!p1 $0xFFFF, v0;
	v0 =	vshrl.u32 @!p1 v0, $0x10  }
0xb4: {  	[tilespmem:$0x2440] =	vst @!p1 v1  }
0xb5: {  	[tilespmem:$0x2540] =	vst @!p1 v0  }
0xb6: {  	v0 =	vld @!p1 [tilespmem:s28+$0xFFFFFF60];
	_ =	sdelay $0x4  }
0xb7: {  	v1 =	vand.u32 @!p1 $0xFFFF, v0;
	v0 =	vshrl.u32 @!p1 v0, $0x10  }
0xb8: {  	[tilespmem:$0x2450] =	vst @!p1 v1  }
0xb9: {  	[tilespmem:$0x2550] =	vst @!p1 v0  }
0xba: {  	v0 =	vld @!p1 [tilespmem:s28+$0xFFFFFF70];
	_ =	sdelay $0x4  }
0xbb: {  	v1 =	vand.u32 @!p1 $0xFFFF, v0;
	v0 =	vshrl.u32 @!p1 v0, $0x10  }
0xbc: {  	[tilespmem:$0x2460] =	vst @!p1 v1  }
0xbd: {  	s29 =	simm.s32 @!p1 $0x80;
	s30 =	simm.s32 @!p1 $0x2400;
	s31 =	simm.s32 @!p1 $0x2600;
	[tilespmem:$0x2560] =	vst @!p1 v0  }
0xbe: {  	v0 =	vld @!p1 [tilespmem:s28+$0xFFFFFF80];
	_ =	sdelay $0x4  }
0xbf: {  	v1 =	vand.u32 @!p1 $0xFFFF, v0;
	v0 =	vshrl.u32 @!p1 v0, $0x10  }
0xc0: {  	[tilespmem:$0x2470] =	vst @!p1 v1  }
0xc1: {  	[tilespmem:$0x2570] =	vst @!p1 v0  }
0xc2: {  	[tilespmem:s31], [sflag:$0x1] =	stream.indirect.gather @!p1 [hbm4b:s1+s29], $0x80, s30, s29, $0xb8;
	[tilespmem:$0x1E200] =	vst v63  }
0xc3: {  	_ =	swait.ge [sflag:s21], $0x4000  }
0xc4: {  	[sflag:s21] =	ssyncset.done $0x0  }
0xc5: {  	[sflag:s21] =	ssyncadd.s32 $0xFFFFC000  }
0xc6: {  	[spmem:s3] =	stream.indirect.scatter.add.f32 [tilespmem:s17], [sflag:$0x3], $0x80, s22, s13, $0xb8;
	[tilespmem:$0x1E200] =	vst v63  }
0xc7: {  	_ =	swait.ge [sflag:s20], $0x4000  }
0xc8: {  	[sflag:s20] =	ssyncset.done $0x0  }
0xc9: {  	p1 =	sge.u32 s26, s5;
	[sflag:s20] =	ssyncadd.s32 $0xFFFFC000  }
0xca: {  	v0 =	vld @!p1 [tilespmem:s28+$0xFFFFFF90];
	_ =	sdelay $0x4  }
0xcb: {  	v1 =	vand.u32 @!p1 $0xFFFF, v0;
	v0 =	vshrl.u32 @!p1 v0, $0x10  }
0xcc: {  	[tilespmem:$0x2480] =	vst @!p1 v1  }
0xcd: {  	[tilespmem:$0x2580] =	vst @!p1 v0  }
0xce: {  	v0 =	vld @!p1 [tilespmem:s28+$0xFFFFFFA0];
	_ =	sdelay $0x4  }
0xcf: {  	v1 =	vand.u32 @!p1 $0xFFFF, v0;
	v0 =	vshrl.u32 @!p1 v0, $0x10  }
0xd0: {  	[tilespmem:$0x2490] =	vst @!p1 v1  }
0xd1: {  	[tilespmem:$0x2590] =	vst @!p1 v0  }
0xd2: {  	v0 =	vld @!p1 [tilespmem:s28+$0xFFFFFFB0];
	_ =	sdelay $0x4  }
0xd3: {  	v1 =	vand.u32 @!p1 $0xFFFF, v0;
	v0 =	vshrl.u32 @!p1 v0, $0x10  }
0xd4: {  	[tilespmem:$0x24A0] =	vst @!p1 v1  }
0xd5: {  	[tilespmem:$0x25A0] =	vst @!p1 v0  }
0xd6: {  	v0 =	vld @!p1 [tilespmem:s28+$0xFFFFFFC0];
	_ =	sdelay $0x4  }
0xd7: {  	v1 =	vand.u32 @!p1 $0xFFFF, v0;
	v0 =	vshrl.u32 @!p1 v0, $0x10  }
0xd8: {  	[tilespmem:$0x24B0] =	vst @!p1 v1  }
0xd9: {  	[tilespmem:$0x25B0] =	vst @!p1 v0  }
0xda: {  	v0 =	vld @!p1 [tilespmem:s28+$0xFFFFFFD0];
	_ =	sdelay $0x4  }
0xdb: {  	v1 =	vand.u32 @!p1 $0xFFFF, v0;
	v0 =	vshrl.u32 @!p1 v0, $0x10  }
0xdc: {  	[tilespmem:$0x24C0] =	vst @!p1 v1  }
0xdd: {  	[tilespmem:$0x25C0] =	vst @!p1 v0  }
0xde: {  	v0 =	vld @!p1 [tilespmem:s28+$0xFFFFFFE0];
	_ =	sdelay $0x2  }
.Ltmp1:
0xdf: {  	(pc) =	sbr.rel @p0 .LBB2_2-.Ltmp1, $4  }
0xe0: {  	_ = 	snop  }
0xe1: {  	v1 =	vand.u32 @!p1 $0xFFFF, v0;
	v0 =	vshrl.u32 @!p1 v0, $0x10  }
0xe2: {  	[tilespmem:$0x24D0] =	vst @!p1 v1  }
0xe3: {  	s29 =	simm.s32 @!p1 $0x80;
	s30 =	simm.s32 @!p1 $0x2480;
	s31 =	simm.s32 @!p1 $0x6600;
	[tilespmem:$0x25D0] =	vst @!p1 v0  }
.LBB2_3:
0xe4: {  	v0 =	vld @!p1 [tilespmem:s24+$0xFFFFFFF0];
	_ =	sdelay $0x4  }
0xe5: {  	v1 =	vand.u32 @!p1 $0xFFFF, v0  }
0xe6: {  	v0 =	vshrl.u32 @!p1 v0, $0x10;
	[tilespmem:$0x24E0] =	vst @!p1 v1  }
0xe7: {  	[tilespmem:$0x25E0] =	vst @!p1 v0  }
0xe8: {  	v0 =	vld @!p1 [tilespmem:s24+$0x0];
	_ =	sdelay $0x4  }
0xe9: {  	v1 =	vand.u32 @!p1 $0xFFFF, v0  }
0xea: {  	s23 =	sadd.s32 $0x1, s23;
	v0 =	vshrl.u32 @!p1 v0, $0x10;
	[tilespmem:$0x24F0] =	vst @!p1 v1  }
0xeb: {  	p0 =	sne.s32 s23, s11;
	[tilespmem:$0x25F0] =	vst @!p1 v0  }
0xec: {  	[tilespmem:s31], [sflag:$0x2] =	stream.indirect.gather @!p1 [hbm4b:s1+s29], $0x80, s30, s29, $0xb8;
	[tilespmem:$0x1E200] =	vst v63  }
.Ltmp2:
0xed: {  	[bflag:$0x0] =	sbarrier.arrive $0xFFFF;
	(pc) =	sbr.rel @p0 .LBB2_1-.Ltmp2, $4  }
0xee: {  	[hbm:s10], [sflag:s7] =	dma.local [spmem:s12], $0x2780  }
0xef: {  	_ =	swait.ge [sflag:s20], $0x2780  }
0xf0: {  	[sflag:s20] =	ssyncset.done $0x0  }
0xf1: {  	[sflag:s20] =	ssyncadd.s32 $0xFFFFD880  }
0xf2: {  	_ =	sfence.sel $0x180000  }
0xf3: {  	[bflag:$0x0] =	sbarrier.arrive $0xFFFF  }
0xf4: {  	p0 =	sne.s32 s0, $0x0;
	_ =	strace $0x9000004D  }
0xf5: {  	s0 =	sadd.s32 @!p0 $0x100000, s2;
	[bflag:$0x2] =	sbarrier.arrive $0xFFFF  }
0xf6: {  	[sflag:s0] =	ssyncadd.tile.s32 @!p0 $0x1;
	_ =	shalt  }
.Lfunc_end2:
_tile_overlayer_lowered:
.L_overlay_start_2:
0xf7: {  	(tag) =	ssettag $0x2  }
0xf8: {  	s0 =	rddreg [dreg:$0x0];
	s2 =	stileid.u32  }
0xf9: {  	s1 =	rddreg [dreg:$0x1];
	p0 =	sne.s32 s2, $0x0  }
0xfa: {  	s3 =	rddreg [dreg:$0x2];
	[bflag:$0x3] =	sbarrier.arrive $0xFFFF;
	s2 =	simm.s32 @!p0 $0x1C03  }
0xfb: {  	[timem:s3], [sflag:s2] =	dma.local @!p0 [hbm:s0], s1  }
0xfc: {  	s0 =	simm.s32 @!p0 $0x3  }
0xfd: {  	_ =	swait.ge @!p0 [sflag:s0], s1  }
0xfe: {  	s1 =	ssub.s32 @!p0 $0x0, s1;
	[sflag:s0] =	ssyncset.done @!p0 $0x0  }
0xff: {  	[sflag:s0] =	ssyncadd.s32 @!p0 s1  }
0x100: {  	[bflag:$0x3] =	sbarrier.arrive $0xFFFF  }
0x101: {  	_ =	shalt  }

// kernel: kernel.8.cloned.1.call-start
scs
__scs_entry_jumppad:
0x0: {  	(pc) =	sbr.rel $0x88, $3  }
0x1: {  	(tag) =	ssettag $0x0;
	lr =	simm.s32 $0x1  }
0x2: {  	[smem:$0x3F9B] =	sst lr;
	_ =	strace $0xD0000000  }
0x3: {  	_ = 	snop  }
0x4: {  	_ = 	snop  }
0x5: {  	_ = 	snop  }
0x6: {  	_ = 	snop  }
0x7: {  	_ = 	snop  }
__scs_overlays_trampoline_lowered:
0x8: {  	[smem:$0x3FAA] =	sst s0  }
0x9: {  	[smem:$0x3FAB] =	sst s1  }
0xa: {  	[smem:$0x3FAC] =	sst s2  }
0xb: {  	[smem:$0x3FAD] =	sst s3  }
0xc: {  	[smem:$0x3FAE] =	sst s4  }
0xd: {  	[smem:$0x3FAF] =	sst s5  }
0xe: {  	[smem:$0x3FB0] =	sst s6  }
0xf: {  	[smem:$0x3FB1] =	sst s7  }
0x10: {  	[smem:$0x3FB2] =	sst s8  }
0x11: {  	[smem:$0x3FB3] =	sst s9;
	s0 =	simm.s32 @!p0 $0x0  }
0x12: {  	s1 =	sld [smem:$0x3F99];
	s0 =	simm.s32 @p0 $0x1  }
0x13: {  	[smem:$0x3FB4] =	sst s0;
	s0 =	simm.s32 @!p1 $0x0  }
0x14: {  	s2 =	sld [smem:$0x3F98];
	s0 =	simm.s32 @p1 $0x1  }
0x15: {  	[smem:$0x3FB5] =	sst s0;
	s0 =	simm.s32 @!p2 $0x0  }
0x16: {  	s3 =	sld [smem:$0x3FDB];
	s0 =	simm.s32 @p2 $0x1  }
0x17: {  	s4 =	simm.s32 $0x1BF5;
	[smem:$0x3FB7] =	sst s0  }
0x18: {  	s0 =	sld [smem:$0x3F9A];
	_ =	swait.ge [sflag:s4], $0x0  }
0x19: {  	s7 =	sld [smem:$0x3F9B]  }
0x1a: {  	s8 =	sadd.s32 $0xFFFFE003, lr  }
0x1b: {  	s9 =	sadd.s32 $0xFFFFFEF7, lr;
	s5 =	simm.s32 $0xFFFFFFFF;
	p2 =	slt.u32 s8, $0xFFFFF086  }
0x1c: {  	p1 =	slt.u32 s9, $0xF7A;
	s5 =	simm.s32 @!p2 $0x0  }
0x1d: {  	s5 =	simm.s32 @p1 $0x1;
	p0 =	seq.s32 s7, s2  }
0x1e: {  	s7 =	smul.u32 @!p0 $0xF7A, s2;
	p2 =	seq.s32 @!p0 s5, $0x0  }
0x1f: {  	s9 =	smul.u32 $0xF7A, s1;
	s8 =	simm.s32 @!p0 $0x1BF5;
	p2 =	por !p2, p0  }
0x20: {  	[sflag:s8] =	ssyncset.s32 @!p0 $0xFFFFF086;
	s6 =	sadd.s32 @!p0 s3, s7;
	s7 =	simm.s32 @!p0 $0x108  }
0x21: {  	s3 =	sadd.s32 s3, s9;
	s6 =	sadd.s32 @!p0 $0x88, s6;
	s7 =	simm.s32 @p2 $0x1082  }
0x22: {  	[simem:s7], [sflag:s8] =	dma.local @!p0 [hbm:s6], $0xF7A  }
0x23: {  	s9 =	sor.u32 $0xD0000000, s2;
	s6 =	simm.s32 $0x108;
	_ =	swait.ge @!p0 [sflag:s8], $0x0  }
0x24: {  	s3 =	sadd.s32 $0x88, s3;
	s6 =	simm.s32 @!p1 $0x1082;
	[sflag:s4] =	ssyncset.s32 $0xFFFFF086  }
0x25: {  	[simem:s6], [sflag:s4] =	dma.local [hbm:s3], $0xF7A  }
0x26: {  	[smem:$0x3F9B] =	sst s1;
	(tag) =	ssettag s2;
	_ =	strace s9  }
0x27: {  	s1 =	sld [smem:$0x3FAB]  }
0x28: {  	s2 =	sld [smem:$0x3FAC]  }
0x29: {  	s4 =	sld [smem:$0x3FAE]  }
0x2a: {  	p0 =	seq.s32 s5, $0x0;
	s5 =	sld [smem:$0x3FAF]  }
0x2b: {  	s6 =	sld [smem:$0x3FB0]  }
0x2c: {  	s7 =	sld [smem:$0x3FB1]  }
0x2d: {  	s3 =	simm.s32 $0x108;
	s8 =	sld [smem:$0x3FB2]  }
0x2e: {  	s3 =	simm.s32 @!p0 $0x1082;
	s9 =	sld [smem:$0x3FB3]  }
0x2f: {  	lr =	sadd.s32 s0, s3;
	s0 =	sld [smem:$0x3FAA]  }
0x30: {  	s3 =	sld [smem:$0x3FAD]  }
0x31: {  	[smem:$0x3FB6] =	sst s10  }
0x32: {  	s10 =	sld [smem:$0x3FB4];
	_ =	sdelay $0x3  }
0x33: {  	p0 =	seq.s32 s10, $0x1;
	s10 =	sld [smem:$0x3FB6];
	_ =	sdelay $0x3  }
0x34: {  	[smem:$0x3FB6] =	sst s10  }
0x35: {  	s10 =	sld [smem:$0x3FB5];
	_ =	sdelay $0x3  }
0x36: {  	p1 =	seq.s32 s10, $0x1;
	s10 =	sld [smem:$0x3FB6];
	_ =	sdelay $0x3  }
0x37: {  	[smem:$0x3FB6] =	sst s10  }
0x38: {  	s10 =	sld [smem:$0x3FB7]  }
0x39: {  	_ = 	snop;
	(pc) =	sbr.ind lr, $3  }
0x3a: {  	_ = 	snop  }
0x3b: {  	_ = 	snop  }
0x3c: {  	p2 =	seq.s32 s10, $0x1;
	s10 =	sld [smem:$0x3FB6]  }
0x3d: {  	_ =	shalt  }
0x3e: {  	_ =	shalt  }
0x3f: {  	_ =	shalt  }
0x40: {  	_ =	shalt  }
0x41: {  	_ =	shalt  }
0x42: {  	_ =	shalt  }
0x43: {  	_ =	shalt  }
0x44: {  	_ =	shalt  }
0x45: {  	_ =	shalt  }
0x46: {  	_ =	shalt  }
0x47: {  	_ =	shalt  }
0x48: {  	_ =	shalt  }
0x49: {  	_ =	shalt  }
0x4a: {  	_ =	shalt  }
0x4b: {  	_ =	shalt  }
0x4c: {  	_ =	shalt  }
0x4d: {  	_ =	shalt  }
0x4e: {  	_ =	shalt  }
0x4f: {  	_ =	shalt  }
0x50: {  	_ =	shalt  }
0x51: {  	_ =	shalt  }
0x52: {  	_ =	shalt  }
0x53: {  	_ =	shalt  }
0x54: {  	_ =	shalt  }
0x55: {  	_ =	shalt  }
0x56: {  	_ =	shalt  }
0x57: {  	_ =	shalt  }
0x58: {  	_ =	shalt  }
0x59: {  	_ =	shalt  }
0x5a: {  	_ =	shalt  }
0x5b: {  	_ =	shalt  }
0x5c: {  	_ =	shalt  }
0x5d: {  	_ =	shalt  }
0x5e: {  	_ =	shalt  }
0x5f: {  	_ =	shalt  }
0x60: {  	_ =	shalt  }
0x61: {  	_ =	shalt  }
0x62: {  	_ =	shalt  }
0x63: {  	_ =	shalt  }
0x64: {  	_ =	shalt  }
0x65: {  	_ =	shalt  }
0x66: {  	_ =	shalt  }
0x67: {  	_ =	shalt  }
0x68: {  	_ =	shalt  }
0x69: {  	_ =	shalt  }
0x6a: {  	_ =	shalt  }
0x6b: {  	_ =	shalt  }
0x6c: {  	_ =	shalt  }
0x6d: {  	_ =	shalt  }
0x6e: {  	_ =	shalt  }
0x6f: {  	_ =	shalt  }
0x70: {  	_ =	shalt  }
0x71: {  	_ =	shalt  }
0x72: {  	_ =	shalt  }
0x73: {  	_ =	shalt  }
0x74: {  	_ =	shalt  }
0x75: {  	_ =	shalt  }
0x76: {  	_ =	shalt  }
0x77: {  	_ =	shalt  }
0x78: {  	_ =	shalt  }
0x79: {  	_ =	shalt  }
0x7a: {  	_ =	shalt  }
0x7b: {  	_ =	shalt  }
0x7c: {  	_ =	shalt  }
0x7d: {  	_ =	shalt  }
0x7e: {  	_ =	shalt  }
0x7f: {  	_ =	shalt  }
0x80: {  	_ =	shalt  }
0x81: {  	_ =	shalt  }
0x82: {  	_ =	shalt  }
0x83: {  	_ =	shalt  }
0x84: {  	_ =	shalt  }
0x85: {  	_ =	shalt  }
0x86: {  	_ =	shalt  }
0x87: {  	_ =	shalt  }
.Lfunc_end0:
.L_simem_size_0:
called_computation_lowered:
.L_overlay_start_0:
0x88: {  	s2 =	sld [smem:$0x3FD9]  }
0x89: {  	s3 =	sld [smem:$0x3FFE];
	_ =	sdelay $0x1  }
0x8a: {  	s1 =	srdreg.scid  }
0x8b: {  	s0 =	sand.u32 $0x1, s1  }
0x8c: {  	s17 =	sshll.u32 s0, $0xA;
	s2 =	sadd.s32 s3, s2  }
0x8d: {  	s2 =	sadd.s32 s2, s17  }
0x8e: {  	[smem:$0x3FC2] =	sst s2  }
0x8f: {  	_ = 	snop  }
0x90: {  	s2 =	sld [smem:$0x3FD0];
	(tm) =	ssettm $0x1  }
0x91: {  	s18 =	sld [smem:$0x3FFB];
	_ =	sdelay $0x3  }
0x92: {  	_ =	strace s18  }
0x93: {  	s3 =	sld [smem:$0x3FFC];
	_ =	sdelay $0x3  }
0x94: {  	_ =	strace s3  }
0x95: {  	s3 =	sld [smem:$0x3FFD];
	_ =	sdelay $0x3  }
0x96: {  	_ =	strace s3  }
0x97: {  	_ =	strace $0x8FFFFFFF  }
0x98: {  	s19 =	sld [smem:$0x3FDB];
	_ =	sdelay $0x1  }
0x99: {  	s4 =	simm.s32 $_scs_section_size  }
0x9a: {  	s5 =	simm.s32 $_size__tile_overlayer_lowered;
	s6 =	simm.s32 $_tile_overlayer_lowered  }
0x9b: {  	s22 =	simm.s32 $0x1BFF;
	s21 =	sshll.u32 s6, $0x1;
	s3 =	sadd.s32 s4, s19  }
0x9c: {  	s7 =	simm.s32 $0x0;
	s20 =	sshll.u32 s5, $0x1;
	s5 =	sadd.s32 s21, s3  }
0x9d: {  	[timem:s7], [sflag:s22] =	dma.local [hbm:s5], s20  }
0x9e: {  	_ =	swait.ge [sflag:s22], s20  }
0x9f: {  	s4 =	ssub.s32 $0x0, s20;
	[sflag:s22] =	ssyncset.done $0x0  }
0xa0: {  	[sflag:s22] =	ssyncadd.s32 s4;
	_ =	sdelay $0x1  }
0xa1: {  	s23 =	simm.s32 $0x1B8B  }
0xa2: {  	_ =	swait.ge [sflag:s23], $0x1  }
0xa3: {  	[sflag:s23] =	ssyncset.done $0x0  }
0xa4: {  	s25 =	simm.s32 $0x1B8E;
	s24 =	sld [smem:$0x3FFE];
	[sflag:s23] =	ssyncadd.s32 $0xFFFFFFFF  }
0xa5: {  	s26 =	simm.s32 $execute0_lowered;
	[smem:$0x3FD2] =	sst s25  }
0xa6: {  	s5 =	sshll.u32 s26, $0x1;
	_ =	strace $0x80000046;
	[dreg:$0x1] =	wrdreg $0xFFFFFFFF  }
0xa7: {  	s28 =	simm.s32 $_size_execute0_lowered;
	s3 =	sadd.s32 s3, s5;
	[dreg:$0x0] =	wrdreg $0x0  }
0xa8: {  	s5 =	sshll.u32 s28, $0x1;
	[dreg:$0x2] =	wrdreg s3  }
0xa9: {  	[dreg:$0x3] =	wrdreg s5  }
0xaa: {  	[dreg:$0x4] =	wrdreg $0xC0  }
0xab: {  	_ =	task [dreg:s7], $0x5FFFF  }
0xac: {  	[dreg:$0x1] =	wrdreg $0xFFFFFFFF  }
0xad: {  	[dreg:$0x0] =	wrdreg $0x60  }
0xae: {  	[dreg:$0x2] =	wrdreg s2  }
0xaf: {  	[dreg:$0x3] =	wrdreg s24  }
0xb0: {  	[dreg:$0x4] =	wrdreg $0x54000  }
0xb1: {  	[dreg:$0x5] =	wrdreg $0x9  }
0xb2: {  	_ =	task.clear_ibuf [dreg:s7], $0x6FFFF;
	_ =	strace $0x90000046  }
0xb3: {  	s29 =	simm.s32 $0x9;
	_ =	strace $0x80000048  }
0xb4: {  	_ =	swait.ge [sflag:s29], $0x1  }
0xb5: {  	[sflag:s29] =	ssyncadd.s32 $0xFFFFFFFF  }
0xb6: {  	_ =	strace $0x90000048  }
0xb7: {  	_ =	sfence  }
0xb8: {  	s30 =	sld [smem:$0x0];
	_ =	sdelay $0x2  }
0xb9: {  	s31 =	sshll.u32 s1, $0xD;
	s1 =	sshrl.u32 s1, $0x2  }
0xba: {  	s3 =	sand.u32 $0x4000, s31;
	s1 =	sadd.s32 s1, s30  }
0xbb: {  	s0 =	sor.u32 s3, s0;
	s1 =	sshll.u32 s1, $0x11  }
0xbc: {  	s0 =	sor.u32 s1, s0  }
0xbd: {  	s0 =	sadd.s32 $0x8F2B, s0  }
0xbe: {  	[sflag:s0] =	ssyncadd.remote.s32 $0x1  }
0xbf: {  	_ =	sfence.sel $0xFFFF  }
0xc0: {  	[dreg:$0x0] =	wrdreg $0xFFFFFFFF;
	(pc) =	sbr.abs _section_cstart, $3  }
0xc1: {  	[dreg:$0x1] =	wrdreg $0xFFFFFFFF  }
0xc2: {  	_ =	task.clear_ibuf [dreg:s7], $0x2FFFF;
	_ =	strace $0x9FFFFFFF  }
0xc3: {  	(tm) =	ssettm $0x7FFFFFFF  }
tec
execute0_lowered:
.L_overlay_start_1:
0x0: {  	(tag) =	ssettag $0x1  }
0x1: {  	s5 =	rddreg [dreg:$0x0]  }
0x2: {  	s6 =	rddreg [dreg:$0x1]  }
0x3: {  	s2 =	rddreg [dreg:$0x2]  }
0x4: {  	s0 =	rddreg [dreg:$0x3];
	s1 =	stileid.u32  }
0x5: {  	s4 =	srdreg.scid;
	s3 =	simm.s32 $0x0;
	s13 =	simm.s32 $0x80  }
0x6: {  	s14 =	simm.s32 $0x0;
	s7 =	smul.u32 $0x13C00, s1;
	s8 =	sand.u32 $0x1, s4  }
0x7: {  	[smem:$0x7FF] =	sst s3;
	s4 =	sadd.s32 $0x2400, s6;
	s11 =	smul.u32 $0x4F000, s1  }
0x8: {  	s31 =	sshll.u32 s1, $0x6;
	s9 =	smul.u32 $0x13C000, s8;
	_ =	strace $0x80000047  }
0x9: {  	s28 =	sshll.u32 s8, $0x4;
	s8 =	ssub.s32 $0x2, s8;
	s10 =	sshrl.u32 s7, $0x3  }
0xa: {  	s12 =	sshrl.u32 s8, $0x1;
	s29 =	sshrl.u32 s11, $0x2;
	s11 =	sor.u32 $0x1C01, s31  }
0xb: {  	s10 =	sadd.s32 s10, s6;
	s7 =	sadd.s32 s7, s9;
	s9 =	sor.u32 s1, s28  }
0xc: {  	s8 =	ssub.s32 s8, s12;
	s30 =	sadd.s32 s29, s2;
	s7 =	sshrl.u32 s7, $0x3  }
0xd: {  	s9 =	smul.u32 $0x280, s9;
	s8 =	smax.u32 s8, $0x1;
	s12 =	sshrl.u32 s30, $0x3  }
0xe: {  	s7 =	sadd.s32 s7, s6;
	s6 =	sadd.s32 $0x2C00, s10;
	s10 =	simm.s32 $0x1400  }
0xf: {  	s5 =	sadd.s32 s5, s9;
	s7 =	sadd.s32 $0x2A400, s7;
	s9 =	simm.s32 $0x1  }
.LBB2_1:
0x10: {  	[tilespmem:s3], [sflag:$0x1] =	stream.linear.gather [hbm4b:s5+s3], $0x1400, $0x38;
	[tilespmem:$0x19000] =	vst v63  }
0x11: {  	_ =	swait.ge [sflag:s9], $0x1400  }
0x12: {  	[sflag:s9] =	ssyncset.done $0x0  }
0x13: {  	[sflag:s9] =	ssyncadd.s32 $0xFFFFEC00  }
0x14: {  	[tilespmem:s10], [sflag:$0x1] =	stream.linear.gather [hbm4b:s4+s3], $0x4000, $0x38;
	[tilespmem:$0x19000] =	vst v63  }
0x15: {  	_ =	swait.ge [sflag:s9], $0x4000  }
0x16: {  	[sflag:s9] =	ssyncset.done $0x0  }
0x17: {  	[sflag:s9] =	ssyncadd.s32 $0xFFFFC000  }
0x18: {  	[spmem:s12], [sflag:s11] =	dma.local [hbm:s6], $0x2780  }
0x19: {  	_ =	swait.ge [sflag:s9], $0x2780  }
0x1a: {  	[sflag:s9] =	ssyncset.done $0x0  }
0x1b: {  	[sflag:s9] =	ssyncadd.s32 $0xFFFFD880  }
0x1c: {  	s15 =	simm.s32 $0x0;
	[bflag:$0x0] =	sbarrier.arrive $0xFFFF  }
0x1d: {  	[spmem:s2] =	stream.indirect.scatter.add.f32 [tilespmem:s10], [sflag:$0x1], $0x80, s15, s13, $0xb8;
	[tilespmem:$0x19000] =	vst v63  }
0x1e: {  	_ =	swait.ge [sflag:s9], $0x4000  }
0x1f: {  	s15 =	simm.s32 $0x200;
	[sflag:s9] =	ssyncset.done $0x0  }
.LBB2_2:
0x20: {  	s16 =	sshra.s32 s15, $0x2;
	[sflag:s9] =	ssyncadd.s32 $0xFFFFC000;
	p0 =	sne.s32 s15, $0x4E00  }
0x21: {  	[spmem:s2] =	stream.indirect.scatter.add.f32 [tilespmem:s10], [sflag:$0x1], $0x80, s16, s13, $0xb8;
	[tilespmem:$0x19000] =	vst v63  }
.Ltmp0:
0x22: {  	_ = 	snop;
	(pc) =	sbr.rel @p0 .LBB2_2-.Ltmp0, $4  }
0x23: {  	_ = 	snop  }
0x24: {  	s15 =	sadd.s32 $0x200, s15  }
0x25: {  	_ =	swait.ge [sflag:s9], $0x4000  }
0x26: {  	[sflag:s9] =	ssyncset.done $0x0  }
0x27: {  	s14 =	sadd.s32 $0x1, s14  }
0x28: {  	[sflag:s9] =	ssyncadd.s32 $0xFFFFC000;
	p0 =	sne.s32 s14, s8  }
.Ltmp1:
0x29: {  	[bflag:$0x0] =	sbarrier.arrive $0xFFFF;
	(pc) =	sbr.rel @p0 .LBB2_1-.Ltmp1, $4  }
0x2a: {  	[hbm:s7], [sflag:s11] =	dma.local [spmem:s12], $0x2780  }
0x2b: {  	_ =	swait.ge [sflag:s9], $0x2780  }
0x2c: {  	[sflag:s9] =	ssyncset.done $0x0  }
0x2d: {  	[sflag:s9] =	ssyncadd.s32 $0xFFFFD880  }
0x2e: {  	_ =	sfence.sel $0x180000  }
0x2f: {  	[bflag:$0x0] =	sbarrier.arrive $0xFFFF  }
0x30: {  	p0 =	sne.s32 s1, $0x0;
	_ =	strace $0x90000047  }
0x31: {  	s0 =	sadd.s32 @!p0 $0x100000, s0;
	[bflag:$0x2] =	sbarrier.arrive $0xFFFF  }
0x32: {  	[sflag:s0] =	ssyncadd.tile.s32 @!p0 $0x1;
	_ =	shalt  }
.Lfunc_end2:
_tile_overlayer_lowered:
.L_overlay_start_2:
0x33: {  	(tag) =	ssettag $0x2  }
0x34: {  	s0 =	rddreg [dreg:$0x0];
	s2 =	stileid.u32  }
0x35: {  	s1 =	rddreg [dreg:$0x1];
	p0 =	sne.s32 s2, $0x0  }
0x36: {  	s3 =	rddreg [dreg:$0x2];
	[bflag:$0x3] =	sbarrier.arrive $0xFFFF;
	s2 =	simm.s32 @!p0 $0x1C01  }
0x37: {  	[timem:s3], [sflag:s2] =	dma.local @!p0 [hbm:s0], s1  }
0x38: {  	s0 =	simm.s32 @!p0 $0x1  }
0x39: {  	_ =	swait.ge @!p0 [sflag:s0], s1  }
0x3a: {  	s1 =	ssub.s32 @!p0 $0x0, s1;
	[sflag:s0] =	ssyncset.done @!p0 $0x0  }
0x3b: {  	[sflag:s0] =	ssyncadd.s32 @!p0 s1  }
0x3c: {  	[bflag:$0x3] =	sbarrier.arrive $0xFFFF  }
0x3d: {  	_ =	shalt  }

</sc_bundles>
